<compile_context>
chip_gen: v7x
topology: tpu7x:2x2x1
jax: 0.10.2.dev20260603
libtpu: 0.0.44.dev20260713+nightly
codegen_flags: <defaults>
</compile_context>

<pallas_src>
import functools

import jax
import jax.numpy as jnp
import numpy as np
from jax import lax
from jax.experimental import pallas as pl
from jax.experimental.pallas import tpu as pltpu
from jax.experimental.pallas import tpu_sc as plsc

B, N = 4, 1024
TOP_K = 30
K_PAD = 32
NUM_RBF = 16
NUM_PE = 16
NODE_VO, NODE_SO = 16, 100
EDGE_VO, EDGE_SO = 1, 32

_RBF_MU = np.linspace(0.0, 20.0, NUM_RBF).astype(np.float32).reshape(1, NUM_RBF)
_RBF_SIGMA = np.float32(20.0 / NUM_RBF)
_PE_FREQ = np.exp(
    np.arange(0, NUM_PE, 2, dtype=np.float32) * (-(np.log(10000.0) / NUM_PE))
).astype(np.float32).reshape(1, NUM_PE // 2)

_TOPK_R = 256
_EDGE_R = 512


def _topk_body(xT_ref, xr_ref, vals_ref, idx_ref):
    xT = xT_ref[0]
    xr = xr_ref[0]
    acc = jnp.zeros((_TOPK_R, N), jnp.float32)
    for c in range(3):
        d = xr[:, c:c + 1] - xT[c:c + 1, :]
        acc = acc + d * d
    cur = jnp.sqrt(acc + 1e-6)
    iota1f = jax.lax.broadcasted_iota(jnp.int32, (1, N), 1).astype(
        jnp.float32)
    bigf = jnp.float32(2.0 ** 30)
    inf = jnp.float32(jnp.inf)
    for s in range(TOP_K):
        m = jnp.min(cur, axis=1, keepdims=True)
        mi_f = jnp.min(jnp.where(cur == m, iota1f, bigf), axis=1,
                       keepdims=True)
        vals_ref[0, :, s:s + 1] = m
        idx_ref[0, :, s:s + 1] = mi_f.astype(jnp.int32)
        cur = jnp.where(iota1f == mi_f, inf, cur)
    vals_ref[0, :, TOP_K:K_PAD] = jnp.zeros((_TOPK_R, K_PAD - TOP_K),
                                            jnp.float32)
    idx_ref[0, :, TOP_K:K_PAD] = jnp.zeros((_TOPK_R, K_PAD - TOP_K),
                                           jnp.int32)


def _topk_call(x_ca, x_caT, interpret=False):
    grid = (B, N // _TOPK_R)
    return pl.pallas_call(
        _topk_body,
        grid=grid,
        in_specs=[
            pl.BlockSpec((1, 3, N), lambda b, r: (b, 0, 0)),
            pl.BlockSpec((1, _TOPK_R, 3), lambda b, r: (b, r, 0)),
        ],
        out_specs=[
            pl.BlockSpec((1, _TOPK_R, K_PAD), lambda b, r: (b, r, 0)),
            pl.BlockSpec((1, _TOPK_R, K_PAD), lambda b, r: (b, r, 0)),
        ],
        out_shape=[
            jax.ShapeDtypeStruct((B, N, K_PAD), jnp.float32),
            jax.ShapeDtypeStruct((B, N, K_PAD), jnp.int32),
        ],
        interpret=interpret,
    )(x_caT, x_ca)


def _norm_rows(v, eps_ref=None):
    n = jnp.sqrt(jnp.sum(v * v, axis=0, keepdims=True))
    return v / jnp.maximum(n, 1e-12)


def _cross_rows(a, b):
    ax, ay, az = a[0:1], a[1:2], a[2:3]
    bx, by, bz = b[0:1], b[1:2], b[2:3]
    return jnp.concatenate(
        [ay * bz - az * by, az * bx - ax * bz, ax * by - ay * bx], axis=0)


def _shift_left(v):
    z = jnp.zeros((v.shape[0], 1), v.dtype)
    return jnp.concatenate([v[:, 1:], z], axis=1)


def _shift_right(v):
    z = jnp.zeros((v.shape[0], 1), v.dtype)
    return jnp.concatenate([z, v[:, :-1]], axis=1)


def _dihedral_cos_sin(u2, u1, u0):
    n2 = _norm_rows(_cross_rows(u2, u1))
    n1 = _norm_rows(_cross_rows(u1, u0))
    cosd = jnp.sum(n2 * n1, axis=0, keepdims=True)
    cosd = jnp.clip(cosd, -1.0 + 1e-7, 1.0 - 1e-7)
    sgn = jnp.sign(jnp.sum(u2 * n1, axis=0, keepdims=True))
    sind = sgn * jnp.sqrt(1.0 - cosd * cosd)
    return cosd, sind


def _node_body(xt_ref, whT_ref, wvT_ref, wsT_ref, bs_ref, g_ref, b_ref,
               out_ref):
    xt = xt_ref[0]
    n_at = xt[0]
    ca = xt[1]
    c_at = xt[2]

    d1 = ca - n_at
    d2 = c_at - ca
    d3 = _shift_left(n_at) - c_at
    u1 = _norm_rows(d1)
    u2 = _norm_rows(d2)
    u3 = _norm_rows(d3)

    lane = jax.lax.broadcasted_iota(jnp.int32, (1, N), 1)
    first = lane == 0
    last = lane == (N - 1)

    c0, s0 = _dihedral_cos_sin(_shift_right(u3), u1, u2)
    c0 = jnp.where(first, 1.0, c0)
    s0 = jnp.where(first, 0.0, s0)
    c1, s1 = _dihedral_cos_sin(u1, u2, u3)
    c1 = jnp.where(last, 1.0, c1)
    s1 = jnp.where(last, 0.0, s1)
    c2, s2 = _dihedral_cos_sin(u2, u3, _shift_left(u1))
    c2 = jnp.where(last, 1.0, c2)
    s2 = jnp.where(last, 0.0, s2)

    fwd_raw = _shift_left(ca) - ca
    fwd = _norm_rows(fwd_raw)
    fwd = jnp.where(last, 0.0, fwd)
    bwd = -_shift_right(fwd)

    c_v = _norm_rows(c_at - ca)
    n_v = _norm_rows(n_at - ca)
    bisector = _norm_rows(c_v + n_v)
    perp = _norm_rows(_cross_rows(c_v, n_v))
    vec = -bisector * np.float32(np.sqrt(1.0 / 3.0)) \
        - perp * np.float32(np.sqrt(2.0 / 3.0))

    whT = whT_ref[...]
    wvT = wvT_ref[...]
    wsT = wsT_ref[...]

    vh = []
    for c in range(3):
        m = jnp.concatenate([vec[c:c + 1], fwd[c:c + 1], bwd[c:c + 1]],
                            axis=0)
        vh.append(jnp.dot(whT, m, preferred_element_type=jnp.float32))
    vn = jnp.sqrt(vh[0] * vh[0] + vh[1] * vh[1] + vh[2] * vh[2] + 1e-8)

    s_cat = jnp.concatenate([c0, c1, c2, s0, s1, s2, vn], axis=0)
    s_out = jnp.dot(wsT, s_cat, preferred_element_type=jnp.float32) \
        + bs_ref[...]

    mu = jnp.mean(s_out, axis=0, keepdims=True)
    var = jnp.mean((s_out - mu) ** 2, axis=0, keepdims=True)
    s_ln = (s_out - mu) / jnp.sqrt(var + 1e-5) * g_ref[...] + b_ref[...]

    vout = [jnp.dot(wvT, vh[c], preferred_element_type=jnp.float32)
            for c in range(3)]
    out_ref[0] = jnp.concatenate(vout + [s_ln], axis=0)


def _node_call(xt, whT, wvT, wsT, bs, g, b, interpret=False):
    full = lambda a: pl.BlockSpec(a.shape, lambda bi: (0,) * a.ndim)
    return pl.pallas_call(
        _node_body,
        grid=(B,),
        in_specs=[
            pl.BlockSpec((1, 4, 3, N), lambda bi: (bi, 0, 0, 0)),
            full(whT), full(wvT), full(wsT), full(bs), full(g), full(b),
        ],
        out_specs=pl.BlockSpec((1, 3 * NODE_VO + NODE_SO, N),
                               lambda bi: (bi, 0, 0)),
        out_shape=jax.ShapeDtypeStruct((B, 3 * NODE_VO + NODE_SO, N),
                                       jnp.float32),
        interpret=interpret,
    )(xt, whT, wvT, wsT, bs, g, b)


def _edge_body(dnT_ref, idxT_ref, xnxT_ref, xnyT_ref, xnzT_ref, xcaT_ref,
               wh_ref, wv_ref, wsT_ref, bs_ref, g_ref, b_ref, out_ref):
    r = _EDGE_R
    i0 = pl.program_id(1) * r
    i_row = (jax.lax.broadcasted_iota(jnp.int32, (1, r), 1)
             + i0).astype(jnp.float32)
    xx = xcaT_ref[0, 0:1, :]
    xy = xcaT_ref[0, 1:2, :]
    xz = xcaT_ref[0, 2:3, :]
    wh = wh_ref[0, 0]
    wv = wv_ref[0, 0]
    wsT = wsT_ref[...]
    bs = bs_ref[...]
    g = g_ref[...]
    bb = b_ref[...]
    mu = jax.lax.broadcasted_iota(jnp.int32, (NUM_RBF, 1), 0).astype(
        jnp.float32) * np.float32(20.0 / (NUM_RBF - 1))
    freq = jnp.exp(
        jax.lax.broadcasted_iota(jnp.int32, (NUM_PE // 2, 1), 0).astype(
            jnp.float32) * np.float32(-2.0 * np.log(10000.0) / NUM_PE))
    for k in range(TOP_K):
        dn = dnT_ref[0, k:k + 1, :]
        rbf = jnp.exp(-(((dn - mu) / _RBF_SIGMA) ** 2))
        d = idxT_ref[0, k:k + 1, :].astype(jnp.float32) - i_row
        ang = d * freq
        pe = jnp.concatenate([jnp.cos(ang), jnp.sin(ang)], axis=0)
        dx = xnxT_ref[0, k:k + 1, :] - xx
        dy = xnyT_ref[0, k:k + 1, :] - xy
        dz = xnzT_ref[0, k:k + 1, :] - xz
        nrm = jnp.sqrt(dx * dx + dy * dy + dz * dz)
        inv = 1.0 / jnp.maximum(nrm, 1e-12)
        vhx, vhy, vhz = dx * inv * wh, dy * inv * wh, dz * inv * wh
        vn = jnp.sqrt(vhx * vhx + vhy * vhy + vhz * vhz + 1e-8)
        s_cat = jnp.concatenate([rbf, pe, vn], axis=0)
        s_out = jnp.dot(wsT, s_cat, preferred_element_type=jnp.float32) + bs
        m = jnp.mean(s_out, axis=0, keepdims=True)
        var = jnp.mean((s_out - m) ** 2, axis=0, keepdims=True)
        s_ln = (s_out - m) / jnp.sqrt(var + 1e-5) * g + bb
        ek = jnp.concatenate([vhx * wv, vhy * wv, vhz * wv, s_ln],
                             axis=0)
        out_ref[0, k] = ek


def _edge_call(dnT, eidxT, xnxT, xnyT, xnzT, x_caT, wh, wv, wsT, bs, g, b,
               interpret=False):
    r = _EDGE_R
    grid = (B, N // r)
    blk = lambda: pl.BlockSpec((1, K_PAD, r), lambda bi, ri: (bi, 0, ri))
    full = lambda a: pl.BlockSpec(a.shape, lambda bi, ri: (0,) * a.ndim)
    return pl.pallas_call(
        _edge_body,
        grid=grid,
        in_specs=[
            blk(), blk(), blk(), blk(), blk(),
            pl.BlockSpec((1, 3, r), lambda bi, ri: (bi, 0, ri)),
            full(wh), full(wv), full(wsT), full(bs), full(g), full(b),
        ],
        out_specs=pl.BlockSpec((1, TOP_K, 35, r),
                               lambda bi, ri: (bi, 0, 0, ri)),
        out_shape=jax.ShapeDtypeStruct((B, TOP_K, 35, N), jnp.float32),
        interpret=interpret,
    )(dnT, eidxT, xnxT, xnyT, xnzT, x_caT, wh, wv, wsT, bs, g, b)


_NW = 32
_EPW = B * N * K_PAD // _NW
_NPW = B * N // _NW


def _sc_gather_body(xx_hbm, xy_hbm, xz_hbm, idx_hbm, ox_hbm, oy_hbm, oz_hbm,
                    tabx, taby, tabz, idx_v, obx, oby, obz):
    wid = lax.axis_index("s") * 2 + lax.axis_index("c")
    b = wid // (N // _NPW)
    n0 = (wid % (N // _NPW)) * _NPW
    base = wid * _EPW
    pltpu.sync_copy(xx_hbm.at[b], tabx)
    pltpu.sync_copy(xy_hbm.at[b], taby)
    pltpu.sync_copy(xz_hbm.at[b], tabz)
    pltpu.sync_copy(idx_hbm.at[pl.ds(base, _EPW)], idx_v)

    def body(j, _):
        iv = idx_v[pl.ds(j * 16, 16)]
        kv = jax.lax.iota(jnp.int32, 16) + (j % 2) * 16
        nv = jnp.full((16,), j // 2, jnp.int32)
        plsc.store_scatter(obx, [kv, nv], plsc.load_gather(tabx, [iv]))
        plsc.store_scatter(oby, [kv, nv], plsc.load_gather(taby, [iv]))
        plsc.store_scatter(obz, [kv, nv], plsc.load_gather(tabz, [iv]))
        return 0

    lax.fori_loop(0, _EPW // 16, body, 0)
    pltpu.sync_copy(obx, ox_hbm.at[b, :, pl.ds(n0, _NPW)])
    pltpu.sync_copy(oby, oy_hbm.at[b, :, pl.ds(n0, _NPW)])
    pltpu.sync_copy(obz, oz_hbm.at[b, :, pl.ds(n0, _NPW)])


def _gather_neighbors(x_caT, eidx):
    flat = eidx.reshape(B * N * K_PAD)
    out3 = jax.ShapeDtypeStruct((B, K_PAD, N), jnp.float32)
    f = pl.kernel(
        _sc_gather_body,
        out_type=[out3, out3, out3],
        mesh=plsc.VectorSubcoreMesh(core_axis_name="c", subcore_axis_name="s"),
        compiler_params=pltpu.CompilerParams(needs_layout_passes=False),
        scratch_types=[
            pltpu.VMEM((N,), jnp.float32),
            pltpu.VMEM((N,), jnp.float32),
            pltpu.VMEM((N,), jnp.float32),
            pltpu.VMEM((_EPW,), jnp.int32),
            pltpu.VMEM((K_PAD, _NPW), jnp.float32),
            pltpu.VMEM((K_PAD, _NPW), jnp.float32),
            pltpu.VMEM((K_PAD, _NPW), jnp.float32),
        ],
    )
    return f(x_caT[:, 0], x_caT[:, 1], x_caT[:, 2], flat)


def _impl(X, mask, node_Wh, node_Wv, node_Ws, node_bs, edge_Wh, edge_Wv,
          edge_Ws, edge_bs, ln_n_g, ln_n_b, ln_e_g, ln_e_b, interpret=False):
    x_ca = X[:, :, 1, :]
    x_caT = jnp.transpose(x_ca, (0, 2, 1))
    dn, eidx = _topk_call(x_ca, x_caT, interpret=interpret)

    xnxT, xnyT, xnzT = _gather_neighbors(x_caT, eidx)

    xt = jnp.transpose(X, (0, 2, 3, 1))
    vT = _node_call(
        xt,
        jnp.transpose(node_Wh), jnp.transpose(node_Wv),
        jnp.transpose(node_Ws), node_bs.reshape(-1, 1),
        ln_n_g.reshape(-1, 1), ln_n_b.reshape(-1, 1),
        interpret=interpret)
    V = jnp.transpose(vT, (0, 2, 1))

    dnT = jnp.transpose(dn, (0, 2, 1))
    eidxT = jnp.transpose(eidx, (0, 2, 1))
    eT = _edge_call(
        dnT, eidxT, xnxT, xnyT, xnzT, x_caT,
        edge_Wh.reshape(1, 1), edge_Wv.reshape(1, 1),
        jnp.transpose(edge_Ws),
        edge_bs.reshape(-1, 1), ln_e_g.reshape(-1, 1), ln_e_b.reshape(-1, 1),
        interpret=interpret)
    E = jnp.transpose(eT, (0, 3, 1, 2))
    return V, E, eidx[:, :, :TOP_K]


def kernel(X, mask, node_Wh, node_Wv, node_Ws, node_bs, edge_Wh, edge_Wv,
           edge_Ws, edge_bs, ln_n_g, ln_n_b, ln_e_g, ln_e_b):
    return _impl(X, mask, node_Wh, node_Wv, node_Ws, node_bs, edge_Wh,
                 edge_Wv, edge_Ws, edge_bs, ln_n_g, ln_n_b, ln_e_g, ln_e_b)

# --- scband reference (transcript-rebuilt; emitter-appended) ---
"""Pipeline reference for scband-structural-features-84696755077492 (READ-ONLY COPY).

The authoritative reference and input builder live on the scoring server;
editing this copy changes nothing except your own understanding.
"""

import jax, jax.numpy as jnp
import numpy as np

NODE_VO, NODE_SO = 16, 100
EDGE_VO, EDGE_SO = 1, 32
NUM_PE = 16
NUM_RBF = 16
TOP_K = 30
B, N = 4, 1024


def _normalize(x, axis=-1):
    n = jnp.sqrt(jnp.sum(x * x, axis=axis, keepdims=True))
    return x / jnp.maximum(n, 1e-12)


def _gather_nodes(nodes, idx):
    b, n, k = idx.shape
    flat = idx.reshape(b, n * k)
    out = jnp.take_along_axis(nodes, flat[..., None], axis=1)
    return out.reshape(b, n, k, nodes.shape[-1])


def _merge(v, s):
    vflat = v.reshape(v.shape[:-2] + (v.shape[-2] * v.shape[-1],))
    return jnp.concatenate([vflat, s], axis=-1)


def _gvp(x, nv, Wh, Wv, Ws, bs):
    v = x[..., : 3 * nv].reshape(x.shape[:-1] + (3, nv))
    s = x[..., 3 * nv:]
    vh = v @ Wh
    vn = jnp.sqrt(jnp.sum(vh * vh, axis=-2) + 1e-8)
    s_out = jnp.concatenate([s, vn], axis=-1) @ Ws + bs
    v_out = vh @ Wv
    return v_out, s_out


def _layernorm(x, g, b, eps=1e-5):
    mu = jnp.mean(x, axis=-1, keepdims=True)
    var = jnp.mean((x - mu) ** 2, axis=-1, keepdims=True)
    return (x - mu) / jnp.sqrt(var + eps) * g + b


def _forward(X, mask, node_Wh, node_Wv, node_Ws, node_bs, edge_Wh, edge_Wv,
             edge_Ws, edge_bs, ln_n_g, ln_n_b, ln_e_g, ln_e_b):
    b, n = X.shape[0], X.shape[1]
    X_ca = X[:, :, 1, :]
    # _dist
    mask_2D = mask[:, None, :] * mask[:, :, None]
    dX = X_ca[:, None, :, :] - X_ca[:, :, None, :]
    D = mask_2D * jnp.sqrt(jnp.sum(dX * dX, axis=3) + 1e-6)
    D_max = jnp.max(D, axis=-1, keepdims=True)
    D_adjust = D + (1.0 - mask_2D) * D_max
    k = min(TOP_K, n)
    negD, E_idx = jax.lax.top_k(-D_adjust, k)
    D_neighbors = -negD
    # _directions
    Xn = _gather_nodes(X_ca, E_idx)
    E_directions = _normalize(Xn - X_ca[:, :, None, :], axis=-1)
    # _rbf
    D_mu = jnp.linspace(0.0, 20.0, NUM_RBF).reshape(1, 1, 1, -1)
    D_sigma = (20.0 - 0.0) / NUM_RBF
    RBF = jnp.exp(-(((D_neighbors[..., None] - D_mu) / D_sigma) ** 2))
    # PositionalEncodings
    ii = jnp.arange(n, dtype=jnp.float32).reshape(1, -1, 1)
    d = (E_idx.astype(jnp.float32) - ii)[..., None]
    freq = jnp.exp(jnp.arange(0, NUM_PE, 2, dtype=jnp.float32) * (-(np.log(10000.0) / NUM_PE)))
    angles = d * freq.reshape(1, 1, 1, -1)
    E_positional = jnp.concatenate([jnp.cos(angles), jnp.sin(angles)], axis=-1)
    # _dihedrals
    Xb = X[:, :, :3, :].reshape(b, 3 * n, 3)
    dXb = Xb[:, 1:, :] - Xb[:, :-1, :]
    U = _normalize(dXb, axis=-1)
    u_2, u_1, u_0 = U[:, :-2, :], U[:, 1:-1, :], U[:, 2:, :]
    n_2 = _normalize(jnp.cross(u_2, u_1), axis=-1)
    n_1 = _normalize(jnp.cross(u_1, u_0), axis=-1)
    cosD = jnp.clip(jnp.sum(n_2 * n_1, -1), -1 + 1e-7, 1 - 1e-7)
    Dang = jnp.sign(jnp.sum(u_2 * n_1, -1)) * jnp.arccos(cosD)
    Dang = jnp.pad(Dang, ((0, 0), (1, 2)))
    Dang = Dang.reshape(b, n, 3)
    V_dihedrals = jnp.concatenate([jnp.cos(Dang), jnp.sin(Dang)], axis=2)
    # _orientations
    fwd = _normalize(X_ca[:, 1:] - X_ca[:, :-1], axis=-1)
    bwd = _normalize(X_ca[:, :-1] - X_ca[:, 1:], axis=-1)
    fwd = jnp.pad(fwd, ((0, 0), (0, 1), (0, 0)))
    bwd = jnp.pad(bwd, ((0, 0), (1, 0), (0, 0)))
    V_orientations = jnp.stack([fwd, bwd], axis=-1)
    # _sidechains
    n_at, origin, c_at = X[:, :, 0, :], X[:, :, 1, :], X[:, :, 2, :]
    c_v = _normalize(c_at - origin, axis=-1)
    n_v = _normalize(n_at - origin, axis=-1)
    bisector = _normalize(c_v + n_v, axis=-1)
    perp = _normalize(jnp.cross(c_v, n_v), axis=-1)
    vec = -bisector * np.sqrt(1.0 / 3.0) - perp * np.sqrt(2.0 / 3.0)
    V_orient_comb = jnp.concatenate([vec[..., None], V_orientations], axis=-1)
    V = _merge(V_orient_comb, V_dihedrals)
    E = jnp.concatenate([E_directions, RBF, E_positional], axis=-1)
    Vv, Vs = _gvp(V, 3, node_Wh, node_Wv, node_Ws, node_bs)
    V = _merge(Vv, _layernorm(Vs, ln_n_g, ln_n_b))
    Ev, Es = _gvp(E, 1, edge_Wh, edge_Wv, edge_Ws, edge_bs)
    E = _merge(Ev, _layernorm(Es, ln_e_g, ln_e_b))
    return V, E, E_idx


def setup_inputs(seed: int = 0) -> dict:
    key = jax.random.key(seed)
    ks = jax.random.split(key, 8)
    X = jax.random.normal(ks[0], (B, N, 4, 3), dtype=jnp.float32)
    mask = jnp.ones((B, N), dtype=jnp.float32)
    node_vi, node_si = 3, 6
    edge_vi, edge_si = 1, NUM_RBF + NUM_PE
    node_h = max(node_vi, NODE_VO)
    edge_h = max(edge_vi, EDGE_VO)

    def lin(k, fan_in, shape):
        return (jax.random.normal(k, shape, dtype=jnp.float32) / np.sqrt(fan_in)).astype(jnp.float32)

    return {
        "X": X,
        "mask": mask,
        "node_Wh": lin(ks[1], node_vi, (node_vi, node_h)),
        "node_Wv": lin(ks[2], node_h, (node_h, NODE_VO)),
        "node_Ws": lin(ks[3], node_si + node_h, (node_si + node_h, NODE_SO)),
        "node_bs": jnp.zeros((NODE_SO,), jnp.float32),
        "edge_Wh": lin(ks[4], edge_vi, (edge_vi, edge_h)),
        "edge_Wv": lin(ks[5], edge_h, (edge_h, EDGE_VO)),
        "edge_Ws": lin(ks[6], edge_si + edge_h, (edge_si + edge_h, EDGE_SO)),
        "edge_bs": jnp.zeros((EDGE_SO,), jnp.float32),
        "ln_n_g": jnp.ones((NODE_SO,), jnp.float32),
        "ln_n_b": jnp.zeros((NODE_SO,), jnp.float32),
        "ln_e_g": jnp.ones((EDGE_SO,), jnp.float32),
        "ln_e_b": jnp.zeros((EDGE_SO,), jnp.float32),
    }


def reference(X, mask, node_Wh, node_Wv, node_Ws, node_bs, edge_Wh, edge_Wv,
              edge_Ws, edge_bs, ln_n_g, ln_n_b, ln_e_g, ln_e_b):
    return _forward(X, mask, node_Wh, node_Wv, node_Ws, node_bs, edge_Wh,
                    edge_Wv, edge_Ws, edge_bs, ln_n_g, ln_n_b, ln_e_g, ln_e_b)

if __name__ == "__main__":
    import jax
    _d = setup_inputs()
    print(jax.jit(kernel)(*tuple(_d.values())))

</pallas_src>

<mosaic_0001>
#map = affine_map<(d0, d1) -> (0, 0)>
#map1 = affine_map<(d0, d1) -> (0)>
#map2 = affine_map<(d0, d1) -> (0, 0, 0)>
module attributes {stable_mosaic.version = 14 : i64} {
  func.func @_sc_gather_body(%arg0: i32, %arg1: i32, %arg2: memref<4x1024xf32, #tpu.memory_space<hbm>>, %arg3: memref<4x1024xf32, #tpu.memory_space<hbm>>, %arg4: memref<4x1024xf32, #tpu.memory_space<hbm>>, %arg5: memref<131072xi32, #tpu.memory_space<hbm>>, %arg6: memref<4x32x1024xf32, #tpu.memory_space<hbm>>, %arg7: memref<4x32x1024xf32, #tpu.memory_space<hbm>>, %arg8: memref<4x32x1024xf32, #tpu.memory_space<hbm>>, %arg9: memref<1024xf32, #tpu.memory_space<vmem>>, %arg10: memref<1024xf32, #tpu.memory_space<vmem>>, %arg11: memref<1024xf32, #tpu.memory_space<vmem>>, %arg12: memref<4096xi32, #tpu.memory_space<vmem>>, %arg13: memref<32x128xf32, #tpu.memory_space<vmem>>, %arg14: memref<32x128xf32, #tpu.memory_space<vmem>>, %arg15: memref<32x128xf32, #tpu.memory_space<vmem>>) attributes {dimension_semantics = [#tpu.dimension_semantics<core_parallel>, #tpu.dimension_semantics<subcore_parallel>], iteration_bounds = array<i64: 2, 16>, scalar_prefetch = 0 : i64, scratch_operands = 7 : i64, tpu.core_type = #tpu.core_type<sc_vector_subcore>, window_params = [{transform_indices = #map}, {transform_indices = #map}, {transform_indices = #map}, {transform_indices = #map1}, {transform_indices = #map2}, {transform_indices = #map2}, {transform_indices = #map2}]} {
    %mul3A = arith.constant 2 : i32
    %mul3A_0 = arith.muli %arg1, %mul3A : i32
    %add3A = arith.addi %mul3A_0, %arg0 : i32
    %jit3A = arith.constant 8 : i32
    %div3A = arith.divsi %add3A, %jit3A : i32
    %sign3A = arith.constant 0 : i32
    %sign3A_1 = arith.cmpi sgt, %add3A, %sign3A : i32
    %sign3A_2 = arith.extui %sign3A_1 : i1 to i32
    %sign3A_3 = arith.constant 0 : i32
    %sign3A_4 = arith.cmpi slt, %add3A, %sign3A_3 : i32
    %sign3A_5 = arith.extui %sign3A_4 : i1 to i32
    %sign3A_6 = arith.subi %sign3A_2, %sign3A_5 : i32
    %sign3A_7 = arith.constant 0 : i32
    %sign3A_8 = arith.cmpi sgt, %jit3A, %sign3A_7 : i32
    %sign3A_9 = arith.extui %sign3A_8 : i1 to i32
    %sign3A_10 = arith.constant 0 : i32
    %sign3A_11 = arith.cmpi slt, %jit3A, %sign3A_10 : i32
    %sign3A_12 = arith.extui %sign3A_11 : i1 to i32
    %sign3A_13 = arith.subi %sign3A_9, %sign3A_12 : i32
    %ne3A = arith.cmpi ne, %sign3A_6, %sign3A_13 : i32
    %rem3A = arith.remsi %add3A, %jit3A : i32
    %ne3A_14 = arith.constant 0 : i32
    %ne3A_15 = arith.cmpi ne, %rem3A, %ne3A_14 : i32
    %and3A = arith.andi %ne3A, %ne3A_15 : i1
    %sub3A = arith.constant 1 : i32
    %sub3A_16 = arith.subi %div3A, %sub3A : i32
    %select_n3A = arith.select %and3A, %sub3A_16, %div3A : i32
    %jit3A_17 = arith.constant 8 : i32
    %eq3A = arith.constant 0 : i32
    %eq3A_18 = arith.cmpi eq, %jit3A_17, %eq3A : i32
    %jit3A_19 = arith.constant 1 : i32
    %select_n3A_20 = arith.select %eq3A_18, %jit3A_19, %jit3A_17 : i32
    %rem3A_21 = arith.remsi %add3A, %select_n3A_20 : i32
    %ne3A_22 = arith.constant 0 : i32
    %ne3A_23 = arith.cmpi ne, %rem3A_21, %ne3A_22 : i32
    %lt3A = arith.constant 0 : i32
    %lt3A_24 = arith.cmpi slt, %rem3A_21, %lt3A : i32
    %lt3A_25 = arith.constant 0 : i32
    %lt3A_26 = arith.cmpi slt, %select_n3A_20, %lt3A_25 : i32
    %ne3A_27 = arith.xori %lt3A_24, %lt3A_26 : i1
    %and3A_28 = arith.andi %ne3A_27, %ne3A_23 : i1
    %add3A_29 = arith.addi %rem3A_21, %select_n3A_20 : i32
    %select_n3A_30 = arith.select %and3A_28, %add3A_29, %rem3A_21 : i32
    %mul3A_31 = arith.constant 128 : i32
    %mul3A_32 = arith.muli %select_n3A_30, %mul3A_31 : i32
    %mul3A_33 = arith.constant 4096 : i32
    %mul3A_34 = arith.muli %add3A, %mul3A_33 : i32
    "tpu.region"() ({
      %run_scoped3A = tpu.sem_alloc : memref<!tpu.dma_semaphore, #tpu.memory_space<semaphore_mem>>
      %dma_start3A = arith.constant 0 : i32
      %dma_start3A_41 = tpu.memref_slice %arg2[%select_n3A, %dma_start3A] : memref<4x1024xf32, #tpu.memory_space<hbm>> -> memref<1x1024xf32, #tpu.memory_space<hbm>>
      %dma_start3A_42 = tpu.memref_squeeze %dma_start3A_41 : memref<1x1024xf32, #tpu.memory_space<hbm>> -> memref<1024xf32, #tpu.memory_space<hbm>>
      %dma_start3A_43 = arith.constant 0 : i32
      %dma_start3A_44 = tpu.memref_slice %arg2[%select_n3A, %dma_start3A_43] : memref<4x1024xf32, #tpu.memory_space<hbm>> -> memref<1x1024xf32, #tpu.memory_space<hbm>>
      %dma_start3A_45 = tpu.memref_squeeze %dma_start3A_44 : memref<1x1024xf32, #tpu.memory_space<hbm>> -> memref<1024xf32, #tpu.memory_space<hbm>>
      tpu.enqueue_dma source(%dma_start3A_45 : memref<1024xf32, #tpu.memory_space<hbm>>) target(%arg9 : memref<1024xf32, #tpu.memory_space<vmem>>) target_semaphore(%run_scoped3A : memref<!tpu.dma_semaphore, #tpu.memory_space<semaphore_mem>>)
      %dma_wait3A = arith.constant 0 : i32
      %dma_wait3A_46 = tpu.memref_slice %arg2[%select_n3A, %dma_wait3A] : memref<4x1024xf32, #tpu.memory_space<hbm>> -> memref<1x1024xf32, #tpu.memory_space<hbm>>
      %dma_wait3A_47 = tpu.memref_squeeze %dma_wait3A_46 : memref<1x1024xf32, #tpu.memory_space<hbm>> -> memref<1024xf32, #tpu.memory_space<hbm>>
      %dma_wait3A_48 = arith.constant 0 : i32
      %dma_wait3A_49 = tpu.memref_slice %arg2[%select_n3A, %dma_wait3A_48] : memref<4x1024xf32, #tpu.memory_space<hbm>> -> memref<1x1024xf32, #tpu.memory_space<hbm>>
      %dma_wait3A_50 = tpu.memref_squeeze %dma_wait3A_49 : memref<1x1024xf32, #tpu.memory_space<hbm>> -> memref<1024xf32, #tpu.memory_space<hbm>>
      tpu.wait_dma2 semaphore(%run_scoped3A : memref<!tpu.dma_semaphore, #tpu.memory_space<semaphore_mem>>) src(%dma_wait3A_50 : memref<1024xf32, #tpu.memory_space<hbm>>) dst(%arg9 : memref<1024xf32, #tpu.memory_space<vmem>>)
      tpu.yield
    }) : () -> ()
    "tpu.region"() ({
      %run_scoped3A = tpu.sem_alloc : memref<!tpu.dma_semaphore, #tpu.memory_space<semaphore_mem>>
      %dma_start3A = arith.constant 0 : i32
      %dma_start3A_41 = tpu.memref_slice %arg3[%select_n3A, %dma_start3A] : memref<4x1024xf32, #tpu.memory_space<hbm>> -> memref<1x1024xf32, #tpu.memory_space<hbm>>
      %dma_start3A_42 = tpu.memref_squeeze %dma_start3A_41 : memref<1x1024xf32, #tpu.memory_space<hbm>> -> memref<1024xf32, #tpu.memory_space<hbm>>
      %dma_start3A_43 = arith.constant 0 : i32
      %dma_start3A_44 = tpu.memref_slice %arg3[%select_n3A, %dma_start3A_43] : memref<4x1024xf32, #tpu.memory_space<hbm>> -> memref<1x1024xf32, #tpu.memory_space<hbm>>
      %dma_start3A_45 = tpu.memref_squeeze %dma_start3A_44 : memref<1x1024xf32, #tpu.memory_space<hbm>> -> memref<1024xf32, #tpu.memory_space<hbm>>
      tpu.enqueue_dma source(%dma_start3A_45 : memref<1024xf32, #tpu.memory_space<hbm>>) target(%arg10 : memref<1024xf32, #tpu.memory_space<vmem>>) target_semaphore(%run_scoped3A : memref<!tpu.dma_semaphore, #tpu.memory_space<semaphore_mem>>)
      %dma_wait3A = arith.constant 0 : i32
      %dma_wait3A_46 = tpu.memref_slice %arg3[%select_n3A, %dma_wait3A] : memref<4x1024xf32, #tpu.memory_space<hbm>> -> memref<1x1024xf32, #tpu.memory_space<hbm>>
      %dma_wait3A_47 = tpu.memref_squeeze %dma_wait3A_46 : memref<1x1024xf32, #tpu.memory_space<hbm>> -> memref<1024xf32, #tpu.memory_space<hbm>>
      %dma_wait3A_48 = arith.constant 0 : i32
      %dma_wait3A_49 = tpu.memref_slice %arg3[%select_n3A, %dma_wait3A_48] : memref<4x1024xf32, #tpu.memory_space<hbm>> -> memref<1x1024xf32, #tpu.memory_space<hbm>>
      %dma_wait3A_50 = tpu.memref_squeeze %dma_wait3A_49 : memref<1x1024xf32, #tpu.memory_space<hbm>> -> memref<1024xf32, #tpu.memory_space<hbm>>
      tpu.wait_dma2 semaphore(%run_scoped3A : memref<!tpu.dma_semaphore, #tpu.memory_space<semaphore_mem>>) src(%dma_wait3A_50 : memref<1024xf32, #tpu.memory_space<hbm>>) dst(%arg10 : memref<1024xf32, #tpu.memory_space<vmem>>)
      tpu.yield
    }) : () -> ()
    "tpu.region"() ({
      %run_scoped3A = tpu.sem_alloc : memref<!tpu.dma_semaphore, #tpu.memory_space<semaphore_mem>>
      %dma_start3A = arith.constant 0 : i32
      %dma_start3A_41 = tpu.memref_slice %arg4[%select_n3A, %dma_start3A] : memref<4x1024xf32, #tpu.memory_space<hbm>> -> memref<1x1024xf32, #tpu.memory_space<hbm>>
      %dma_start3A_42 = tpu.memref_squeeze %dma_start3A_41 : memref<1x1024xf32, #tpu.memory_space<hbm>> -> memref<1024xf32, #tpu.memory_space<hbm>>
      %dma_start3A_43 = arith.constant 0 : i32
      %dma_start3A_44 = tpu.memref_slice %arg4[%select_n3A, %dma_start3A_43] : memref<4x1024xf32, #tpu.memory_space<hbm>> -> memref<1x1024xf32, #tpu.memory_space<hbm>>
      %dma_start3A_45 = tpu.memref_squeeze %dma_start3A_44 : memref<1x1024xf32, #tpu.memory_space<hbm>> -> memref<1024xf32, #tpu.memory_space<hbm>>
      tpu.enqueue_dma source(%dma_start3A_45 : memref<1024xf32, #tpu.memory_space<hbm>>) target(%arg11 : memref<1024xf32, #tpu.memory_space<vmem>>) target_semaphore(%run_scoped3A : memref<!tpu.dma_semaphore, #tpu.memory_space<semaphore_mem>>)
      %dma_wait3A = arith.constant 0 : i32
      %dma_wait3A_46 = tpu.memref_slice %arg4[%select_n3A, %dma_wait3A] : memref<4x1024xf32, #tpu.memory_space<hbm>> -> memref<1x1024xf32, #tpu.memory_space<hbm>>
      %dma_wait3A_47 = tpu.memref_squeeze %dma_wait3A_46 : memref<1x1024xf32, #tpu.memory_space<hbm>> -> memref<1024xf32, #tpu.memory_space<hbm>>
      %dma_wait3A_48 = arith.constant 0 : i32
      %dma_wait3A_49 = tpu.memref_slice %arg4[%select_n3A, %dma_wait3A_48] : memref<4x1024xf32, #tpu.memory_space<hbm>> -> memref<1x1024xf32, #tpu.memory_space<hbm>>
      %dma_wait3A_50 = tpu.memref_squeeze %dma_wait3A_49 : memref<1x1024xf32, #tpu.memory_space<hbm>> -> memref<1024xf32, #tpu.memory_space<hbm>>
      tpu.wait_dma2 semaphore(%run_scoped3A : memref<!tpu.dma_semaphore, #tpu.memory_space<semaphore_mem>>) src(%dma_wait3A_50 : memref<1024xf32, #tpu.memory_space<hbm>>) dst(%arg11 : memref<1024xf32, #tpu.memory_space<vmem>>)
      tpu.yield
    }) : () -> ()
    "tpu.region"() ({
      %run_scoped3A = tpu.sem_alloc : memref<!tpu.dma_semaphore, #tpu.memory_space<semaphore_mem>>
      %dma_start3A = tpu.memref_slice %arg5[%mul3A_34] : memref<131072xi32, #tpu.memory_space<hbm>> -> memref<4096xi32, #tpu.memory_space<hbm>>
      %dma_start3A_41 = tpu.memref_slice %arg5[%mul3A_34] : memref<131072xi32, #tpu.memory_space<hbm>> -> memref<4096xi32, #tpu.memory_space<hbm>>
      tpu.enqueue_dma source(%dma_start3A_41 : memref<4096xi32, #tpu.memory_space<hbm>>) target(%arg12 : memref<4096xi32, #tpu.memory_space<vmem>>) target_semaphore(%run_scoped3A : memref<!tpu.dma_semaphore, #tpu.memory_space<semaphore_mem>>)
      %dma_wait3A = tpu.memref_slice %arg5[%mul3A_34] : memref<131072xi32, #tpu.memory_space<hbm>> -> memref<4096xi32, #tpu.memory_space<hbm>>
      %dma_wait3A_42 = tpu.memref_slice %arg5[%mul3A_34] : memref<131072xi32, #tpu.memory_space<hbm>> -> memref<4096xi32, #tpu.memory_space<hbm>>
      tpu.wait_dma2 semaphore(%run_scoped3A : memref<!tpu.dma_semaphore, #tpu.memory_space<semaphore_mem>>) src(%dma_wait3A_42 : memref<4096xi32, #tpu.memory_space<hbm>>) dst(%arg12 : memref<4096xi32, #tpu.memory_space<vmem>>)
      tpu.yield
    }) : () -> ()
    %scan3A = arith.constant 0 : i32
    %scan3A_35 = arith.constant 0 : i32
    %scan3A_36 = arith.constant 256 : i32
    %scan3A_37 = arith.addi %scan3A_35, %scan3A_36 : i32
    %scan3A_38 = arith.constant 1 : i32
    %scan3A_39 = scf.for %scan3A_41 = %scan3A_35 to %scan3A_37 step %scan3A_38 iter_args(%scan3A_42 = %scan3A) -> (i32)  : i32 {
      %mul3A_43 = arith.constant 16 : i32
      %mul3A_44 = arith.muli %scan3A_41, %mul3A_43 : i32
      %get3A = arith.index_cast %mul3A_44 : i32 to index
      %get3A_45 = tpu.vector_load %arg12[%get3A] {strides = array<i32>} : memref<4096xi32, #tpu.memory_space<vmem>>, vector<16xi32>,
      %iota3A = tpu.iota {dimensions = array<i32: 0>} : vector<16xi32>
      %jit3A_46 = arith.constant 2 : i32
      %eq3A_47 = arith.constant 0 : i32
      %eq3A_48 = arith.cmpi eq, %jit3A_46, %eq3A_47 : i32
      %jit3A_49 = arith.constant 1 : i32
      %select_n3A_50 = arith.select %eq3A_48, %jit3A_49, %jit3A_46 : i32
      %rem3A_51 = arith.remsi %scan3A_41, %select_n3A_50 : i32
      %ne3A_52 = arith.constant 0 : i32
      %ne3A_53 = arith.cmpi ne, %rem3A_51, %ne3A_52 : i32
      %lt3A_54 = arith.constant 0 : i32
      %lt3A_55 = arith.cmpi slt, %rem3A_51, %lt3A_54 : i32
      %lt3A_56 = arith.constant 0 : i32
      %lt3A_57 = arith.cmpi slt, %select_n3A_50, %lt3A_56 : i32
      %ne3A_58 = arith.xori %lt3A_55, %lt3A_57 : i1
      %and3A_59 = arith.andi %ne3A_58, %ne3A_53 : i1
      %add3A_60 = arith.addi %rem3A_51, %select_n3A_50 : i32
      %select_n3A_61 = arith.select %and3A_59, %add3A_60, %rem3A_51 : i32
      %mul3A_62 = arith.constant 16 : i32
      %mul3A_63 = arith.muli %select_n3A_61, %mul3A_62 : i32
      %add3A_64 = vector.broadcast %mul3A_63 : i32 to vector<16xi32>
      %add3A_65 = arith.addi %iota3A, %add3A_64 : vector<16xi32>
      %jit3A_66 = arith.constant 2 : i32
      %div3A_67 = arith.divsi %scan3A_41, %jit3A_66 : i32
      %sign3A_68 = arith.constant 0 : i32
      %sign3A_69 = arith.cmpi sgt, %scan3A_41, %sign3A_68 : i32
      %sign3A_70 = arith.extui %sign3A_69 : i1 to i32
      %sign3A_71 = arith.constant 0 : i32
      %sign3A_72 = arith.cmpi slt, %scan3A_41, %sign3A_71 : i32
      %sign3A_73 = arith.extui %sign3A_72 : i1 to i32
      %sign3A_74 = arith.subi %sign3A_70, %sign3A_73 : i32
      %sign3A_75 = arith.constant 0 : i32
      %sign3A_76 = arith.cmpi sgt, %jit3A_66, %sign3A_75 : i32
      %sign3A_77 = arith.extui %sign3A_76 : i1 to i32
      %sign3A_78 = arith.constant 0 : i32
      %sign3A_79 = arith.cmpi slt, %jit3A_66, %sign3A_78 : i32
      %sign3A_80 = arith.extui %sign3A_79 : i1 to i32
      %sign3A_81 = arith.subi %sign3A_77, %sign3A_80 : i32
      %ne3A_82 = arith.cmpi ne, %sign3A_74, %sign3A_81 : i32
      %rem3A_83 = arith.remsi %scan3A_41, %jit3A_66 : i32
      %ne3A_84 = arith.constant 0 : i32
      %ne3A_85 = arith.cmpi ne, %rem3A_83, %ne3A_84 : i32
      %and3A_86 = arith.andi %ne3A_82, %ne3A_85 : i1
      %sub3A_87 = arith.constant 1 : i32
      %sub3A_88 = arith.subi %div3A_67, %sub3A_87 : i32
      %select_n3A_89 = arith.select %and3A_86, %sub3A_88, %div3A_67 : i32
      %broadcast_in_dim3A = vector.broadcast %select_n3A_89 : i32 to vector<16xi32>
      %gather3A = tpu.vector_load_idx %arg9[%get3A_45] : memref<1024xf32, #tpu.memory_space<vmem>>[vector<16xi32>], vector<16xf32>,
      tpu.vector_store_idx %arg13[%add3A_65, %broadcast_in_dim3A], %gather3A : memref<32x128xf32, #tpu.memory_space<vmem>>[vector<16xi32>, vector<16xi32>], vector<16xf32>,
      %gather3A_90 = tpu.vector_load_idx %arg10[%get3A_45] : memref<1024xf32, #tpu.memory_space<vmem>>[vector<16xi32>], vector<16xf32>,
      tpu.vector_store_idx %arg14[%add3A_65, %broadcast_in_dim3A], %gather3A_90 : memref<32x128xf32, #tpu.memory_space<vmem>>[vector<16xi32>, vector<16xi32>], vector<16xf32>,
      %gather3A_91 = tpu.vector_load_idx %arg11[%get3A_45] : memref<1024xf32, #tpu.memory_space<vmem>>[vector<16xi32>], vector<16xf32>,
      tpu.vector_store_idx %arg15[%add3A_65, %broadcast_in_dim3A], %gather3A_91 : memref<32x128xf32, #tpu.memory_space<vmem>>[vector<16xi32>, vector<16xi32>], vector<16xf32>,
      %scan3A_92 = arith.constant 0 : i32
      scf.yield %scan3A_92 : i32
    }
    %scan3A_40 = arith.constant 256 : i32
    "tpu.region"() ({
      %run_scoped3A = tpu.sem_alloc : memref<!tpu.dma_semaphore, #tpu.memory_space<semaphore_mem>>
      %dma_start3A = arith.constant 0 : i32
      %dma_start3A_41 = tpu.memref_slice %arg6[%select_n3A, %dma_start3A, %mul3A_32] : memref<4x32x1024xf32, #tpu.memory_space<hbm>> -> memref<1x32x128xf32, #tpu.memory_space<hbm>>
      %dma_start3A_42 = tpu.memref_squeeze %dma_start3A_41 : memref<1x32x128xf32, #tpu.memory_space<hbm>> -> memref<32x128xf32, #tpu.memory_space<hbm>>
      %dma_start3A_43 = arith.constant 0 : i32
      %dma_start3A_44 = tpu.memref_slice %arg6[%select_n3A, %dma_start3A_43, %mul3A_32] : memref<4x32x1024xf32, #tpu.memory_space<hbm>> -> memref<1x32x128xf32, #tpu.memory_space<hbm>>
      %dma_start3A_45 = tpu.memref_squeeze %dma_start3A_44 : memref<1x32x128xf32, #tpu.memory_space<hbm>> -> memref<32x128xf32, #tpu.memory_space<hbm>>
      tpu.enqueue_dma source(%arg13 : memref<32x128xf32, #tpu.memory_space<vmem>>) target(%dma_start3A_45 : memref<32x128xf32, #tpu.memory_space<hbm>>) target_semaphore(%run_scoped3A : memref<!tpu.dma_semaphore, #tpu.memory_space<semaphore_mem>>)
      %dma_wait3A = arith.constant 0 : i32
      %dma_wait3A_46 = tpu.memref_slice %arg6[%select_n3A, %dma_wait3A, %mul3A_32] : memref<4x32x1024xf32, #tpu.memory_space<hbm>> -> memref<1x32x128xf32, #tpu.memory_space<hbm>>
      %dma_wait3A_47 = tpu.memref_squeeze %dma_wait3A_46 : memref<1x32x128xf32, #tpu.memory_space<hbm>> -> memref<32x128xf32, #tpu.memory_space<hbm>>
      %dma_wait3A_48 = arith.constant 0 : i32
      %dma_wait3A_49 = tpu.memref_slice %arg6[%select_n3A, %dma_wait3A_48, %mul3A_32] : memref<4x32x1024xf32, #tpu.memory_space<hbm>> -> memref<1x32x128xf32, #tpu.memory_space<hbm>>
      %dma_wait3A_50 = tpu.memref_squeeze %dma_wait3A_49 : memref<1x32x128xf32, #tpu.memory_space<hbm>> -> memref<32x128xf32, #tpu.memory_space<hbm>>
      tpu.wait_dma2 semaphore(%run_scoped3A : memref<!tpu.dma_semaphore, #tpu.memory_space<semaphore_mem>>) src(%arg13 : memref<32x128xf32, #tpu.memory_space<vmem>>) dst(%dma_wait3A_50 : memref<32x128xf32, #tpu.memory_space<hbm>>)
      tpu.yield
    }) : () -> ()
    "tpu.region"() ({
      %run_scoped3A = tpu.sem_alloc : memref<!tpu.dma_semaphore, #tpu.memory_space<semaphore_mem>>
      %dma_start3A = arith.constant 0 : i32
      %dma_start3A_41 = tpu.memref_slice %arg7[%select_n3A, %dma_start3A, %mul3A_32] : memref<4x32x1024xf32, #tpu.memory_space<hbm>> -> memref<1x32x128xf32, #tpu.memory_space<hbm>>
      %dma_start3A_42 = tpu.memref_squeeze %dma_start3A_41 : memref<1x32x128xf32, #tpu.memory_space<hbm>> -> memref<32x128xf32, #tpu.memory_space<hbm>>
      %dma_start3A_43 = arith.constant 0 : i32
      %dma_start3A_44 = tpu.memref_slice %arg7[%select_n3A, %dma_start3A_43, %mul3A_32] : memref<4x32x1024xf32, #tpu.memory_space<hbm>> -> memref<1x32x128xf32, #tpu.memory_space<hbm>>
      %dma_start3A_45 = tpu.memref_squeeze %dma_start3A_44 : memref<1x32x128xf32, #tpu.memory_space<hbm>> -> memref<32x128xf32, #tpu.memory_space<hbm>>
      tpu.enqueue_dma source(%arg14 : memref<32x128xf32, #tpu.memory_space<vmem>>) target(%dma_start3A_45 : memref<32x128xf32, #tpu.memory_space<hbm>>) target_semaphore(%run_scoped3A : memref<!tpu.dma_semaphore, #tpu.memory_space<semaphore_mem>>)
      %dma_wait3A = arith.constant 0 : i32
      %dma_wait3A_46 = tpu.memref_slice %arg7[%select_n3A, %dma_wait3A, %mul3A_32] : memref<4x32x1024xf32, #tpu.memory_space<hbm>> -> memref<1x32x128xf32, #tpu.memory_space<hbm>>
      %dma_wait3A_47 = tpu.memref_squeeze %dma_wait3A_46 : memref<1x32x128xf32, #tpu.memory_space<hbm>> -> memref<32x128xf32, #tpu.memory_space<hbm>>
      %dma_wait3A_48 = arith.constant 0 : i32
      %dma_wait3A_49 = tpu.memref_slice %arg7[%select_n3A, %dma_wait3A_48, %mul3A_32] : memref<4x32x1024xf32, #tpu.memory_space<hbm>> -> memref<1x32x128xf32, #tpu.memory_space<hbm>>
      %dma_wait3A_50 = tpu.memref_squeeze %dma_wait3A_49 : memref<1x32x128xf32, #tpu.memory_space<hbm>> -> memref<32x128xf32, #tpu.memory_space<hbm>>
      tpu.wait_dma2 semaphore(%run_scoped3A : memref<!tpu.dma_semaphore, #tpu.memory_space<semaphore_mem>>) src(%arg14 : memref<32x128xf32, #tpu.memory_space<vmem>>) dst(%dma_wait3A_50 : memref<32x128xf32, #tpu.memory_space<hbm>>)
      tpu.yield
    }) : () -> ()
    "tpu.region"() ({
      %run_scoped3A = tpu.sem_alloc : memref<!tpu.dma_semaphore, #tpu.memory_space<semaphore_mem>>
      %dma_start3A = arith.constant 0 : i32
      %dma_start3A_41 = tpu.memref_slice %arg8[%select_n3A, %dma_start3A, %mul3A_32] : memref<4x32x1024xf32, #tpu.memory_space<hbm>> -> memref<1x32x128xf32, #tpu.memory_space<hbm>>
      %dma_start3A_42 = tpu.memref_squeeze %dma_start3A_41 : memref<1x32x128xf32, #tpu.memory_space<hbm>> -> memref<32x128xf32, #tpu.memory_space<hbm>>
      %dma_start3A_43 = arith.constant 0 : i32
      %dma_start3A_44 = tpu.memref_slice %arg8[%select_n3A, %dma_start3A_43, %mul3A_32] : memref<4x32x1024xf32, #tpu.memory_space<hbm>> -> memref<1x32x128xf32, #tpu.memory_space<hbm>>
      %dma_start3A_45 = tpu.memref_squeeze %dma_start3A_44 : memref<1x32x128xf32, #tpu.memory_space<hbm>> -> memref<32x128xf32, #tpu.memory_space<hbm>>
      tpu.enqueue_dma source(%arg15 : memref<32x128xf32, #tpu.memory_space<vmem>>) target(%dma_start3A_45 : memref<32x128xf32, #tpu.memory_space<hbm>>) target_semaphore(%run_scoped3A : memref<!tpu.dma_semaphore, #tpu.memory_space<semaphore_mem>>)
      %dma_wait3A = arith.constant 0 : i32
      %dma_wait3A_46 = tpu.memref_slice %arg8[%select_n3A, %dma_wait3A, %mul3A_32] : memref<4x32x1024xf32, #tpu.memory_space<hbm>> -> memref<1x32x128xf32, #tpu.memory_space<hbm>>
      %dma_wait3A_47 = tpu.memref_squeeze %dma_wait3A_46 : memref<1x32x128xf32, #tpu.memory_space<hbm>> -> memref<32x128xf32, #tpu.memory_space<hbm>>
      %dma_wait3A_48 = arith.constant 0 : i32
      %dma_wait3A_49 = tpu.memref_slice %arg8[%select_n3A, %dma_wait3A_48, %mul3A_32] : memref<4x32x1024xf32, #tpu.memory_space<hbm>> -> memref<1x32x128xf32, #tpu.memory_space<hbm>>
      %dma_wait3A_50 = tpu.memref_squeeze %dma_wait3A_49 : memref<1x32x128xf32, #tpu.memory_space<hbm>> -> memref<32x128xf32, #tpu.memory_space<hbm>>
      tpu.wait_dma2 semaphore(%run_scoped3A : memref<!tpu.dma_semaphore, #tpu.memory_space<semaphore_mem>>) src(%arg15 : memref<32x128xf32, #tpu.memory_space<vmem>>) dst(%dma_wait3A_50 : memref<32x128xf32, #tpu.memory_space<hbm>>)
      tpu.yield
    }) : () -> ()
    return
  }
}

module attributes {stable_mosaic.version = 14 : i64} {
  func.func @_topk_body(%arg0: i32, %arg1: i32, %arg2: memref<1x3x1024xf32, #tpu.memory_space<vmem>>, %arg3: memref<1x256x3xf32, #tpu.memory_space<vmem>>, %arg4: memref<1x256x32xf32, #tpu.memory_space<vmem>>, %arg5: memref<1x256x32xi32, #tpu.memory_space<vmem>>) attributes {dimension_semantics = [#tpu.dimension_semantics<arbitrary>, #tpu.dimension_semantics<arbitrary>], iteration_bounds = array<i64: 4, 4>, scalar_prefetch = 0 : i64, scratch_operands = 0 : i64, tpu.core_type = #tpu.core_type<tc>, window_params = [{transform_indices = @transform_0, window_bounds = array<i64: 1, 3, 1024>}, {transform_indices = @transform_1, window_bounds = array<i64: 1, 256, 3>}, {transform_indices = @transform_2, window_bounds = array<i64: 1, 256, 32>}, {transform_indices = @transform_3, window_bounds = array<i64: 1, 256, 32>}]} {
    %get3A = arith.constant 0 : index
    %get3A_0 = arith.constant 0 : index
    %get3A_1 = arith.constant 0 : index
    %get3A_2 = vector.load %arg2[%get3A, %get3A_0, %get3A_1] : memref<1x3x1024xf32, #tpu.memory_space<vmem>>, vector<1x3x1024xf32>
    %get3A_3 = vector.shape_cast %get3A_2 : vector<1x3x1024xf32> to vector<3x1024xf32>
    %get3A_4 = arith.constant 0 : index
    %get3A_5 = arith.constant 0 : index
    %get3A_6 = arith.constant 0 : index
    %get3A_7 = vector.load %arg3[%get3A_4, %get3A_5, %get3A_6] : memref<1x256x3xf32, #tpu.memory_space<vmem>>, vector<1x256x3xf32>
    %get3A_8 = vector.shape_cast %get3A_7 : vector<1x256x3xf32> to vector<256x3xf32>
    %broadcast_in_dim3A = arith.constant 0.000000e+00 : f32
    %broadcast_in_dim3A_9 = vector.broadcast %broadcast_in_dim3A : f32 to vector<256x1024xf32>
    %slice3A = vector.extract_strided_slice %get3A_8 {offsets = [0, 0], sizes = [256, 1], strides = [1, 1]} : vector<256x3xf32> to vector<256x1xf32>
    %slice3A_10 = vector.extract_strided_slice %get3A_3 {offsets = [0, 0], sizes = [1, 1024], strides = [1, 1]} : vector<3x1024xf32> to vector<1x1024xf32>
    %sub3A = vector.broadcast %slice3A : vector<256x1xf32> to vector<256x1024xf32>
    %sub3A_11 = vector.broadcast %slice3A_10 : vector<1x1024xf32> to vector<256x1024xf32>
    %sub3A_12 = arith.subf %sub3A, %sub3A_11 : vector<256x1024xf32>
    %mul3A = arith.mulf %sub3A_12, %sub3A_12 : vector<256x1024xf32>
    %add3A = arith.addf %broadcast_in_dim3A_9, %mul3A : vector<256x1024xf32>
    %slice3A_13 = vector.extract_strided_slice %get3A_8 {offsets = [0, 1], sizes = [256, 1], strides = [1, 1]} : vector<256x3xf32> to vector<256x1xf32>
    %slice3A_14 = vector.extract_strided_slice %get3A_3 {offsets = [1, 0], sizes = [1, 1024], strides = [1, 1]} : vector<3x1024xf32> to vector<1x1024xf32>
    %sub3A_15 = vector.broadcast %slice3A_13 : vector<256x1xf32> to vector<256x1024xf32>
    %sub3A_16 = vector.broadcast %slice3A_14 : vector<1x1024xf32> to vector<256x1024xf32>
    %sub3A_17 = arith.subf %sub3A_15, %sub3A_16 : vector<256x1024xf32>
    %mul3A_18 = arith.mulf %sub3A_17, %sub3A_17 : vector<256x1024xf32>
    %add3A_19 = arith.addf %add3A, %mul3A_18 : vector<256x1024xf32>
    %slice3A_20 = vector.extract_strided_slice %get3A_8 {offsets = [0, 2], sizes = [256, 1], strides = [1, 1]} : vector<256x3xf32> to vector<256x1xf32>
    %slice3A_21 = vector.extract_strided_slice %get3A_3 {offsets = [2, 0], sizes = [1, 1024], strides = [1, 1]} : vector<3x1024xf32> to vector<1x1024xf32>
    %sub3A_22 = vector.broadcast %slice3A_20 : vector<256x1xf32> to vector<256x1024xf32>
    %sub3A_23 = vector.broadcast %slice3A_21 : vector<1x1024xf32> to vector<256x1024xf32>
    %sub3A_24 = arith.subf %sub3A_22, %sub3A_23 : vector<256x1024xf32>
    %mul3A_25 = arith.mulf %sub3A_24, %sub3A_24 : vector<256x1024xf32>
    %add3A_26 = arith.addf %add3A_19, %mul3A_25 : vector<256x1024xf32>
    %add3A_27 = arith.constant 9.99999997E-7 : f32
    %add3A_28 = vector.broadcast %add3A_27 : f32 to vector<256x1024xf32>
    %add3A_29 = arith.addf %add3A_26, %add3A_28 : vector<256x1024xf32>
    %sqrt3A = math.sqrt %add3A_29 : vector<256x1024xf32>
    %iota3A = tpu.iota {dimensions = array<i32: 1>} : vector<1x1024xi32>
    %convert_element_type3A = arith.sitofp %iota3A : vector<1x1024xi32> to vector<1x1024xf32>
    %reduce_min3A = arith.constant dense<0x7F800000> : vector<256xf32>
    %reduce_min3A_30 = vector.multi_reduction <minimumf>, %sqrt3A, %reduce_min3A [1] : vector<256x1024xf32> to vector<256xf32>
    %broadcast_in_dim3A_31 = vector.shape_cast %reduce_min3A_30 : vector<256xf32> to vector<256x1xf32>
    %eq3A = vector.broadcast %broadcast_in_dim3A_31 : vector<256x1xf32> to vector<256x1024xf32>
    %eq3A_32 = arith.cmpf oeq, %sqrt3A, %eq3A : vector<256x1024xf32>
    %jit3A = arith.constant 1.07374182E+9 : f32
    %broadcast_in_dim3A_33 = vector.shape_cast %convert_element_type3A : vector<1x1024xf32> to vector<1x1024xf32>
    %broadcast_in_dim3A_34 = vector.broadcast %broadcast_in_dim3A_33 : vector<1x1024xf32> to vector<256x1024xf32>
    %broadcast_in_dim3A_35 = vector.broadcast %jit3A : f32 to vector<256x1024xf32>
    %select_n3A = arith.select %eq3A_32, %broadcast_in_dim3A_34, %broadcast_in_dim3A_35 : vector<256x1024xi1>, vector<256x1024xf32>
    %reduce_min3A_36 = arith.constant dense<0x7F800000> : vector<256xf32>
    %reduce_min3A_37 = vector.multi_reduction <minimumf>, %select_n3A, %reduce_min3A_36 [1] : vector<256x1024xf32> to vector<256xf32>
    %broadcast_in_dim3A_38 = vector.shape_cast %reduce_min3A_37 : vector<256xf32> to vector<256x1xf32>
    %swap3A = arith.constant 0 : index
    %swap3A_39 = arith.constant 0 : index
    %swap3A_40 = arith.constant 0 : index
    %swap3A_41 = vector.load %arg4[%swap3A, %swap3A_39, %swap3A_40] : memref<1x256x32xf32, #tpu.memory_space<vmem>>, vector<1x256x1xf32>
    %swap3A_42 = vector.shape_cast %swap3A_41 : vector<1x256x1xf32> to vector<256x1xf32>
    %swap3A_43 = vector.shape_cast %broadcast_in_dim3A_31 : vector<256x1xf32> to vector<1x256x1xf32>
    tpu.vector_store %arg4[%swap3A, %swap3A_39, %swap3A_40], %swap3A_43 {strides = array<i32>} : memref<1x256x32xf32, #tpu.memory_space<vmem>>, vector<1x256x1xf32>,
    %convert_element_type3A_44 = arith.fptosi %broadcast_in_dim3A_38 : vector<256x1xf32> to vector<256x1xi32>
    %swap3A_45 = arith.constant 0 : index
    %swap3A_46 = arith.constant 0 : index
    %swap3A_47 = arith.constant 0 : index
    %swap3A_48 = vector.load %arg5[%swap3A_45, %swap3A_46, %swap3A_47] : memref<1x256x32xi32, #tpu.memory_space<vmem>>, vector<1x256x1xi32>
    %swap3A_49 = vector.shape_cast %swap3A_48 : vector<1x256x1xi32> to vector<256x1xi32>
    %swap3A_50 = vector.shape_cast %convert_element_type3A_44 : vector<256x1xi32> to vector<1x256x1xi32>
    tpu.vector_store %arg5[%swap3A_45, %swap3A_46, %swap3A_47], %swap3A_50 {strides = array<i32>} : memref<1x256x32xi32, #tpu.memory_space<vmem>>, vector<1x256x1xi32>,
    %eq3A_51 = vector.broadcast %convert_element_type3A : vector<1x1024xf32> to vector<256x1024xf32>
    %eq3A_52 = vector.broadcast %broadcast_in_dim3A_38 : vector<256x1xf32> to vector<256x1024xf32>
    %eq3A_53 = arith.cmpf oeq, %eq3A_51, %eq3A_52 : vector<256x1024xf32>
    %jit3A_54 = arith.constant 0x7F800000 : f32
    %broadcast_in_dim3A_55 = vector.broadcast %jit3A_54 : f32 to vector<256x1024xf32>
    %select_n3A_56 = arith.select %eq3A_53, %broadcast_in_dim3A_55, %sqrt3A : vector<256x1024xi1>, vector<256x1024xf32>
    %reduce_min3A_57 = arith.constant dense<0x7F800000> : vector<256xf32>
    %reduce_min3A_58 = vector.multi_reduction <minimumf>, %select_n3A_56, %reduce_min3A_57 [1] : vector<256x1024xf32> to vector<256xf32>
    %broadcast_in_dim3A_59 = vector.shape_cast %reduce_min3A_58 : vector<256xf32> to vector<256x1xf32>
    %eq3A_60 = vector.broadcast %broadcast_in_dim3A_59 : vector<256x1xf32> to vector<256x1024xf32>
    %eq3A_61 = arith.cmpf oeq, %select_n3A_56, %eq3A_60 : vector<256x1024xf32>
    %jit3A_62 = arith.constant 1.07374182E+9 : f32
    %broadcast_in_dim3A_63 = vector.shape_cast %convert_element_type3A : vector<1x1024xf32> to vector<1x1024xf32>
    %broadcast_in_dim3A_64 = vector.broadcast %broadcast_in_dim3A_63 : vector<1x1024xf32> to vector<256x1024xf32>
    %broadcast_in_dim3A_65 = vector.broadcast %jit3A_62 : f32 to vector<256x1024xf32>
    %select_n3A_66 = arith.select %eq3A_61, %broadcast_in_dim3A_64, %broadcast_in_dim3A_65 : vector<256x1024xi1>, vector<256x1024xf32>
    %reduce_min3A_67 = arith.constant dense<0x7F800000> : vector<256xf32>
    %reduce_min3A_68 = vector.multi_reduction <minimumf>, %select_n3A_66, %reduce_min3A_67 [1] : vector<256x1024xf32> to vector<256xf32>
    %broadcast_in_dim3A_69 = vector.shape_cast %reduce_min3A_68 : vector<256xf32> to vector<256x1xf32>
    %swap3A_70 = arith.constant 0 : index
    %swap3A_71 = arith.constant 0 : index
    %swap3A_72 = arith.constant 1 : index
    %swap3A_73 = vector.load %arg4[%swap3A_70, %swap3A_71, %swap3A_72] : memref<1x256x32xf32, #tpu.memory_space<vmem>>, vector<1x256x1xf32>
    %swap3A_74 = vector.shape_cast %swap3A_73 : vector<1x256x1xf32> to vector<256x1xf32>
    %swap3A_75 = vector.shape_cast %broadcast_in_dim3A_59 : vector<256x1xf32> to vector<1x256x1xf32>
    tpu.vector_store %arg4[%swap3A_70, %swap3A_71, %swap3A_72], %swap3A_75 {strides = array<i32>} : memref<1x256x32xf32, #tpu.memory_space<vmem>>, vector<1x256x1xf32>,
    %convert_element_type3A_76 = arith.fptosi %broadcast_in_dim3A_69 : vector<256x1xf32> to vector<256x1xi32>
    %swap3A_77 = arith.constant 0 : index
    %swap3A_78 = arith.constant 0 : index
    %swap3A_79 = arith.constant 1 : index
    %swap3A_80 = vector.load %arg5[%swap3A_77, %swap3A_78, %swap3A_79] : memref<1x256x32xi32, #tpu.memory_space<vmem>>, vector<1x256x1xi32>
    %swap3A_81 = vector.shape_cast %swap3A_80 : vector<1x256x1xi32> to vector<256x1xi32>
    %swap3A_82 = vector.shape_cast %convert_element_type3A_76 : vector<256x1xi32> to vector<1x256x1xi32>
    tpu.vector_store %arg5[%swap3A_77, %swap3A_78, %swap3A_79], %swap3A_82 {strides = array<i32>} : memref<1x256x32xi32, #tpu.memory_space<vmem>>, vector<1x256x1xi32>,
    %eq3A_83 = vector.broadcast %convert_element_type3A : vector<1x1024xf32> to vector<256x1024xf32>
    %eq3A_84 = vector.broadcast %broadcast_in_dim3A_69 : vector<256x1xf32> to vector<256x1024xf32>
    %eq3A_85 = arith.cmpf oeq, %eq3A_83, %eq3A_84 : vector<256x1024xf32>
    %jit3A_86 = arith.constant 0x7F800000 : f32
    %broadcast_in_dim3A_87 = vector.broadcast %jit3A_86 : f32 to vector<256x1024xf32>
    %select_n3A_88 = arith.select %eq3A_85, %broadcast_in_dim3A_87, %select_n3A_56 : vector<256x1024xi1>, vector<256x1024xf32>
    %reduce_min3A_89 = arith.constant dense<0x7F800000> : vector<256xf32>
    %reduce_min3A_90 = vector.multi_reduction <minimumf>, %select_n3A_88, %reduce_min3A_89 [1] : vector<256x1024xf32> to vector<256xf32>
    %broadcast_in_dim3A_91 = vector.shape_cast %reduce_min3A_90 : vector<256xf32> to vector<256x1xf32>
    %eq3A_92 = vector.broadcast %broadcast_in_dim3A_91 : vector<256x1xf32> to vector<256x1024xf32>
    %eq3A_93 = arith.cmpf oeq, %select_n3A_88, %eq3A_92 : vector<256x1024xf32>
    %jit3A_94 = arith.constant 1.07374182E+9 : f32
    %broadcast_in_dim3A_95 = vector.shape_cast %convert_element_type3A : vector<1x1024xf32> to vector<1x1024xf32>
    %broadcast_in_dim3A_96 = vector.broadcast %broadcast_in_dim3A_95 : vector<1x1024xf32> to vector<256x1024xf32>
    %broadcast_in_dim3A_97 = vector.broadcast %jit3A_94 : f32 to vector<256x1024xf32>
    %select_n3A_98 = arith.select %eq3A_93, %broadcast_in_dim3A_96, %broadcast_in_dim3A_97 : vector<256x1024xi1>, vector<256x1024xf32>
    %reduce_min3A_99 = arith.constant dense<0x7F800000> : vector<256xf32>
    %reduce_min3A_100 = vector.multi_reduction <minimumf>, %select_n3A_98, %reduce_min3A_99 [1] : vector<256x1024xf32> to vector<256xf32>
    %broadcast_in_dim3A_101 = vector.shape_cast %reduce_min3A_100 : vector<256xf32> to vector<256x1xf32>
    %swap3A_102 = arith.constant 0 : index
    %swap3A_103 = arith.constant 0 : index
    %swap3A_104 = arith.constant 2 : index
    %swap3A_105 = vector.load %arg4[%swap3A_102, %swap3A_103, %swap3A_104] : memref<1x256x32xf32, #tpu.memory_space<vmem>>, vector<1x256x1xf32>
    %swap3A_106 = vector.shape_cast %swap3A_105 : vector<1x256x1xf32> to vector<256x1xf32>
    %swap3A_107 = vector.shape_cast %broadcast_in_dim3A_91 : vector<256x1xf32> to vector<1x256x1xf32>
    tpu.vector_store %arg4[%swap3A_102, %swap3A_103, %swap3A_104], %swap3A_107 {strides = array<i32>} : memref<1x256x32xf32, #tpu.memory_space<vmem>>, vector<1x256x1xf32>,
    %convert_element_type3A_108 = arith.fptosi %broadcast_in_dim3A_101 : vector<256x1xf32> to vector<256x1xi32>
    %swap3A_109 = arith.constant 0 : index
    %swap3A_110 = arith.constant 0 : index
    %swap3A_111 = arith.constant 2 : index
    %swap3A_112 = vector.load %arg5[%swap3A_109, %swap3A_110, %swap3A_111] : memref<1x256x32xi32, #tpu.memory_space<vmem>>, vector<1x256x1xi32>
    %swap3A_113 = vector.shape_cast %swap3A_112 : vector<1x256x1xi32> to vector<256x1xi32>
    %swap3A_114 = vector.shape_cast %convert_element_type3A_108 : vector<256x1xi32> to vector<1x256x1xi32>
    tpu.vector_store %arg5[%swap3A_109, %swap3A_110, %swap3A_111], %swap3A_114 {strides = array<i32>} : memref<1x256x32xi32, #tpu.memory_space<vmem>>, vector<1x256x1xi32>,
    %eq3A_115 = vector.broadcast %convert_element_type3A : vector<1x1024xf32> to vector<256x1024xf32>
    %eq3A_116 = vector.broadcast %broadcast_in_dim3A_101 : vector<256x1xf32> to vector<256x1024xf32>
    %eq3A_117 = arith.cmpf oeq, %eq3A_115, %eq3A_116 : vector<256x1024xf32>
    %jit3A_118 = arith.constant 0x7F800000 : f32
    %broadcast_in_dim3A_119 = vector.broadcast %jit3A_118 : f32 to vector<256x1024xf32>
    %select_n3A_120 = arith.select %eq3A_117, %broadcast_in_dim3A_119, %select_n3A_88 : vector<256x1024xi1>, vector<256x1024xf32>
    %reduce_min3A_121 = arith.constant dense<0x7F800000> : vector<256xf32>
    %reduce_min3A_122 = vector.multi_reduction <minimumf>, %select_n3A_120, %reduce_min3A_121 [1] : vector<256x1024xf32> to vector<256xf32>
    %broadcast_in_dim3A_123 = vector.shape_cast %reduce_min3A_122 : vector<256xf32> to vector<256x1xf32>
    %eq3A_124 = vector.broadcast %broadcast_in_dim3A_123 : vector<256x1xf32> to vector<256x1024xf32>
    %eq3A_125 = arith.cmpf oeq, %select_n3A_120, %eq3A_124 : vector<256x1024xf32>
    %jit3A_126 = arith.constant 1.07374182E+9 : f32
    %broadcast_in_dim3A_127 = vector.shape_cast %convert_element_type3A : vector<1x1024xf32> to vector<1x1024xf32>
    %broadcast_in_dim3A_128 = vector.broadcast %broadcast_in_dim3A_127 : vector<1x1024xf32> to vector<256x1024xf32>
    %broadcast_in_dim3A_129 = vector.broadcast %jit3A_126 : f32 to vector<256x1024xf32>
    %select_n3A_130 = arith.select %eq3A_125, %broadcast_in_dim3A_128, %broadcast_in_dim3A_129 : vector<256x1024xi1>, vector<256x1024xf32>
    %reduce_min3A_131 = arith.constant dense<0x7F800000> : vector<256xf32>
    %reduce_min3A_132 = vector.multi_reduction <minimumf>, %select_n3A_130, %reduce_min3A_131 [1] : vector<256x1024xf32> to vector<256xf32>
    %broadcast_in_dim3A_133 = vector.shape_cast %reduce_min3A_132 : vector<256xf32> to vector<256x1xf32>
    %swap3A_134 = arith.constant 0 : index
    %swap3A_135 = arith.constant 0 : index
    %swap3A_136 = arith.constant 3 : index
    %swap3A_137 = vector.load %arg4[%swap3A_134, %swap3A_135, %swap3A_136] : memref<1x256x32xf32, #tpu.memory_space<vmem>>, vector<1x256x1xf32>
    %swap3A_138 = vector.shape_cast %swap3A_137 : vector<1x256x1xf32> to vector<256x1xf32>
    %swap3A_139 = vector.shape_cast %broadcast_in_dim3A_123 : vector<256x1xf32> to vector<1x256x1xf32>
    tpu.vector_store %arg4[%swap3A_134, %swap3A_135, %swap3A_136], %swap3A_139 {strides = array<i32>} : memref<1x256x32xf32, #tpu.memory_space<vmem>>, vector<1x256x1xf32>,
    %convert_element_type3A_140 = arith.fptosi %broadcast_in_dim3A_133 : vector<256x1xf32> to vector<256x1xi32>
    %swap3A_141 = arith.constant 0 : index
    %swap3A_142 = arith.constant 0 : index
    %swap3A_143 = arith.constant 3 : index
    %swap3A_144 = vector.load %arg5[%swap3A_141, %swap3A_142, %swap3A_143] : memref<1x256x32xi32, #tpu.memory_space<vmem>>, vector<1x256x1xi32>
    %swap3A_145 = vector.shape_cast %swap3A_144 : vector<1x256x1xi32> to vector<256x1xi32>
    %swap3A_146 = vector.shape_cast %convert_element_type3A_140 : vector<256x1xi32> to vector<1x256x1xi32>
    tpu.vector_store %arg5[%swap3A_141, %swap3A_142, %swap3A_143], %swap3A_146 {strides = array<i32>} : memref<1x256x32xi32, #tpu.memory_space<vmem>>, vector<1x256x1xi32>,
    %eq3A_147 = vector.broadcast %convert_element_type3A : vector<1x1024xf32> to vector<256x1024xf32>
    %eq3A_148 = vector.broadcast %broadcast_in_dim3A_133 : vector<256x1xf32> to vector<256x1024xf32>
    %eq3A_149 = arith.cmpf oeq, %eq3A_147, %eq3A_148 : vector<256x1024xf32>
    %jit3A_150 = arith.constant 0x7F800000 : f32
    %broadcast_in_dim3A_151 = vector.broadcast %jit3A_150 : f32 to vector<256x1024xf32>
    %select_n3A_152 = arith.select %eq3A_149, %broadcast_in_dim3A_151, %select_n3A_120 : vector<256x1024xi1>, vector<256x1024xf32>
    %reduce_min3A_153 = arith.constant dense<0x7F800000> : vector<256xf32>
    %reduce_min3A_154 = vector.multi_reduction <minimumf>, %select_n3A_152, %reduce_min3A_153 [1] : vector<256x1024xf32> to vector<256xf32>
    %broadcast_in_dim3A_155 = vector.shape_cast %reduce_min3A_154 : vector<256xf32> to vector<256x1xf32>
    %eq3A_156 = vector.broadcast %broadcast_in_dim3A_155 : vector<256x1xf32> to vector<256x1024xf32>
    %eq3A_157 = arith.cmpf oeq, %select_n3A_152, %eq3A_156 : vector<256x1024xf32>
    %jit3A_158 = arith.constant 1.07374182E+9 : f32
    %broadcast_in_dim3A_159 = vector.shape_cast %convert_element_type3A : vector<1x1024xf32> to vector<1x1024xf32>
    %broadcast_in_dim3A_160 = vector.broadcast %broadcast_in_dim3A_159 : vector<1x1024xf32> to vector<256x1024xf32>
    %broadcast_in_dim3A_161 = vector.broadcast %jit3A_158 : f32 to vector<256x1024xf32>
    %select_n3A_162 = arith.select %eq3A_157, %broadcast_in_dim3A_160, %broadcast_in_dim3A_161 : vector<256x1024xi1>, vector<256x1024xf32>
    %reduce_min3A_163 = arith.constant dense<0x7F800000> : vector<256xf32>
    %reduce_min3A_164 = vector.multi_reduction <minimumf>, %select_n3A_162, %reduce_min3A_163 [1] : vector<256x1024xf32> to vector<256xf32>
    %broadcast_in_dim3A_165 = vector.shape_cast %reduce_min3A_164 : vector<256xf32> to vector<256x1xf32>
    %swap3A_166 = arith.constant 0 : index
    %swap3A_167 = arith.constant 0 : index
    %swap3A_168 = arith.constant 4 : index
    %swap3A_169 = vector.load %arg4[%swap3A_166, %swap3A_167, %swap3A_168] : memref<1x256x32xf32, #tpu.memory_space<vmem>>, vector<1x256x1xf32>
    %swap3A_170 = vector.shape_cast %swap3A_169 : vector<1x256x1xf32> to vector<256x1xf32>
    %swap3A_171 = vector.shape_cast %broadcast_in_dim3A_155 : vector<256x1xf32> to vector<1x256x1xf32>
    tpu.vector_store %arg4[%swap3A_166, %swap3A_167, %swap3A_168], %swap3A_171 {strides = array<i32>} : memref<1x256x32xf32, #tpu.memory_space<vmem>>, vector<1x256x1xf32>,
    %convert_element_type3A_172 = arith.fptosi %broadcast_in_dim3A_165 : vector<256x1xf32> to vector<256x1xi32>
    %swap3A_173 = arith.constant 0 : index
    %swap3A_174 = arith.constant 0 : index
    %swap3A_175 = arith.constant 4 : index
    %swap3A_176 = vector.load %arg5[%swap3A_173, %swap3A_174, %swap3A_175] : memref<1x256x32xi32, #tpu.memory_space<vmem>>, vector<1x256x1xi32>
    %swap3A_177 = vector.shape_cast %swap3A_176 : vector<1x256x1xi32> to vector<256x1xi32>
    %swap3A_178 = vector.shape_cast %convert_element_type3A_172 : vector<256x1xi32> to vector<1x256x1xi32>
    tpu.vector_store %arg5[%swap3A_173, %swap3A_174, %swap3A_175], %swap3A_178 {strides = array<i32>} : memref<1x256x32xi32, #tpu.memory_space<vmem>>, vector<1x256x1xi32>,
    %eq3A_179 = vector.broadcast %convert_element_type3A : vector<1x1024xf32> to vector<256x1024xf32>
    %eq3A_180 = vector.broadcast %broadcast_in_dim3A_165 : vector<256x1xf32> to vector<256x1024xf32>
    %eq3A_181 = arith.cmpf oeq, %eq3A_179, %eq3A_180 : vector<256x1024xf32>
    %jit3A_182 = arith.constant 0x7F800000 : f32
    %broadcast_in_dim3A_183 = vector.broadcast %jit3A_182 : f32 to vector<256x1024xf32>
    %select_n3A_184 = arith.select %eq3A_181, %broadcast_in_dim3A_183, %select_n3A_152 : vector<256x1024xi1>, vector<256x1024xf32>
    %reduce_min3A_185 = arith.constant dense<0x7F800000> : vector<256xf32>
    %reduce_min3A_186 = vector.multi_reduction <minimumf>, %select_n3A_184, %reduce_min3A_185 [1] : vector<256x1024xf32> to vector<256xf32>
    %broadcast_in_dim3A_187 = vector.shape_cast %reduce_min3A_186 : vector<256xf32> to vector<256x1xf32>
    %eq3A_188 = vector.broadcast %broadcast_in_dim3A_187 : vector<256x1xf32> to vector<256x1024xf32>
    %eq3A_189 = arith.cmpf oeq, %select_n3A_184, %eq3A_188 : vector<256x1024xf32>
    %jit3A_190 = arith.constant 1.07374182E+9 : f32
    %broadcast_in_dim3A_191 = vector.shape_cast %convert_element_type3A : vector<1x1024xf32> to vector<1x1024xf32>
    %broadcast_in_dim3A_192 = vector.broadcast %broadcast_in_dim3A_191 : vector<1x1024xf32> to vector<256x1024xf32>
    %broadcast_in_dim3A_193 = vector.broadcast %jit3A_190 : f32 to vector<256x1024xf32>
    %select_n3A_194 = arith.select %eq3A_189, %broadcast_in_dim3A_192, %broadcast_in_dim3A_193 : vector<256x1024xi1>, vector<256x1024xf32>
    %reduce_min3A_195 = arith.constant dense<0x7F800000> : vector<256xf32>
    %reduce_min3A_196 = vector.multi_reduction <minimumf>, %select_n3A_194, %reduce_min3A_195 [1] : vector<256x1024xf32> to vector<256xf32>
    %broadcast_in_dim3A_197 = vector.shape_cast %reduce_min3A_196 : vector<256xf32> to vector<256x1xf32>
    %swap3A_198 = arith.constant 0 : index
    %swap3A_199 = arith.constant 0 : index
    %swap3A_200 = arith.constant 5 : index
    %swap3A_201 = vector.load %arg4[%swap3A_198, %swap3A_199, %swap3A_200] : memref<1x256x32xf32, #tpu.memory_space<vmem>>, vector<1x256x1xf32>
    %swap3A_202 = vector.shape_cast %swap3A_201 : vector<1x256x1xf32> to vector<256x1xf32>
    %swap3A_203 = vector.shape_cast %broadcast_in_dim3A_187 : vector<256x1xf32> to vector<1x256x1xf32>
    tpu.vector_store %arg4[%swap3A_198, %swap3A_199, %swap3A_200], %swap3A_203 {strides = array<i32>} : memref<1x256x32xf32, #tpu.memory_space<vmem>>, vector<1x256x1xf32>,
    %convert_element_type3A_204 = arith.fptosi %broadcast_in_dim3A_197 : vector<256x1xf32> to vector<256x1xi32>
    %swap3A_205 = arith.constant 0 : index
    %swap3A_206 = arith.constant 0 : index
    %swap3A_207 = arith.constant 5 : index
    %swap3A_208 = vector.load %arg5[%swap3A_205, %swap3A_206, %swap3A_207] : memref<1x256x32xi32, #tpu.memory_space<vmem>>, vector<1x256x1xi32>
    %swap3A_209 = vector.shape_cast %swap3A_208 : vector<1x256x1xi32> to vector<256x1xi32>
    %swap3A_210 = vector.shape_cast %convert_element_type3A_204 : vector<256x1xi32> to vector<1x256x1xi32>
    tpu.vector_store %arg5[%swap3A_205, %swap3A_206, %swap3A_207], %swap3A_210 {strides = array<i32>} : memref<1x256x32xi32, #tpu.memory_space<vmem>>, vector<1x256x1xi32>,
    %eq3A_211 = vector.broadcast %convert_element_type3A : vector<1x1024xf32> to vector<256x1024xf32>
    %eq3A_212 = vector.broadcast %broadcast_in_dim3A_197 : vector<256x1xf32> to vector<256x1024xf32>
    %eq3A_213 = arith.cmpf oeq, %eq3A_211, %eq3A_212 : vector<256x1024xf32>
    %jit3A_214 = arith.constant 0x7F800000 : f32
    %broadcast_in_dim3A_215 = vector.broadcast %jit3A_214 : f32 to vector<256x1024xf32>
    %select_n3A_216 = arith.select %eq3A_213, %broadcast_in_dim3A_215, %select_n3A_184 : vector<256x1024xi1>, vector<256x1024xf32>
    %reduce_min3A_217 = arith.constant dense<0x7F800000> : vector<256xf32>
    %reduce_min3A_218 = vector.multi_reduction <minimumf>, %select_n3A_216, %reduce_min3A_217 [1] : vector<256x1024xf32> to vector<256xf32>
    %broadcast_in_dim3A_219 = vector.shape_cast %reduce_min3A_218 : vector<256xf32> to vector<256x1xf32>
    %eq3A_220 = vector.broadcast %broadcast_in_dim3A_219 : vector<256x1xf32> to vector<256x1024xf32>
    %eq3A_221 = arith.cmpf oeq, %select_n3A_216, %eq3A_220 : vector<256x1024xf32>
    %jit3A_222 = arith.constant 1.07374182E+9 : f32
    %broadcast_in_dim3A_223 = vector.shape_cast %convert_element_type3A : vector<1x1024xf32> to vector<1x1024xf32>
    %broadcast_in_dim3A_224 = vector.broadcast %broadcast_in_dim3A_223 : vector<1x1024xf32> to vector<256x1024xf32>
    %broadcast_in_dim3A_225 = vector.broadcast %jit3A_222 : f32 to vector<256x1024xf32>
    %select_n3A_226 = arith.select %eq3A_221, %broadcast_in_dim3A_224, %broadcast_in_dim3A_225 : vector<256x1024xi1>, vector<256x1024xf32>
    %reduce_min3A_227 = arith.constant dense<0x7F800000> : vector<256xf32>
    %reduce_min3A_228 = vector.multi_reduction <minimumf>, %select_n3A_226, %reduce_min3A_227 [1] : vector<256x1024xf32> to vector<256xf32>
    %broadcast_in_dim3A_229 = vector.shape_cast %reduce_min3A_228 : vector<256xf32> to vector<256x1xf32>
    %swap3A_230 = arith.constant 0 : index
    %swap3A_231 = arith.constant 0 : index
    %swap3A_232 = arith.constant 6 : index
    %swap3A_233 = vector.load %arg4[%swap3A_230, %swap3A_231, %swap3A_232] : memref<1x256x32xf32, #tpu.memory_space<vmem>>, vector<1x256x1xf32>
    %swap3A_234 = vector.shape_cast %swap3A_233 : vector<1x256x1xf32> to vector<256x1xf32>
    %swap3A_235 = vector.shape_cast %broadcast_in_dim3A_219 : vector<256x1xf32> to vector<1x256x1xf32>
    tpu.vector_store %arg4[%swap3A_230, %swap3A_231, %swap3A_232], %swap3A_235 {strides = array<i32>} : memref<1x256x32xf32, #tpu.memory_space<vmem>>, vector<1x256x1xf32>,
    %convert_element_type3A_236 = arith.fptosi %broadcast_in_dim3A_229 : vector<256x1xf32> to vector<256x1xi32>
    %swap3A_237 = arith.constant 0 : index
    %swap3A_238 = arith.constant 0 : index
    %swap3A_239 = arith.constant 6 : index
    %swap3A_240 = vector.load %arg5[%swap3A_237, %swap3A_238, %swap3A_239] : memref<1x256x32xi32, #tpu.memory_space<vmem>>, vector<1x256x1xi32>
    %swap3A_241 = vector.shape_cast %swap3A_240 : vector<1x256x1xi32> to vector<256x1xi32>
    %swap3A_242 = vector.shape_cast %convert_element_type3A_236 : vector<256x1xi32> to vector<1x256x1xi32>
    tpu.vector_store %arg5[%swap3A_237, %swap3A_238, %swap3A_239], %swap3A_242 {strides = array<i32>} : memref<1x256x32xi32, #tpu.memory_space<vmem>>, vector<1x256x1xi32>,
    %eq3A_243 = vector.broadcast %convert_element_type3A : vector<1x1024xf32> to vector<256x1024xf32>
    %eq3A_244 = vector.broadcast %broadcast_in_dim3A_229 : vector<256x1xf32> to vector<256x1024xf32>
    %eq3A_245 = arith.cmpf oeq, %eq3A_243, %eq3A_244 : vector<256x1024xf32>
    %jit3A_246 = arith.constant 0x7F800000 : f32
    %broadcast_in_dim3A_247 = vector.broadcast %jit3A_246 : f32 to vector<256x1024xf32>
    %select_n3A_248 = arith.select %eq3A_245, %broadcast_in_dim3A_247, %select_n3A_216 : vector<256x1024xi1>, vector<256x1024xf32>
    %reduce_min3A_249 = arith.constant dense<0x7F800000> : vector<256xf32>
    %reduce_min3A_250 = vector.multi_reduction <minimumf>, %select_n3A_248, %reduce_min3A_249 [1] : vector<256x1024xf32> to vector<256xf32>
    %broadcast_in_dim3A_251 = vector.shape_cast %reduce_min3A_250 : vector<256xf32> to vector<256x1xf32>
    %eq3A_252 = vector.broadcast %broadcast_in_dim3A_251 : vector<256x1xf32> to vector<256x1024xf32>
    %eq3A_253 = arith.cmpf oeq, %select_n3A_248, %eq3A_252 : vector<256x1024xf32>
    %jit3A_254 = arith.constant 1.07374182E+9 : f32
    %broadcast_in_dim3A_255 = vector.shape_cast %convert_element_type3A : vector<1x1024xf32> to vector<1x1024xf32>
    %broadcast_in_dim3A_256 = vector.broadcast %broadcast_in_dim3A_255 : vector<1x1024xf32> to vector<256x1024xf32>
    %broadcast_in_dim3A_257 = vector.broadcast %jit3A_254 : f32 to vector<256x1024xf32>
    %select_n3A_258 = arith.select %eq3A_253, %broadcast_in_dim3A_256, %broadcast_in_dim3A_257 : vector<256x1024xi1>, vector<256x1024xf32>
    %reduce_min3A_259 = arith.constant dense<0x7F800000> : vector<256xf32>
    %reduce_min3A_260 = vector.multi_reduction <minimumf>, %select_n3A_258, %reduce_min3A_259 [1] : vector<256x1024xf32> to vector<256xf32>
    %broadcast_in_dim3A_261 = vector.shape_cast %reduce_min3A_260 : vector<256xf32> to vector<256x1xf32>
    %swap3A_262 = arith.constant 0 : index
    %swap3A_263 = arith.constant 0 : index
    %swap3A_264 = arith.constant 7 : index
    %swap3A_265 = vector.load %arg4[%swap3A_262, %swap3A_263, %swap3A_264] : memref<1x256x32xf32, #tpu.memory_space<vmem>>, vector<1x256x1xf32>
    %swap3A_266 = vector.shape_cast %swap3A_265 : vector<1x256x1xf32> to vector<256x1xf32>
    %swap3A_267 = vector.shape_cast %broadcast_in_dim3A_251 : vector<256x1xf32> to vector<1x256x1xf32>
    tpu.vector_store %arg4[%swap3A_262, %swap3A_263, %swap3A_264], %swap3A_267 {strides = array<i32>} : memref<1x256x32xf32, #tpu.memory_space<vmem>>, vector<1x256x1xf32>,
    %convert_element_type3A_268 = arith.fptosi %broadcast_in_dim3A_261 : vector<256x1xf32> to vector<256x1xi32>
    %swap3A_269 = arith.constant 0 : index
    %swap3A_270 = arith.constant 0 : index
    %swap3A_271 = arith.constant 7 : index
    %swap3A_272 = vector.load %arg5[%swap3A_269, %swap3A_270, %swap3A_271] : memref<1x256x32xi32, #tpu.memory_space<vmem>>, vector<1x256x1xi32>
    %swap3A_273 = vector.shape_cast %swap3A_272 : vector<1x256x1xi32> to vector<256x1xi32>
    %swap3A_274 = vector.shape_cast %convert_element_type3A_268 : vector<256x1xi32> to vector<1x256x1xi32>
    tpu.vector_store %arg5[%swap3A_269, %swap3A_270, %swap3A_271], %swap3A_274 {strides = array<i32>} : memref<1x256x32xi32, #tpu.memory_space<vmem>>, vector<1x256x1xi32>,
    %eq3A_275 = vector.broadcast %convert_element_type3A : vector<1x1024xf32> to vector<256x1024xf32>
    %eq3A_276 = vector.broadcast %broadcast_in_dim3A_261 : vector<256x1xf32> to vector<256x1024xf32>
    %eq3A_277 = arith.cmpf oeq, %eq3A_275, %eq3A_276 : vector<256x1024xf32>
    %jit3A_278 = arith.constant 0x7F800000 : f32
    %broadcast_in_dim3A_279 = vector.broadcast %jit3A_278 : f32 to vector<256x1024xf32>
    %select_n3A_280 = arith.select %eq3A_277, %broadcast_in_dim3A_279, %select_n3A_248 : vector<256x1024xi1>, vector<256x1024xf32>
    %reduce_min3A_281 = arith.constant dense<0x7F800000> : vector<256xf32>
    %reduce_min3A_282 = vector.multi_reduction <minimumf>, %select_n3A_280, %reduce_min3A_281 [1] : vector<256x1024xf32> to vector<256xf32>
    %broadcast_in_dim3A_283 = vector.shape_cast %reduce_min3A_282 : vector<256xf32> to vector<256x1xf32>
    %eq3A_284 = vector.broadcast %broadcast_in_dim3A_283 : vector<256x1xf32> to vector<256x1024xf32>
    %eq3A_285 = arith.cmpf oeq, %select_n3A_280, %eq3A_284 : vector<256x1024xf32>
    %jit3A_286 = arith.constant 1.07374182E+9 : f32
    %broadcast_in_dim3A_287 = vector.shape_cast %convert_element_type3A : vector<1x1024xf32> to vector<1x1024xf32>
    %broadcast_in_dim3A_288 = vector.broadcast %broadcast_in_dim3A_287 : vector<1x1024xf32> to vector<256x1024xf32>
    %broadcast_in_dim3A_289 = vector.broadcast %jit3A_286 : f32 to vector<256x1024xf32>
    %select_n3A_290 = arith.select %eq3A_285, %broadcast_in_dim3A_288, %broadcast_in_dim3A_289 : vector<256x1024xi1>, vector<256x1024xf32>
    %reduce_min3A_291 = arith.constant dense<0x7F800000> : vector<256xf32>
    %reduce_min3A_292 = vector.multi_reduction <minimumf>, %select_n3A_290, %reduce_min3A_291 [1] : vector<256x1024xf32> to vector<256xf32>
    %broadcast_in_dim3A_293 = vector.shape_cast %reduce_min3A_292 : vector<256xf32> to vector<256x1xf32>
    %swap3A_294 = arith.constant 0 : index
    %swap3A_295 = arith.constant 0 : index
    %swap3A_296 = arith.constant 8 : index
    %swap3A_297 = vector.load %arg4[%swap3A_294, %swap3A_295, %swap3A_296] : memref<1x256x32xf32, #tpu.memory_space<vmem>>, vector<1x256x1xf32>
    %swap3A_298 = vector.shape_cast %swap3A_297 : vector<1x256x1xf32> to vector<256x1xf32>
    %swap3A_299 = vector.shape_cast %broadcast_in_dim3A_283 : vector<256x1xf32> to vector<1x256x1xf32>
    tpu.vector_store %arg4[%swap3A_294, %swap3A_295, %swap3A_296], %swap3A_299 {strides = array<i32>} : memref<1x256x32xf32, #tpu.memory_space<vmem>>, vector<1x256x1xf32>,
    %convert_element_type3A_300 = arith.fptosi %broadcast_in_dim3A_293 : vector<256x1xf32> to vector<256x1xi32>
    %swap3A_301 = arith.constant 0 : index
    %swap3A_302 = arith.constant 0 : index
    %swap3A_303 = arith.constant 8 : index
    %swap3A_304 = vector.load %arg5[%swap3A_301, %swap3A_302, %swap3A_303] : memref<1x256x32xi32, #tpu.memory_space<vmem>>, vector<1x256x1xi32>
    %swap3A_305 = vector.shape_cast %swap3A_304 : vector<1x256x1xi32> to vector<256x1xi32>
    %swap3A_306 = vector.shape_cast %convert_element_type3A_300 : vector<256x1xi32> to vector<1x256x1xi32>
    tpu.vector_store %arg5[%swap3A_301, %swap3A_302, %swap3A_303], %swap3A_306 {strides = array<i32>} : memref<1x256x32xi32, #tpu.memory_space<vmem>>, vector<1x256x1xi32>,
    %eq3A_307 = vector.broadcast %convert_element_type3A : vector<1x1024xf32> to vector<256x1024xf32>
    %eq3A_308 = vector.broadcast %broadcast_in_dim3A_293 : vector<256x1xf32> to vector<256x1024xf32>
    %eq3A_309 = arith.cmpf oeq, %eq3A_307, %eq3A_308 : vector<256x1024xf32>
    %jit3A_310 = arith.constant 0x7F800000 : f32
    %broadcast_in_dim3A_311 = vector.broadcast %jit3A_310 : f32 to vector<256x1024xf32>
    %select_n3A_312 = arith.select %eq3A_309, %broadcast_in_dim3A_311, %select_n3A_280 : vector<256x1024xi1>, vector<256x1024xf32>
    %reduce_min3A_313 = arith.constant dense<0x7F800000> : vector<256xf32>
    %reduce_min3A_314 = vector.multi_reduction <minimumf>, %select_n3A_312, %reduce_min3A_313 [1] : vector<256x1024xf32> to vector<256xf32>
    %broadcast_in_dim3A_315 = vector.shape_cast %reduce_min3A_314 : vector<256xf32> to vector<256x1xf32>
    %eq3A_316 = vector.broadcast %broadcast_in_dim3A_315 : vector<256x1xf32> to vector<256x1024xf32>
    %eq3A_317 = arith.cmpf oeq, %select_n3A_312, %eq3A_316 : vector<256x1024xf32>
    %jit3A_318 = arith.constant 1.07374182E+9 : f32
    %broadcast_in_dim3A_319 = vector.shape_cast %convert_element_type3A : vector<1x1024xf32> to vector<1x1024xf32>
    %broadcast_in_dim3A_320 = vector.broadcast %broadcast_in_dim3A_319 : vector<1x1024xf32> to vector<256x1024xf32>
    %broadcast_in_dim3A_321 = vector.broadcast %jit3A_318 : f32 to vector<256x1024xf32>
    %select_n3A_322 = arith.select %eq3A_317, %broadcast_in_dim3A_320, %broadcast_in_dim3A_321 : vector<256x1024xi1>, vector<256x1024xf32>
    %reduce_min3A_323 = arith.constant dense<0x7F800000> : vector<256xf32>
    %reduce_min3A_324 = vector.multi_reduction <minimumf>, %select_n3A_322, %reduce_min3A_323 [1] : vector<256x1024xf32> to vector<256xf32>
    %broadcast_in_dim3A_325 = vector.shape_cast %reduce_min3A_324 : vector<256xf32> to vector<256x1xf32>
    %swap3A_326 = arith.constant 0 : index
    %swap3A_327 = arith.constant 0 : index
    %swap3A_328 = arith.constant 9 : index
    %swap3A_329 = vector.load %arg4[%swap3A_326, %swap3A_327, %swap3A_328] : memref<1x256x32xf32, #tpu.memory_space<vmem>>, vector<1x256x1xf32>
    %swap3A_330 = vector.shape_cast %swap3A_329 : vector<1x256x1xf32> to vector<256x1xf32>
    %swap3A_331 = vector.shape_cast %broadcast_in_dim3A_315 : vector<256x1xf32> to vector<1x256x1xf32>
    tpu.vector_store %arg4[%swap3A_326, %swap3A_327, %swap3A_328], %swap3A_331 {strides = array<i32>} : memref<1x256x32xf32, #tpu.memory_space<vmem>>, vector<1x256x1xf32>,
    %convert_element_type3A_332 = arith.fptosi %broadcast_in_dim3A_325 : vector<256x1xf32> to vector<256x1xi32>
    %swap3A_333 = arith.constant 0 : index
    %swap3A_334 = arith.constant 0 : index
    %swap3A_335 = arith.constant 9 : index
    %swap3A_336 = vector.load %arg5[%swap3A_333, %swap3A_334, %swap3A_335] : memref<1x256x32xi32, #tpu.memory_space<vmem>>, vector<1x256x1xi32>
    %swap3A_337 = vector.shape_cast %swap3A_336 : vector<1x256x1xi32> to vector<256x1xi32>
    %swap3A_338 = vector.shape_cast %convert_element_type3A_332 : vector<256x1xi32> to vector<1x256x1xi32>
    tpu.vector_store %arg5[%swap3A_333, %swap3A_334, %swap3A_335], %swap3A_338 {strides = array<i32>} : memref<1x256x32xi32, #tpu.memory_space<vmem>>, vector<1x256x1xi32>,
    %eq3A_339 = vector.broadcast %convert_element_type3A : vector<1x1024xf32> to vector<256x1024xf32>
    %eq3A_340 = vector.broadcast %broadcast_in_dim3A_325 : vector<256x1xf32> to vector<256x1024xf32>
    %eq3A_341 = arith.cmpf oeq, %eq3A_339, %eq3A_340 : vector<256x1024xf32>
    %jit3A_342 = arith.constant 0x7F800000 : f32
    %broadcast_in_dim3A_343 = vector.broadcast %jit3A_342 : f32 to vector<256x1024xf32>
    %select_n3A_344 = arith.select %eq3A_341, %broadcast_in_dim3A_343, %select_n3A_312 : vector<256x1024xi1>, vector<256x1024xf32>
    %reduce_min3A_345 = arith.constant dense<0x7F800000> : vector<256xf32>
    %reduce_min3A_346 = vector.multi_reduction <minimumf>, %select_n3A_344, %reduce_min3A_345 [1] : vector<256x1024xf32> to vector<256xf32>
    %broadcast_in_dim3A_347 = vector.shape_cast %reduce_min3A_346 : vector<256xf32> to vector<256x1xf32>
    %eq3A_348 = vector.broadcast %broadcast_in_dim3A_347 : vector<256x1xf32> to vector<256x1024xf32>
    %eq3A_349 = arith.cmpf oeq, %select_n3A_344, %eq3A_348 : vector<256x1024xf32>
    %jit3A_350 = arith.constant 1.07374182E+9 : f32
    %broadcast_in_dim3A_351 = vector.shape_cast %convert_element_type3A : vector<1x1024xf32> to vector<1x1024xf32>
    %broadcast_in_dim3A_352 = vector.broadcast %broadcast_in_dim3A_351 : vector<1x1024xf32> to vector<256x1024xf32>
    %broadcast_in_dim3A_353 = vector.broadcast %jit3A_350 : f32 to vector<256x1024xf32>
    %select_n3A_354 = arith.select %eq3A_349, %broadcast_in_dim3A_352, %broadcast_in_dim3A_353 : vector<256x1024xi1>, vector<256x1024xf32>
    %reduce_min3A_355 = arith.constant dense<0x7F800000> : vector<256xf32>
    %reduce_min3A_356 = vector.multi_reduction <minimumf>, %select_n3A_354, %reduce_min3A_355 [1] : vector<256x1024xf32> to vector<256xf32>
    %broadcast_in_dim3A_357 = vector.shape_cast %reduce_min3A_356 : vector<256xf32> to vector<256x1xf32>
    %swap3A_358 = arith.constant 0 : index
    %swap3A_359 = arith.constant 0 : index
    %swap3A_360 = arith.constant 10 : index
    %swap3A_361 = vector.load %arg4[%swap3A_358, %swap3A_359, %swap3A_360] : memref<1x256x32xf32, #tpu.memory_space<vmem>>, vector<1x256x1xf32>
    %swap3A_362 = vector.shape_cast %swap3A_361 : vector<1x256x1xf32> to vector<256x1xf32>
    %swap3A_363 = vector.shape_cast %broadcast_in_dim3A_347 : vector<256x1xf32> to vector<1x256x1xf32>
    tpu.vector_store %arg4[%swap3A_358, %swap3A_359, %swap3A_360], %swap3A_363 {strides = array<i32>} : memref<1x256x32xf32, #tpu.memory_space<vmem>>, vector<1x256x1xf32>,
    %convert_element_type3A_364 = arith.fptosi %broadcast_in_dim3A_357 : vector<256x1xf32> to vector<256x1xi32>
    %swap3A_365 = arith.constant 0 : index
    %swap3A_366 = arith.constant 0 : index
    %swap3A_367 = arith.constant 10 : index
    %swap3A_368 = vector.load %arg5[%swap3A_365, %swap3A_366, %swap3A_367] : memref<1x256x32xi32, #tpu.memory_space<vmem>>, vector<1x256x1xi32>
    %swap3A_369 = vector.shape_cast %swap3A_368 : vector<1x256x1xi32> to vector<256x1xi32>
    %swap3A_370 = vector.shape_cast %convert_element_type3A_364 : vector<256x1xi32> to vector<1x256x1xi32>
    tpu.vector_store %arg5[%swap3A_365, %swap3A_366, %swap3A_367], %swap3A_370 {strides = array<i32>} : memref<1x256x32xi32, #tpu.memory_space<vmem>>, vector<1x256x1xi32>,
    %eq3A_371 = vector.broadcast %convert_element_type3A : vector<1x1024xf32> to vector<256x1024xf32>
    %eq3A_372 = vector.broadcast %broadcast_in_dim3A_357 : vector<256x1xf32> to vector<256x1024xf32>
    %eq3A_373 = arith.cmpf oeq, %eq3A_371, %eq3A_372 : vector<256x1024xf32>
    %jit3A_374 = arith.constant 0x7F800000 : f32
    %broadcast_in_dim3A_375 = vector.broadcast %jit3A_374 : f32 to vector<256x1024xf32>
    %select_n3A_376 = arith.select %eq3A_373, %broadcast_in_dim3A_375, %select_n3A_344 : vector<256x1024xi1>, vector<256x1024xf32>
    %reduce_min3A_377 = arith.constant dense<0x7F800000> : vector<256xf32>
    %reduce_min3A_378 = vector.multi_reduction <minimumf>, %select_n3A_376, %reduce_min3A_377 [1] : vector<256x1024xf32> to vector<256xf32>
    %broadcast_in_dim3A_379 = vector.shape_cast %reduce_min3A_378 : vector<256xf32> to vector<256x1xf32>
    %eq3A_380 = vector.broadcast %broadcast_in_dim3A_379 : vector<256x1xf32> to vector<256x1024xf32>
    %eq3A_381 = arith.cmpf oeq, %select_n3A_376, %eq3A_380 : vector<256x1024xf32>
    %jit3A_382 = arith.constant 1.07374182E+9 : f32
    %broadcast_in_dim3A_383 = vector.shape_cast %convert_element_type3A : vector<1x1024xf32> to vector<1x1024xf32>
    %broadcast_in_dim3A_384 = vector.broadcast %broadcast_in_dim3A_383 : vector<1x1024xf32> to vector<256x1024xf32>
    %broadcast_in_dim3A_385 = vector.broadcast %jit3A_382 : f32 to vector<256x1024xf32>
    %select_n3A_386 = arith.select %eq3A_381, %broadcast_in_dim3A_384, %broadcast_in_dim3A_385 : vector<256x1024xi1>, vector<256x1024xf32>
    %reduce_min3A_387 = arith.constant dense<0x7F800000> : vector<256xf32>
    %reduce_min3A_388 = vector.multi_reduction <minimumf>, %select_n3A_386, %reduce_min3A_387 [1] : vector<256x1024xf32> to vector<256xf32>
    %broadcast_in_dim3A_389 = vector.shape_cast %reduce_min3A_388 : vector<256xf32> to vector<256x1xf32>
    %swap3A_390 = arith.constant 0 : index
    %swap3A_391 = arith.constant 0 : index
    %swap3A_392 = arith.constant 11 : index
    %swap3A_393 = vector.load %arg4[%swap3A_390, %swap3A_391, %swap3A_392] : memref<1x256x32xf32, #tpu.memory_space<vmem>>, vector<1x256x1xf32>
    %swap3A_394 = vector.shape_cast %swap3A_393 : vector<1x256x1xf32> to vector<256x1xf32>
    %swap3A_395 = vector.shape_cast %broadcast_in_dim3A_379 : vector<256x1xf32> to vector<1x256x1xf32>
    tpu.vector_store %arg4[%swap3A_390, %swap3A_391, %swap3A_392], %swap3A_395 {strides = array<i32>} : memref<1x256x32xf32, #tpu.memory_space<vmem>>, vector<1x256x1xf32>,
    %convert_element_type3A_396 = arith.fptosi %broadcast_in_dim3A_389 : vector<256x1xf32> to vector<256x1xi32>
    %swap3A_397 = arith.constant 0 : index
    %swap3A_398 = arith.constant 0 : index
    %swap3A_399 = arith.constant 11 : index
    %swap3A_400 = vector.load %arg5[%swap3A_397, %swap3A_398, %swap3A_399] : memref<1x256x32xi32, #tpu.memory_space<vmem>>, vector<1x256x1xi32>
    %swap3A_401 = vector.shape_cast %swap3A_400 : vector<1x256x1xi32> to vector<256x1xi32>
    %swap3A_402 = vector.shape_cast %convert_element_type3A_396 : vector<256x1xi32> to vector<1x256x1xi32>
    tpu.vector_store %arg5[%swap3A_397, %swap3A_398, %swap3A_399], %swap3A_402 {strides = array<i32>} : memref<1x256x32xi32, #tpu.memory_space<vmem>>, vector<1x256x1xi32>,
    %eq3A_403 = vector.broadcast %convert_element_type3A : vector<1x1024xf32> to vector<256x1024xf32>
    %eq3A_404 = vector.broadcast %broadcast_in_dim3A_389 : vector<256x1xf32> to vector<256x1024xf32>
    %eq3A_405 = arith.cmpf oeq, %eq3A_403, %eq3A_404 : vector<256x1024xf32>
    %jit3A_406 = arith.constant 0x7F800000 : f32
    %broadcast_in_dim3A_407 = vector.broadcast %jit3A_406 : f32 to vector<256x1024xf32>
    %select_n3A_408 = arith.select %eq3A_405, %broadcast_in_dim3A_407, %select_n3A_376 : vector<256x1024xi1>, vector<256x1024xf32>
    %reduce_min3A_409 = arith.constant dense<0x7F800000> : vector<256xf32>
    %reduce_min3A_410 = vector.multi_reduction <minimumf>, %select_n3A_408, %reduce_min3A_409 [1] : vector<256x1024xf32> to vector<256xf32>
    %broadcast_in_dim3A_411 = vector.shape_cast %reduce_min3A_410 : vector<256xf32> to vector<256x1xf32>
    %eq3A_412 = vector.broadcast %broadcast_in_dim3A_411 : vector<256x1xf32> to vector<256x1024xf32>
    %eq3A_413 = arith.cmpf oeq, %select_n3A_408, %eq3A_412 : vector<256x1024xf32>
    %jit3A_414 = arith.constant 1.07374182E+9 : f32
    %broadcast_in_dim3A_415 = vector.shape_cast %convert_element_type3A : vector<1x1024xf32> to vector<1x1024xf32>
    %broadcast_in_dim3A_416 = vector.broadcast %broadcast_in_dim3A_415 : vector<1x1024xf32> to vector<256x1024xf32>
    %broadcast_in_dim3A_417 = vector.broadcast %jit3A_414 : f32 to vector<256x1024xf32>
    %select_n3A_418 = arith.select %eq3A_413, %broadcast_in_dim3A_416, %broadcast_in_dim3A_417 : vector<256x1024xi1>, vector<256x1024xf32>
    %reduce_min3A_419 = arith.constant dense<0x7F800000> : vector<256xf32>
    %reduce_min3A_420 = vector.multi_reduction <minimumf>, %select_n3A_418, %reduce_min3A_419 [1] : vector<256x1024xf32> to vector<256xf32>
    %broadcast_in_dim3A_421 = vector.shape_cast %reduce_min3A_420 : vector<256xf32> to vector<256x1xf32>
    %swap3A_422 = arith.constant 0 : index
    %swap3A_423 = arith.constant 0 : index
    %swap3A_424 = arith.constant 12 : index
    %swap3A_425 = vector.load %arg4[%swap3A_422, %swap3A_423, %swap3A_424] : memref<1x256x32xf32, #tpu.memory_space<vmem>>, vector<1x256x1xf32>
    %swap3A_426 = vector.shape_cast %swap3A_425 : vector<1x256x1xf32> to vector<256x1xf32>
    %swap3A_427 = vector.shape_cast %broadcast_in_dim3A_411 : vector<256x1xf32> to vector<1x256x1xf32>
    tpu.vector_store %arg4[%swap3A_422, %swap3A_423, %swap3A_424], %swap3A_427 {strides = array<i32>} : memref<1x256x32xf32, #tpu.memory_space<vmem>>, vector<1x256x1xf32>,
    %convert_element_type3A_428 = arith.fptosi %broadcast_in_dim3A_421 : vector<256x1xf32> to vector<256x1xi32>
    %swap3A_429 = arith.constant 0 : index
    %swap3A_430 = arith.constant 0 : index
    %swap3A_431 = arith.constant 12 : index
    %swap3A_432 = vector.load %arg5[%swap3A_429, %swap3A_430, %swap3A_431] : memref<1x256x32xi32, #tpu.memory_space<vmem>>, vector<1x256x1xi32>
    %swap3A_433 = vector.shape_cast %swap3A_432 : vector<1x256x1xi32> to vector<256x1xi32>
    %swap3A_434 = vector.shape_cast %convert_element_type3A_428 : vector<256x1xi32> to vector<1x256x1xi32>
    tpu.vector_store %arg5[%swap3A_429, %swap3A_430, %swap3A_431], %swap3A_434 {strides = array<i32>} : memref<1x256x32xi32, #tpu.memory_space<vmem>>, vector<1x256x1xi32>,
    %eq3A_435 = vector.broadcast %convert_element_type3A : vector<1x1024xf32> to vector<256x1024xf32>
    %eq3A_436 = vector.broadcast %broadcast_in_dim3A_421 : vector<256x1xf32> to vector<256x1024xf32>
    %eq3A_437 = arith.cmpf oeq, %eq3A_435, %eq3A_436 : vector<256x1024xf32>
    %jit3A_438 = arith.constant 0x7F800000 : f32
    %broadcast_in_dim3A_439 = vector.broadcast %jit3A_438 : f32 to vector<256x1024xf32>
    %select_n3A_440 = arith.select %eq3A_437, %broadcast_in_dim3A_439, %select_n3A_408 : vector<256x1024xi1>, vector<256x1024xf32>
    %reduce_min3A_441 = arith.constant dense<0x7F800000> : vector<256xf32>
    %reduce_min3A_442 = vector.multi_reduction <minimumf>, %select_n3A_440, %reduce_min3A_441 [1] : vector<256x1024xf32> to vector<256xf32>
    %broadcast_in_dim3A_443 = vector.shape_cast %reduce_min3A_442 : vector<256xf32> to vector<256x1xf32>
    %eq3A_444 = vector.broadcast %broadcast_in_dim3A_443 : vector<256x1xf32> to vector<256x1024xf32>
    %eq3A_445 = arith.cmpf oeq, %select_n3A_440, %eq3A_444 : vector<256x1024xf32>
    %jit3A_446 = arith.constant 1.07374182E+9 : f32
    %broadcast_in_dim3A_447 = vector.shape_cast %convert_element_type3A : vector<1x1024xf32> to vector<1x1024xf32>
    %broadcast_in_dim3A_448 = vector.broadcast %broadcast_in_dim3A_447 : vector<1x1024xf32> to vector<256x1024xf32>
    %broadcast_in_dim3A_449 = vector.broadcast %jit3A_446 : f32 to vector<256x1024xf32>
    %select_n3A_450 = arith.select %eq3A_445, %broadcast_in_dim3A_448, %broadcast_in_dim3A_449 : vector<256x1024xi1>, vector<256x1024xf32>
    %reduce_min3A_451 = arith.constant dense<0x7F800000> : vector<256xf32>
    %reduce_min3A_452 = vector.multi_reduction <minimumf>, %select_n3A_450, %reduce_min3A_451 [1] : vector<256x1024xf32> to vector<256xf32>
    %broadcast_in_dim3A_453 = vector.shape_cast %reduce_min3A_452 : vector<256xf32> to vector<256x1xf32>
    %swap3A_454 = arith.constant 0 : index
    %swap3A_455 = arith.constant 0 : index
    %swap3A_456 = arith.constant 13 : index
    %swap3A_457 = vector.load %arg4[%swap3A_454, %swap3A_455, %swap3A_456] : memref<1x256x32xf32, #tpu.memory_space<vmem>>, vector<1x256x1xf32>
    %swap3A_458 = vector.shape_cast %swap3A_457 : vector<1x256x1xf32> to vector<256x1xf32>
    %swap3A_459 = vector.shape_cast %broadcast_in_dim3A_443 : vector<256x1xf32> to vector<1x256x1xf32>
    tpu.vector_store %arg4[%swap3A_454, %swap3A_455, %swap3A_456], %swap3A_459 {strides = array<i32>} : memref<1x256x32xf32, #tpu.memory_space<vmem>>, vector<1x256x1xf32>,
    %convert_element_type3A_460 = arith.fptosi %broadcast_in_dim3A_453 : vector<256x1xf32> to vector<256x1xi32>
    %swap3A_461 = arith.constant 0 : index
    %swap3A_462 = arith.constant 0 : index
    %swap3A_463 = arith.constant 13 : index
    %swap3A_464 = vector.load %arg5[%swap3A_461, %swap3A_462, %swap3A_463] : memref<1x256x32xi32, #tpu.memory_space<vmem>>, vector<1x256x1xi32>
    %swap3A_465 = vector.shape_cast %swap3A_464 : vector<1x256x1xi32> to vector<256x1xi32>
    %swap3A_466 = vector.shape_cast %convert_element_type3A_460 : vector<256x1xi32> to vector<1x256x1xi32>
    tpu.vector_store %arg5[%swap3A_461, %swap3A_462, %swap3A_463], %swap3A_466 {strides = array<i32>} : memref<1x256x32xi32, #tpu.memory_space<vmem>>, vector<1x256x1xi32>,
    %eq3A_467 = vector.broadcast %convert_element_type3A : vector<1x1024xf32> to vector<256x1024xf32>
    %eq3A_468 = vector.broadcast %broadcast_in_dim3A_453 : vector<256x1xf32> to vector<256x1024xf32>
    %eq3A_469 = arith.cmpf oeq, %eq3A_467, %eq3A_468 : vector<256x1024xf32>
    %jit3A_470 = arith.constant 0x7F800000 : f32
    %broadcast_in_dim3A_471 = vector.broadcast %jit3A_470 : f32 to vector<256x1024xf32>
    %select_n3A_472 = arith.select %eq3A_469, %broadcast_in_dim3A_471, %select_n3A_440 : vector<256x1024xi1>, vector<256x1024xf32>
    %reduce_min3A_473 = arith.constant dense<0x7F800000> : vector<256xf32>
    %reduce_min3A_474 = vector.multi_reduction <minimumf>, %select_n3A_472, %reduce_min3A_473 [1] : vector<256x1024xf32> to vector<256xf32>
    %broadcast_in_dim3A_475 = vector.shape_cast %reduce_min3A_474 : vector<256xf32> to vector<256x1xf32>
    %eq3A_476 = vector.broadcast %broadcast_in_dim3A_475 : vector<256x1xf32> to vector<256x1024xf32>
    %eq3A_477 = arith.cmpf oeq, %select_n3A_472, %eq3A_476 : vector<256x1024xf32>
    %jit3A_478 = arith.constant 1.07374182E+9 : f32
    %broadcast_in_dim3A_479 = vector.shape_cast %convert_element_type3A : vector<1x1024xf32> to vector<1x1024xf32>
    %broadcast_in_dim3A_480 = vector.broadcast %broadcast_in_dim3A_479 : vector<1x1024xf32> to vector<256x1024xf32>
    %broadcast_in_dim3A_481 = vector.broadcast %jit3A_478 : f32 to vector<256x1024xf32>
    %select_n3A_482 = arith.select %eq3A_477, %broadcast_in_dim3A_480, %broadcast_in_dim3A_481 : vector<256x1024xi1>, vector<256x1024xf32>
    %reduce_min3A_483 = arith.constant dense<0x7F800000> : vector<256xf32>
    %reduce_min3A_484 = vector.multi_reduction <minimumf>, %select_n3A_482, %reduce_min3A_483 [1] : vector<256x1024xf32> to vector<256xf32>
    %broadcast_in_dim3A_485 = vector.shape_cast %reduce_min3A_484 : vector<256xf32> to vector<256x1xf32>
    %swap3A_486 = arith.constant 0 : index
    %swap3A_487 = arith.constant 0 : index
    %swap3A_488 = arith.constant 14 : index
    %swap3A_489 = vector.load %arg4[%swap3A_486, %swap3A_487, %swap3A_488] : memref<1x256x32xf32, #tpu.memory_space<vmem>>, vector<1x256x1xf32>
    %swap3A_490 = vector.shape_cast %swap3A_489 : vector<1x256x1xf32> to vector<256x1xf32>
    %swap3A_491 = vector.shape_cast %broadcast_in_dim3A_475 : vector<256x1xf32> to vector<1x256x1xf32>
    tpu.vector_store %arg4[%swap3A_486, %swap3A_487, %swap3A_488], %swap3A_491 {strides = array<i32>} : memref<1x256x32xf32, #tpu.memory_space<vmem>>, vector<1x256x1xf32>,
    %convert_element_type3A_492 = arith.fptosi %broadcast_in_dim3A_485 : vector<256x1xf32> to vector<256x1xi32>
    %swap3A_493 = arith.constant 0 : index
    %swap3A_494 = arith.constant 0 : index
    %swap3A_495 = arith.constant 14 : index
    %swap3A_496 = vector.load %arg5[%swap3A_493, %swap3A_494, %swap3A_495] : memref<1x256x32xi32, #tpu.memory_space<vmem>>, vector<1x256x1xi32>
    %swap3A_497 = vector.shape_cast %swap3A_496 : vector<1x256x1xi32> to vector<256x1xi32>
    %swap3A_498 = vector.shape_cast %convert_element_type3A_492 : vector<256x1xi32> to vector<1x256x1xi32>
    tpu.vector_store %arg5[%swap3A_493, %swap3A_494, %swap3A_495], %swap3A_498 {strides = array<i32>} : memref<1x256x32xi32, #tpu.memory_space<vmem>>, vector<1x256x1xi32>,
    %eq3A_499 = vector.broadcast %convert_element_type3A : vector<1x1024xf32> to vector<256x1024xf32>
    %eq3A_500 = vector.broadcast %broadcast_in_dim3A_485 : vector<256x1xf32> to vector<256x1024xf32>
    %eq3A_501 = arith.cmpf oeq, %eq3A_499, %eq3A_500 : vector<256x1024xf32>
    %jit3A_502 = arith.constant 0x7F800000 : f32
    %broadcast_in_dim3A_503 = vector.broadcast %jit3A_502 : f32 to vector<256x1024xf32>
    %select_n3A_504 = arith.select %eq3A_501, %broadcast_in_dim3A_503, %select_n3A_472 : vector<256x1024xi1>, vector<256x1024xf32>
    %reduce_min3A_505 = arith.constant dense<0x7F800000> : vector<256xf32>
    %reduce_min3A_506 = vector.multi_reduction <minimumf>, %select_n3A_504, %reduce_min3A_505 [1] : vector<256x1024xf32> to vector<256xf32>
    %broadcast_in_dim3A_507 = vector.shape_cast %reduce_min3A_506 : vector<256xf32> to vector<256x1xf32>
    %eq3A_508 = vector.broadcast %broadcast_in_dim3A_507 : vector<256x1xf32> to vector<256x1024xf32>
    %eq3A_509 = arith.cmpf oeq, %select_n3A_504, %eq3A_508 : vector<256x1024xf32>
    %jit3A_510 = arith.constant 1.07374182E+9 : f32
    %broadcast_in_dim3A_511 = vector.shape_cast %convert_element_type3A : vector<1x1024xf32> to vector<1x1024xf32>
    %broadcast_in_dim3A_512 = vector.broadcast %broadcast_in_dim3A_511 : vector<1x1024xf32> to vector<256x1024xf32>
    %broadcast_in_dim3A_513 = vector.broadcast %jit3A_510 : f32 to vector<256x1024xf32>
    %select_n3A_514 = arith.select %eq3A_509, %broadcast_in_dim3A_512, %broadcast_in_dim3A_513 : vector<256x1024xi1>, vector<256x1024xf32>
    %reduce_min3A_515 = arith.constant dense<0x7F800000> : vector<256xf32>
    %reduce_min3A_516 = vector.multi_reduction <minimumf>, %select_n3A_514, %reduce_min3A_515 [1] : vector<256x1024xf32> to vector<256xf32>
    %broadcast_in_dim3A_517 = vector.shape_cast %reduce_min3A_516 : vector<256xf32> to vector<256x1xf32>
    %swap3A_518 = arith.constant 0 : index
    %swap3A_519 = arith.constant 0 : index
    %swap3A_520 = arith.constant 15 : index
    %swap3A_521 = vector.load %arg4[%swap3A_518, %swap3A_519, %swap3A_520] : memref<1x256x32xf32, #tpu.memory_space<vmem>>, vector<1x256x1xf32>
    %swap3A_522 = vector.shape_cast %swap3A_521 : vector<1x256x1xf32> to vector<256x1xf32>
    %swap3A_523 = vector.shape_cast %broadcast_in_dim3A_507 : vector<256x1xf32> to vector<1x256x1xf32>
    tpu.vector_store %arg4[%swap3A_518, %swap3A_519, %swap3A_520], %swap3A_523 {strides = array<i32>} : memref<1x256x32xf32, #tpu.memory_space<vmem>>, vector<1x256x1xf32>,
    %convert_element_type3A_524 = arith.fptosi %broadcast_in_dim3A_517 : vector<256x1xf32> to vector<256x1xi32>
    %swap3A_525 = arith.constant 0 : index
    %swap3A_526 = arith.constant 0 : index
    %swap3A_527 = arith.constant 15 : index
    %swap3A_528 = vector.load %arg5[%swap3A_525, %swap3A_526, %swap3A_527] : memref<1x256x32xi32, #tpu.memory_space<vmem>>, vector<1x256x1xi32>
    %swap3A_529 = vector.shape_cast %swap3A_528 : vector<1x256x1xi32> to vector<256x1xi32>
    %swap3A_530 = vector.shape_cast %convert_element_type3A_524 : vector<256x1xi32> to vector<1x256x1xi32>
    tpu.vector_store %arg5[%swap3A_525, %swap3A_526, %swap3A_527], %swap3A_530 {strides = array<i32>} : memref<1x256x32xi32, #tpu.memory_space<vmem>>, vector<1x256x1xi32>,
    %eq3A_531 = vector.broadcast %convert_element_type3A : vector<1x1024xf32> to vector<256x1024xf32>
    %eq3A_532 = vector.broadcast %broadcast_in_dim3A_517 : vector<256x1xf32> to vector<256x1024xf32>
    %eq3A_533 = arith.cmpf oeq, %eq3A_531, %eq3A_532 : vector<256x1024xf32>
    %jit3A_534 = arith.constant 0x7F800000 : f32
    %broadcast_in_dim3A_535 = vector.broadcast %jit3A_534 : f32 to vector<256x1024xf32>
    %select_n3A_536 = arith.select %eq3A_533, %broadcast_in_dim3A_535, %select_n3A_504 : vector<256x1024xi1>, vector<256x1024xf32>
    %reduce_min3A_537 = arith.constant dense<0x7F800000> : vector<256xf32>
    %reduce_min3A_538 = vector.multi_reduction <minimumf>, %select_n3A_536, %reduce_min3A_537 [1] : vector<256x1024xf32> to vector<256xf32>
    %broadcast_in_dim3A_539 = vector.shape_cast %reduce_min3A_538 : vector<256xf32> to vector<256x1xf32>
    %eq3A_540 = vector.broadcast %broadcast_in_dim3A_539 : vector<256x1xf32> to vector<256x1024xf32>
    %eq3A_541 = arith.cmpf oeq, %select_n3A_536, %eq3A_540 : vector<256x1024xf32>
    %jit3A_542 = arith.constant 1.07374182E+9 : f32
    %broadcast_in_dim3A_543 = vector.shape_cast %convert_element_type3A : vector<1x1024xf32> to vector<1x1024xf32>
    %broadcast_in_dim3A_544 = vector.broadcast %broadcast_in_dim3A_543 : vector<1x1024xf32> to vector<256x1024xf32>
    %broadcast_in_dim3A_545 = vector.broadcast %jit3A_542 : f32 to vector<256x1024xf32>
    %select_n3A_546 = arith.select %eq3A_541, %broadcast_in_dim3A_544, %broadcast_in_dim3A_545 : vector<256x1024xi1>, vector<256x1024xf32>
    %reduce_min3A_547 = arith.constant dense<0x7F800000> : vector<256xf32>
    %reduce_min3A_548 = vector.multi_reduction <minimumf>, %select_n3A_546, %reduce_min3A_547 [1] : vector<256x1024xf32> to vector<256xf32>
    %broadcast_in_dim3A_549 = vector.shape_cast %reduce_min3A_548 : vector<256xf32> to vector<256x1xf32>
    %swap3A_550 = arith.constant 0 : index
    %swap3A_551 = arith.constant 0 : index
    %swap3A_552 = arith.constant 16 : index
    %swap3A_553 = vector.load %arg4[%swap3A_550, %swap3A_551, %swap3A_552] : memref<1x256x32xf32, #tpu.memory_space<vmem>>, vector<1x256x1xf32>
    %swap3A_554 = vector.shape_cast %swap3A_553 : vector<1x256x1xf32> to vector<256x1xf32>
    %swap3A_555 = vector.shape_cast %broadcast_in_dim3A_539 : vector<256x1xf32> to vector<1x256x1xf32>
    tpu.vector_store %arg4[%swap3A_550, %swap3A_551, %swap3A_552], %swap3A_555 {strides = array<i32>} : memref<1x256x32xf32, #tpu.memory_space<vmem>>, vector<1x256x1xf32>,
    %convert_element_type3A_556 = arith.fptosi %broadcast_in_dim3A_549 : vector<256x1xf32> to vector<256x1xi32>
    %swap3A_557 = arith.constant 0 : index
    %swap3A_558 = arith.constant 0 : index
    %swap3A_559 = arith.constant 16 : index
    %swap3A_560 = vector.load %arg5[%swap3A_557, %swap3A_558, %swap3A_559] : memref<1x256x32xi32, #tpu.memory_space<vmem>>, vector<1x256x1xi32>
    %swap3A_561 = vector.shape_cast %swap3A_560 : vector<1x256x1xi32> to vector<256x1xi32>
    %swap3A_562 = vector.shape_cast %convert_element_type3A_556 : vector<256x1xi32> to vector<1x256x1xi32>
    tpu.vector_store %arg5[%swap3A_557, %swap3A_558, %swap3A_559], %swap3A_562 {strides = array<i32>} : memref<1x256x32xi32, #tpu.memory_space<vmem>>, vector<1x256x1xi32>,
    %eq3A_563 = vector.broadcast %convert_element_type3A : vector<1x1024xf32> to vector<256x1024xf32>
    %eq3A_564 = vector.broadcast %broadcast_in_dim3A_549 : vector<256x1xf32> to vector<256x1024xf32>
    %eq3A_565 = arith.cmpf oeq, %eq3A_563, %eq3A_564 : vector<256x1024xf32>
    %jit3A_566 = arith.constant 0x7F800000 : f32
    %broadcast_in_dim3A_567 = vector.broadcast %jit3A_566 : f32 to vector<256x1024xf32>
    %select_n3A_568 = arith.select %eq3A_565, %broadcast_in_dim3A_567, %select_n3A_536 : vector<256x1024xi1>, vector<256x1024xf32>
    %reduce_min3A_569 = arith.constant dense<0x7F800000> : vector<256xf32>
    %reduce_min3A_570 = vector.multi_reduction <minimumf>, %select_n3A_568, %reduce_min3A_569 [1] : vector<256x1024xf32> to vector<256xf32>
    %broadcast_in_dim3A_571 = vector.shape_cast %reduce_min3A_570 : vector<256xf32> to vector<256x1xf32>
    %eq3A_572 = vector.broadcast %broadcast_in_dim3A_571 : vector<256x1xf32> to vector<256x1024xf32>
    %eq3A_573 = arith.cmpf oeq, %select_n3A_568, %eq3A_572 : vector<256x1024xf32>
    %jit3A_574 = arith.constant 1.07374182E+9 : f32
    %broadcast_in_dim3A_575 = vector.shape_cast %convert_element_type3A : vector<1x1024xf32> to vector<1x1024xf32>
    %broadcast_in_dim3A_576 = vector.broadcast %broadcast_in_dim3A_575 : vector<1x1024xf32> to vector<256x1024xf32>
    %broadcast_in_dim3A_577 = vector.broadcast %jit3A_574 : f32 to vector<256x1024xf32>
    %select_n3A_578 = arith.select %eq3A_573, %broadcast_in_dim3A_576, %broadcast_in_dim3A_577 : vector<256x1024xi1>, vector<256x1024xf32>
    %reduce_min3A_579 = arith.constant dense<0x7F800000> : vector<256xf32>
    %reduce_min3A_580 = vector.multi_reduction <minimumf>, %select_n3A_578, %reduce_min3A_579 [1] : vector<256x1024xf32> to vector<256xf32>
    %broadcast_in_dim3A_581 = vector.shape_cast %reduce_min3A_580 : vector<256xf32> to vector<256x1xf32>
    %swap3A_582 = arith.constant 0 : index
    %swap3A_583 = arith.constant 0 : index
    %swap3A_584 = arith.constant 17 : index
    %swap3A_585 = vector.load %arg4[%swap3A_582, %swap3A_583, %swap3A_584] : memref<1x256x32xf32, #tpu.memory_space<vmem>>, vector<1x256x1xf32>
    %swap3A_586 = vector.shape_cast %swap3A_585 : vector<1x256x1xf32> to vector<256x1xf32>
    %swap3A_587 = vector.shape_cast %broadcast_in_dim3A_571 : vector<256x1xf32> to vector<1x256x1xf32>
    tpu.vector_store %arg4[%swap3A_582, %swap3A_583, %swap3A_584], %swap3A_587 {strides = array<i32>} : memref<1x256x32xf32, #tpu.memory_space<vmem>>, vector<1x256x1xf32>,
    %convert_element_type3A_588 = arith.fptosi %broadcast_in_dim3A_581 : vector<256x1xf32> to vector<256x1xi32>
    %swap3A_589 = arith.constant 0 : index
    %swap3A_590 = arith.constant 0 : index
    %swap3A_591 = arith.constant 17 : index
    %swap3A_592 = vector.load %arg5[%swap3A_589, %swap3A_590, %swap3A_591] : memref<1x256x32xi32, #tpu.memory_space<vmem>>, vector<1x256x1xi32>
    %swap3A_593 = vector.shape_cast %swap3A_592 : vector<1x256x1xi32> to vector<256x1xi32>
    %swap3A_594 = vector.shape_cast %convert_element_type3A_588 : vector<256x1xi32> to vector<1x256x1xi32>
    tpu.vector_store %arg5[%swap3A_589, %swap3A_590, %swap3A_591], %swap3A_594 {strides = array<i32>} : memref<1x256x32xi32, #tpu.memory_space<vmem>>, vector<1x256x1xi32>,
    %eq3A_595 = vector.broadcast %convert_element_type3A : vector<1x1024xf32> to vector<256x1024xf32>
    %eq3A_596 = vector.broadcast %broadcast_in_dim3A_581 : vector<256x1xf32> to vector<256x1024xf32>
    %eq3A_597 = arith.cmpf oeq, %eq3A_595, %eq3A_596 : vector<256x1024xf32>
    %jit3A_598 = arith.constant 0x7F800000 : f32
    %broadcast_in_dim3A_599 = vector.broadcast %jit3A_598 : f32 to vector<256x1024xf32>
    %select_n3A_600 = arith.select %eq3A_597, %broadcast_in_dim3A_599, %select_n3A_568 : vector<256x1024xi1>, vector<256x1024xf32>
    %reduce_min3A_601 = arith.constant dense<0x7F800000> : vector<256xf32>
    %reduce_min3A_602 = vector.multi_reduction <minimumf>, %select_n3A_600, %reduce_min3A_601 [1] : vector<256x1024xf32> to vector<256xf32>
    %broadcast_in_dim3A_603 = vector.shape_cast %reduce_min3A_602 : vector<256xf32> to vector<256x1xf32>
    %eq3A_604 = vector.broadcast %broadcast_in_dim3A_603 : vector<256x1xf32> to vector<256x1024xf32>
    %eq3A_605 = arith.cmpf oeq, %select_n3A_600, %eq3A_604 : vector<256x1024xf32>
    %jit3A_606 = arith.constant 1.07374182E+9 : f32
    %broadcast_in_dim3A_607 = vector.shape_cast %convert_element_type3A : vector<1x1024xf32> to vector<1x1024xf32>
    %broadcast_in_dim3A_608 = vector.broadcast %broadcast_in_dim3A_607 : vector<1x1024xf32> to vector<256x1024xf32>
    %broadcast_in_dim3A_609 = vector.broadcast %jit3A_606 : f32 to vector<256x1024xf32>
    %select_n3A_610 = arith.select %eq3A_605, %broadcast_in_dim3A_608, %broadcast_in_dim3A_609 : vector<256x1024xi1>, vector<256x1024xf32>
    %reduce_min3A_611 = arith.constant dense<0x7F800000> : vector<256xf32>
    %reduce_min3A_612 = vector.multi_reduction <minimumf>, %select_n3A_610, %reduce_min3A_611 [1] : vector<256x1024xf32> to vector<256xf32>
    %broadcast_in_dim3A_613 = vector.shape_cast %reduce_min3A_612 : vector<256xf32> to vector<256x1xf32>
    %swap3A_614 = arith.constant 0 : index
    %swap3A_615 = arith.constant 0 : index
    %swap3A_616 = arith.constant 18 : index
    %swap3A_617 = vector.load %arg4[%swap3A_614, %swap3A_615, %swap3A_616] : memref<1x256x32xf32, #tpu.memory_space<vmem>>, vector<1x256x1xf32>
    %swap3A_618 = vector.shape_cast %swap3A_617 : vector<1x256x1xf32> to vector<256x1xf32>
    %swap3A_619 = vector.shape_cast %broadcast_in_dim3A_603 : vector<256x1xf32> to vector<1x256x1xf32>
    tpu.vector_store %arg4[%swap3A_614, %swap3A_615, %swap3A_616], %swap3A_619 {strides = array<i32>} : memref<1x256x32xf32, #tpu.memory_space<vmem>>, vector<1x256x1xf32>,
    %convert_element_type3A_620 = arith.fptosi %broadcast_in_dim3A_613 : vector<256x1xf32> to vector<256x1xi32>
    %swap3A_621 = arith.constant 0 : index
    %swap3A_622 = arith.constant 0 : index
    %swap3A_623 = arith.constant 18 : index
    %swap3A_624 = vector.load %arg5[%swap3A_621, %swap3A_622, %swap3A_623] : memref<1x256x32xi32, #tpu.memory_space<vmem>>, vector<1x256x1xi32>
    %swap3A_625 = vector.shape_cast %swap3A_624 : vector<1x256x1xi32> to vector<256x1xi32>
    %swap3A_626 = vector.shape_cast %convert_element_type3A_620 : vector<256x1xi32> to vector<1x256x1xi32>
    tpu.vector_store %arg5[%swap3A_621, %swap3A_622, %swap3A_623], %swap3A_626 {strides = array<i32>} : memref<1x256x32xi32, #tpu.memory_space<vmem>>, vector<1x256x1xi32>,
    %eq3A_627 = vector.broadcast %convert_element_type3A : vector<1x1024xf32> to vector<256x1024xf32>
    %eq3A_628 = vector.broadcast %broadcast_in_dim3A_613 : vector<256x1xf32> to vector<256x1024xf32>
    %eq3A_629 = arith.cmpf oeq, %eq3A_627, %eq3A_628 : vector<256x1024xf32>
    %jit3A_630 = arith.constant 0x7F800000 : f32
    %broadcast_in_dim3A_631 = vector.broadcast %jit3A_630 : f32 to vector<256x1024xf32>
    %select_n3A_632 = arith.select %eq3A_629, %broadcast_in_dim3A_631, %select_n3A_600 : vector<256x1024xi1>, vector<256x1024xf32>
    %reduce_min3A_633 = arith.constant dense<0x7F800000> : vector<256xf32>
    %reduce_min3A_634 = vector.multi_reduction <minimumf>, %select_n3A_632, %reduce_min3A_633 [1] : vector<256x1024xf32> to vector<256xf32>
    %broadcast_in_dim3A_635 = vector.shape_cast %reduce_min3A_634 : vector<256xf32> to vector<256x1xf32>
    %eq3A_636 = vector.broadcast %broadcast_in_dim3A_635 : vector<256x1xf32> to vector<256x1024xf32>
    %eq3A_637 = arith.cmpf oeq, %select_n3A_632, %eq3A_636 : vector<256x1024xf32>
    %jit3A_638 = arith.constant 1.07374182E+9 : f32
    %broadcast_in_dim3A_639 = vector.shape_cast %convert_element_type3A : vector<1x1024xf32> to vector<1x1024xf32>
    %broadcast_in_dim3A_640 = vector.broadcast %broadcast_in_dim3A_639 : vector<1x1024xf32> to vector<256x1024xf32>
    %broadcast_in_dim3A_641 = vector.broadcast %jit3A_638 : f32 to vector<256x1024xf32>
    %select_n3A_642 = arith.select %eq3A_637, %broadcast_in_dim3A_640, %broadcast_in_dim3A_641 : vector<256x1024xi1>, vector<256x1024xf32>
    %reduce_min3A_643 = arith.constant dense<0x7F800000> : vector<256xf32>
    %reduce_min3A_644 = vector.multi_reduction <minimumf>, %select_n3A_642, %reduce_min3A_643 [1] : vector<256x1024xf32> to vector<256xf32>
    %broadcast_in_dim3A_645 = vector.shape_cast %reduce_min3A_644 : vector<256xf32> to vector<256x1xf32>
    %swap3A_646 = arith.constant 0 : index
    %swap3A_647 = arith.constant 0 : index
    %swap3A_648 = arith.constant 19 : index
    %swap3A_649 = vector.load %arg4[%swap3A_646, %swap3A_647, %swap3A_648] : memref<1x256x32xf32, #tpu.memory_space<vmem>>, vector<1x256x1xf32>
    %swap3A_650 = vector.shape_cast %swap3A_649 : vector<1x256x1xf32> to vector<256x1xf32>
    %swap3A_651 = vector.shape_cast %broadcast_in_dim3A_635 : vector<256x1xf32> to vector<1x256x1xf32>
    tpu.vector_store %arg4[%swap3A_646, %swap3A_647, %swap3A_648], %swap3A_651 {strides = array<i32>} : memref<1x256x32xf32, #tpu.memory_space<vmem>>, vector<1x256x1xf32>,
    %convert_element_type3A_652 = arith.fptosi %broadcast_in_dim3A_645 : vector<256x1xf32> to vector<256x1xi32>
    %swap3A_653 = arith.constant 0 : index
    %swap3A_654 = arith.constant 0 : index
    %swap3A_655 = arith.constant 19 : index
    %swap3A_656 = vector.load %arg5[%swap3A_653, %swap3A_654, %swap3A_655] : memref<1x256x32xi32, #tpu.memory_space<vmem>>, vector<1x256x1xi32>
    %swap3A_657 = vector.shape_cast %swap3A_656 : vector<1x256x1xi32> to vector<256x1xi32>
    %swap3A_658 = vector.shape_cast %convert_element_type3A_652 : vector<256x1xi32> to vector<1x256x1xi32>
    tpu.vector_store %arg5[%swap3A_653, %swap3A_654, %swap3A_655], %swap3A_658 {strides = array<i32>} : memref<1x256x32xi32, #tpu.memory_space<vmem>>, vector<1x256x1xi32>,
    %eq3A_659 = vector.broadcast %convert_element_type3A : vector<1x1024xf32> to vector<256x1024xf32>
    %eq3A_660 = vector.broadcast %broadcast_in_dim3A_645 : vector<256x1xf32> to vector<256x1024xf32>
    %eq3A_661 = arith.cmpf oeq, %eq3A_659, %eq3A_660 : vector<256x1024xf32>
    %jit3A_662 = arith.constant 0x7F800000 : f32
    %broadcast_in_dim3A_663 = vector.broadcast %jit3A_662 : f32 to vector<256x1024xf32>
    %select_n3A_664 = arith.select %eq3A_661, %broadcast_in_dim3A_663, %select_n3A_632 : vector<256x1024xi1>, vector<256x1024xf32>
    %reduce_min3A_665 = arith.constant dense<0x7F800000> : vector<256xf32>
    %reduce_min3A_666 = vector.multi_reduction <minimumf>, %select_n3A_664, %reduce_min3A_665 [1] : vector<256x1024xf32> to vector<256xf32>
    %broadcast_in_dim3A_667 = vector.shape_cast %reduce_min3A_666 : vector<256xf32> to vector<256x1xf32>
    %eq3A_668 = vector.broadcast %broadcast_in_dim3A_667 : vector<256x1xf32> to vector<256x1024xf32>
    %eq3A_669 = arith.cmpf oeq, %select_n3A_664, %eq3A_668 : vector<256x1024xf32>
    %jit3A_670 = arith.constant 1.07374182E+9 : f32
    %broadcast_in_dim3A_671 = vector.shape_cast %convert_element_type3A : vector<1x1024xf32> to vector<1x1024xf32>
    %broadcast_in_dim3A_672 = vector.broadcast %broadcast_in_dim3A_671 : vector<1x1024xf32> to vector<256x1024xf32>
    %broadcast_in_dim3A_673 = vector.broadcast %jit3A_670 : f32 to vector<256x1024xf32>
    %select_n3A_674 = arith.select %eq3A_669, %broadcast_in_dim3A_672, %broadcast_in_dim3A_673 : vector<256x1024xi1>, vector<256x1024xf32>
    %reduce_min3A_675 = arith.constant dense<0x7F800000> : vector<256xf32>
    %reduce_min3A_676 = vector.multi_reduction <minimumf>, %select_n3A_674, %reduce_min3A_675 [1] : vector<256x1024xf32> to vector<256xf32>
    %broadcast_in_dim3A_677 = vector.shape_cast %reduce_min3A_676 : vector<256xf32> to vector<256x1xf32>
    %swap3A_678 = arith.constant 0 : index
    %swap3A_679 = arith.constant 0 : index
    %swap3A_680 = arith.constant 20 : index
    %swap3A_681 = vector.load %arg4[%swap3A_678, %swap3A_679, %swap3A_680] : memref<1x256x32xf32, #tpu.memory_space<vmem>>, vector<1x256x1xf32>
    %swap3A_682 = vector.shape_cast %swap3A_681 : vector<1x256x1xf32> to vector<256x1xf32>
    %swap3A_683 = vector.shape_cast %broadcast_in_dim3A_667 : vector<256x1xf32> to vector<1x256x1xf32>
    tpu.vector_store %arg4[%swap3A_678, %swap3A_679, %swap3A_680], %swap3A_683 {strides = array<i32>} : memref<1x256x32xf32, #tpu.memory_space<vmem>>, vector<1x256x1xf32>,
    %convert_element_type3A_684 = arith.fptosi %broadcast_in_dim3A_677 : vector<256x1xf32> to vector<256x1xi32>
    %swap3A_685 = arith.constant 0 : index
    %swap3A_686 = arith.constant 0 : index
    %swap3A_687 = arith.constant 20 : index
    %swap3A_688 = vector.load %arg5[%swap3A_685, %swap3A_686, %swap3A_687] : memref<1x256x32xi32, #tpu.memory_space<vmem>>, vector<1x256x1xi32>
    %swap3A_689 = vector.shape_cast %swap3A_688 : vector<1x256x1xi32> to vector<256x1xi32>
    %swap3A_690 = vector.shape_cast %convert_element_type3A_684 : vector<256x1xi32> to vector<1x256x1xi32>
    tpu.vector_store %arg5[%swap3A_685, %swap3A_686, %swap3A_687], %swap3A_690 {strides = array<i32>} : memref<1x256x32xi32, #tpu.memory_space<vmem>>, vector<1x256x1xi32>,
    %eq3A_691 = vector.broadcast %convert_element_type3A : vector<1x1024xf32> to vector<256x1024xf32>
    %eq3A_692 = vector.broadcast %broadcast_in_dim3A_677 : vector<256x1xf32> to vector<256x1024xf32>
    %eq3A_693 = arith.cmpf oeq, %eq3A_691, %eq3A_692 : vector<256x1024xf32>
    %jit3A_694 = arith.constant 0x7F800000 : f32
    %broadcast_in_dim3A_695 = vector.broadcast %jit3A_694 : f32 to vector<256x1024xf32>
    %select_n3A_696 = arith.select %eq3A_693, %broadcast_in_dim3A_695, %select_n3A_664 : vector<256x1024xi1>, vector<256x1024xf32>
    %reduce_min3A_697 = arith.constant dense<0x7F800000> : vector<256xf32>
    %reduce_min3A_698 = vector.multi_reduction <minimumf>, %select_n3A_696, %reduce_min3A_697 [1] : vector<256x1024xf32> to vector<256xf32>
    %broadcast_in_dim3A_699 = vector.shape_cast %reduce_min3A_698 : vector<256xf32> to vector<256x1xf32>
    %eq3A_700 = vector.broadcast %broadcast_in_dim3A_699 : vector<256x1xf32> to vector<256x1024xf32>
    %eq3A_701 = arith.cmpf oeq, %select_n3A_696, %eq3A_700 : vector<256x1024xf32>
    %jit3A_702 = arith.constant 1.07374182E+9 : f32
    %broadcast_in_dim3A_703 = vector.shape_cast %convert_element_type3A : vector<1x1024xf32> to vector<1x1024xf32>
    %broadcast_in_dim3A_704 = vector.broadcast %broadcast_in_dim3A_703 : vector<1x1024xf32> to vector<256x1024xf32>
    %broadcast_in_dim3A_705 = vector.broadcast %jit3A_702 : f32 to vector<256x1024xf32>
    %select_n3A_706 = arith.select %eq3A_701, %broadcast_in_dim3A_704, %broadcast_in_dim3A_705 : vector<256x1024xi1>, vector<256x1024xf32>
    %reduce_min3A_707 = arith.constant dense<0x7F800000> : vector<256xf32>
    %reduce_min3A_708 = vector.multi_reduction <minimumf>, %select_n3A_706, %reduce_min3A_707 [1] : vector<256x1024xf32> to vector<256xf32>
    %broadcast_in_dim3A_709 = vector.shape_cast %reduce_min3A_708 : vector<256xf32> to vector<256x1xf32>
    %swap3A_710 = arith.constant 0 : index
    %swap3A_711 = arith.constant 0 : index
    %swap3A_712 = arith.constant 21 : index
    %swap3A_713 = vector.load %arg4[%swap3A_710, %swap3A_711, %swap3A_712] : memref<1x256x32xf32, #tpu.memory_space<vmem>>, vector<1x256x1xf32>
    %swap3A_714 = vector.shape_cast %swap3A_713 : vector<1x256x1xf32> to vector<256x1xf32>
    %swap3A_715 = vector.shape_cast %broadcast_in_dim3A_699 : vector<256x1xf32> to vector<1x256x1xf32>
    tpu.vector_store %arg4[%swap3A_710, %swap3A_711, %swap3A_712], %swap3A_715 {strides = array<i32>} : memref<1x256x32xf32, #tpu.memory_space<vmem>>, vector<1x256x1xf32>,
    %convert_element_type3A_716 = arith.fptosi %broadcast_in_dim3A_709 : vector<256x1xf32> to vector<256x1xi32>
    %swap3A_717 = arith.constant 0 : index
    %swap3A_718 = arith.constant 0 : index
    %swap3A_719 = arith.constant 21 : index
    %swap3A_720 = vector.load %arg5[%swap3A_717, %swap3A_718, %swap3A_719] : memref<1x256x32xi32, #tpu.memory_space<vmem>>, vector<1x256x1xi32>
    %swap3A_721 = vector.shape_cast %swap3A_720 : vector<1x256x1xi32> to vector<256x1xi32>
    %swap3A_722 = vector.shape_cast %convert_element_type3A_716 : vector<256x1xi32> to vector<1x256x1xi32>
    tpu.vector_store %arg5[%swap3A_717, %swap3A_718, %swap3A_719], %swap3A_722 {strides = array<i32>} : memref<1x256x32xi32, #tpu.memory_space<vmem>>, vector<1x256x1xi32>,
    %eq3A_723 = vector.broadcast %convert_element_type3A : vector<1x1024xf32> to vector<256x1024xf32>
    %eq3A_724 = vector.broadcast %broadcast_in_dim3A_709 : vector<256x1xf32> to vector<256x1024xf32>
    %eq3A_725 = arith.cmpf oeq, %eq3A_723, %eq3A_724 : vector<256x1024xf32>
    %jit3A_726 = arith.constant 0x7F800000 : f32
    %broadcast_in_dim3A_727 = vector.broadcast %jit3A_726 : f32 to vector<256x1024xf32>
    %select_n3A_728 = arith.select %eq3A_725, %broadcast_in_dim3A_727, %select_n3A_696 : vector<256x1024xi1>, vector<256x1024xf32>
    %reduce_min3A_729 = arith.constant dense<0x7F800000> : vector<256xf32>
    %reduce_min3A_730 = vector.multi_reduction <minimumf>, %select_n3A_728, %reduce_min3A_729 [1] : vector<256x1024xf32> to vector<256xf32>
    %broadcast_in_dim3A_731 = vector.shape_cast %reduce_min3A_730 : vector<256xf32> to vector<256x1xf32>
    %eq3A_732 = vector.broadcast %broadcast_in_dim3A_731 : vector<256x1xf32> to vector<256x1024xf32>
    %eq3A_733 = arith.cmpf oeq, %select_n3A_728, %eq3A_732 : vector<256x1024xf32>
    %jit3A_734 = arith.constant 1.07374182E+9 : f32
    %broadcast_in_dim3A_735 = vector.shape_cast %convert_element_type3A : vector<1x1024xf32> to vector<1x1024xf32>
    %broadcast_in_dim3A_736 = vector.broadcast %broadcast_in_dim3A_735 : vector<1x1024xf32> to vector<256x1024xf32>
    %broadcast_in_dim3A_737 = vector.broadcast %jit3A_734 : f32 to vector<256x1024xf32>
    %select_n3A_738 = arith.select %eq3A_733, %broadcast_in_dim3A_736, %broadcast_in_dim3A_737 : vector<256x1024xi1>, vector<256x1024xf32>
    %reduce_min3A_739 = arith.constant dense<0x7F800000> : vector<256xf32>
    %reduce_min3A_740 = vector.multi_reduction <minimumf>, %select_n3A_738, %reduce_min3A_739 [1] : vector<256x1024xf32> to vector<256xf32>
    %broadcast_in_dim3A_741 = vector.shape_cast %reduce_min3A_740 : vector<256xf32> to vector<256x1xf32>
    %swap3A_742 = arith.constant 0 : index
    %swap3A_743 = arith.constant 0 : index
    %swap3A_744 = arith.constant 22 : index
    %swap3A_745 = vector.load %arg4[%swap3A_742, %swap3A_743, %swap3A_744] : memref<1x256x32xf32, #tpu.memory_space<vmem>>, vector<1x256x1xf32>
    %swap3A_746 = vector.shape_cast %swap3A_745 : vector<1x256x1xf32> to vector<256x1xf32>
    %swap3A_747 = vector.shape_cast %broadcast_in_dim3A_731 : vector<256x1xf32> to vector<1x256x1xf32>
    tpu.vector_store %arg4[%swap3A_742, %swap3A_743, %swap3A_744], %swap3A_747 {strides = array<i32>} : memref<1x256x32xf32, #tpu.memory_space<vmem>>, vector<1x256x1xf32>,
    %convert_element_type3A_748 = arith.fptosi %broadcast_in_dim3A_741 : vector<256x1xf32> to vector<256x1xi32>
    %swap3A_749 = arith.constant 0 : index
    %swap3A_750 = arith.constant 0 : index
    %swap3A_751 = arith.constant 22 : index
    %swap3A_752 = vector.load %arg5[%swap3A_749, %swap3A_750, %swap3A_751] : memref<1x256x32xi32, #tpu.memory_space<vmem>>, vector<1x256x1xi32>
    %swap3A_753 = vector.shape_cast %swap3A_752 : vector<1x256x1xi32> to vector<256x1xi32>
    %swap3A_754 = vector.shape_cast %convert_element_type3A_748 : vector<256x1xi32> to vector<1x256x1xi32>
    tpu.vector_store %arg5[%swap3A_749, %swap3A_750, %swap3A_751], %swap3A_754 {strides = array<i32>} : memref<1x256x32xi32, #tpu.memory_space<vmem>>, vector<1x256x1xi32>,
    %eq3A_755 = vector.broadcast %convert_element_type3A : vector<1x1024xf32> to vector<256x1024xf32>
    %eq3A_756 = vector.broadcast %broadcast_in_dim3A_741 : vector<256x1xf32> to vector<256x1024xf32>
    %eq3A_757 = arith.cmpf oeq, %eq3A_755, %eq3A_756 : vector<256x1024xf32>
    %jit3A_758 = arith.constant 0x7F800000 : f32
    %broadcast_in_dim3A_759 = vector.broadcast %jit3A_758 : f32 to vector<256x1024xf32>
    %select_n3A_760 = arith.select %eq3A_757, %broadcast_in_dim3A_759, %select_n3A_728 : vector<256x1024xi1>, vector<256x1024xf32>
    %reduce_min3A_761 = arith.constant dense<0x7F800000> : vector<256xf32>
    %reduce_min3A_762 = vector.multi_reduction <minimumf>, %select_n3A_760, %reduce_min3A_761 [1] : vector<256x1024xf32> to vector<256xf32>
    %broadcast_in_dim3A_763 = vector.shape_cast %reduce_min3A_762 : vector<256xf32> to vector<256x1xf32>
    %eq3A_764 = vector.broadcast %broadcast_in_dim3A_763 : vector<256x1xf32> to vector<256x1024xf32>
    %eq3A_765 = arith.cmpf oeq, %select_n3A_760, %eq3A_764 : vector<256x1024xf32>
    %jit3A_766 = arith.constant 1.07374182E+9 : f32
    %broadcast_in_dim3A_767 = vector.shape_cast %convert_element_type3A : vector<1x1024xf32> to vector<1x1024xf32>
    %broadcast_in_dim3A_768 = vector.broadcast %broadcast_in_dim3A_767 : vector<1x1024xf32> to vector<256x1024xf32>
    %broadcast_in_dim3A_769 = vector.broadcast %jit3A_766 : f32 to vector<256x1024xf32>
    %select_n3A_770 = arith.select %eq3A_765, %broadcast_in_dim3A_768, %broadcast_in_dim3A_769 : vector<256x1024xi1>, vector<256x1024xf32>
    %reduce_min3A_771 = arith.constant dense<0x7F800000> : vector<256xf32>
    %reduce_min3A_772 = vector.multi_reduction <minimumf>, %select_n3A_770, %reduce_min3A_771 [1] : vector<256x1024xf32> to vector<256xf32>
    %broadcast_in_dim3A_773 = vector.shape_cast %reduce_min3A_772 : vector<256xf32> to vector<256x1xf32>
    %swap3A_774 = arith.constant 0 : index
    %swap3A_775 = arith.constant 0 : index
    %swap3A_776 = arith.constant 23 : index
    %swap3A_777 = vector.load %arg4[%swap3A_774, %swap3A_775, %swap3A_776] : memref<1x256x32xf32, #tpu.memory_space<vmem>>, vector<1x256x1xf32>
    %swap3A_778 = vector.shape_cast %swap3A_777 : vector<1x256x1xf32> to vector<256x1xf32>
    %swap3A_779 = vector.shape_cast %broadcast_in_dim3A_763 : vector<256x1xf32> to vector<1x256x1xf32>
    tpu.vector_store %arg4[%swap3A_774, %swap3A_775, %swap3A_776], %swap3A_779 {strides = array<i32>} : memref<1x256x32xf32, #tpu.memory_space<vmem>>, vector<1x256x1xf32>,
    %convert_element_type3A_780 = arith.fptosi %broadcast_in_dim3A_773 : vector<256x1xf32> to vector<256x1xi32>
    %swap3A_781 = arith.constant 0 : index
    %swap3A_782 = arith.constant 0 : index
    %swap3A_783 = arith.constant 23 : index
    %swap3A_784 = vector.load %arg5[%swap3A_781, %swap3A_782, %swap3A_783] : memref<1x256x32xi32, #tpu.memory_space<vmem>>, vector<1x256x1xi32>
    %swap3A_785 = vector.shape_cast %swap3A_784 : vector<1x256x1xi32> to vector<256x1xi32>
    %swap3A_786 = vector.shape_cast %convert_element_type3A_780 : vector<256x1xi32> to vector<1x256x1xi32>
    tpu.vector_store %arg5[%swap3A_781, %swap3A_782, %swap3A_783], %swap3A_786 {strides = array<i32>} : memref<1x256x32xi32, #tpu.memory_space<vmem>>, vector<1x256x1xi32>,
    %eq3A_787 = vector.broadcast %convert_element_type3A : vector<1x1024xf32> to vector<256x1024xf32>
    %eq3A_788 = vector.broadcast %broadcast_in_dim3A_773 : vector<256x1xf32> to vector<256x1024xf32>
    %eq3A_789 = arith.cmpf oeq, %eq3A_787, %eq3A_788 : vector<256x1024xf32>
    %jit3A_790 = arith.constant 0x7F800000 : f32
    %broadcast_in_dim3A_791 = vector.broadcast %jit3A_790 : f32 to vector<256x1024xf32>
    %select_n3A_792 = arith.select %eq3A_789, %broadcast_in_dim3A_791, %select_n3A_760 : vector<256x1024xi1>, vector<256x1024xf32>
    %reduce_min3A_793 = arith.constant dense<0x7F800000> : vector<256xf32>
    %reduce_min3A_794 = vector.multi_reduction <minimumf>, %select_n3A_792, %reduce_min3A_793 [1] : vector<256x1024xf32> to vector<256xf32>
    %broadcast_in_dim3A_795 = vector.shape_cast %reduce_min3A_794 : vector<256xf32> to vector<256x1xf32>
    %eq3A_796 = vector.broadcast %broadcast_in_dim3A_795 : vector<256x1xf32> to vector<256x1024xf32>
    %eq3A_797 = arith.cmpf oeq, %select_n3A_792, %eq3A_796 : vector<256x1024xf32>
    %jit3A_798 = arith.constant 1.07374182E+9 : f32
    %broadcast_in_dim3A_799 = vector.shape_cast %convert_element_type3A : vector<1x1024xf32> to vector<1x1024xf32>
    %broadcast_in_dim3A_800 = vector.broadcast %broadcast_in_dim3A_799 : vector<1x1024xf32> to vector<256x1024xf32>
    %broadcast_in_dim3A_801 = vector.broadcast %jit3A_798 : f32 to vector<256x1024xf32>
    %select_n3A_802 = arith.select %eq3A_797, %broadcast_in_dim3A_800, %broadcast_in_dim3A_801 : vector<256x1024xi1>, vector<256x1024xf32>
    %reduce_min3A_803 = arith.constant dense<0x7F800000> : vector<256xf32>
    %reduce_min3A_804 = vector.multi_reduction <minimumf>, %select_n3A_802, %reduce_min3A_803 [1] : vector<256x1024xf32> to vector<256xf32>
    %broadcast_in_dim3A_805 = vector.shape_cast %reduce_min3A_804 : vector<256xf32> to vector<256x1xf32>
    %swap3A_806 = arith.constant 0 : index
    %swap3A_807 = arith.constant 0 : index
    %swap3A_808 = arith.constant 24 : index
    %swap3A_809 = vector.load %arg4[%swap3A_806, %swap3A_807, %swap3A_808] : memref<1x256x32xf32, #tpu.memory_space<vmem>>, vector<1x256x1xf32>
    %swap3A_810 = vector.shape_cast %swap3A_809 : vector<1x256x1xf32> to vector<256x1xf32>
    %swap3A_811 = vector.shape_cast %broadcast_in_dim3A_795 : vector<256x1xf32> to vector<1x256x1xf32>
    tpu.vector_store %arg4[%swap3A_806, %swap3A_807, %swap3A_808], %swap3A_811 {strides = array<i32>} : memref<1x256x32xf32, #tpu.memory_space<vmem>>, vector<1x256x1xf32>,
    %convert_element_type3A_812 = arith.fptosi %broadcast_in_dim3A_805 : vector<256x1xf32> to vector<256x1xi32>
    %swap3A_813 = arith.constant 0 : index
    %swap3A_814 = arith.constant 0 : index
    %swap3A_815 = arith.constant 24 : index
    %swap3A_816 = vector.load %arg5[%swap3A_813, %swap3A_814, %swap3A_815] : memref<1x256x32xi32, #tpu.memory_space<vmem>>, vector<1x256x1xi32>
    %swap3A_817 = vector.shape_cast %swap3A_816 : vector<1x256x1xi32> to vector<256x1xi32>
    %swap3A_818 = vector.shape_cast %convert_element_type3A_812 : vector<256x1xi32> to vector<1x256x1xi32>
    tpu.vector_store %arg5[%swap3A_813, %swap3A_814, %swap3A_815], %swap3A_818 {strides = array<i32>} : memref<1x256x32xi32, #tpu.memory_space<vmem>>, vector<1x256x1xi32>,
    %eq3A_819 = vector.broadcast %convert_element_type3A : vector<1x1024xf32> to vector<256x1024xf32>
    %eq3A_820 = vector.broadcast %broadcast_in_dim3A_805 : vector<256x1xf32> to vector<256x1024xf32>
    %eq3A_821 = arith.cmpf oeq, %eq3A_819, %eq3A_820 : vector<256x1024xf32>
    %jit3A_822 = arith.constant 0x7F800000 : f32
    %broadcast_in_dim3A_823 = vector.broadcast %jit3A_822 : f32 to vector<256x1024xf32>
    %select_n3A_824 = arith.select %eq3A_821, %broadcast_in_dim3A_823, %select_n3A_792 : vector<256x1024xi1>, vector<256x1024xf32>
    %reduce_min3A_825 = arith.constant dense<0x7F800000> : vector<256xf32>
    %reduce_min3A_826 = vector.multi_reduction <minimumf>, %select_n3A_824, %reduce_min3A_825 [1] : vector<256x1024xf32> to vector<256xf32>
    %broadcast_in_dim3A_827 = vector.shape_cast %reduce_min3A_826 : vector<256xf32> to vector<256x1xf32>
    %eq3A_828 = vector.broadcast %broadcast_in_dim3A_827 : vector<256x1xf32> to vector<256x1024xf32>
    %eq3A_829 = arith.cmpf oeq, %select_n3A_824, %eq3A_828 : vector<256x1024xf32>
    %jit3A_830 = arith.constant 1.07374182E+9 : f32
    %broadcast_in_dim3A_831 = vector.shape_cast %convert_element_type3A : vector<1x1024xf32> to vector<1x1024xf32>
    %broadcast_in_dim3A_832 = vector.broadcast %broadcast_in_dim3A_831 : vector<1x1024xf32> to vector<256x1024xf32>
    %broadcast_in_dim3A_833 = vector.broadcast %jit3A_830 : f32 to vector<256x1024xf32>
    %select_n3A_834 = arith.select %eq3A_829, %broadcast_in_dim3A_832, %broadcast_in_dim3A_833 : vector<256x1024xi1>, vector<256x1024xf32>
    %reduce_min3A_835 = arith.constant dense<0x7F800000> : vector<256xf32>
    %reduce_min3A_836 = vector.multi_reduction <minimumf>, %select_n3A_834, %reduce_min3A_835 [1] : vector<256x1024xf32> to vector<256xf32>
    %broadcast_in_dim3A_837 = vector.shape_cast %reduce_min3A_836 : vector<256xf32> to vector<256x1xf32>
    %swap3A_838 = arith.constant 0 : index
    %swap3A_839 = arith.constant 0 : index
    %swap3A_840 = arith.constant 25 : index
    %swap3A_841 = vector.load %arg4[%swap3A_838, %swap3A_839, %swap3A_840] : memref<1x256x32xf32, #tpu.memory_space<vmem>>, vector<1x256x1xf32>
    %swap3A_842 = vector.shape_cast %swap3A_841 : vector<1x256x1xf32> to vector<256x1xf32>
    %swap3A_843 = vector.shape_cast %broadcast_in_dim3A_827 : vector<256x1xf32> to vector<1x256x1xf32>
    tpu.vector_store %arg4[%swap3A_838, %swap3A_839, %swap3A_840], %swap3A_843 {strides = array<i32>} : memref<1x256x32xf32, #tpu.memory_space<vmem>>, vector<1x256x1xf32>,
    %convert_element_type3A_844 = arith.fptosi %broadcast_in_dim3A_837 : vector<256x1xf32> to vector<256x1xi32>
    %swap3A_845 = arith.constant 0 : index
    %swap3A_846 = arith.constant 0 : index
    %swap3A_847 = arith.constant 25 : index
    %swap3A_848 = vector.load %arg5[%swap3A_845, %swap3A_846, %swap3A_847] : memref<1x256x32xi32, #tpu.memory_space<vmem>>, vector<1x256x1xi32>
    %swap3A_849 = vector.shape_cast %swap3A_848 : vector<1x256x1xi32> to vector<256x1xi32>
    %swap3A_850 = vector.shape_cast %convert_element_type3A_844 : vector<256x1xi32> to vector<1x256x1xi32>
    tpu.vector_store %arg5[%swap3A_845, %swap3A_846, %swap3A_847], %swap3A_850 {strides = array<i32>} : memref<1x256x32xi32, #tpu.memory_space<vmem>>, vector<1x256x1xi32>,
    %eq3A_851 = vector.broadcast %convert_element_type3A : vector<1x1024xf32> to vector<256x1024xf32>
    %eq3A_852 = vector.broadcast %broadcast_in_dim3A_837 : vector<256x1xf32> to vector<256x1024xf32>
    %eq3A_853 = arith.cmpf oeq, %eq3A_851, %eq3A_852 : vector<256x1024xf32>
    %jit3A_854 = arith.constant 0x7F800000 : f32
    %broadcast_in_dim3A_855 = vector.broadcast %jit3A_854 : f32 to vector<256x1024xf32>
    %select_n3A_856 = arith.select %eq3A_853, %broadcast_in_dim3A_855, %select_n3A_824 : vector<256x1024xi1>, vector<256x1024xf32>
    %reduce_min3A_857 = arith.constant dense<0x7F800000> : vector<256xf32>
    %reduce_min3A_858 = vector.multi_reduction <minimumf>, %select_n3A_856, %reduce_min3A_857 [1] : vector<256x1024xf32> to vector<256xf32>
    %broadcast_in_dim3A_859 = vector.shape_cast %reduce_min3A_858 : vector<256xf32> to vector<256x1xf32>
    %eq3A_860 = vector.broadcast %broadcast_in_dim3A_859 : vector<256x1xf32> to vector<256x1024xf32>
    %eq3A_861 = arith.cmpf oeq, %select_n3A_856, %eq3A_860 : vector<256x1024xf32>
    %jit3A_862 = arith.constant 1.07374182E+9 : f32
    %broadcast_in_dim3A_863 = vector.shape_cast %convert_element_type3A : vector<1x1024xf32> to vector<1x1024xf32>
    %broadcast_in_dim3A_864 = vector.broadcast %broadcast_in_dim3A_863 : vector<1x1024xf32> to vector<256x1024xf32>
    %broadcast_in_dim3A_865 = vector.broadcast %jit3A_862 : f32 to vector<256x1024xf32>
    %select_n3A_866 = arith.select %eq3A_861, %broadcast_in_dim3A_864, %broadcast_in_dim3A_865 : vector<256x1024xi1>, vector<256x1024xf32>
    %reduce_min3A_867 = arith.constant dense<0x7F800000> : vector<256xf32>
    %reduce_min3A_868 = vector.multi_reduction <minimumf>, %select_n3A_866, %reduce_min3A_867 [1] : vector<256x1024xf32> to vector<256xf32>
    %broadcast_in_dim3A_869 = vector.shape_cast %reduce_min3A_868 : vector<256xf32> to vector<256x1xf32>
    %swap3A_870 = arith.constant 0 : index
    %swap3A_871 = arith.constant 0 : index
    %swap3A_872 = arith.constant 26 : index
    %swap3A_873 = vector.load %arg4[%swap3A_870, %swap3A_871, %swap3A_872] : memref<1x256x32xf32, #tpu.memory_space<vmem>>, vector<1x256x1xf32>
    %swap3A_874 = vector.shape_cast %swap3A_873 : vector<1x256x1xf32> to vector<256x1xf32>
    %swap3A_875 = vector.shape_cast %broadcast_in_dim3A_859 : vector<256x1xf32> to vector<1x256x1xf32>
    tpu.vector_store %arg4[%swap3A_870, %swap3A_871, %swap3A_872], %swap3A_875 {strides = array<i32>} : memref<1x256x32xf32, #tpu.memory_space<vmem>>, vector<1x256x1xf32>,
    %convert_element_type3A_876 = arith.fptosi %broadcast_in_dim3A_869 : vector<256x1xf32> to vector<256x1xi32>
    %swap3A_877 = arith.constant 0 : index
    %swap3A_878 = arith.constant 0 : index
    %swap3A_879 = arith.constant 26 : index
    %swap3A_880 = vector.load %arg5[%swap3A_877, %swap3A_878, %swap3A_879] : memref<1x256x32xi32, #tpu.memory_space<vmem>>, vector<1x256x1xi32>
    %swap3A_881 = vector.shape_cast %swap3A_880 : vector<1x256x1xi32> to vector<256x1xi32>
    %swap3A_882 = vector.shape_cast %convert_element_type3A_876 : vector<256x1xi32> to vector<1x256x1xi32>
    tpu.vector_store %arg5[%swap3A_877, %swap3A_878, %swap3A_879], %swap3A_882 {strides = array<i32>} : memref<1x256x32xi32, #tpu.memory_space<vmem>>, vector<1x256x1xi32>,
    %eq3A_883 = vector.broadcast %convert_element_type3A : vector<1x1024xf32> to vector<256x1024xf32>
    %eq3A_884 = vector.broadcast %broadcast_in_dim3A_869 : vector<256x1xf32> to vector<256x1024xf32>
    %eq3A_885 = arith.cmpf oeq, %eq3A_883, %eq3A_884 : vector<256x1024xf32>
    %jit3A_886 = arith.constant 0x7F800000 : f32
    %broadcast_in_dim3A_887 = vector.broadcast %jit3A_886 : f32 to vector<256x1024xf32>
    %select_n3A_888 = arith.select %eq3A_885, %broadcast_in_dim3A_887, %select_n3A_856 : vector<256x1024xi1>, vector<256x1024xf32>
    %reduce_min3A_889 = arith.constant dense<0x7F800000> : vector<256xf32>
    %reduce_min3A_890 = vector.multi_reduction <minimumf>, %select_n3A_888, %reduce_min3A_889 [1] : vector<256x1024xf32> to vector<256xf32>
    %broadcast_in_dim3A_891 = vector.shape_cast %reduce_min3A_890 : vector<256xf32> to vector<256x1xf32>
    %eq3A_892 = vector.broadcast %broadcast_in_dim3A_891 : vector<256x1xf32> to vector<256x1024xf32>
    %eq3A_893 = arith.cmpf oeq, %select_n3A_888, %eq3A_892 : vector<256x1024xf32>
    %jit3A_894 = arith.constant 1.07374182E+9 : f32
    %broadcast_in_dim3A_895 = vector.shape_cast %convert_element_type3A : vector<1x1024xf32> to vector<1x1024xf32>
    %broadcast_in_dim3A_896 = vector.broadcast %broadcast_in_dim3A_895 : vector<1x1024xf32> to vector<256x1024xf32>
    %broadcast_in_dim3A_897 = vector.broadcast %jit3A_894 : f32 to vector<256x1024xf32>
    %select_n3A_898 = arith.select %eq3A_893, %broadcast_in_dim3A_896, %broadcast_in_dim3A_897 : vector<256x1024xi1>, vector<256x1024xf32>
    %reduce_min3A_899 = arith.constant dense<0x7F800000> : vector<256xf32>
    %reduce_min3A_900 = vector.multi_reduction <minimumf>, %select_n3A_898, %reduce_min3A_899 [1] : vector<256x1024xf32> to vector<256xf32>
    %broadcast_in_dim3A_901 = vector.shape_cast %reduce_min3A_900 : vector<256xf32> to vector<256x1xf32>
    %swap3A_902 = arith.constant 0 : index
    %swap3A_903 = arith.constant 0 : index
    %swap3A_904 = arith.constant 27 : index
    %swap3A_905 = vector.load %arg4[%swap3A_902, %swap3A_903, %swap3A_904] : memref<1x256x32xf32, #tpu.memory_space<vmem>>, vector<1x256x1xf32>
    %swap3A_906 = vector.shape_cast %swap3A_905 : vector<1x256x1xf32> to vector<256x1xf32>
    %swap3A_907 = vector.shape_cast %broadcast_in_dim3A_891 : vector<256x1xf32> to vector<1x256x1xf32>
    tpu.vector_store %arg4[%swap3A_902, %swap3A_903, %swap3A_904], %swap3A_907 {strides = array<i32>} : memref<1x256x32xf32, #tpu.memory_space<vmem>>, vector<1x256x1xf32>,
    %convert_element_type3A_908 = arith.fptosi %broadcast_in_dim3A_901 : vector<256x1xf32> to vector<256x1xi32>
    %swap3A_909 = arith.constant 0 : index
    %swap3A_910 = arith.constant 0 : index
    %swap3A_911 = arith.constant 27 : index
    %swap3A_912 = vector.load %arg5[%swap3A_909, %swap3A_910, %swap3A_911] : memref<1x256x32xi32, #tpu.memory_space<vmem>>, vector<1x256x1xi32>
    %swap3A_913 = vector.shape_cast %swap3A_912 : vector<1x256x1xi32> to vector<256x1xi32>
    %swap3A_914 = vector.shape_cast %convert_element_type3A_908 : vector<256x1xi32> to vector<1x256x1xi32>
    tpu.vector_store %arg5[%swap3A_909, %swap3A_910, %swap3A_911], %swap3A_914 {strides = array<i32>} : memref<1x256x32xi32, #tpu.memory_space<vmem>>, vector<1x256x1xi32>,
    %eq3A_915 = vector.broadcast %convert_element_type3A : vector<1x1024xf32> to vector<256x1024xf32>
    %eq3A_916 = vector.broadcast %broadcast_in_dim3A_901 : vector<256x1xf32> to vector<256x1024xf32>
    %eq3A_917 = arith.cmpf oeq, %eq3A_915, %eq3A_916 : vector<256x1024xf32>
    %jit3A_918 = arith.constant 0x7F800000 : f32
    %broadcast_in_dim3A_919 = vector.broadcast %jit3A_918 : f32 to vector<256x1024xf32>
    %select_n3A_920 = arith.select %eq3A_917, %broadcast_in_dim3A_919, %select_n3A_888 : vector<256x1024xi1>, vector<256x1024xf32>
    %reduce_min3A_921 = arith.constant dense<0x7F800000> : vector<256xf32>
    %reduce_min3A_922 = vector.multi_reduction <minimumf>, %select_n3A_920, %reduce_min3A_921 [1] : vector<256x1024xf32> to vector<256xf32>
    %broadcast_in_dim3A_923 = vector.shape_cast %reduce_min3A_922 : vector<256xf32> to vector<256x1xf32>
    %eq3A_924 = vector.broadcast %broadcast_in_dim3A_923 : vector<256x1xf32> to vector<256x1024xf32>
    %eq3A_925 = arith.cmpf oeq, %select_n3A_920, %eq3A_924 : vector<256x1024xf32>
    %jit3A_926 = arith.constant 1.07374182E+9 : f32
    %broadcast_in_dim3A_927 = vector.shape_cast %convert_element_type3A : vector<1x1024xf32> to vector<1x1024xf32>
    %broadcast_in_dim3A_928 = vector.broadcast %broadcast_in_dim3A_927 : vector<1x1024xf32> to vector<256x1024xf32>
    %broadcast_in_dim3A_929 = vector.broadcast %jit3A_926 : f32 to vector<256x1024xf32>
    %select_n3A_930 = arith.select %eq3A_925, %broadcast_in_dim3A_928, %broadcast_in_dim3A_929 : vector<256x1024xi1>, vector<256x1024xf32>
    %reduce_min3A_931 = arith.constant dense<0x7F800000> : vector<256xf32>
    %reduce_min3A_932 = vector.multi_reduction <minimumf>, %select_n3A_930, %reduce_min3A_931 [1] : vector<256x1024xf32> to vector<256xf32>
    %broadcast_in_dim3A_933 = vector.shape_cast %reduce_min3A_932 : vector<256xf32> to vector<256x1xf32>
    %swap3A_934 = arith.constant 0 : index
    %swap3A_935 = arith.constant 0 : index
    %swap3A_936 = arith.constant 28 : index
    %swap3A_937 = vector.load %arg4[%swap3A_934, %swap3A_935, %swap3A_936] : memref<1x256x32xf32, #tpu.memory_space<vmem>>, vector<1x256x1xf32>
    %swap3A_938 = vector.shape_cast %swap3A_937 : vector<1x256x1xf32> to vector<256x1xf32>
    %swap3A_939 = vector.shape_cast %broadcast_in_dim3A_923 : vector<256x1xf32> to vector<1x256x1xf32>
    tpu.vector_store %arg4[%swap3A_934, %swap3A_935, %swap3A_936], %swap3A_939 {strides = array<i32>} : memref<1x256x32xf32, #tpu.memory_space<vmem>>, vector<1x256x1xf32>,
    %convert_element_type3A_940 = arith.fptosi %broadcast_in_dim3A_933 : vector<256x1xf32> to vector<256x1xi32>
    %swap3A_941 = arith.constant 0 : index
    %swap3A_942 = arith.constant 0 : index
    %swap3A_943 = arith.constant 28 : index
    %swap3A_944 = vector.load %arg5[%swap3A_941, %swap3A_942, %swap3A_943] : memref<1x256x32xi32, #tpu.memory_space<vmem>>, vector<1x256x1xi32>
    %swap3A_945 = vector.shape_cast %swap3A_944 : vector<1x256x1xi32> to vector<256x1xi32>
    %swap3A_946 = vector.shape_cast %convert_element_type3A_940 : vector<256x1xi32> to vector<1x256x1xi32>
    tpu.vector_store %arg5[%swap3A_941, %swap3A_942, %swap3A_943], %swap3A_946 {strides = array<i32>} : memref<1x256x32xi32, #tpu.memory_space<vmem>>, vector<1x256x1xi32>,
    %eq3A_947 = vector.broadcast %convert_element_type3A : vector<1x1024xf32> to vector<256x1024xf32>
    %eq3A_948 = vector.broadcast %broadcast_in_dim3A_933 : vector<256x1xf32> to vector<256x1024xf32>
    %eq3A_949 = arith.cmpf oeq, %eq3A_947, %eq3A_948 : vector<256x1024xf32>
    %jit3A_950 = arith.constant 0x7F800000 : f32
    %broadcast_in_dim3A_951 = vector.broadcast %jit3A_950 : f32 to vector<256x1024xf32>
    %select_n3A_952 = arith.select %eq3A_949, %broadcast_in_dim3A_951, %select_n3A_920 : vector<256x1024xi1>, vector<256x1024xf32>
    %reduce_min3A_953 = arith.constant dense<0x7F800000> : vector<256xf32>
    %reduce_min3A_954 = vector.multi_reduction <minimumf>, %select_n3A_952, %reduce_min3A_953 [1] : vector<256x1024xf32> to vector<256xf32>
    %broadcast_in_dim3A_955 = vector.shape_cast %reduce_min3A_954 : vector<256xf32> to vector<256x1xf32>
    %eq3A_956 = vector.broadcast %broadcast_in_dim3A_955 : vector<256x1xf32> to vector<256x1024xf32>
    %eq3A_957 = arith.cmpf oeq, %select_n3A_952, %eq3A_956 : vector<256x1024xf32>
    %jit3A_958 = arith.constant 1.07374182E+9 : f32
    %broadcast_in_dim3A_959 = vector.shape_cast %convert_element_type3A : vector<1x1024xf32> to vector<1x1024xf32>
    %broadcast_in_dim3A_960 = vector.broadcast %broadcast_in_dim3A_959 : vector<1x1024xf32> to vector<256x1024xf32>
    %broadcast_in_dim3A_961 = vector.broadcast %jit3A_958 : f32 to vector<256x1024xf32>
    %select_n3A_962 = arith.select %eq3A_957, %broadcast_in_dim3A_960, %broadcast_in_dim3A_961 : vector<256x1024xi1>, vector<256x1024xf32>
    %reduce_min3A_963 = arith.constant dense<0x7F800000> : vector<256xf32>
    %reduce_min3A_964 = vector.multi_reduction <minimumf>, %select_n3A_962, %reduce_min3A_963 [1] : vector<256x1024xf32> to vector<256xf32>
    %broadcast_in_dim3A_965 = vector.shape_cast %reduce_min3A_964 : vector<256xf32> to vector<256x1xf32>
    %swap3A_966 = arith.constant 0 : index
    %swap3A_967 = arith.constant 0 : index
    %swap3A_968 = arith.constant 29 : index
    %swap3A_969 = vector.load %arg4[%swap3A_966, %swap3A_967, %swap3A_968] : memref<1x256x32xf32, #tpu.memory_space<vmem>>, vector<1x256x1xf32>
    %swap3A_970 = vector.shape_cast %swap3A_969 : vector<1x256x1xf32> to vector<256x1xf32>
    %swap3A_971 = vector.shape_cast %broadcast_in_dim3A_955 : vector<256x1xf32> to vector<1x256x1xf32>
    tpu.vector_store %arg4[%swap3A_966, %swap3A_967, %swap3A_968], %swap3A_971 {strides = array<i32>} : memref<1x256x32xf32, #tpu.memory_space<vmem>>, vector<1x256x1xf32>,
    %convert_element_type3A_972 = arith.fptosi %broadcast_in_dim3A_965 : vector<256x1xf32> to vector<256x1xi32>
    %swap3A_973 = arith.constant 0 : index
    %swap3A_974 = arith.constant 0 : index
    %swap3A_975 = arith.constant 29 : index
    %swap3A_976 = vector.load %arg5[%swap3A_973, %swap3A_974, %swap3A_975] : memref<1x256x32xi32, #tpu.memory_space<vmem>>, vector<1x256x1xi32>
    %swap3A_977 = vector.shape_cast %swap3A_976 : vector<1x256x1xi32> to vector<256x1xi32>
    %swap3A_978 = vector.shape_cast %convert_element_type3A_972 : vector<256x1xi32> to vector<1x256x1xi32>
    tpu.vector_store %arg5[%swap3A_973, %swap3A_974, %swap3A_975], %swap3A_978 {strides = array<i32>} : memref<1x256x32xi32, #tpu.memory_space<vmem>>, vector<1x256x1xi32>,
    %broadcast_in_dim3A_979 = arith.constant 0.000000e+00 : f32
    %broadcast_in_dim3A_980 = vector.broadcast %broadcast_in_dim3A_979 : f32 to vector<256x2xf32>
    %swap3A_981 = arith.constant 0 : index
    %swap3A_982 = arith.constant 0 : index
    %swap3A_983 = arith.constant 30 : index
    %swap3A_984 = vector.load %arg4[%swap3A_981, %swap3A_982, %swap3A_983] : memref<1x256x32xf32, #tpu.memory_space<vmem>>, vector<1x256x2xf32>
    %swap3A_985 = vector.shape_cast %swap3A_984 : vector<1x256x2xf32> to vector<256x2xf32>
    %swap3A_986 = vector.shape_cast %broadcast_in_dim3A_980 : vector<256x2xf32> to vector<1x256x2xf32>
    tpu.vector_store %arg4[%swap3A_981, %swap3A_982, %swap3A_983], %swap3A_986 {strides = array<i32>} : memref<1x256x32xf32, #tpu.memory_space<vmem>>, vector<1x256x2xf32>,
    %broadcast_in_dim3A_987 = arith.constant 0 : i32
    %broadcast_in_dim3A_988 = vector.broadcast %broadcast_in_dim3A_987 : i32 to vector<256x2xi32>
    %swap3A_989 = arith.constant 0 : index
    %swap3A_990 = arith.constant 0 : index
    %swap3A_991 = arith.constant 30 : index
    %swap3A_992 = vector.load %arg5[%swap3A_989, %swap3A_990, %swap3A_991] : memref<1x256x32xi32, #tpu.memory_space<vmem>>, vector<1x256x2xi32>
    %swap3A_993 = vector.shape_cast %swap3A_992 : vector<1x256x2xi32> to vector<256x2xi32>
    %swap3A_994 = vector.shape_cast %broadcast_in_dim3A_988 : vector<256x2xi32> to vector<1x256x2xi32>
    tpu.vector_store %arg5[%swap3A_989, %swap3A_990, %swap3A_991], %swap3A_994 {strides = array<i32>} : memref<1x256x32xi32, #tpu.memory_space<vmem>>, vector<1x256x2xi32>,
    return
  }
  func.func @transform_0(%arg0: i32, %arg1: i32) -> (i32, i32, i32) {
    %c0_i32 = arith.constant 0 : i32
    %c0_i32_0 = arith.constant 0 : i32
    %c0_i32_1 = arith.constant 0 : i32
    return %arg0, %c0_i32, %c0_i32_0 : i32, i32, i32
  }
  func.func @transform_1(%arg0: i32, %arg1: i32) -> (i32, i32, i32) {
    %c0_i32 = arith.constant 0 : i32
    %c0_i32_0 = arith.constant 0 : i32
    return %arg0, %arg1, %c0_i32 : i32, i32, i32
  }
  func.func @transform_2(%arg0: i32, %arg1: i32) -> (i32, i32, i32) {
    %c0_i32 = arith.constant 0 : i32
    %c0_i32_0 = arith.constant 0 : i32
    return %arg0, %arg1, %c0_i32 : i32, i32, i32
  }
  func.func @transform_3(%arg0: i32, %arg1: i32) -> (i32, i32, i32) {
    %c0_i32 = arith.constant 0 : i32
    %c0_i32_0 = arith.constant 0 : i32
    return %arg0, %arg1, %c0_i32 : i32, i32, i32
  }
}

module attributes {stable_mosaic.version = 14 : i64} {
  func.func @_node_body(%arg0: i32, %arg1: memref<1x4x3x1024xf32, #tpu.memory_space<vmem>>, %arg2: memref<16x3xf32, #tpu.memory_space<vmem>>, %arg3: memref<16x16xf32, #tpu.memory_space<vmem>>, %arg4: memref<100x22xf32, #tpu.memory_space<vmem>>, %arg5: memref<100x1xf32, #tpu.memory_space<vmem>>, %arg6: memref<100x1xf32, #tpu.memory_space<vmem>>, %arg7: memref<100x1xf32, #tpu.memory_space<vmem>>, %arg8: memref<1x148x1024xf32, #tpu.memory_space<vmem>>) attributes {dimension_semantics = [#tpu.dimension_semantics<arbitrary>], iteration_bounds = array<i64: 4>, scalar_prefetch = 0 : i64, scratch_operands = 0 : i64, tpu.core_type = #tpu.core_type<tc>, window_params = [{transform_indices = @transform_0, window_bounds = array<i64: 1, 4, 3, 1024>}, {pipeline_mode = #tpu.pipeline_mode<synchronous>, transform_indices = @transform_1, window_bounds = array<i64: 16, 3>}, {pipeline_mode = #tpu.pipeline_mode<synchronous>, transform_indices = @transform_2, window_bounds = array<i64: 16, 16>}, {pipeline_mode = #tpu.pipeline_mode<synchronous>, transform_indices = @transform_3, window_bounds = array<i64: 100, 22>}, {pipeline_mode = #tpu.pipeline_mode<synchronous>, transform_indices = @transform_4, window_bounds = array<i64: 100, 1>}, {pipeline_mode = #tpu.pipeline_mode<synchronous>, transform_indices = @transform_5, window_bounds = array<i64: 100, 1>}, {pipeline_mode = #tpu.pipeline_mode<synchronous>, transform_indices = @transform_6, window_bounds = array<i64: 100, 1>}, {transform_indices = @transform_7, window_bounds = array<i64: 1, 148, 1024>}]} {
    %get3A = arith.constant 0 : index
    %get3A_0 = arith.constant 0 : index
    %get3A_1 = arith.constant 0 : index
    %get3A_2 = arith.constant 0 : index
    %get3A_3 = vector.load %arg1[%get3A, %get3A_0, %get3A_1, %get3A_2] : memref<1x4x3x1024xf32, #tpu.memory_space<vmem>>, vector<1x4x3x1024xf32>
    %get3A_4 = vector.shape_cast %get3A_3 : vector<1x4x3x1024xf32> to vector<4x3x1024xf32>
    %slice3A = vector.extract_strided_slice %get3A_4 {offsets = [0, 0, 0], sizes = [1, 3, 1024], strides = [1, 1, 1]} : vector<4x3x1024xf32> to vector<1x3x1024xf32>
    %squeeze3A = vector.shape_cast %slice3A : vector<1x3x1024xf32> to vector<3x1024xf32>
    %slice3A_5 = vector.extract_strided_slice %get3A_4 {offsets = [1, 0, 0], sizes = [1, 3, 1024], strides = [1, 1, 1]} : vector<4x3x1024xf32> to vector<1x3x1024xf32>
    %squeeze3A_6 = vector.shape_cast %slice3A_5 : vector<1x3x1024xf32> to vector<3x1024xf32>
    %slice3A_7 = vector.extract_strided_slice %get3A_4 {offsets = [2, 0, 0], sizes = [1, 3, 1024], strides = [1, 1, 1]} : vector<4x3x1024xf32> to vector<1x3x1024xf32>
    %squeeze3A_8 = vector.shape_cast %slice3A_7 : vector<1x3x1024xf32> to vector<3x1024xf32>
    %sub3A = arith.subf %squeeze3A_6, %squeeze3A : vector<3x1024xf32>
    %sub3A_9 = arith.subf %squeeze3A_8, %squeeze3A_6 : vector<3x1024xf32>
    %broadcast_in_dim3A = arith.constant 0.000000e+00 : f32
    %broadcast_in_dim3A_10 = vector.broadcast %broadcast_in_dim3A : f32 to vector<3x1xf32>
    %slice3A_11 = vector.extract_strided_slice %squeeze3A {offsets = [0, 1], sizes = [3, 1023], strides = [1, 1]} : vector<3x1024xf32> to vector<3x1023xf32>
    %concatenate3A = tpu.concatenate %slice3A_11, %broadcast_in_dim3A_10 in 1 : vector<3x1023xf32>, vector<3x1xf32> -> vector<3x1024xf32>
    %sub3A_12 = arith.subf %concatenate3A, %squeeze3A_8 : vector<3x1024xf32>
    %mul3A = arith.mulf %sub3A, %sub3A : vector<3x1024xf32>
    %reduce_sum3A = arith.constant dense<0.000000e+00> : vector<1024xf32>
    %reduce_sum3A_13 = vector.multi_reduction <add>, %mul3A, %reduce_sum3A [0] : vector<3x1024xf32> to vector<1024xf32>
    %broadcast_in_dim3A_14 = vector.shape_cast %reduce_sum3A_13 : vector<1024xf32> to vector<1x1024xf32>
    %sqrt3A = math.sqrt %broadcast_in_dim3A_14 : vector<1x1024xf32>
    %max3A = arith.constant 9.99999996E-13 : f32
    %max3A_15 = vector.broadcast %max3A : f32 to vector<1x1024xf32>
    %max3A_16 = arith.maximumf %sqrt3A, %max3A_15 : vector<1x1024xf32>
    %div3A = vector.broadcast %max3A_16 : vector<1x1024xf32> to vector<3x1024xf32>
    %div3A_17 = arith.divf %sub3A, %div3A : vector<3x1024xf32>
    %mul3A_18 = arith.mulf %sub3A_9, %sub3A_9 : vector<3x1024xf32>
    %reduce_sum3A_19 = arith.constant dense<0.000000e+00> : vector<1024xf32>
    %reduce_sum3A_20 = vector.multi_reduction <add>, %mul3A_18, %reduce_sum3A_19 [0] : vector<3x1024xf32> to vector<1024xf32>
    %broadcast_in_dim3A_21 = vector.shape_cast %reduce_sum3A_20 : vector<1024xf32> to vector<1x1024xf32>
    %sqrt3A_22 = math.sqrt %broadcast_in_dim3A_21 : vector<1x1024xf32>
    %max3A_23 = arith.constant 9.99999996E-13 : f32
    %max3A_24 = vector.broadcast %max3A_23 : f32 to vector<1x1024xf32>
    %max3A_25 = arith.maximumf %sqrt3A_22, %max3A_24 : vector<1x1024xf32>
    %div3A_26 = vector.broadcast %max3A_25 : vector<1x1024xf32> to vector<3x1024xf32>
    %div3A_27 = arith.divf %sub3A_9, %div3A_26 : vector<3x1024xf32>
    %mul3A_28 = arith.mulf %sub3A_12, %sub3A_12 : vector<3x1024xf32>
    %reduce_sum3A_29 = arith.constant dense<0.000000e+00> : vector<1024xf32>
    %reduce_sum3A_30 = vector.multi_reduction <add>, %mul3A_28, %reduce_sum3A_29 [0] : vector<3x1024xf32> to vector<1024xf32>
    %broadcast_in_dim3A_31 = vector.shape_cast %reduce_sum3A_30 : vector<1024xf32> to vector<1x1024xf32>
    %sqrt3A_32 = math.sqrt %broadcast_in_dim3A_31 : vector<1x1024xf32>
    %max3A_33 = arith.constant 9.99999996E-13 : f32
    %max3A_34 = vector.broadcast %max3A_33 : f32 to vector<1x1024xf32>
    %max3A_35 = arith.maximumf %sqrt3A_32, %max3A_34 : vector<1x1024xf32>
    %div3A_36 = vector.broadcast %max3A_35 : vector<1x1024xf32> to vector<3x1024xf32>
    %div3A_37 = arith.divf %sub3A_12, %div3A_36 : vector<3x1024xf32>
    %iota3A = tpu.iota {dimensions = array<i32: 1>} : vector<1x1024xi32>
    %eq3A = arith.constant 0 : i32
    %eq3A_38 = vector.broadcast %eq3A : i32 to vector<1x1024xi32>
    %eq3A_39 = arith.cmpi eq, %iota3A, %eq3A_38 : vector<1x1024xi32>
    %eq3A_40 = arith.constant 1023 : i32
    %eq3A_41 = vector.broadcast %eq3A_40 : i32 to vector<1x1024xi32>
    %eq3A_42 = arith.cmpi eq, %iota3A, %eq3A_41 : vector<1x1024xi32>
    %broadcast_in_dim3A_43 = arith.constant 0.000000e+00 : f32
    %broadcast_in_dim3A_44 = vector.broadcast %broadcast_in_dim3A_43 : f32 to vector<3x1xf32>
    %slice3A_45 = vector.extract_strided_slice %div3A_37 {offsets = [0, 0], sizes = [3, 1023], strides = [1, 1]} : vector<3x1024xf32> to vector<3x1023xf32>
    %concatenate3A_46 = tpu.concatenate %broadcast_in_dim3A_44, %slice3A_45 in 1 : vector<3x1xf32>, vector<3x1023xf32> -> vector<3x1024xf32>
    %slice3A_47 = vector.extract_strided_slice %concatenate3A_46 {offsets = [0, 0], sizes = [1, 1024], strides = [1, 1]} : vector<3x1024xf32> to vector<1x1024xf32>
    %slice3A_48 = vector.extract_strided_slice %concatenate3A_46 {offsets = [1, 0], sizes = [1, 1024], strides = [1, 1]} : vector<3x1024xf32> to vector<1x1024xf32>
    %slice3A_49 = vector.extract_strided_slice %concatenate3A_46 {offsets = [2, 0], sizes = [1, 1024], strides = [1, 1]} : vector<3x1024xf32> to vector<1x1024xf32>
    %slice3A_50 = vector.extract_strided_slice %div3A_17 {offsets = [0, 0], sizes = [1, 1024], strides = [1, 1]} : vector<3x1024xf32> to vector<1x1024xf32>
    %slice3A_51 = vector.extract_strided_slice %div3A_17 {offsets = [1, 0], sizes = [1, 1024], strides = [1, 1]} : vector<3x1024xf32> to vector<1x1024xf32>
    %slice3A_52 = vector.extract_strided_slice %div3A_17 {offsets = [2, 0], sizes = [1, 1024], strides = [1, 1]} : vector<3x1024xf32> to vector<1x1024xf32>
    %mul3A_53 = arith.mulf %slice3A_48, %slice3A_52 : vector<1x1024xf32>
    %mul3A_54 = arith.mulf %slice3A_49, %slice3A_51 : vector<1x1024xf32>
    %sub3A_55 = arith.subf %mul3A_53, %mul3A_54 : vector<1x1024xf32>
    %mul3A_56 = arith.mulf %slice3A_49, %slice3A_50 : vector<1x1024xf32>
    %mul3A_57 = arith.mulf %slice3A_47, %slice3A_52 : vector<1x1024xf32>
    %sub3A_58 = arith.subf %mul3A_56, %mul3A_57 : vector<1x1024xf32>
    %mul3A_59 = arith.mulf %slice3A_47, %slice3A_51 : vector<1x1024xf32>
    %mul3A_60 = arith.mulf %slice3A_48, %slice3A_50 : vector<1x1024xf32>
    %sub3A_61 = arith.subf %mul3A_59, %mul3A_60 : vector<1x1024xf32>
    %concatenate3A_62 = tpu.concatenate %sub3A_55, %sub3A_58, %sub3A_61 in 0 : vector<1x1024xf32>, vector<1x1024xf32>, vector<1x1024xf32> -> vector<3x1024xf32>
    %mul3A_63 = arith.mulf %concatenate3A_62, %concatenate3A_62 : vector<3x1024xf32>
    %reduce_sum3A_64 = arith.constant dense<0.000000e+00> : vector<1024xf32>
    %reduce_sum3A_65 = vector.multi_reduction <add>, %mul3A_63, %reduce_sum3A_64 [0] : vector<3x1024xf32> to vector<1024xf32>
    %broadcast_in_dim3A_66 = vector.shape_cast %reduce_sum3A_65 : vector<1024xf32> to vector<1x1024xf32>
    %sqrt3A_67 = math.sqrt %broadcast_in_dim3A_66 : vector<1x1024xf32>
    %max3A_68 = arith.constant 9.99999996E-13 : f32
    %max3A_69 = vector.broadcast %max3A_68 : f32 to vector<1x1024xf32>
    %max3A_70 = arith.maximumf %sqrt3A_67, %max3A_69 : vector<1x1024xf32>
    %div3A_71 = vector.broadcast %max3A_70 : vector<1x1024xf32> to vector<3x1024xf32>
    %div3A_72 = arith.divf %concatenate3A_62, %div3A_71 : vector<3x1024xf32>
    %slice3A_73 = vector.extract_strided_slice %div3A_17 {offsets = [0, 0], sizes = [1, 1024], strides = [1, 1]} : vector<3x1024xf32> to vector<1x1024xf32>
    %slice3A_74 = vector.extract_strided_slice %div3A_17 {offsets = [1, 0], sizes = [1, 1024], strides = [1, 1]} : vector<3x1024xf32> to vector<1x1024xf32>
    %slice3A_75 = vector.extract_strided_slice %div3A_17 {offsets = [2, 0], sizes = [1, 1024], strides = [1, 1]} : vector<3x1024xf32> to vector<1x1024xf32>
    %slice3A_76 = vector.extract_strided_slice %div3A_27 {offsets = [0, 0], sizes = [1, 1024], strides = [1, 1]} : vector<3x1024xf32> to vector<1x1024xf32>
    %slice3A_77 = vector.extract_strided_slice %div3A_27 {offsets = [1, 0], sizes = [1, 1024], strides = [1, 1]} : vector<3x1024xf32> to vector<1x1024xf32>
    %slice3A_78 = vector.extract_strided_slice %div3A_27 {offsets = [2, 0], sizes = [1, 1024], strides = [1, 1]} : vector<3x1024xf32> to vector<1x1024xf32>
    %mul3A_79 = arith.mulf %slice3A_74, %slice3A_78 : vector<1x1024xf32>
    %mul3A_80 = arith.mulf %slice3A_75, %slice3A_77 : vector<1x1024xf32>
    %sub3A_81 = arith.subf %mul3A_79, %mul3A_80 : vector<1x1024xf32>
    %mul3A_82 = arith.mulf %slice3A_75, %slice3A_76 : vector<1x1024xf32>
    %mul3A_83 = arith.mulf %slice3A_73, %slice3A_78 : vector<1x1024xf32>
    %sub3A_84 = arith.subf %mul3A_82, %mul3A_83 : vector<1x1024xf32>
    %mul3A_85 = arith.mulf %slice3A_73, %slice3A_77 : vector<1x1024xf32>
    %mul3A_86 = arith.mulf %slice3A_74, %slice3A_76 : vector<1x1024xf32>
    %sub3A_87 = arith.subf %mul3A_85, %mul3A_86 : vector<1x1024xf32>
    %concatenate3A_88 = tpu.concatenate %sub3A_81, %sub3A_84, %sub3A_87 in 0 : vector<1x1024xf32>, vector<1x1024xf32>, vector<1x1024xf32> -> vector<3x1024xf32>
    %mul3A_89 = arith.mulf %concatenate3A_88, %concatenate3A_88 : vector<3x1024xf32>
    %reduce_sum3A_90 = arith.constant dense<0.000000e+00> : vector<1024xf32>
    %reduce_sum3A_91 = vector.multi_reduction <add>, %mul3A_89, %reduce_sum3A_90 [0] : vector<3x1024xf32> to vector<1024xf32>
    %broadcast_in_dim3A_92 = vector.shape_cast %reduce_sum3A_91 : vector<1024xf32> to vector<1x1024xf32>
    %sqrt3A_93 = math.sqrt %broadcast_in_dim3A_92 : vector<1x1024xf32>
    %max3A_94 = arith.constant 9.99999996E-13 : f32
    %max3A_95 = vector.broadcast %max3A_94 : f32 to vector<1x1024xf32>
    %max3A_96 = arith.maximumf %sqrt3A_93, %max3A_95 : vector<1x1024xf32>
    %div3A_97 = vector.broadcast %max3A_96 : vector<1x1024xf32> to vector<3x1024xf32>
    %div3A_98 = arith.divf %concatenate3A_88, %div3A_97 : vector<3x1024xf32>
    %mul3A_99 = arith.mulf %div3A_72, %div3A_98 : vector<3x1024xf32>
    %reduce_sum3A_100 = arith.constant dense<0.000000e+00> : vector<1024xf32>
    %reduce_sum3A_101 = vector.multi_reduction <add>, %mul3A_99, %reduce_sum3A_100 [0] : vector<3x1024xf32> to vector<1024xf32>
    %broadcast_in_dim3A_102 = vector.shape_cast %reduce_sum3A_101 : vector<1024xf32> to vector<1x1024xf32>
    %jit3A = arith.constant -0.99999988 : f32
    %jit3A_103 = arith.constant 0.99999988 : f32
    %max3A_104 = vector.broadcast %jit3A : f32 to vector<1x1024xf32>
    %max3A_105 = arith.maximumf %max3A_104, %broadcast_in_dim3A_102 : vector<1x1024xf32>
    %min3A = vector.broadcast %jit3A_103 : f32 to vector<1x1024xf32>
    %min3A_106 = arith.minimumf %min3A, %max3A_105 : vector<1x1024xf32>
    %mul3A_107 = arith.mulf %concatenate3A_46, %div3A_98 : vector<3x1024xf32>
    %reduce_sum3A_108 = arith.constant dense<0.000000e+00> : vector<1024xf32>
    %reduce_sum3A_109 = vector.multi_reduction <add>, %mul3A_107, %reduce_sum3A_108 [0] : vector<3x1024xf32> to vector<1024xf32>
    %broadcast_in_dim3A_110 = vector.shape_cast %reduce_sum3A_109 : vector<1024xf32> to vector<1x1024xf32>
    %sign3A = tpu.bitcast %broadcast_in_dim3A_110 : vector<1x1024xf32> -> vector<1x1024xi32>
    %sign3A_111 = arith.constant -2147483648 : i32
    %sign3A_112 = vector.broadcast %sign3A_111 : i32 to vector<1x1024xi32>
    %sign3A_113 = arith.andi %sign3A, %sign3A_112 : vector<1x1024xi32>
    %sign3A_114 = arith.constant 1065353216 : i32
    %sign3A_115 = vector.broadcast %sign3A_114 : i32 to vector<1x1024xi32>
    %sign3A_116 = arith.ori %sign3A_115, %sign3A_113 : vector<1x1024xi32>
    %sign3A_117 = tpu.bitcast %sign3A_116 : vector<1x1024xi32> -> vector<1x1024xf32>
    %sign3A_118 = math.absf %broadcast_in_dim3A_110 : vector<1x1024xf32>
    %sign3A_119 = arith.constant 0.000000e+00 : f32
    %sign3A_120 = vector.broadcast %sign3A_119 : f32 to vector<1x1024xf32>
    %sign3A_121 = arith.cmpf ogt, %sign3A_118, %sign3A_120 : vector<1x1024xf32>
    %sign3A_122 = arith.select %sign3A_121, %sign3A_117, %broadcast_in_dim3A_110 : vector<1x1024xi1>, vector<1x1024xf32>
    %mul3A_123 = arith.mulf %min3A_106, %min3A_106 : vector<1x1024xf32>
    %sub3A_124 = arith.constant 1.000000e+00 : f32
    %sub3A_125 = vector.broadcast %sub3A_124 : f32 to vector<1x1024xf32>
    %sub3A_126 = arith.subf %sub3A_125, %mul3A_123 : vector<1x1024xf32>
    %sqrt3A_127 = math.sqrt %sub3A_126 : vector<1x1024xf32>
    %mul3A_128 = arith.mulf %sign3A_122, %sqrt3A_127 : vector<1x1024xf32>
    %jit3A_129 = arith.constant 1.000000e+00 : f32
    %broadcast_in_dim3A_130 = vector.broadcast %jit3A_129 : f32 to vector<1x1024xf32>
    %select_n3A = arith.select %eq3A_39, %broadcast_in_dim3A_130, %min3A_106 : vector<1x1024xi1>, vector<1x1024xf32>
    %jit3A_131 = arith.constant 0.000000e+00 : f32
    %broadcast_in_dim3A_132 = vector.broadcast %jit3A_131 : f32 to vector<1x1024xf32>
    %select_n3A_133 = arith.select %eq3A_39, %broadcast_in_dim3A_132, %mul3A_128 : vector<1x1024xi1>, vector<1x1024xf32>
    %slice3A_134 = vector.extract_strided_slice %div3A_17 {offsets = [0, 0], sizes = [1, 1024], strides = [1, 1]} : vector<3x1024xf32> to vector<1x1024xf32>
    %slice3A_135 = vector.extract_strided_slice %div3A_17 {offsets = [1, 0], sizes = [1, 1024], strides = [1, 1]} : vector<3x1024xf32> to vector<1x1024xf32>
    %slice3A_136 = vector.extract_strided_slice %div3A_17 {offsets = [2, 0], sizes = [1, 1024], strides = [1, 1]} : vector<3x1024xf32> to vector<1x1024xf32>
    %slice3A_137 = vector.extract_strided_slice %div3A_27 {offsets = [0, 0], sizes = [1, 1024], strides = [1, 1]} : vector<3x1024xf32> to vector<1x1024xf32>
    %slice3A_138 = vector.extract_strided_slice %div3A_27 {offsets = [1, 0], sizes = [1, 1024], strides = [1, 1]} : vector<3x1024xf32> to vector<1x1024xf32>
    %slice3A_139 = vector.extract_strided_slice %div3A_27 {offsets = [2, 0], sizes = [1, 1024], strides = [1, 1]} : vector<3x1024xf32> to vector<1x1024xf32>
    %mul3A_140 = arith.mulf %slice3A_135, %slice3A_139 : vector<1x1024xf32>
    %mul3A_141 = arith.mulf %slice3A_136, %slice3A_138 : vector<1x1024xf32>
    %sub3A_142 = arith.subf %mul3A_140, %mul3A_141 : vector<1x1024xf32>
    %mul3A_143 = arith.mulf %slice3A_136, %slice3A_137 : vector<1x1024xf32>
    %mul3A_144 = arith.mulf %slice3A_134, %slice3A_139 : vector<1x1024xf32>
    %sub3A_145 = arith.subf %mul3A_143, %mul3A_144 : vector<1x1024xf32>
    %mul3A_146 = arith.mulf %slice3A_134, %slice3A_138 : vector<1x1024xf32>
    %mul3A_147 = arith.mulf %slice3A_135, %slice3A_137 : vector<1x1024xf32>
    %sub3A_148 = arith.subf %mul3A_146, %mul3A_147 : vector<1x1024xf32>
    %concatenate3A_149 = tpu.concatenate %sub3A_142, %sub3A_145, %sub3A_148 in 0 : vector<1x1024xf32>, vector<1x1024xf32>, vector<1x1024xf32> -> vector<3x1024xf32>
    %mul3A_150 = arith.mulf %concatenate3A_149, %concatenate3A_149 : vector<3x1024xf32>
    %reduce_sum3A_151 = arith.constant dense<0.000000e+00> : vector<1024xf32>
    %reduce_sum3A_152 = vector.multi_reduction <add>, %mul3A_150, %reduce_sum3A_151 [0] : vector<3x1024xf32> to vector<1024xf32>
    %broadcast_in_dim3A_153 = vector.shape_cast %reduce_sum3A_152 : vector<1024xf32> to vector<1x1024xf32>
    %sqrt3A_154 = math.sqrt %broadcast_in_dim3A_153 : vector<1x1024xf32>
    %max3A_155 = arith.constant 9.99999996E-13 : f32
    %max3A_156 = vector.broadcast %max3A_155 : f32 to vector<1x1024xf32>
    %max3A_157 = arith.maximumf %sqrt3A_154, %max3A_156 : vector<1x1024xf32>
    %div3A_158 = vector.broadcast %max3A_157 : vector<1x1024xf32> to vector<3x1024xf32>
    %div3A_159 = arith.divf %concatenate3A_149, %div3A_158 : vector<3x1024xf32>
    %slice3A_160 = vector.extract_strided_slice %div3A_27 {offsets = [0, 0], sizes = [1, 1024], strides = [1, 1]} : vector<3x1024xf32> to vector<1x1024xf32>
    %slice3A_161 = vector.extract_strided_slice %div3A_27 {offsets = [1, 0], sizes = [1, 1024], strides = [1, 1]} : vector<3x1024xf32> to vector<1x1024xf32>
    %slice3A_162 = vector.extract_strided_slice %div3A_27 {offsets = [2, 0], sizes = [1, 1024], strides = [1, 1]} : vector<3x1024xf32> to vector<1x1024xf32>
    %slice3A_163 = vector.extract_strided_slice %div3A_37 {offsets = [0, 0], sizes = [1, 1024], strides = [1, 1]} : vector<3x1024xf32> to vector<1x1024xf32>
    %slice3A_164 = vector.extract_strided_slice %div3A_37 {offsets = [1, 0], sizes = [1, 1024], strides = [1, 1]} : vector<3x1024xf32> to vector<1x1024xf32>
    %slice3A_165 = vector.extract_strided_slice %div3A_37 {offsets = [2, 0], sizes = [1, 1024], strides = [1, 1]} : vector<3x1024xf32> to vector<1x1024xf32>
    %mul3A_166 = arith.mulf %slice3A_161, %slice3A_165 : vector<1x1024xf32>
    %mul3A_167 = arith.mulf %slice3A_162, %slice3A_164 : vector<1x1024xf32>
    %sub3A_168 = arith.subf %mul3A_166, %mul3A_167 : vector<1x1024xf32>
    %mul3A_169 = arith.mulf %slice3A_162, %slice3A_163 : vector<1x1024xf32>
    %mul3A_170 = arith.mulf %slice3A_160, %slice3A_165 : vector<1x1024xf32>
    %sub3A_171 = arith.subf %mul3A_169, %mul3A_170 : vector<1x1024xf32>
    %mul3A_172 = arith.mulf %slice3A_160, %slice3A_164 : vector<1x1024xf32>
    %mul3A_173 = arith.mulf %slice3A_161, %slice3A_163 : vector<1x1024xf32>
    %sub3A_174 = arith.subf %mul3A_172, %mul3A_173 : vector<1x1024xf32>
    %concatenate3A_175 = tpu.concatenate %sub3A_168, %sub3A_171, %sub3A_174 in 0 : vector<1x1024xf32>, vector<1x1024xf32>, vector<1x1024xf32> -> vector<3x1024xf32>
    %mul3A_176 = arith.mulf %concatenate3A_175, %concatenate3A_175 : vector<3x1024xf32>
    %reduce_sum3A_177 = arith.constant dense<0.000000e+00> : vector<1024xf32>
    %reduce_sum3A_178 = vector.multi_reduction <add>, %mul3A_176, %reduce_sum3A_177 [0] : vector<3x1024xf32> to vector<1024xf32>
    %broadcast_in_dim3A_179 = vector.shape_cast %reduce_sum3A_178 : vector<1024xf32> to vector<1x1024xf32>
    %sqrt3A_180 = math.sqrt %broadcast_in_dim3A_179 : vector<1x1024xf32>
    %max3A_181 = arith.constant 9.99999996E-13 : f32
    %max3A_182 = vector.broadcast %max3A_181 : f32 to vector<1x1024xf32>
    %max3A_183 = arith.maximumf %sqrt3A_180, %max3A_182 : vector<1x1024xf32>
    %div3A_184 = vector.broadcast %max3A_183 : vector<1x1024xf32> to vector<3x1024xf32>
    %div3A_185 = arith.divf %concatenate3A_175, %div3A_184 : vector<3x1024xf32>
    %mul3A_186 = arith.mulf %div3A_159, %div3A_185 : vector<3x1024xf32>
    %reduce_sum3A_187 = arith.constant dense<0.000000e+00> : vector<1024xf32>
    %reduce_sum3A_188 = vector.multi_reduction <add>, %mul3A_186, %reduce_sum3A_187 [0] : vector<3x1024xf32> to vector<1024xf32>
    %broadcast_in_dim3A_189 = vector.shape_cast %reduce_sum3A_188 : vector<1024xf32> to vector<1x1024xf32>
    %jit3A_190 = arith.constant -0.99999988 : f32
    %jit3A_191 = arith.constant 0.99999988 : f32
    %max3A_192 = vector.broadcast %jit3A_190 : f32 to vector<1x1024xf32>
    %max3A_193 = arith.maximumf %max3A_192, %broadcast_in_dim3A_189 : vector<1x1024xf32>
    %min3A_194 = vector.broadcast %jit3A_191 : f32 to vector<1x1024xf32>
    %min3A_195 = arith.minimumf %min3A_194, %max3A_193 : vector<1x1024xf32>
    %mul3A_196 = arith.mulf %div3A_17, %div3A_185 : vector<3x1024xf32>
    %reduce_sum3A_197 = arith.constant dense<0.000000e+00> : vector<1024xf32>
    %reduce_sum3A_198 = vector.multi_reduction <add>, %mul3A_196, %reduce_sum3A_197 [0] : vector<3x1024xf32> to vector<1024xf32>
    %broadcast_in_dim3A_199 = vector.shape_cast %reduce_sum3A_198 : vector<1024xf32> to vector<1x1024xf32>
    %sign3A_200 = tpu.bitcast %broadcast_in_dim3A_199 : vector<1x1024xf32> -> vector<1x1024xi32>
    %sign3A_201 = arith.constant -2147483648 : i32
    %sign3A_202 = vector.broadcast %sign3A_201 : i32 to vector<1x1024xi32>
    %sign3A_203 = arith.andi %sign3A_200, %sign3A_202 : vector<1x1024xi32>
    %sign3A_204 = arith.constant 1065353216 : i32
    %sign3A_205 = vector.broadcast %sign3A_204 : i32 to vector<1x1024xi32>
    %sign3A_206 = arith.ori %sign3A_205, %sign3A_203 : vector<1x1024xi32>
    %sign3A_207 = tpu.bitcast %sign3A_206 : vector<1x1024xi32> -> vector<1x1024xf32>
    %sign3A_208 = math.absf %broadcast_in_dim3A_199 : vector<1x1024xf32>
    %sign3A_209 = arith.constant 0.000000e+00 : f32
    %sign3A_210 = vector.broadcast %sign3A_209 : f32 to vector<1x1024xf32>
    %sign3A_211 = arith.cmpf ogt, %sign3A_208, %sign3A_210 : vector<1x1024xf32>
    %sign3A_212 = arith.select %sign3A_211, %sign3A_207, %broadcast_in_dim3A_199 : vector<1x1024xi1>, vector<1x1024xf32>
    %mul3A_213 = arith.mulf %min3A_195, %min3A_195 : vector<1x1024xf32>
    %sub3A_214 = arith.constant 1.000000e+00 : f32
    %sub3A_215 = vector.broadcast %sub3A_214 : f32 to vector<1x1024xf32>
    %sub3A_216 = arith.subf %sub3A_215, %mul3A_213 : vector<1x1024xf32>
    %sqrt3A_217 = math.sqrt %sub3A_216 : vector<1x1024xf32>
    %mul3A_218 = arith.mulf %sign3A_212, %sqrt3A_217 : vector<1x1024xf32>
    %jit3A_219 = arith.constant 1.000000e+00 : f32
    %broadcast_in_dim3A_220 = vector.broadcast %jit3A_219 : f32 to vector<1x1024xf32>
    %select_n3A_221 = arith.select %eq3A_42, %broadcast_in_dim3A_220, %min3A_195 : vector<1x1024xi1>, vector<1x1024xf32>
    %jit3A_222 = arith.constant 0.000000e+00 : f32
    %broadcast_in_dim3A_223 = vector.broadcast %jit3A_222 : f32 to vector<1x1024xf32>
    %select_n3A_224 = arith.select %eq3A_42, %broadcast_in_dim3A_223, %mul3A_218 : vector<1x1024xi1>, vector<1x1024xf32>
    %broadcast_in_dim3A_225 = arith.constant 0.000000e+00 : f32
    %broadcast_in_dim3A_226 = vector.broadcast %broadcast_in_dim3A_225 : f32 to vector<3x1xf32>
    %slice3A_227 = vector.extract_strided_slice %div3A_17 {offsets = [0, 1], sizes = [3, 1023], strides = [1, 1]} : vector<3x1024xf32> to vector<3x1023xf32>
    %concatenate3A_228 = tpu.concatenate %slice3A_227, %broadcast_in_dim3A_226 in 1 : vector<3x1023xf32>, vector<3x1xf32> -> vector<3x1024xf32>
    %slice3A_229 = vector.extract_strided_slice %div3A_27 {offsets = [0, 0], sizes = [1, 1024], strides = [1, 1]} : vector<3x1024xf32> to vector<1x1024xf32>
    %slice3A_230 = vector.extract_strided_slice %div3A_27 {offsets = [1, 0], sizes = [1, 1024], strides = [1, 1]} : vector<3x1024xf32> to vector<1x1024xf32>
    %slice3A_231 = vector.extract_strided_slice %div3A_27 {offsets = [2, 0], sizes = [1, 1024], strides = [1, 1]} : vector<3x1024xf32> to vector<1x1024xf32>
    %slice3A_232 = vector.extract_strided_slice %div3A_37 {offsets = [0, 0], sizes = [1, 1024], strides = [1, 1]} : vector<3x1024xf32> to vector<1x1024xf32>
    %slice3A_233 = vector.extract_strided_slice %div3A_37 {offsets = [1, 0], sizes = [1, 1024], strides = [1, 1]} : vector<3x1024xf32> to vector<1x1024xf32>
    %slice3A_234 = vector.extract_strided_slice %div3A_37 {offsets = [2, 0], sizes = [1, 1024], strides = [1, 1]} : vector<3x1024xf32> to vector<1x1024xf32>
    %mul3A_235 = arith.mulf %slice3A_230, %slice3A_234 : vector<1x1024xf32>
    %mul3A_236 = arith.mulf %slice3A_231, %slice3A_233 : vector<1x1024xf32>
    %sub3A_237 = arith.subf %mul3A_235, %mul3A_236 : vector<1x1024xf32>
    %mul3A_238 = arith.mulf %slice3A_231, %slice3A_232 : vector<1x1024xf32>
    %mul3A_239 = arith.mulf %slice3A_229, %slice3A_234 : vector<1x1024xf32>
    %sub3A_240 = arith.subf %mul3A_238, %mul3A_239 : vector<1x1024xf32>
    %mul3A_241 = arith.mulf %slice3A_229, %slice3A_233 : vector<1x1024xf32>
    %mul3A_242 = arith.mulf %slice3A_230, %slice3A_232 : vector<1x1024xf32>
    %sub3A_243 = arith.subf %mul3A_241, %mul3A_242 : vector<1x1024xf32>
    %concatenate3A_244 = tpu.concatenate %sub3A_237, %sub3A_240, %sub3A_243 in 0 : vector<1x1024xf32>, vector<1x1024xf32>, vector<1x1024xf32> -> vector<3x1024xf32>
    %mul3A_245 = arith.mulf %concatenate3A_244, %concatenate3A_244 : vector<3x1024xf32>
    %reduce_sum3A_246 = arith.constant dense<0.000000e+00> : vector<1024xf32>
    %reduce_sum3A_247 = vector.multi_reduction <add>, %mul3A_245, %reduce_sum3A_246 [0] : vector<3x1024xf32> to vector<1024xf32>
    %broadcast_in_dim3A_248 = vector.shape_cast %reduce_sum3A_247 : vector<1024xf32> to vector<1x1024xf32>
    %sqrt3A_249 = math.sqrt %broadcast_in_dim3A_248 : vector<1x1024xf32>
    %max3A_250 = arith.constant 9.99999996E-13 : f32
    %max3A_251 = vector.broadcast %max3A_250 : f32 to vector<1x1024xf32>
    %max3A_252 = arith.maximumf %sqrt3A_249, %max3A_251 : vector<1x1024xf32>
    %div3A_253 = vector.broadcast %max3A_252 : vector<1x1024xf32> to vector<3x1024xf32>
    %div3A_254 = arith.divf %concatenate3A_244, %div3A_253 : vector<3x1024xf32>
    %slice3A_255 = vector.extract_strided_slice %div3A_37 {offsets = [0, 0], sizes = [1, 1024], strides = [1, 1]} : vector<3x1024xf32> to vector<1x1024xf32>
    %slice3A_256 = vector.extract_strided_slice %div3A_37 {offsets = [1, 0], sizes = [1, 1024], strides = [1, 1]} : vector<3x1024xf32> to vector<1x1024xf32>
    %slice3A_257 = vector.extract_strided_slice %div3A_37 {offsets = [2, 0], sizes = [1, 1024], strides = [1, 1]} : vector<3x1024xf32> to vector<1x1024xf32>
    %slice3A_258 = vector.extract_strided_slice %concatenate3A_228 {offsets = [0, 0], sizes = [1, 1024], strides = [1, 1]} : vector<3x1024xf32> to vector<1x1024xf32>
    %slice3A_259 = vector.extract_strided_slice %concatenate3A_228 {offsets = [1, 0], sizes = [1, 1024], strides = [1, 1]} : vector<3x1024xf32> to vector<1x1024xf32>
    %slice3A_260 = vector.extract_strided_slice %concatenate3A_228 {offsets = [2, 0], sizes = [1, 1024], strides = [1, 1]} : vector<3x1024xf32> to vector<1x1024xf32>
    %mul3A_261 = arith.mulf %slice3A_256, %slice3A_260 : vector<1x1024xf32>
    %mul3A_262 = arith.mulf %slice3A_257, %slice3A_259 : vector<1x1024xf32>
    %sub3A_263 = arith.subf %mul3A_261, %mul3A_262 : vector<1x1024xf32>
    %mul3A_264 = arith.mulf %slice3A_257, %slice3A_258 : vector<1x1024xf32>
    %mul3A_265 = arith.mulf %slice3A_255, %slice3A_260 : vector<1x1024xf32>
    %sub3A_266 = arith.subf %mul3A_264, %mul3A_265 : vector<1x1024xf32>
    %mul3A_267 = arith.mulf %slice3A_255, %slice3A_259 : vector<1x1024xf32>
    %mul3A_268 = arith.mulf %slice3A_256, %slice3A_258 : vector<1x1024xf32>
    %sub3A_269 = arith.subf %mul3A_267, %mul3A_268 : vector<1x1024xf32>
    %concatenate3A_270 = tpu.concatenate %sub3A_263, %sub3A_266, %sub3A_269 in 0 : vector<1x1024xf32>, vector<1x1024xf32>, vector<1x1024xf32> -> vector<3x1024xf32>
    %mul3A_271 = arith.mulf %concatenate3A_270, %concatenate3A_270 : vector<3x1024xf32>
    %reduce_sum3A_272 = arith.constant dense<0.000000e+00> : vector<1024xf32>
    %reduce_sum3A_273 = vector.multi_reduction <add>, %mul3A_271, %reduce_sum3A_272 [0] : vector<3x1024xf32> to vector<1024xf32>
    %broadcast_in_dim3A_274 = vector.shape_cast %reduce_sum3A_273 : vector<1024xf32> to vector<1x1024xf32>
    %sqrt3A_275 = math.sqrt %broadcast_in_dim3A_274 : vector<1x1024xf32>
    %max3A_276 = arith.constant 9.99999996E-13 : f32
    %max3A_277 = vector.broadcast %max3A_276 : f32 to vector<1x1024xf32>
    %max3A_278 = arith.maximumf %sqrt3A_275, %max3A_277 : vector<1x1024xf32>
    %div3A_279 = vector.broadcast %max3A_278 : vector<1x1024xf32> to vector<3x1024xf32>
    %div3A_280 = arith.divf %concatenate3A_270, %div3A_279 : vector<3x1024xf32>
    %mul3A_281 = arith.mulf %div3A_254, %div3A_280 : vector<3x1024xf32>
    %reduce_sum3A_282 = arith.constant dense<0.000000e+00> : vector<1024xf32>
    %reduce_sum3A_283 = vector.multi_reduction <add>, %mul3A_281, %reduce_sum3A_282 [0] : vector<3x1024xf32> to vector<1024xf32>
    %broadcast_in_dim3A_284 = vector.shape_cast %reduce_sum3A_283 : vector<1024xf32> to vector<1x1024xf32>
    %jit3A_285 = arith.constant -0.99999988 : f32
    %jit3A_286 = arith.constant 0.99999988 : f32
    %max3A_287 = vector.broadcast %jit3A_285 : f32 to vector<1x1024xf32>
    %max3A_288 = arith.maximumf %max3A_287, %broadcast_in_dim3A_284 : vector<1x1024xf32>
    %min3A_289 = vector.broadcast %jit3A_286 : f32 to vector<1x1024xf32>
    %min3A_290 = arith.minimumf %min3A_289, %max3A_288 : vector<1x1024xf32>
    %mul3A_291 = arith.mulf %div3A_27, %div3A_280 : vector<3x1024xf32>
    %reduce_sum3A_292 = arith.constant dense<0.000000e+00> : vector<1024xf32>
    %reduce_sum3A_293 = vector.multi_reduction <add>, %mul3A_291, %reduce_sum3A_292 [0] : vector<3x1024xf32> to vector<1024xf32>
    %broadcast_in_dim3A_294 = vector.shape_cast %reduce_sum3A_293 : vector<1024xf32> to vector<1x1024xf32>
    %sign3A_295 = tpu.bitcast %broadcast_in_dim3A_294 : vector<1x1024xf32> -> vector<1x1024xi32>
    %sign3A_296 = arith.constant -2147483648 : i32
    %sign3A_297 = vector.broadcast %sign3A_296 : i32 to vector<1x1024xi32>
    %sign3A_298 = arith.andi %sign3A_295, %sign3A_297 : vector<1x1024xi32>
    %sign3A_299 = arith.constant 1065353216 : i32
    %sign3A_300 = vector.broadcast %sign3A_299 : i32 to vector<1x1024xi32>
    %sign3A_301 = arith.ori %sign3A_300, %sign3A_298 : vector<1x1024xi32>
    %sign3A_302 = tpu.bitcast %sign3A_301 : vector<1x1024xi32> -> vector<1x1024xf32>
    %sign3A_303 = math.absf %broadcast_in_dim3A_294 : vector<1x1024xf32>
    %sign3A_304 = arith.constant 0.000000e+00 : f32
    %sign3A_305 = vector.broadcast %sign3A_304 : f32 to vector<1x1024xf32>
    %sign3A_306 = arith.cmpf ogt, %sign3A_303, %sign3A_305 : vector<1x1024xf32>
    %sign3A_307 = arith.select %sign3A_306, %sign3A_302, %broadcast_in_dim3A_294 : vector<1x1024xi1>, vector<1x1024xf32>
    %mul3A_308 = arith.mulf %min3A_290, %min3A_290 : vector<1x1024xf32>
    %sub3A_309 = arith.constant 1.000000e+00 : f32
    %sub3A_310 = vector.broadcast %sub3A_309 : f32 to vector<1x1024xf32>
    %sub3A_311 = arith.subf %sub3A_310, %mul3A_308 : vector<1x1024xf32>
    %sqrt3A_312 = math.sqrt %sub3A_311 : vector<1x1024xf32>
    %mul3A_313 = arith.mulf %sign3A_307, %sqrt3A_312 : vector<1x1024xf32>
    %jit3A_314 = arith.constant 1.000000e+00 : f32
    %broadcast_in_dim3A_315 = vector.broadcast %jit3A_314 : f32 to vector<1x1024xf32>
    %select_n3A_316 = arith.select %eq3A_42, %broadcast_in_dim3A_315, %min3A_290 : vector<1x1024xi1>, vector<1x1024xf32>
    %jit3A_317 = arith.constant 0.000000e+00 : f32
    %broadcast_in_dim3A_318 = vector.broadcast %jit3A_317 : f32 to vector<1x1024xf32>
    %select_n3A_319 = arith.select %eq3A_42, %broadcast_in_dim3A_318, %mul3A_313 : vector<1x1024xi1>, vector<1x1024xf32>
    %broadcast_in_dim3A_320 = arith.constant 0.000000e+00 : f32
    %broadcast_in_dim3A_321 = vector.broadcast %broadcast_in_dim3A_320 : f32 to vector<3x1xf32>
    %slice3A_322 = vector.extract_strided_slice %squeeze3A_6 {offsets = [0, 1], sizes = [3, 1023], strides = [1, 1]} : vector<3x1024xf32> to vector<3x1023xf32>
    %concatenate3A_323 = tpu.concatenate %slice3A_322, %broadcast_in_dim3A_321 in 1 : vector<3x1023xf32>, vector<3x1xf32> -> vector<3x1024xf32>
    %sub3A_324 = arith.subf %concatenate3A_323, %squeeze3A_6 : vector<3x1024xf32>
    %mul3A_325 = arith.mulf %sub3A_324, %sub3A_324 : vector<3x1024xf32>
    %reduce_sum3A_326 = arith.constant dense<0.000000e+00> : vector<1024xf32>
    %reduce_sum3A_327 = vector.multi_reduction <add>, %mul3A_325, %reduce_sum3A_326 [0] : vector<3x1024xf32> to vector<1024xf32>
    %broadcast_in_dim3A_328 = vector.shape_cast %reduce_sum3A_327 : vector<1024xf32> to vector<1x1024xf32>
    %sqrt3A_329 = math.sqrt %broadcast_in_dim3A_328 : vector<1x1024xf32>
    %max3A_330 = arith.constant 9.99999996E-13 : f32
    %max3A_331 = vector.broadcast %max3A_330 : f32 to vector<1x1024xf32>
    %max3A_332 = arith.maximumf %sqrt3A_329, %max3A_331 : vector<1x1024xf32>
    %div3A_333 = vector.broadcast %max3A_332 : vector<1x1024xf32> to vector<3x1024xf32>
    %div3A_334 = arith.divf %sub3A_324, %div3A_333 : vector<3x1024xf32>
    %jit3A_335 = arith.constant 0.000000e+00 : f32
    %broadcast_in_dim3A_336 = vector.shape_cast %eq3A_42 : vector<1x1024xi1> to vector<1x1024xi1>
    %broadcast_in_dim3A_337 = vector.broadcast %broadcast_in_dim3A_336 : vector<1x1024xi1> to vector<3x1024xi1>
    %broadcast_in_dim3A_338 = vector.broadcast %jit3A_335 : f32 to vector<3x1024xf32>
    %select_n3A_339 = arith.select %broadcast_in_dim3A_337, %broadcast_in_dim3A_338, %div3A_334 : vector<3x1024xi1>, vector<3x1024xf32>
    %broadcast_in_dim3A_340 = arith.constant 0.000000e+00 : f32
    %broadcast_in_dim3A_341 = vector.broadcast %broadcast_in_dim3A_340 : f32 to vector<3x1xf32>
    %slice3A_342 = vector.extract_strided_slice %select_n3A_339 {offsets = [0, 0], sizes = [3, 1023], strides = [1, 1]} : vector<3x1024xf32> to vector<3x1023xf32>
    %concatenate3A_343 = tpu.concatenate %broadcast_in_dim3A_341, %slice3A_342 in 1 : vector<3x1xf32>, vector<3x1023xf32> -> vector<3x1024xf32>
    %neg3A = arith.constant 0.000000e+00 : f32
    %neg3A_344 = vector.broadcast %neg3A : f32 to vector<3x1024xf32>
    %neg3A_345 = arith.subf %neg3A_344, %concatenate3A_343 : vector<3x1024xf32>
    %sub3A_346 = arith.subf %squeeze3A_8, %squeeze3A_6 : vector<3x1024xf32>
    %mul3A_347 = arith.mulf %sub3A_346, %sub3A_346 : vector<3x1024xf32>
    %reduce_sum3A_348 = arith.constant dense<0.000000e+00> : vector<1024xf32>
    %reduce_sum3A_349 = vector.multi_reduction <add>, %mul3A_347, %reduce_sum3A_348 [0] : vector<3x1024xf32> to vector<1024xf32>
    %broadcast_in_dim3A_350 = vector.shape_cast %reduce_sum3A_349 : vector<1024xf32> to vector<1x1024xf32>
    %sqrt3A_351 = math.sqrt %broadcast_in_dim3A_350 : vector<1x1024xf32>
    %max3A_352 = arith.constant 9.99999996E-13 : f32
    %max3A_353 = vector.broadcast %max3A_352 : f32 to vector<1x1024xf32>
    %max3A_354 = arith.maximumf %sqrt3A_351, %max3A_353 : vector<1x1024xf32>
    %div3A_355 = vector.broadcast %max3A_354 : vector<1x1024xf32> to vector<3x1024xf32>
    %div3A_356 = arith.divf %sub3A_346, %div3A_355 : vector<3x1024xf32>
    %sub3A_357 = arith.subf %squeeze3A, %squeeze3A_6 : vector<3x1024xf32>
    %mul3A_358 = arith.mulf %sub3A_357, %sub3A_357 : vector<3x1024xf32>
    %reduce_sum3A_359 = arith.constant dense<0.000000e+00> : vector<1024xf32>
    %reduce_sum3A_360 = vector.multi_reduction <add>, %mul3A_358, %reduce_sum3A_359 [0] : vector<3x1024xf32> to vector<1024xf32>
    %broadcast_in_dim3A_361 = vector.shape_cast %reduce_sum3A_360 : vector<1024xf32> to vector<1x1024xf32>
    %sqrt3A_362 = math.sqrt %broadcast_in_dim3A_361 : vector<1x1024xf32>
    %max3A_363 = arith.constant 9.99999996E-13 : f32
    %max3A_364 = vector.broadcast %max3A_363 : f32 to vector<1x1024xf32>
    %max3A_365 = arith.maximumf %sqrt3A_362, %max3A_364 : vector<1x1024xf32>
    %div3A_366 = vector.broadcast %max3A_365 : vector<1x1024xf32> to vector<3x1024xf32>
    %div3A_367 = arith.divf %sub3A_357, %div3A_366 : vector<3x1024xf32>
    %add3A = arith.addf %div3A_356, %div3A_367 : vector<3x1024xf32>
    %mul3A_368 = arith.mulf %add3A, %add3A : vector<3x1024xf32>
    %reduce_sum3A_369 = arith.constant dense<0.000000e+00> : vector<1024xf32>
    %reduce_sum3A_370 = vector.multi_reduction <add>, %mul3A_368, %reduce_sum3A_369 [0] : vector<3x1024xf32> to vector<1024xf32>
    %broadcast_in_dim3A_371 = vector.shape_cast %reduce_sum3A_370 : vector<1024xf32> to vector<1x1024xf32>
    %sqrt3A_372 = math.sqrt %broadcast_in_dim3A_371 : vector<1x1024xf32>
    %max3A_373 = arith.constant 9.99999996E-13 : f32
    %max3A_374 = vector.broadcast %max3A_373 : f32 to vector<1x1024xf32>
    %max3A_375 = arith.maximumf %sqrt3A_372, %max3A_374 : vector<1x1024xf32>
    %div3A_376 = vector.broadcast %max3A_375 : vector<1x1024xf32> to vector<3x1024xf32>
    %div3A_377 = arith.divf %add3A, %div3A_376 : vector<3x1024xf32>
    %slice3A_378 = vector.extract_strided_slice %div3A_356 {offsets = [0, 0], sizes = [1, 1024], strides = [1, 1]} : vector<3x1024xf32> to vector<1x1024xf32>
    %slice3A_379 = vector.extract_strided_slice %div3A_356 {offsets = [1, 0], sizes = [1, 1024], strides = [1, 1]} : vector<3x1024xf32> to vector<1x1024xf32>
    %slice3A_380 = vector.extract_strided_slice %div3A_356 {offsets = [2, 0], sizes = [1, 1024], strides = [1, 1]} : vector<3x1024xf32> to vector<1x1024xf32>
    %slice3A_381 = vector.extract_strided_slice %div3A_367 {offsets = [0, 0], sizes = [1, 1024], strides = [1, 1]} : vector<3x1024xf32> to vector<1x1024xf32>
    %slice3A_382 = vector.extract_strided_slice %div3A_367 {offsets = [1, 0], sizes = [1, 1024], strides = [1, 1]} : vector<3x1024xf32> to vector<1x1024xf32>
    %slice3A_383 = vector.extract_strided_slice %div3A_367 {offsets = [2, 0], sizes = [1, 1024], strides = [1, 1]} : vector<3x1024xf32> to vector<1x1024xf32>
    %mul3A_384 = arith.mulf %slice3A_379, %slice3A_383 : vector<1x1024xf32>
    %mul3A_385 = arith.mulf %slice3A_380, %slice3A_382 : vector<1x1024xf32>
    %sub3A_386 = arith.subf %mul3A_384, %mul3A_385 : vector<1x1024xf32>
    %mul3A_387 = arith.mulf %slice3A_380, %slice3A_381 : vector<1x1024xf32>
    %mul3A_388 = arith.mulf %slice3A_378, %slice3A_383 : vector<1x1024xf32>
    %sub3A_389 = arith.subf %mul3A_387, %mul3A_388 : vector<1x1024xf32>
    %mul3A_390 = arith.mulf %slice3A_378, %slice3A_382 : vector<1x1024xf32>
    %mul3A_391 = arith.mulf %slice3A_379, %slice3A_381 : vector<1x1024xf32>
    %sub3A_392 = arith.subf %mul3A_390, %mul3A_391 : vector<1x1024xf32>
    %concatenate3A_393 = tpu.concatenate %sub3A_386, %sub3A_389, %sub3A_392 in 0 : vector<1x1024xf32>, vector<1x1024xf32>, vector<1x1024xf32> -> vector<3x1024xf32>
    %mul3A_394 = arith.mulf %concatenate3A_393, %concatenate3A_393 : vector<3x1024xf32>
    %reduce_sum3A_395 = arith.constant dense<0.000000e+00> : vector<1024xf32>
    %reduce_sum3A_396 = vector.multi_reduction <add>, %mul3A_394, %reduce_sum3A_395 [0] : vector<3x1024xf32> to vector<1024xf32>
    %broadcast_in_dim3A_397 = vector.shape_cast %reduce_sum3A_396 : vector<1024xf32> to vector<1x1024xf32>
    %sqrt3A_398 = math.sqrt %broadcast_in_dim3A_397 : vector<1x1024xf32>
    %max3A_399 = arith.constant 9.99999996E-13 : f32
    %max3A_400 = vector.broadcast %max3A_399 : f32 to vector<1x1024xf32>
    %max3A_401 = arith.maximumf %sqrt3A_398, %max3A_400 : vector<1x1024xf32>
    %div3A_402 = vector.broadcast %max3A_401 : vector<1x1024xf32> to vector<3x1024xf32>
    %div3A_403 = arith.divf %concatenate3A_393, %div3A_402 : vector<3x1024xf32>
    %neg3A_404 = arith.constant 0.000000e+00 : f32
    %neg3A_405 = vector.broadcast %neg3A_404 : f32 to vector<3x1024xf32>
    %neg3A_406 = arith.subf %neg3A_405, %div3A_377 : vector<3x1024xf32>
    %mul3A_407 = arith.constant 0.577350259 : f32
    %mul3A_408 = vector.broadcast %mul3A_407 : f32 to vector<3x1024xf32>
    %mul3A_409 = arith.mulf %neg3A_406, %mul3A_408 : vector<3x1024xf32>
    %mul3A_410 = arith.constant 0.816496611 : f32
    %mul3A_411 = vector.broadcast %mul3A_410 : f32 to vector<3x1024xf32>
    %mul3A_412 = arith.mulf %div3A_403, %mul3A_411 : vector<3x1024xf32>
    %sub3A_413 = arith.subf %mul3A_409, %mul3A_412 : vector<3x1024xf32>
    %get3A_414 = arith.constant 0 : index
    %get3A_415 = arith.constant 0 : index
    %get3A_416 = vector.load %arg2[%get3A_414, %get3A_415] : memref<16x3xf32, #tpu.memory_space<vmem>>, vector<16x3xf32>
    %get3A_417 = arith.constant 0 : index
    %get3A_418 = arith.constant 0 : index
    %get3A_419 = vector.load %arg3[%get3A_417, %get3A_418] : memref<16x16xf32, #tpu.memory_space<vmem>>, vector<16x16xf32>
    %get3A_420 = arith.constant 0 : index
    %get3A_421 = arith.constant 0 : index
    %get3A_422 = vector.load %arg4[%get3A_420, %get3A_421] : memref<100x22xf32, #tpu.memory_space<vmem>>, vector<100x22xf32>
    %slice3A_423 = vector.extract_strided_slice %sub3A_413 {offsets = [0, 0], sizes = [1, 1024], strides = [1, 1]} : vector<3x1024xf32> to vector<1x1024xf32>
    %slice3A_424 = vector.extract_strided_slice %select_n3A_339 {offsets = [0, 0], sizes = [1, 1024], strides = [1, 1]} : vector<3x1024xf32> to vector<1x1024xf32>
    %slice3A_425 = vector.extract_strided_slice %neg3A_345 {offsets = [0, 0], sizes = [1, 1024], strides = [1, 1]} : vector<3x1024xf32> to vector<1x1024xf32>
    %concatenate3A_426 = tpu.concatenate %slice3A_423, %slice3A_424, %slice3A_425 in 0 : vector<1x1024xf32>, vector<1x1024xf32>, vector<1x1024xf32> -> vector<3x1024xf32>
    %dot_general3A = arith.constant dense<0.000000e+00> : vector<16x1024xf32>
    %dot_general3A_427 = tpu.matmul %get3A_416, %concatenate3A_426, %dot_general3A {dimension_numbers = #tpu.dot_dimension_numbers<[1], [0], [0], [1], [0, 0, 1, 1], [], []>, transpose_lhs_hint = false} : vector<16x3xf32>, vector<3x1024xf32>, vector<16x1024xf32> -> vector<16x1024xf32>
    %slice3A_428 = vector.extract_strided_slice %sub3A_413 {offsets = [1, 0], sizes = [1, 1024], strides = [1, 1]} : vector<3x1024xf32> to vector<1x1024xf32>
    %slice3A_429 = vector.extract_strided_slice %select_n3A_339 {offsets = [1, 0], sizes = [1, 1024], strides = [1, 1]} : vector<3x1024xf32> to vector<1x1024xf32>
    %slice3A_430 = vector.extract_strided_slice %neg3A_345 {offsets = [1, 0], sizes = [1, 1024], strides = [1, 1]} : vector<3x1024xf32> to vector<1x1024xf32>
    %concatenate3A_431 = tpu.concatenate %slice3A_428, %slice3A_429, %slice3A_430 in 0 : vector<1x1024xf32>, vector<1x1024xf32>, vector<1x1024xf32> -> vector<3x1024xf32>
    %dot_general3A_432 = arith.constant dense<0.000000e+00> : vector<16x1024xf32>
    %dot_general3A_433 = tpu.matmul %get3A_416, %concatenate3A_431, %dot_general3A_432 {dimension_numbers = #tpu.dot_dimension_numbers<[1], [0], [0], [1], [0, 0, 1, 1], [], []>, transpose_lhs_hint = false} : vector<16x3xf32>, vector<3x1024xf32>, vector<16x1024xf32> -> vector<16x1024xf32>
    %slice3A_434 = vector.extract_strided_slice %sub3A_413 {offsets = [2, 0], sizes = [1, 1024], strides = [1, 1]} : vector<3x1024xf32> to vector<1x1024xf32>
    %slice3A_435 = vector.extract_strided_slice %select_n3A_339 {offsets = [2, 0], sizes = [1, 1024], strides = [1, 1]} : vector<3x1024xf32> to vector<1x1024xf32>
    %slice3A_436 = vector.extract_strided_slice %neg3A_345 {offsets = [2, 0], sizes = [1, 1024], strides = [1, 1]} : vector<3x1024xf32> to vector<1x1024xf32>
    %concatenate3A_437 = tpu.concatenate %slice3A_434, %slice3A_435, %slice3A_436 in 0 : vector<1x1024xf32>, vector<1x1024xf32>, vector<1x1024xf32> -> vector<3x1024xf32>
    %dot_general3A_438 = arith.constant dense<0.000000e+00> : vector<16x1024xf32>
    %dot_general3A_439 = tpu.matmul %get3A_416, %concatenate3A_437, %dot_general3A_438 {dimension_numbers = #tpu.dot_dimension_numbers<[1], [0], [0], [1], [0, 0, 1, 1], [], []>, transpose_lhs_hint = false} : vector<16x3xf32>, vector<3x1024xf32>, vector<16x1024xf32> -> vector<16x1024xf32>
    %mul3A_440 = arith.mulf %dot_general3A_427, %dot_general3A_427 : vector<16x1024xf32>
    %mul3A_441 = arith.mulf %dot_general3A_433, %dot_general3A_433 : vector<16x1024xf32>
    %add3A_442 = arith.addf %mul3A_440, %mul3A_441 : vector<16x1024xf32>
    %mul3A_443 = arith.mulf %dot_general3A_439, %dot_general3A_439 : vector<16x1024xf32>
    %add3A_444 = arith.addf %add3A_442, %mul3A_443 : vector<16x1024xf32>
    %add3A_445 = arith.constant 9.99999993E-9 : f32
    %add3A_446 = vector.broadcast %add3A_445 : f32 to vector<16x1024xf32>
    %add3A_447 = arith.addf %add3A_444, %add3A_446 : vector<16x1024xf32>
    %sqrt3A_448 = math.sqrt %add3A_447 : vector<16x1024xf32>
    %concatenate3A_449 = tpu.concatenate %select_n3A, %select_n3A_221, %select_n3A_316, %select_n3A_133, %select_n3A_224, %select_n3A_319, %sqrt3A_448 in 0 : vector<1x1024xf32>, vector<1x1024xf32>, vector<1x1024xf32>, vector<1x1024xf32>, vector<1x1024xf32>, vector<1x1024xf32>, vector<16x1024xf32> -> vector<22x1024xf32>
    %dot_general3A_450 = arith.constant dense<0.000000e+00> : vector<100x1024xf32>
    %dot_general3A_451 = tpu.matmul %get3A_422, %concatenate3A_449, %dot_general3A_450 {dimension_numbers = #tpu.dot_dimension_numbers<[1], [0], [0], [1], [0, 0, 1, 1], [], []>, transpose_lhs_hint = false} : vector<100x22xf32>, vector<22x1024xf32>, vector<100x1024xf32> -> vector<100x1024xf32>
    %get3A_452 = arith.constant 0 : index
    %get3A_453 = arith.constant 0 : index
    %get3A_454 = vector.load %arg5[%get3A_452, %get3A_453] : memref<100x1xf32, #tpu.memory_space<vmem>>, vector<100x1xf32>
    %add3A_455 = vector.broadcast %get3A_454 : vector<100x1xf32> to vector<100x1024xf32>
    %add3A_456 = arith.addf %dot_general3A_451, %add3A_455 : vector<100x1024xf32>
    %reduce_sum3A_457 = arith.constant dense<0.000000e+00> : vector<1024xf32>
    %reduce_sum3A_458 = vector.multi_reduction <add>, %add3A_456, %reduce_sum3A_457 [0] : vector<100x1024xf32> to vector<1024xf32>
    %broadcast_in_dim3A_459 = vector.shape_cast %reduce_sum3A_458 : vector<1024xf32> to vector<1x1024xf32>
    %div3A_460 = arith.constant 1.000000e+02 : f32
    %div3A_461 = vector.broadcast %div3A_460 : f32 to vector<1x1024xf32>
    %div3A_462 = arith.divf %broadcast_in_dim3A_459, %div3A_461 : vector<1x1024xf32>
    %sub3A_463 = vector.broadcast %div3A_462 : vector<1x1024xf32> to vector<100x1024xf32>
    %sub3A_464 = arith.subf %add3A_456, %sub3A_463 : vector<100x1024xf32>
    %integer_pow3A = arith.mulf %sub3A_464, %sub3A_464 : vector<100x1024xf32>
    %reduce_sum3A_465 = arith.constant dense<0.000000e+00> : vector<1024xf32>
    %reduce_sum3A_466 = vector.multi_reduction <add>, %integer_pow3A, %reduce_sum3A_465 [0] : vector<100x1024xf32> to vector<1024xf32>
    %broadcast_in_dim3A_467 = vector.shape_cast %reduce_sum3A_466 : vector<1024xf32> to vector<1x1024xf32>
    %div3A_468 = arith.constant 1.000000e+02 : f32
    %div3A_469 = vector.broadcast %div3A_468 : f32 to vector<1x1024xf32>
    %div3A_470 = arith.divf %broadcast_in_dim3A_467, %div3A_469 : vector<1x1024xf32>
    %sub3A_471 = vector.broadcast %div3A_462 : vector<1x1024xf32> to vector<100x1024xf32>
    %sub3A_472 = arith.subf %add3A_456, %sub3A_471 : vector<100x1024xf32>
    %add3A_473 = arith.constant 9.99999974E-6 : f32
    %add3A_474 = vector.broadcast %add3A_473 : f32 to vector<1x1024xf32>
    %add3A_475 = arith.addf %div3A_470, %add3A_474 : vector<1x1024xf32>
    %sqrt3A_476 = math.sqrt %add3A_475 : vector<1x1024xf32>
    %div3A_477 = vector.broadcast %sqrt3A_476 : vector<1x1024xf32> to vector<100x1024xf32>
    %div3A_478 = arith.divf %sub3A_472, %div3A_477 : vector<100x1024xf32>
    %get3A_479 = arith.constant 0 : index
    %get3A_480 = arith.constant 0 : index
    %get3A_481 = vector.load %arg6[%get3A_479, %get3A_480] : memref<100x1xf32, #tpu.memory_space<vmem>>, vector<100x1xf32>
    %mul3A_482 = vector.broadcast %get3A_481 : vector<100x1xf32> to vector<100x1024xf32>
    %mul3A_483 = arith.mulf %div3A_478, %mul3A_482 : vector<100x1024xf32>
    %get3A_484 = arith.constant 0 : index
    %get3A_485 = arith.constant 0 : index
    %get3A_486 = vector.load %arg7[%get3A_484, %get3A_485] : memref<100x1xf32, #tpu.memory_space<vmem>>, vector<100x1xf32>
    %add3A_487 = vector.broadcast %get3A_486 : vector<100x1xf32> to vector<100x1024xf32>
    %add3A_488 = arith.addf %mul3A_483, %add3A_487 : vector<100x1024xf32>
    %dot_general3A_489 = arith.constant dense<0.000000e+00> : vector<16x1024xf32>
    %dot_general3A_490 = tpu.matmul %get3A_419, %dot_general3A_427, %dot_general3A_489 {dimension_numbers = #tpu.dot_dimension_numbers<[1], [0], [0], [1], [0, 0, 1, 1], [], []>, transpose_lhs_hint = false} : vector<16x16xf32>, vector<16x1024xf32>, vector<16x1024xf32> -> vector<16x1024xf32>
    %dot_general3A_491 = arith.constant dense<0.000000e+00> : vector<16x1024xf32>
    %dot_general3A_492 = tpu.matmul %get3A_419, %dot_general3A_433, %dot_general3A_491 {dimension_numbers = #tpu.dot_dimension_numbers<[1], [0], [0], [1], [0, 0, 1, 1], [], []>, transpose_lhs_hint = false} : vector<16x16xf32>, vector<16x1024xf32>, vector<16x1024xf32> -> vector<16x1024xf32>
    %dot_general3A_493 = arith.constant dense<0.000000e+00> : vector<16x1024xf32>
    %dot_general3A_494 = tpu.matmul %get3A_419, %dot_general3A_439, %dot_general3A_493 {dimension_numbers = #tpu.dot_dimension_numbers<[1], [0], [0], [1], [0, 0, 1, 1], [], []>, transpose_lhs_hint = false} : vector<16x16xf32>, vector<16x1024xf32>, vector<16x1024xf32> -> vector<16x1024xf32>
    %concatenate3A_495 = tpu.concatenate %dot_general3A_490, %dot_general3A_492, %dot_general3A_494, %add3A_488 in 0 : vector<16x1024xf32>, vector<16x1024xf32>, vector<16x1024xf32>, vector<100x1024xf32> -> vector<148x1024xf32>
    %swap3A = arith.constant 0 : index
    %swap3A_496 = arith.constant 0 : index
    %swap3A_497 = arith.constant 0 : index
    %swap3A_498 = vector.load %arg8[%swap3A, %swap3A_496, %swap3A_497] : memref<1x148x1024xf32, #tpu.memory_space<vmem>>, vector<1x148x1024xf32>
    %swap3A_499 = vector.shape_cast %swap3A_498 : vector<1x148x1024xf32> to vector<148x1024xf32>
    %swap3A_500 = vector.shape_cast %concatenate3A_495 : vector<148x1024xf32> to vector<1x148x1024xf32>
    tpu.vector_store %arg8[%swap3A, %swap3A_496, %swap3A_497], %swap3A_500 {strides = array<i32>} : memref<1x148x1024xf32, #tpu.memory_space<vmem>>, vector<1x148x1024xf32>,
    return
  }
  func.func @transform_0(%arg0: i32) -> (i32, i32, i32, i32) {
    %c0_i32 = arith.constant 0 : i32
    %c0_i32_0 = arith.constant 0 : i32
    %c0_i32_1 = arith.constant 0 : i32
    %c0_i32_2 = arith.constant 0 : i32
    return %arg0, %c0_i32, %c0_i32_0, %c0_i32_1 : i32, i32, i32, i32
  }
  func.func @transform_1(%arg0: i32) -> (i32, i32) {
    %c0_i32 = arith.constant 0 : i32
    %c0_i32_0 = arith.constant 0 : i32
    %c0_i32_1 = arith.constant 0 : i32
    return %c0_i32, %c0_i32_0 : i32, i32
  }
  func.func @transform_2(%arg0: i32) -> (i32, i32) {
    %c0_i32 = arith.constant 0 : i32
    %c0_i32_0 = arith.constant 0 : i32
    %c0_i32_1 = arith.constant 0 : i32
    return %c0_i32, %c0_i32_0 : i32, i32
  }
  func.func @transform_3(%arg0: i32) -> (i32, i32) {
    %c0_i32 = arith.constant 0 : i32
    %c0_i32_0 = arith.constant 0 : i32
    %c0_i32_1 = arith.constant 0 : i32
    return %c0_i32, %c0_i32_0 : i32, i32
  }
  func.func @transform_4(%arg0: i32) -> (i32, i32) {
    %c0_i32 = arith.constant 0 : i32
    %c0_i32_0 = arith.constant 0 : i32
    %c0_i32_1 = arith.constant 0 : i32
    return %c0_i32, %c0_i32_0 : i32, i32
  }
  func.func @transform_5(%arg0: i32) -> (i32, i32) {
    %c0_i32 = arith.constant 0 : i32
    %c0_i32_0 = arith.constant 0 : i32
    %c0_i32_1 = arith.constant 0 : i32
    return %c0_i32, %c0_i32_0 : i32, i32
  }
  func.func @transform_6(%arg0: i32) -> (i32, i32) {
    %c0_i32 = arith.constant 0 : i32
    %c0_i32_0 = arith.constant 0 : i32
    %c0_i32_1 = arith.constant 0 : i32
    return %c0_i32, %c0_i32_0 : i32, i32
  }
  func.func @transform_7(%arg0: i32) -> (i32, i32, i32) {
    %c0_i32 = arith.constant 0 : i32
    %c0_i32_0 = arith.constant 0 : i32
    %c0_i32_1 = arith.constant 0 : i32
    return %arg0, %c0_i32, %c0_i32_0 : i32, i32, i32
  }
}

module attributes {stable_mosaic.version = 14 : i64} {
  func.func @_edge_body(%arg0: i32, %arg1: i32, %arg2: memref<1x32x512xf32, #tpu.memory_space<vmem>>, %arg3: memref<1x32x512xi32, #tpu.memory_space<vmem>>, %arg4: memref<1x32x512xf32, #tpu.memory_space<vmem>>, %arg5: memref<1x32x512xf32, #tpu.memory_space<vmem>>, %arg6: memref<1x32x512xf32, #tpu.memory_space<vmem>>, %arg7: memref<1x3x512xf32, #tpu.memory_space<vmem>>, %arg8: memref<1x1xf32, #tpu.memory_space<vmem>>, %arg9: memref<1x1xf32, #tpu.memory_space<vmem>>, %arg10: memref<32x33xf32, #tpu.memory_space<vmem>>, %arg11: memref<32x1xf32, #tpu.memory_space<vmem>>, %arg12: memref<32x1xf32, #tpu.memory_space<vmem>>, %arg13: memref<32x1xf32, #tpu.memory_space<vmem>>, %arg14: memref<1x30x35x512xf32, #tpu.memory_space<vmem>>) attributes {dimension_semantics = [#tpu.dimension_semantics<arbitrary>, #tpu.dimension_semantics<arbitrary>], iteration_bounds = array<i64: 4, 2>, scalar_prefetch = 0 : i64, scratch_operands = 0 : i64, tpu.core_type = #tpu.core_type<tc>, window_params = [{transform_indices = @transform_0, window_bounds = array<i64: 1, 32, 512>}, {transform_indices = @transform_1, window_bounds = array<i64: 1, 32, 512>}, {transform_indices = @transform_2, window_bounds = array<i64: 1, 32, 512>}, {transform_indices = @transform_3, window_bounds = array<i64: 1, 32, 512>}, {transform_indices = @transform_4, window_bounds = array<i64: 1, 32, 512>}, {transform_indices = @transform_5, window_bounds = array<i64: 1, 3, 512>}, {pipeline_mode = #tpu.pipeline_mode<synchronous>, transform_indices = @transform_6, window_bounds = array<i64: 1, 1>}, {pipeline_mode = #tpu.pipeline_mode<synchronous>, transform_indices = @transform_7, window_bounds = array<i64: 1, 1>}, {pipeline_mode = #tpu.pipeline_mode<synchronous>, transform_indices = @transform_8, window_bounds = array<i64: 32, 33>}, {pipeline_mode = #tpu.pipeline_mode<synchronous>, transform_indices = @transform_9, window_bounds = array<i64: 32, 1>}, {pipeline_mode = #tpu.pipeline_mode<synchronous>, transform_indices = @transform_10, window_bounds = array<i64: 32, 1>}, {pipeline_mode = #tpu.pipeline_mode<synchronous>, transform_indices = @transform_11, window_bounds = array<i64: 32, 1>}, {transform_indices = @transform_12, window_bounds = array<i64: 1, 30, 35, 512>}]} {
    %mul3A = arith.constant 512 : i32
    %mul3A_0 = arith.muli %arg1, %mul3A : i32
    %iota3A = tpu.iota {dimensions = array<i32: 1>} : vector<1x512xi32>
    %add3A = vector.broadcast %mul3A_0 : i32 to vector<1x512xi32>
    %add3A_1 = arith.addi %iota3A, %add3A : vector<1x512xi32>
    %convert_element_type3A = arith.sitofp %add3A_1 : vector<1x512xi32> to vector<1x512xf32>
    %get3A = arith.constant 0 : index
    %get3A_2 = arith.constant 0 : index
    %get3A_3 = arith.constant 0 : index
    %get3A_4 = vector.load %arg7[%get3A, %get3A_2, %get3A_3] : memref<1x3x512xf32, #tpu.memory_space<vmem>>, vector<1x1x512xf32>
    %get3A_5 = vector.shape_cast %get3A_4 : vector<1x1x512xf32> to vector<1x512xf32>
    %get3A_6 = arith.constant 0 : index
    %get3A_7 = arith.constant 1 : index
    %get3A_8 = arith.constant 0 : index
    %get3A_9 = vector.load %arg7[%get3A_6, %get3A_7, %get3A_8] : memref<1x3x512xf32, #tpu.memory_space<vmem>>, vector<1x1x512xf32>
    %get3A_10 = vector.shape_cast %get3A_9 : vector<1x1x512xf32> to vector<1x512xf32>
    %get3A_11 = arith.constant 0 : index
    %get3A_12 = arith.constant 2 : index
    %get3A_13 = arith.constant 0 : index
    %get3A_14 = vector.load %arg7[%get3A_11, %get3A_12, %get3A_13] : memref<1x3x512xf32, #tpu.memory_space<vmem>>, vector<1x1x512xf32>
    %get3A_15 = vector.shape_cast %get3A_14 : vector<1x1x512xf32> to vector<1x512xf32>
    %get3A_16 = arith.constant 0 : index
    %get3A_17 = arith.constant 0 : index
    %get3A_18 = vector.load %arg8[%get3A_16, %get3A_17] : memref<1x1xf32, #tpu.memory_space<vmem>>, vector<1x1xf32>
    %get3A_19 = vector.extract %get3A_18[0, 0] : f32 from vector<1x1xf32>
    %get3A_20 = arith.constant 0 : index
    %get3A_21 = arith.constant 0 : index
    %get3A_22 = vector.load %arg9[%get3A_20, %get3A_21] : memref<1x1xf32, #tpu.memory_space<vmem>>, vector<1x1xf32>
    %get3A_23 = vector.extract %get3A_22[0, 0] : f32 from vector<1x1xf32>
    %get3A_24 = arith.constant 0 : index
    %get3A_25 = arith.constant 0 : index
    %get3A_26 = vector.load %arg10[%get3A_24, %get3A_25] : memref<32x33xf32, #tpu.memory_space<vmem>>, vector<32x33xf32>
    %get3A_27 = arith.constant 0 : index
    %get3A_28 = arith.constant 0 : index
    %get3A_29 = vector.load %arg11[%get3A_27, %get3A_28] : memref<32x1xf32, #tpu.memory_space<vmem>>, vector<32x1xf32>
    %get3A_30 = arith.constant 0 : index
    %get3A_31 = arith.constant 0 : index
    %get3A_32 = vector.load %arg12[%get3A_30, %get3A_31] : memref<32x1xf32, #tpu.memory_space<vmem>>, vector<32x1xf32>
    %get3A_33 = arith.constant 0 : index
    %get3A_34 = arith.constant 0 : index
    %get3A_35 = vector.load %arg13[%get3A_33, %get3A_34] : memref<32x1xf32, #tpu.memory_space<vmem>>, vector<32x1xf32>
    %iota3A_36 = tpu.iota {dimensions = array<i32: 0>} : vector<16x1xi32>
    %convert_element_type3A_37 = arith.sitofp %iota3A_36 : vector<16x1xi32> to vector<16x1xf32>
    %mul3A_38 = arith.constant 1.33333337 : f32
    %mul3A_39 = vector.broadcast %mul3A_38 : f32 to vector<16x1xf32>
    %mul3A_40 = arith.mulf %convert_element_type3A_37, %mul3A_39 : vector<16x1xf32>
    %iota3A_41 = tpu.iota {dimensions = array<i32: 0>} : vector<8x1xi32>
    %convert_element_type3A_42 = arith.sitofp %iota3A_41 : vector<8x1xi32> to vector<8x1xf32>
    %mul3A_43 = arith.constant -1.15129256 : f32
    %mul3A_44 = vector.broadcast %mul3A_43 : f32 to vector<8x1xf32>
    %mul3A_45 = arith.mulf %convert_element_type3A_42, %mul3A_44 : vector<8x1xf32>
    %exp3A = math.exp %mul3A_45 : vector<8x1xf32>
    %get3A_46 = arith.constant 0 : index
    %get3A_47 = arith.constant 0 : index
    %get3A_48 = arith.constant 0 : index
    %get3A_49 = vector.load %arg2[%get3A_46, %get3A_47, %get3A_48] : memref<1x32x512xf32, #tpu.memory_space<vmem>>, vector<1x1x512xf32>
    %get3A_50 = vector.shape_cast %get3A_49 : vector<1x1x512xf32> to vector<1x512xf32>
    %sub3A = vector.broadcast %get3A_50 : vector<1x512xf32> to vector<16x512xf32>
    %sub3A_51 = vector.broadcast %mul3A_40 : vector<16x1xf32> to vector<16x512xf32>
    %sub3A_52 = arith.subf %sub3A, %sub3A_51 : vector<16x512xf32>
    %div3A = arith.constant 1.250000e+00 : f32
    %div3A_53 = vector.broadcast %div3A : f32 to vector<16x512xf32>
    %div3A_54 = arith.divf %sub3A_52, %div3A_53 : vector<16x512xf32>
    %integer_pow3A = arith.mulf %div3A_54, %div3A_54 : vector<16x512xf32>
    %neg3A = arith.constant 0.000000e+00 : f32
    %neg3A_55 = vector.broadcast %neg3A : f32 to vector<16x512xf32>
    %neg3A_56 = arith.subf %neg3A_55, %integer_pow3A : vector<16x512xf32>
    %exp3A_57 = math.exp %neg3A_56 : vector<16x512xf32>
    %get3A_58 = arith.constant 0 : index
    %get3A_59 = arith.constant 0 : index
    %get3A_60 = arith.constant 0 : index
    %get3A_61 = vector.load %arg3[%get3A_58, %get3A_59, %get3A_60] : memref<1x32x512xi32, #tpu.memory_space<vmem>>, vector<1x1x512xi32>
    %get3A_62 = vector.shape_cast %get3A_61 : vector<1x1x512xi32> to vector<1x512xi32>
    %convert_element_type3A_63 = arith.sitofp %get3A_62 : vector<1x512xi32> to vector<1x512xf32>
    %sub3A_64 = arith.subf %convert_element_type3A_63, %convert_element_type3A : vector<1x512xf32>
    %mul3A_65 = vector.broadcast %sub3A_64 : vector<1x512xf32> to vector<8x512xf32>
    %mul3A_66 = vector.broadcast %exp3A : vector<8x1xf32> to vector<8x512xf32>
    %mul3A_67 = arith.mulf %mul3A_65, %mul3A_66 : vector<8x512xf32>
    %cos3A = math.cos %mul3A_67 : vector<8x512xf32>
    %sin3A = math.sin %mul3A_67 : vector<8x512xf32>
    %concatenate3A = tpu.concatenate %cos3A, %sin3A in 0 : vector<8x512xf32>, vector<8x512xf32> -> vector<16x512xf32>
    %get3A_68 = arith.constant 0 : index
    %get3A_69 = arith.constant 0 : index
    %get3A_70 = arith.constant 0 : index
    %get3A_71 = vector.load %arg4[%get3A_68, %get3A_69, %get3A_70] : memref<1x32x512xf32, #tpu.memory_space<vmem>>, vector<1x1x512xf32>
    %get3A_72 = vector.shape_cast %get3A_71 : vector<1x1x512xf32> to vector<1x512xf32>
    %sub3A_73 = arith.subf %get3A_72, %get3A_5 : vector<1x512xf32>
    %get3A_74 = arith.constant 0 : index
    %get3A_75 = arith.constant 0 : index
    %get3A_76 = arith.constant 0 : index
    %get3A_77 = vector.load %arg5[%get3A_74, %get3A_75, %get3A_76] : memref<1x32x512xf32, #tpu.memory_space<vmem>>, vector<1x1x512xf32>
    %get3A_78 = vector.shape_cast %get3A_77 : vector<1x1x512xf32> to vector<1x512xf32>
    %sub3A_79 = arith.subf %get3A_78, %get3A_10 : vector<1x512xf32>
    %get3A_80 = arith.constant 0 : index
    %get3A_81 = arith.constant 0 : index
    %get3A_82 = arith.constant 0 : index
    %get3A_83 = vector.load %arg6[%get3A_80, %get3A_81, %get3A_82] : memref<1x32x512xf32, #tpu.memory_space<vmem>>, vector<1x1x512xf32>
    %get3A_84 = vector.shape_cast %get3A_83 : vector<1x1x512xf32> to vector<1x512xf32>
    %sub3A_85 = arith.subf %get3A_84, %get3A_15 : vector<1x512xf32>
    %mul3A_86 = arith.mulf %sub3A_73, %sub3A_73 : vector<1x512xf32>
    %mul3A_87 = arith.mulf %sub3A_79, %sub3A_79 : vector<1x512xf32>
    %add3A_88 = arith.addf %mul3A_86, %mul3A_87 : vector<1x512xf32>
    %mul3A_89 = arith.mulf %sub3A_85, %sub3A_85 : vector<1x512xf32>
    %add3A_90 = arith.addf %add3A_88, %mul3A_89 : vector<1x512xf32>
    %sqrt3A = math.sqrt %add3A_90 : vector<1x512xf32>
    %max3A = arith.constant 9.99999996E-13 : f32
    %max3A_91 = vector.broadcast %max3A : f32 to vector<1x512xf32>
    %max3A_92 = arith.maximumf %sqrt3A, %max3A_91 : vector<1x512xf32>
    %div3A_93 = arith.constant 1.000000e+00 : f32
    %div3A_94 = vector.broadcast %div3A_93 : f32 to vector<1x512xf32>
    %div3A_95 = arith.divf %div3A_94, %max3A_92 : vector<1x512xf32>
    %mul3A_96 = arith.mulf %sub3A_73, %div3A_95 : vector<1x512xf32>
    %mul3A_97 = vector.broadcast %get3A_19 : f32 to vector<1x512xf32>
    %mul3A_98 = arith.mulf %mul3A_96, %mul3A_97 : vector<1x512xf32>
    %mul3A_99 = arith.mulf %sub3A_79, %div3A_95 : vector<1x512xf32>
    %mul3A_100 = vector.broadcast %get3A_19 : f32 to vector<1x512xf32>
    %mul3A_101 = arith.mulf %mul3A_99, %mul3A_100 : vector<1x512xf32>
    %mul3A_102 = arith.mulf %sub3A_85, %div3A_95 : vector<1x512xf32>
    %mul3A_103 = vector.broadcast %get3A_19 : f32 to vector<1x512xf32>
    %mul3A_104 = arith.mulf %mul3A_102, %mul3A_103 : vector<1x512xf32>
    %mul3A_105 = arith.mulf %mul3A_98, %mul3A_98 : vector<1x512xf32>
    %mul3A_106 = arith.mulf %mul3A_101, %mul3A_101 : vector<1x512xf32>
    %add3A_107 = arith.addf %mul3A_105, %mul3A_106 : vector<1x512xf32>
    %mul3A_108 = arith.mulf %mul3A_104, %mul3A_104 : vector<1x512xf32>
    %add3A_109 = arith.addf %add3A_107, %mul3A_108 : vector<1x512xf32>
    %add3A_110 = arith.constant 9.99999993E-9 : f32
    %add3A_111 = vector.broadcast %add3A_110 : f32 to vector<1x512xf32>
    %add3A_112 = arith.addf %add3A_109, %add3A_111 : vector<1x512xf32>
    %sqrt3A_113 = math.sqrt %add3A_112 : vector<1x512xf32>
    %concatenate3A_114 = tpu.concatenate %exp3A_57, %concatenate3A, %sqrt3A_113 in 0 : vector<16x512xf32>, vector<16x512xf32>, vector<1x512xf32> -> vector<33x512xf32>
    %dot_general3A = arith.constant dense<0.000000e+00> : vector<32x512xf32>
    %dot_general3A_115 = tpu.matmul %get3A_26, %concatenate3A_114, %dot_general3A {dimension_numbers = #tpu.dot_dimension_numbers<[1], [0], [0], [1], [0, 0, 1, 1], [], []>, transpose_lhs_hint = false} : vector<32x33xf32>, vector<33x512xf32>, vector<32x512xf32> -> vector<32x512xf32>
    %add3A_116 = vector.broadcast %get3A_29 : vector<32x1xf32> to vector<32x512xf32>
    %add3A_117 = arith.addf %dot_general3A_115, %add3A_116 : vector<32x512xf32>
    %reduce_sum3A = arith.constant dense<0.000000e+00> : vector<512xf32>
    %reduce_sum3A_118 = vector.multi_reduction <add>, %add3A_117, %reduce_sum3A [0] : vector<32x512xf32> to vector<512xf32>
    %broadcast_in_dim3A = vector.shape_cast %reduce_sum3A_118 : vector<512xf32> to vector<1x512xf32>
    %div3A_119 = arith.constant 3.200000e+01 : f32
    %div3A_120 = vector.broadcast %div3A_119 : f32 to vector<1x512xf32>
    %div3A_121 = arith.divf %broadcast_in_dim3A, %div3A_120 : vector<1x512xf32>
    %sub3A_122 = vector.broadcast %div3A_121 : vector<1x512xf32> to vector<32x512xf32>
    %sub3A_123 = arith.subf %add3A_117, %sub3A_122 : vector<32x512xf32>
    %integer_pow3A_124 = arith.mulf %sub3A_123, %sub3A_123 : vector<32x512xf32>
    %reduce_sum3A_125 = arith.constant dense<0.000000e+00> : vector<512xf32>
    %reduce_sum3A_126 = vector.multi_reduction <add>, %integer_pow3A_124, %reduce_sum3A_125 [0] : vector<32x512xf32> to vector<512xf32>
    %broadcast_in_dim3A_127 = vector.shape_cast %reduce_sum3A_126 : vector<512xf32> to vector<1x512xf32>
    %div3A_128 = arith.constant 3.200000e+01 : f32
    %div3A_129 = vector.broadcast %div3A_128 : f32 to vector<1x512xf32>
    %div3A_130 = arith.divf %broadcast_in_dim3A_127, %div3A_129 : vector<1x512xf32>
    %sub3A_131 = vector.broadcast %div3A_121 : vector<1x512xf32> to vector<32x512xf32>
    %sub3A_132 = arith.subf %add3A_117, %sub3A_131 : vector<32x512xf32>
    %add3A_133 = arith.constant 9.99999974E-6 : f32
    %add3A_134 = vector.broadcast %add3A_133 : f32 to vector<1x512xf32>
    %add3A_135 = arith.addf %div3A_130, %add3A_134 : vector<1x512xf32>
    %sqrt3A_136 = math.sqrt %add3A_135 : vector<1x512xf32>
    %div3A_137 = vector.broadcast %sqrt3A_136 : vector<1x512xf32> to vector<32x512xf32>
    %div3A_138 = arith.divf %sub3A_132, %div3A_137 : vector<32x512xf32>
    %mul3A_139 = vector.broadcast %get3A_32 : vector<32x1xf32> to vector<32x512xf32>
    %mul3A_140 = arith.mulf %div3A_138, %mul3A_139 : vector<32x512xf32>
    %add3A_141 = vector.broadcast %get3A_35 : vector<32x1xf32> to vector<32x512xf32>
    %add3A_142 = arith.addf %mul3A_140, %add3A_141 : vector<32x512xf32>
    %mul3A_143 = vector.broadcast %get3A_23 : f32 to vector<1x512xf32>
    %mul3A_144 = arith.mulf %mul3A_98, %mul3A_143 : vector<1x512xf32>
    %mul3A_145 = vector.broadcast %get3A_23 : f32 to vector<1x512xf32>
    %mul3A_146 = arith.mulf %mul3A_101, %mul3A_145 : vector<1x512xf32>
    %mul3A_147 = vector.broadcast %get3A_23 : f32 to vector<1x512xf32>
    %mul3A_148 = arith.mulf %mul3A_104, %mul3A_147 : vector<1x512xf32>
    %concatenate3A_149 = tpu.concatenate %mul3A_144, %mul3A_146, %mul3A_148, %add3A_142 in 0 : vector<1x512xf32>, vector<1x512xf32>, vector<1x512xf32>, vector<32x512xf32> -> vector<35x512xf32>
    %swap3A = arith.constant 0 : index
    %swap3A_150 = arith.constant 0 : index
    %swap3A_151 = arith.constant 0 : index
    %swap3A_152 = arith.constant 0 : index
    %swap3A_153 = vector.load %arg14[%swap3A, %swap3A_150, %swap3A_151, %swap3A_152] : memref<1x30x35x512xf32, #tpu.memory_space<vmem>>, vector<1x1x35x512xf32>
    %swap3A_154 = vector.shape_cast %swap3A_153 : vector<1x1x35x512xf32> to vector<35x512xf32>
    %swap3A_155 = vector.shape_cast %concatenate3A_149 : vector<35x512xf32> to vector<1x1x35x512xf32>
    tpu.vector_store %arg14[%swap3A, %swap3A_150, %swap3A_151, %swap3A_152], %swap3A_155 {strides = array<i32>} : memref<1x30x35x512xf32, #tpu.memory_space<vmem>>, vector<1x1x35x512xf32>,
    %get3A_156 = arith.constant 0 : index
    %get3A_157 = arith.constant 1 : index
    %get3A_158 = arith.constant 0 : index
    %get3A_159 = vector.load %arg2[%get3A_156, %get3A_157, %get3A_158] : memref<1x32x512xf32, #tpu.memory_space<vmem>>, vector<1x1x512xf32>
    %get3A_160 = vector.shape_cast %get3A_159 : vector<1x1x512xf32> to vector<1x512xf32>
    %sub3A_161 = vector.broadcast %get3A_160 : vector<1x512xf32> to vector<16x512xf32>
    %sub3A_162 = vector.broadcast %mul3A_40 : vector<16x1xf32> to vector<16x512xf32>
    %sub3A_163 = arith.subf %sub3A_161, %sub3A_162 : vector<16x512xf32>
    %div3A_164 = arith.constant 1.250000e+00 : f32
    %div3A_165 = vector.broadcast %div3A_164 : f32 to vector<16x512xf32>
    %div3A_166 = arith.divf %sub3A_163, %div3A_165 : vector<16x512xf32>
    %integer_pow3A_167 = arith.mulf %div3A_166, %div3A_166 : vector<16x512xf32>
    %neg3A_168 = arith.constant 0.000000e+00 : f32
    %neg3A_169 = vector.broadcast %neg3A_168 : f32 to vector<16x512xf32>
    %neg3A_170 = arith.subf %neg3A_169, %integer_pow3A_167 : vector<16x512xf32>
    %exp3A_171 = math.exp %neg3A_170 : vector<16x512xf32>
    %get3A_172 = arith.constant 0 : index
    %get3A_173 = arith.constant 1 : index
    %get3A_174 = arith.constant 0 : index
    %get3A_175 = vector.load %arg3[%get3A_172, %get3A_173, %get3A_174] : memref<1x32x512xi32, #tpu.memory_space<vmem>>, vector<1x1x512xi32>
    %get3A_176 = vector.shape_cast %get3A_175 : vector<1x1x512xi32> to vector<1x512xi32>
    %convert_element_type3A_177 = arith.sitofp %get3A_176 : vector<1x512xi32> to vector<1x512xf32>
    %sub3A_178 = arith.subf %convert_element_type3A_177, %convert_element_type3A : vector<1x512xf32>
    %mul3A_179 = vector.broadcast %sub3A_178 : vector<1x512xf32> to vector<8x512xf32>
    %mul3A_180 = vector.broadcast %exp3A : vector<8x1xf32> to vector<8x512xf32>
    %mul3A_181 = arith.mulf %mul3A_179, %mul3A_180 : vector<8x512xf32>
    %cos3A_182 = math.cos %mul3A_181 : vector<8x512xf32>
    %sin3A_183 = math.sin %mul3A_181 : vector<8x512xf32>
    %concatenate3A_184 = tpu.concatenate %cos3A_182, %sin3A_183 in 0 : vector<8x512xf32>, vector<8x512xf32> -> vector<16x512xf32>
    %get3A_185 = arith.constant 0 : index
    %get3A_186 = arith.constant 1 : index
    %get3A_187 = arith.constant 0 : index
    %get3A_188 = vector.load %arg4[%get3A_185, %get3A_186, %get3A_187] : memref<1x32x512xf32, #tpu.memory_space<vmem>>, vector<1x1x512xf32>
    %get3A_189 = vector.shape_cast %get3A_188 : vector<1x1x512xf32> to vector<1x512xf32>
    %sub3A_190 = arith.subf %get3A_189, %get3A_5 : vector<1x512xf32>
    %get3A_191 = arith.constant 0 : index
    %get3A_192 = arith.constant 1 : index
    %get3A_193 = arith.constant 0 : index
    %get3A_194 = vector.load %arg5[%get3A_191, %get3A_192, %get3A_193] : memref<1x32x512xf32, #tpu.memory_space<vmem>>, vector<1x1x512xf32>
    %get3A_195 = vector.shape_cast %get3A_194 : vector<1x1x512xf32> to vector<1x512xf32>
    %sub3A_196 = arith.subf %get3A_195, %get3A_10 : vector<1x512xf32>
    %get3A_197 = arith.constant 0 : index
    %get3A_198 = arith.constant 1 : index
    %get3A_199 = arith.constant 0 : index
    %get3A_200 = vector.load %arg6[%get3A_197, %get3A_198, %get3A_199] : memref<1x32x512xf32, #tpu.memory_space<vmem>>, vector<1x1x512xf32>
    %get3A_201 = vector.shape_cast %get3A_200 : vector<1x1x512xf32> to vector<1x512xf32>
    %sub3A_202 = arith.subf %get3A_201, %get3A_15 : vector<1x512xf32>
    %mul3A_203 = arith.mulf %sub3A_190, %sub3A_190 : vector<1x512xf32>
    %mul3A_204 = arith.mulf %sub3A_196, %sub3A_196 : vector<1x512xf32>
    %add3A_205 = arith.addf %mul3A_203, %mul3A_204 : vector<1x512xf32>
    %mul3A_206 = arith.mulf %sub3A_202, %sub3A_202 : vector<1x512xf32>
    %add3A_207 = arith.addf %add3A_205, %mul3A_206 : vector<1x512xf32>
    %sqrt3A_208 = math.sqrt %add3A_207 : vector<1x512xf32>
    %max3A_209 = arith.constant 9.99999996E-13 : f32
    %max3A_210 = vector.broadcast %max3A_209 : f32 to vector<1x512xf32>
    %max3A_211 = arith.maximumf %sqrt3A_208, %max3A_210 : vector<1x512xf32>
    %div3A_212 = arith.constant 1.000000e+00 : f32
    %div3A_213 = vector.broadcast %div3A_212 : f32 to vector<1x512xf32>
    %div3A_214 = arith.divf %div3A_213, %max3A_211 : vector<1x512xf32>
    %mul3A_215 = arith.mulf %sub3A_190, %div3A_214 : vector<1x512xf32>
    %mul3A_216 = vector.broadcast %get3A_19 : f32 to vector<1x512xf32>
    %mul3A_217 = arith.mulf %mul3A_215, %mul3A_216 : vector<1x512xf32>
    %mul3A_218 = arith.mulf %sub3A_196, %div3A_214 : vector<1x512xf32>
    %mul3A_219 = vector.broadcast %get3A_19 : f32 to vector<1x512xf32>
    %mul3A_220 = arith.mulf %mul3A_218, %mul3A_219 : vector<1x512xf32>
    %mul3A_221 = arith.mulf %sub3A_202, %div3A_214 : vector<1x512xf32>
    %mul3A_222 = vector.broadcast %get3A_19 : f32 to vector<1x512xf32>
    %mul3A_223 = arith.mulf %mul3A_221, %mul3A_222 : vector<1x512xf32>
    %mul3A_224 = arith.mulf %mul3A_217, %mul3A_217 : vector<1x512xf32>
    %mul3A_225 = arith.mulf %mul3A_220, %mul3A_220 : vector<1x512xf32>
    %add3A_226 = arith.addf %mul3A_224, %mul3A_225 : vector<1x512xf32>
    %mul3A_227 = arith.mulf %mul3A_223, %mul3A_223 : vector<1x512xf32>
    %add3A_228 = arith.addf %add3A_226, %mul3A_227 : vector<1x512xf32>
    %add3A_229 = arith.constant 9.99999993E-9 : f32
    %add3A_230 = vector.broadcast %add3A_229 : f32 to vector<1x512xf32>
    %add3A_231 = arith.addf %add3A_228, %add3A_230 : vector<1x512xf32>
    %sqrt3A_232 = math.sqrt %add3A_231 : vector<1x512xf32>
    %concatenate3A_233 = tpu.concatenate %exp3A_171, %concatenate3A_184, %sqrt3A_232 in 0 : vector<16x512xf32>, vector<16x512xf32>, vector<1x512xf32> -> vector<33x512xf32>
    %dot_general3A_234 = arith.constant dense<0.000000e+00> : vector<32x512xf32>
    %dot_general3A_235 = tpu.matmul %get3A_26, %concatenate3A_233, %dot_general3A_234 {dimension_numbers = #tpu.dot_dimension_numbers<[1], [0], [0], [1], [0, 0, 1, 1], [], []>, transpose_lhs_hint = false} : vector<32x33xf32>, vector<33x512xf32>, vector<32x512xf32> -> vector<32x512xf32>
    %add3A_236 = vector.broadcast %get3A_29 : vector<32x1xf32> to vector<32x512xf32>
    %add3A_237 = arith.addf %dot_general3A_235, %add3A_236 : vector<32x512xf32>
    %reduce_sum3A_238 = arith.constant dense<0.000000e+00> : vector<512xf32>
    %reduce_sum3A_239 = vector.multi_reduction <add>, %add3A_237, %reduce_sum3A_238 [0] : vector<32x512xf32> to vector<512xf32>
    %broadcast_in_dim3A_240 = vector.shape_cast %reduce_sum3A_239 : vector<512xf32> to vector<1x512xf32>
    %div3A_241 = arith.constant 3.200000e+01 : f32
    %div3A_242 = vector.broadcast %div3A_241 : f32 to vector<1x512xf32>
    %div3A_243 = arith.divf %broadcast_in_dim3A_240, %div3A_242 : vector<1x512xf32>
    %sub3A_244 = vector.broadcast %div3A_243 : vector<1x512xf32> to vector<32x512xf32>
    %sub3A_245 = arith.subf %add3A_237, %sub3A_244 : vector<32x512xf32>
    %integer_pow3A_246 = arith.mulf %sub3A_245, %sub3A_245 : vector<32x512xf32>
    %reduce_sum3A_247 = arith.constant dense<0.000000e+00> : vector<512xf32>
    %reduce_sum3A_248 = vector.multi_reduction <add>, %integer_pow3A_246, %reduce_sum3A_247 [0] : vector<32x512xf32> to vector<512xf32>
    %broadcast_in_dim3A_249 = vector.shape_cast %reduce_sum3A_248 : vector<512xf32> to vector<1x512xf32>
    %div3A_250 = arith.constant 3.200000e+01 : f32
    %div3A_251 = vector.broadcast %div3A_250 : f32 to vector<1x512xf32>
    %div3A_252 = arith.divf %broadcast_in_dim3A_249, %div3A_251 : vector<1x512xf32>
    %sub3A_253 = vector.broadcast %div3A_243 : vector<1x512xf32> to vector<32x512xf32>
    %sub3A_254 = arith.subf %add3A_237, %sub3A_253 : vector<32x512xf32>
    %add3A_255 = arith.constant 9.99999974E-6 : f32
    %add3A_256 = vector.broadcast %add3A_255 : f32 to vector<1x512xf32>
    %add3A_257 = arith.addf %div3A_252, %add3A_256 : vector<1x512xf32>
    %sqrt3A_258 = math.sqrt %add3A_257 : vector<1x512xf32>
    %div3A_259 = vector.broadcast %sqrt3A_258 : vector<1x512xf32> to vector<32x512xf32>
    %div3A_260 = arith.divf %sub3A_254, %div3A_259 : vector<32x512xf32>
    %mul3A_261 = vector.broadcast %get3A_32 : vector<32x1xf32> to vector<32x512xf32>
    %mul3A_262 = arith.mulf %div3A_260, %mul3A_261 : vector<32x512xf32>
    %add3A_263 = vector.broadcast %get3A_35 : vector<32x1xf32> to vector<32x512xf32>
    %add3A_264 = arith.addf %mul3A_262, %add3A_263 : vector<32x512xf32>
    %mul3A_265 = vector.broadcast %get3A_23 : f32 to vector<1x512xf32>
    %mul3A_266 = arith.mulf %mul3A_217, %mul3A_265 : vector<1x512xf32>
    %mul3A_267 = vector.broadcast %get3A_23 : f32 to vector<1x512xf32>
    %mul3A_268 = arith.mulf %mul3A_220, %mul3A_267 : vector<1x512xf32>
    %mul3A_269 = vector.broadcast %get3A_23 : f32 to vector<1x512xf32>
    %mul3A_270 = arith.mulf %mul3A_223, %mul3A_269 : vector<1x512xf32>
    %concatenate3A_271 = tpu.concatenate %mul3A_266, %mul3A_268, %mul3A_270, %add3A_264 in 0 : vector<1x512xf32>, vector<1x512xf32>, vector<1x512xf32>, vector<32x512xf32> -> vector<35x512xf32>
    %swap3A_272 = arith.constant 0 : index
    %swap3A_273 = arith.constant 1 : index
    %swap3A_274 = arith.constant 0 : index
    %swap3A_275 = arith.constant 0 : index
    %swap3A_276 = vector.load %arg14[%swap3A_272, %swap3A_273, %swap3A_274, %swap3A_275] : memref<1x30x35x512xf32, #tpu.memory_space<vmem>>, vector<1x1x35x512xf32>
    %swap3A_277 = vector.shape_cast %swap3A_276 : vector<1x1x35x512xf32> to vector<35x512xf32>
    %swap3A_278 = vector.shape_cast %concatenate3A_271 : vector<35x512xf32> to vector<1x1x35x512xf32>
    tpu.vector_store %arg14[%swap3A_272, %swap3A_273, %swap3A_274, %swap3A_275], %swap3A_278 {strides = array<i32>} : memref<1x30x35x512xf32, #tpu.memory_space<vmem>>, vector<1x1x35x512xf32>,
    %get3A_279 = arith.constant 0 : index
    %get3A_280 = arith.constant 2 : index
    %get3A_281 = arith.constant 0 : index
    %get3A_282 = vector.load %arg2[%get3A_279, %get3A_280, %get3A_281] : memref<1x32x512xf32, #tpu.memory_space<vmem>>, vector<1x1x512xf32>
    %get3A_283 = vector.shape_cast %get3A_282 : vector<1x1x512xf32> to vector<1x512xf32>
    %sub3A_284 = vector.broadcast %get3A_283 : vector<1x512xf32> to vector<16x512xf32>
    %sub3A_285 = vector.broadcast %mul3A_40 : vector<16x1xf32> to vector<16x512xf32>
    %sub3A_286 = arith.subf %sub3A_284, %sub3A_285 : vector<16x512xf32>
    %div3A_287 = arith.constant 1.250000e+00 : f32
    %div3A_288 = vector.broadcast %div3A_287 : f32 to vector<16x512xf32>
    %div3A_289 = arith.divf %sub3A_286, %div3A_288 : vector<16x512xf32>
    %integer_pow3A_290 = arith.mulf %div3A_289, %div3A_289 : vector<16x512xf32>
    %neg3A_291 = arith.constant 0.000000e+00 : f32
    %neg3A_292 = vector.broadcast %neg3A_291 : f32 to vector<16x512xf32>
    %neg3A_293 = arith.subf %neg3A_292, %integer_pow3A_290 : vector<16x512xf32>
    %exp3A_294 = math.exp %neg3A_293 : vector<16x512xf32>
    %get3A_295 = arith.constant 0 : index
    %get3A_296 = arith.constant 2 : index
    %get3A_297 = arith.constant 0 : index
    %get3A_298 = vector.load %arg3[%get3A_295, %get3A_296, %get3A_297] : memref<1x32x512xi32, #tpu.memory_space<vmem>>, vector<1x1x512xi32>
    %get3A_299 = vector.shape_cast %get3A_298 : vector<1x1x512xi32> to vector<1x512xi32>
    %convert_element_type3A_300 = arith.sitofp %get3A_299 : vector<1x512xi32> to vector<1x512xf32>
    %sub3A_301 = arith.subf %convert_element_type3A_300, %convert_element_type3A : vector<1x512xf32>
    %mul3A_302 = vector.broadcast %sub3A_301 : vector<1x512xf32> to vector<8x512xf32>
    %mul3A_303 = vector.broadcast %exp3A : vector<8x1xf32> to vector<8x512xf32>
    %mul3A_304 = arith.mulf %mul3A_302, %mul3A_303 : vector<8x512xf32>
    %cos3A_305 = math.cos %mul3A_304 : vector<8x512xf32>
    %sin3A_306 = math.sin %mul3A_304 : vector<8x512xf32>
    %concatenate3A_307 = tpu.concatenate %cos3A_305, %sin3A_306 in 0 : vector<8x512xf32>, vector<8x512xf32> -> vector<16x512xf32>
    %get3A_308 = arith.constant 0 : index
    %get3A_309 = arith.constant 2 : index
    %get3A_310 = arith.constant 0 : index
    %get3A_311 = vector.load %arg4[%get3A_308, %get3A_309, %get3A_310] : memref<1x32x512xf32, #tpu.memory_space<vmem>>, vector<1x1x512xf32>
    %get3A_312 = vector.shape_cast %get3A_311 : vector<1x1x512xf32> to vector<1x512xf32>
    %sub3A_313 = arith.subf %get3A_312, %get3A_5 : vector<1x512xf32>
    %get3A_314 = arith.constant 0 : index
    %get3A_315 = arith.constant 2 : index
    %get3A_316 = arith.constant 0 : index
    %get3A_317 = vector.load %arg5[%get3A_314, %get3A_315, %get3A_316] : memref<1x32x512xf32, #tpu.memory_space<vmem>>, vector<1x1x512xf32>
    %get3A_318 = vector.shape_cast %get3A_317 : vector<1x1x512xf32> to vector<1x512xf32>
    %sub3A_319 = arith.subf %get3A_318, %get3A_10 : vector<1x512xf32>
    %get3A_320 = arith.constant 0 : index
    %get3A_321 = arith.constant 2 : index
    %get3A_322 = arith.constant 0 : index
    %get3A_323 = vector.load %arg6[%get3A_320, %get3A_321, %get3A_322] : memref<1x32x512xf32, #tpu.memory_space<vmem>>, vector<1x1x512xf32>
    %get3A_324 = vector.shape_cast %get3A_323 : vector<1x1x512xf32> to vector<1x512xf32>
    %sub3A_325 = arith.subf %get3A_324, %get3A_15 : vector<1x512xf32>
    %mul3A_326 = arith.mulf %sub3A_313, %sub3A_313 : vector<1x512xf32>
    %mul3A_327 = arith.mulf %sub3A_319, %sub3A_319 : vector<1x512xf32>
    %add3A_328 = arith.addf %mul3A_326, %mul3A_327 : vector<1x512xf32>
    %mul3A_329 = arith.mulf %sub3A_325, %sub3A_325 : vector<1x512xf32>
    %add3A_330 = arith.addf %add3A_328, %mul3A_329 : vector<1x512xf32>
    %sqrt3A_331 = math.sqrt %add3A_330 : vector<1x512xf32>
    %max3A_332 = arith.constant 9.99999996E-13 : f32
    %max3A_333 = vector.broadcast %max3A_332 : f32 to vector<1x512xf32>
    %max3A_334 = arith.maximumf %sqrt3A_331, %max3A_333 : vector<1x512xf32>
    %div3A_335 = arith.constant 1.000000e+00 : f32
    %div3A_336 = vector.broadcast %div3A_335 : f32 to vector<1x512xf32>
    %div3A_337 = arith.divf %div3A_336, %max3A_334 : vector<1x512xf32>
    %mul3A_338 = arith.mulf %sub3A_313, %div3A_337 : vector<1x512xf32>
    %mul3A_339 = vector.broadcast %get3A_19 : f32 to vector<1x512xf32>
    %mul3A_340 = arith.mulf %mul3A_338, %mul3A_339 : vector<1x512xf32>
    %mul3A_341 = arith.mulf %sub3A_319, %div3A_337 : vector<1x512xf32>
    %mul3A_342 = vector.broadcast %get3A_19 : f32 to vector<1x512xf32>
    %mul3A_343 = arith.mulf %mul3A_341, %mul3A_342 : vector<1x512xf32>
    %mul3A_344 = arith.mulf %sub3A_325, %div3A_337 : vector<1x512xf32>
    %mul3A_345 = vector.broadcast %get3A_19 : f32 to vector<1x512xf32>
    %mul3A_346 = arith.mulf %mul3A_344, %mul3A_345 : vector<1x512xf32>
    %mul3A_347 = arith.mulf %mul3A_340, %mul3A_340 : vector<1x512xf32>
    %mul3A_348 = arith.mulf %mul3A_343, %mul3A_343 : vector<1x512xf32>
    %add3A_349 = arith.addf %mul3A_347, %mul3A_348 : vector<1x512xf32>
    %mul3A_350 = arith.mulf %mul3A_346, %mul3A_346 : vector<1x512xf32>
    %add3A_351 = arith.addf %add3A_349, %mul3A_350 : vector<1x512xf32>
    %add3A_352 = arith.constant 9.99999993E-9 : f32
    %add3A_353 = vector.broadcast %add3A_352 : f32 to vector<1x512xf32>
    %add3A_354 = arith.addf %add3A_351, %add3A_353 : vector<1x512xf32>
    %sqrt3A_355 = math.sqrt %add3A_354 : vector<1x512xf32>
    %concatenate3A_356 = tpu.concatenate %exp3A_294, %concatenate3A_307, %sqrt3A_355 in 0 : vector<16x512xf32>, vector<16x512xf32>, vector<1x512xf32> -> vector<33x512xf32>
    %dot_general3A_357 = arith.constant dense<0.000000e+00> : vector<32x512xf32>
    %dot_general3A_358 = tpu.matmul %get3A_26, %concatenate3A_356, %dot_general3A_357 {dimension_numbers = #tpu.dot_dimension_numbers<[1], [0], [0], [1], [0, 0, 1, 1], [], []>, transpose_lhs_hint = false} : vector<32x33xf32>, vector<33x512xf32>, vector<32x512xf32> -> vector<32x512xf32>
    %add3A_359 = vector.broadcast %get3A_29 : vector<32x1xf32> to vector<32x512xf32>
    %add3A_360 = arith.addf %dot_general3A_358, %add3A_359 : vector<32x512xf32>
    %reduce_sum3A_361 = arith.constant dense<0.000000e+00> : vector<512xf32>
    %reduce_sum3A_362 = vector.multi_reduction <add>, %add3A_360, %reduce_sum3A_361 [0] : vector<32x512xf32> to vector<512xf32>
    %broadcast_in_dim3A_363 = vector.shape_cast %reduce_sum3A_362 : vector<512xf32> to vector<1x512xf32>
    %div3A_364 = arith.constant 3.200000e+01 : f32
    %div3A_365 = vector.broadcast %div3A_364 : f32 to vector<1x512xf32>
    %div3A_366 = arith.divf %broadcast_in_dim3A_363, %div3A_365 : vector<1x512xf32>
    %sub3A_367 = vector.broadcast %div3A_366 : vector<1x512xf32> to vector<32x512xf32>
    %sub3A_368 = arith.subf %add3A_360, %sub3A_367 : vector<32x512xf32>
    %integer_pow3A_369 = arith.mulf %sub3A_368, %sub3A_368 : vector<32x512xf32>
    %reduce_sum3A_370 = arith.constant dense<0.000000e+00> : vector<512xf32>
    %reduce_sum3A_371 = vector.multi_reduction <add>, %integer_pow3A_369, %reduce_sum3A_370 [0] : vector<32x512xf32> to vector<512xf32>
    %broadcast_in_dim3A_372 = vector.shape_cast %reduce_sum3A_371 : vector<512xf32> to vector<1x512xf32>
    %div3A_373 = arith.constant 3.200000e+01 : f32
    %div3A_374 = vector.broadcast %div3A_373 : f32 to vector<1x512xf32>
    %div3A_375 = arith.divf %broadcast_in_dim3A_372, %div3A_374 : vector<1x512xf32>
    %sub3A_376 = vector.broadcast %div3A_366 : vector<1x512xf32> to vector<32x512xf32>
    %sub3A_377 = arith.subf %add3A_360, %sub3A_376 : vector<32x512xf32>
    %add3A_378 = arith.constant 9.99999974E-6 : f32
    %add3A_379 = vector.broadcast %add3A_378 : f32 to vector<1x512xf32>
    %add3A_380 = arith.addf %div3A_375, %add3A_379 : vector<1x512xf32>
    %sqrt3A_381 = math.sqrt %add3A_380 : vector<1x512xf32>
    %div3A_382 = vector.broadcast %sqrt3A_381 : vector<1x512xf32> to vector<32x512xf32>
    %div3A_383 = arith.divf %sub3A_377, %div3A_382 : vector<32x512xf32>
    %mul3A_384 = vector.broadcast %get3A_32 : vector<32x1xf32> to vector<32x512xf32>
    %mul3A_385 = arith.mulf %div3A_383, %mul3A_384 : vector<32x512xf32>
    %add3A_386 = vector.broadcast %get3A_35 : vector<32x1xf32> to vector<32x512xf32>
    %add3A_387 = arith.addf %mul3A_385, %add3A_386 : vector<32x512xf32>
    %mul3A_388 = vector.broadcast %get3A_23 : f32 to vector<1x512xf32>
    %mul3A_389 = arith.mulf %mul3A_340, %mul3A_388 : vector<1x512xf32>
    %mul3A_390 = vector.broadcast %get3A_23 : f32 to vector<1x512xf32>
    %mul3A_391 = arith.mulf %mul3A_343, %mul3A_390 : vector<1x512xf32>
    %mul3A_392 = vector.broadcast %get3A_23 : f32 to vector<1x512xf32>
    %mul3A_393 = arith.mulf %mul3A_346, %mul3A_392 : vector<1x512xf32>
    %concatenate3A_394 = tpu.concatenate %mul3A_389, %mul3A_391, %mul3A_393, %add3A_387 in 0 : vector<1x512xf32>, vector<1x512xf32>, vector<1x512xf32>, vector<32x512xf32> -> vector<35x512xf32>
    %swap3A_395 = arith.constant 0 : index
    %swap3A_396 = arith.constant 2 : index
    %swap3A_397 = arith.constant 0 : index
    %swap3A_398 = arith.constant 0 : index
    %swap3A_399 = vector.load %arg14[%swap3A_395, %swap3A_396, %swap3A_397, %swap3A_398] : memref<1x30x35x512xf32, #tpu.memory_space<vmem>>, vector<1x1x35x512xf32>
    %swap3A_400 = vector.shape_cast %swap3A_399 : vector<1x1x35x512xf32> to vector<35x512xf32>
    %swap3A_401 = vector.shape_cast %concatenate3A_394 : vector<35x512xf32> to vector<1x1x35x512xf32>
    tpu.vector_store %arg14[%swap3A_395, %swap3A_396, %swap3A_397, %swap3A_398], %swap3A_401 {strides = array<i32>} : memref<1x30x35x512xf32, #tpu.memory_space<vmem>>, vector<1x1x35x512xf32>,
    %get3A_402 = arith.constant 0 : index
    %get3A_403 = arith.constant 3 : index
    %get3A_404 = arith.constant 0 : index
    %get3A_405 = vector.load %arg2[%get3A_402, %get3A_403, %get3A_404] : memref<1x32x512xf32, #tpu.memory_space<vmem>>, vector<1x1x512xf32>
    %get3A_406 = vector.shape_cast %get3A_405 : vector<1x1x512xf32> to vector<1x512xf32>
    %sub3A_407 = vector.broadcast %get3A_406 : vector<1x512xf32> to vector<16x512xf32>
    %sub3A_408 = vector.broadcast %mul3A_40 : vector<16x1xf32> to vector<16x512xf32>
    %sub3A_409 = arith.subf %sub3A_407, %sub3A_408 : vector<16x512xf32>
    %div3A_410 = arith.constant 1.250000e+00 : f32
    %div3A_411 = vector.broadcast %div3A_410 : f32 to vector<16x512xf32>
    %div3A_412 = arith.divf %sub3A_409, %div3A_411 : vector<16x512xf32>
    %integer_pow3A_413 = arith.mulf %div3A_412, %div3A_412 : vector<16x512xf32>
    %neg3A_414 = arith.constant 0.000000e+00 : f32
    %neg3A_415 = vector.broadcast %neg3A_414 : f32 to vector<16x512xf32>
    %neg3A_416 = arith.subf %neg3A_415, %integer_pow3A_413 : vector<16x512xf32>
    %exp3A_417 = math.exp %neg3A_416 : vector<16x512xf32>
    %get3A_418 = arith.constant 0 : index
    %get3A_419 = arith.constant 3 : index
    %get3A_420 = arith.constant 0 : index
    %get3A_421 = vector.load %arg3[%get3A_418, %get3A_419, %get3A_420] : memref<1x32x512xi32, #tpu.memory_space<vmem>>, vector<1x1x512xi32>
    %get3A_422 = vector.shape_cast %get3A_421 : vector<1x1x512xi32> to vector<1x512xi32>
    %convert_element_type3A_423 = arith.sitofp %get3A_422 : vector<1x512xi32> to vector<1x512xf32>
    %sub3A_424 = arith.subf %convert_element_type3A_423, %convert_element_type3A : vector<1x512xf32>
    %mul3A_425 = vector.broadcast %sub3A_424 : vector<1x512xf32> to vector<8x512xf32>
    %mul3A_426 = vector.broadcast %exp3A : vector<8x1xf32> to vector<8x512xf32>
    %mul3A_427 = arith.mulf %mul3A_425, %mul3A_426 : vector<8x512xf32>
    %cos3A_428 = math.cos %mul3A_427 : vector<8x512xf32>
    %sin3A_429 = math.sin %mul3A_427 : vector<8x512xf32>
    %concatenate3A_430 = tpu.concatenate %cos3A_428, %sin3A_429 in 0 : vector<8x512xf32>, vector<8x512xf32> -> vector<16x512xf32>
    %get3A_431 = arith.constant 0 : index
    %get3A_432 = arith.constant 3 : index
    %get3A_433 = arith.constant 0 : index
    %get3A_434 = vector.load %arg4[%get3A_431, %get3A_432, %get3A_433] : memref<1x32x512xf32, #tpu.memory_space<vmem>>, vector<1x1x512xf32>
    %get3A_435 = vector.shape_cast %get3A_434 : vector<1x1x512xf32> to vector<1x512xf32>
    %sub3A_436 = arith.subf %get3A_435, %get3A_5 : vector<1x512xf32>
    %get3A_437 = arith.constant 0 : index
    %get3A_438 = arith.constant 3 : index
    %get3A_439 = arith.constant 0 : index
    %get3A_440 = vector.load %arg5[%get3A_437, %get3A_438, %get3A_439] : memref<1x32x512xf32, #tpu.memory_space<vmem>>, vector<1x1x512xf32>
    %get3A_441 = vector.shape_cast %get3A_440 : vector<1x1x512xf32> to vector<1x512xf32>
    %sub3A_442 = arith.subf %get3A_441, %get3A_10 : vector<1x512xf32>
    %get3A_443 = arith.constant 0 : index
    %get3A_444 = arith.constant 3 : index
    %get3A_445 = arith.constant 0 : index
    %get3A_446 = vector.load %arg6[%get3A_443, %get3A_444, %get3A_445] : memref<1x32x512xf32, #tpu.memory_space<vmem>>, vector<1x1x512xf32>
    %get3A_447 = vector.shape_cast %get3A_446 : vector<1x1x512xf32> to vector<1x512xf32>
    %sub3A_448 = arith.subf %get3A_447, %get3A_15 : vector<1x512xf32>
    %mul3A_449 = arith.mulf %sub3A_436, %sub3A_436 : vector<1x512xf32>
    %mul3A_450 = arith.mulf %sub3A_442, %sub3A_442 : vector<1x512xf32>
    %add3A_451 = arith.addf %mul3A_449, %mul3A_450 : vector<1x512xf32>
    %mul3A_452 = arith.mulf %sub3A_448, %sub3A_448 : vector<1x512xf32>
    %add3A_453 = arith.addf %add3A_451, %mul3A_452 : vector<1x512xf32>
    %sqrt3A_454 = math.sqrt %add3A_453 : vector<1x512xf32>
    %max3A_455 = arith.constant 9.99999996E-13 : f32
    %max3A_456 = vector.broadcast %max3A_455 : f32 to vector<1x512xf32>
    %max3A_457 = arith.maximumf %sqrt3A_454, %max3A_456 : vector<1x512xf32>
    %div3A_458 = arith.constant 1.000000e+00 : f32
    %div3A_459 = vector.broadcast %div3A_458 : f32 to vector<1x512xf32>
    %div3A_460 = arith.divf %div3A_459, %max3A_457 : vector<1x512xf32>
    %mul3A_461 = arith.mulf %sub3A_436, %div3A_460 : vector<1x512xf32>
    %mul3A_462 = vector.broadcast %get3A_19 : f32 to vector<1x512xf32>
    %mul3A_463 = arith.mulf %mul3A_461, %mul3A_462 : vector<1x512xf32>
    %mul3A_464 = arith.mulf %sub3A_442, %div3A_460 : vector<1x512xf32>
    %mul3A_465 = vector.broadcast %get3A_19 : f32 to vector<1x512xf32>
    %mul3A_466 = arith.mulf %mul3A_464, %mul3A_465 : vector<1x512xf32>
    %mul3A_467 = arith.mulf %sub3A_448, %div3A_460 : vector<1x512xf32>
    %mul3A_468 = vector.broadcast %get3A_19 : f32 to vector<1x512xf32>
    %mul3A_469 = arith.mulf %mul3A_467, %mul3A_468 : vector<1x512xf32>
    %mul3A_470 = arith.mulf %mul3A_463, %mul3A_463 : vector<1x512xf32>
    %mul3A_471 = arith.mulf %mul3A_466, %mul3A_466 : vector<1x512xf32>
    %add3A_472 = arith.addf %mul3A_470, %mul3A_471 : vector<1x512xf32>
    %mul3A_473 = arith.mulf %mul3A_469, %mul3A_469 : vector<1x512xf32>
    %add3A_474 = arith.addf %add3A_472, %mul3A_473 : vector<1x512xf32>
    %add3A_475 = arith.constant 9.99999993E-9 : f32
    %add3A_476 = vector.broadcast %add3A_475 : f32 to vector<1x512xf32>
    %add3A_477 = arith.addf %add3A_474, %add3A_476 : vector<1x512xf32>
    %sqrt3A_478 = math.sqrt %add3A_477 : vector<1x512xf32>
    %concatenate3A_479 = tpu.concatenate %exp3A_417, %concatenate3A_430, %sqrt3A_478 in 0 : vector<16x512xf32>, vector<16x512xf32>, vector<1x512xf32> -> vector<33x512xf32>
    %dot_general3A_480 = arith.constant dense<0.000000e+00> : vector<32x512xf32>
    %dot_general3A_481 = tpu.matmul %get3A_26, %concatenate3A_479, %dot_general3A_480 {dimension_numbers = #tpu.dot_dimension_numbers<[1], [0], [0], [1], [0, 0, 1, 1], [], []>, transpose_lhs_hint = false} : vector<32x33xf32>, vector<33x512xf32>, vector<32x512xf32> -> vector<32x512xf32>
    %add3A_482 = vector.broadcast %get3A_29 : vector<32x1xf32> to vector<32x512xf32>
    %add3A_483 = arith.addf %dot_general3A_481, %add3A_482 : vector<32x512xf32>
    %reduce_sum3A_484 = arith.constant dense<0.000000e+00> : vector<512xf32>
    %reduce_sum3A_485 = vector.multi_reduction <add>, %add3A_483, %reduce_sum3A_484 [0] : vector<32x512xf32> to vector<512xf32>
    %broadcast_in_dim3A_486 = vector.shape_cast %reduce_sum3A_485 : vector<512xf32> to vector<1x512xf32>
    %div3A_487 = arith.constant 3.200000e+01 : f32
    %div3A_488 = vector.broadcast %div3A_487 : f32 to vector<1x512xf32>
    %div3A_489 = arith.divf %broadcast_in_dim3A_486, %div3A_488 : vector<1x512xf32>
    %sub3A_490 = vector.broadcast %div3A_489 : vector<1x512xf32> to vector<32x512xf32>
    %sub3A_491 = arith.subf %add3A_483, %sub3A_490 : vector<32x512xf32>
    %integer_pow3A_492 = arith.mulf %sub3A_491, %sub3A_491 : vector<32x512xf32>
    %reduce_sum3A_493 = arith.constant dense<0.000000e+00> : vector<512xf32>
    %reduce_sum3A_494 = vector.multi_reduction <add>, %integer_pow3A_492, %reduce_sum3A_493 [0] : vector<32x512xf32> to vector<512xf32>
    %broadcast_in_dim3A_495 = vector.shape_cast %reduce_sum3A_494 : vector<512xf32> to vector<1x512xf32>
    %div3A_496 = arith.constant 3.200000e+01 : f32
    %div3A_497 = vector.broadcast %div3A_496 : f32 to vector<1x512xf32>
    %div3A_498 = arith.divf %broadcast_in_dim3A_495, %div3A_497 : vector<1x512xf32>
    %sub3A_499 = vector.broadcast %div3A_489 : vector<1x512xf32> to vector<32x512xf32>
    %sub3A_500 = arith.subf %add3A_483, %sub3A_499 : vector<32x512xf32>
    %add3A_501 = arith.constant 9.99999974E-6 : f32
    %add3A_502 = vector.broadcast %add3A_501 : f32 to vector<1x512xf32>
    %add3A_503 = arith.addf %div3A_498, %add3A_502 : vector<1x512xf32>
    %sqrt3A_504 = math.sqrt %add3A_503 : vector<1x512xf32>
    %div3A_505 = vector.broadcast %sqrt3A_504 : vector<1x512xf32> to vector<32x512xf32>
    %div3A_506 = arith.divf %sub3A_500, %div3A_505 : vector<32x512xf32>
    %mul3A_507 = vector.broadcast %get3A_32 : vector<32x1xf32> to vector<32x512xf32>
    %mul3A_508 = arith.mulf %div3A_506, %mul3A_507 : vector<32x512xf32>
    %add3A_509 = vector.broadcast %get3A_35 : vector<32x1xf32> to vector<32x512xf32>
    %add3A_510 = arith.addf %mul3A_508, %add3A_509 : vector<32x512xf32>
    %mul3A_511 = vector.broadcast %get3A_23 : f32 to vector<1x512xf32>
    %mul3A_512 = arith.mulf %mul3A_463, %mul3A_511 : vector<1x512xf32>
    %mul3A_513 = vector.broadcast %get3A_23 : f32 to vector<1x512xf32>
    %mul3A_514 = arith.mulf %mul3A_466, %mul3A_513 : vector<1x512xf32>
    %mul3A_515 = vector.broadcast %get3A_23 : f32 to vector<1x512xf32>
    %mul3A_516 = arith.mulf %mul3A_469, %mul3A_515 : vector<1x512xf32>
    %concatenate3A_517 = tpu.concatenate %mul3A_512, %mul3A_514, %mul3A_516, %add3A_510 in 0 : vector<1x512xf32>, vector<1x512xf32>, vector<1x512xf32>, vector<32x512xf32> -> vector<35x512xf32>
    %swap3A_518 = arith.constant 0 : index
    %swap3A_519 = arith.constant 3 : index
    %swap3A_520 = arith.constant 0 : index
    %swap3A_521 = arith.constant 0 : index
    %swap3A_522 = vector.load %arg14[%swap3A_518, %swap3A_519, %swap3A_520, %swap3A_521] : memref<1x30x35x512xf32, #tpu.memory_space<vmem>>, vector<1x1x35x512xf32>
    %swap3A_523 = vector.shape_cast %swap3A_522 : vector<1x1x35x512xf32> to vector<35x512xf32>
    %swap3A_524 = vector.shape_cast %concatenate3A_517 : vector<35x512xf32> to vector<1x1x35x512xf32>
    tpu.vector_store %arg14[%swap3A_518, %swap3A_519, %swap3A_520, %swap3A_521], %swap3A_524 {strides = array<i32>} : memref<1x30x35x512xf32, #tpu.memory_space<vmem>>, vector<1x1x35x512xf32>,
    %get3A_525 = arith.constant 0 : index
    %get3A_526 = arith.constant 4 : index
    %get3A_527 = arith.constant 0 : index
    %get3A_528 = vector.load %arg2[%get3A_525, %get3A_526, %get3A_527] : memref<1x32x512xf32, #tpu.memory_space<vmem>>, vector<1x1x512xf32>
    %get3A_529 = vector.shape_cast %get3A_528 : vector<1x1x512xf32> to vector<1x512xf32>
    %sub3A_530 = vector.broadcast %get3A_529 : vector<1x512xf32> to vector<16x512xf32>
    %sub3A_531 = vector.broadcast %mul3A_40 : vector<16x1xf32> to vector<16x512xf32>
    %sub3A_532 = arith.subf %sub3A_530, %sub3A_531 : vector<16x512xf32>
    %div3A_533 = arith.constant 1.250000e+00 : f32
    %div3A_534 = vector.broadcast %div3A_533 : f32 to vector<16x512xf32>
    %div3A_535 = arith.divf %sub3A_532, %div3A_534 : vector<16x512xf32>
    %integer_pow3A_536 = arith.mulf %div3A_535, %div3A_535 : vector<16x512xf32>
    %neg3A_537 = arith.constant 0.000000e+00 : f32
    %neg3A_538 = vector.broadcast %neg3A_537 : f32 to vector<16x512xf32>
    %neg3A_539 = arith.subf %neg3A_538, %integer_pow3A_536 : vector<16x512xf32>
    %exp3A_540 = math.exp %neg3A_539 : vector<16x512xf32>
    %get3A_541 = arith.constant 0 : index
    %get3A_542 = arith.constant 4 : index
    %get3A_543 = arith.constant 0 : index
    %get3A_544 = vector.load %arg3[%get3A_541, %get3A_542, %get3A_543] : memref<1x32x512xi32, #tpu.memory_space<vmem>>, vector<1x1x512xi32>
    %get3A_545 = vector.shape_cast %get3A_544 : vector<1x1x512xi32> to vector<1x512xi32>
    %convert_element_type3A_546 = arith.sitofp %get3A_545 : vector<1x512xi32> to vector<1x512xf32>
    %sub3A_547 = arith.subf %convert_element_type3A_546, %convert_element_type3A : vector<1x512xf32>
    %mul3A_548 = vector.broadcast %sub3A_547 : vector<1x512xf32> to vector<8x512xf32>
    %mul3A_549 = vector.broadcast %exp3A : vector<8x1xf32> to vector<8x512xf32>
    %mul3A_550 = arith.mulf %mul3A_548, %mul3A_549 : vector<8x512xf32>
    %cos3A_551 = math.cos %mul3A_550 : vector<8x512xf32>
    %sin3A_552 = math.sin %mul3A_550 : vector<8x512xf32>
    %concatenate3A_553 = tpu.concatenate %cos3A_551, %sin3A_552 in 0 : vector<8x512xf32>, vector<8x512xf32> -> vector<16x512xf32>
    %get3A_554 = arith.constant 0 : index
    %get3A_555 = arith.constant 4 : index
    %get3A_556 = arith.constant 0 : index
    %get3A_557 = vector.load %arg4[%get3A_554, %get3A_555, %get3A_556] : memref<1x32x512xf32, #tpu.memory_space<vmem>>, vector<1x1x512xf32>
    %get3A_558 = vector.shape_cast %get3A_557 : vector<1x1x512xf32> to vector<1x512xf32>
    %sub3A_559 = arith.subf %get3A_558, %get3A_5 : vector<1x512xf32>
    %get3A_560 = arith.constant 0 : index
    %get3A_561 = arith.constant 4 : index
    %get3A_562 = arith.constant 0 : index
    %get3A_563 = vector.load %arg5[%get3A_560, %get3A_561, %get3A_562] : memref<1x32x512xf32, #tpu.memory_space<vmem>>, vector<1x1x512xf32>
    %get3A_564 = vector.shape_cast %get3A_563 : vector<1x1x512xf32> to vector<1x512xf32>
    %sub3A_565 = arith.subf %get3A_564, %get3A_10 : vector<1x512xf32>
    %get3A_566 = arith.constant 0 : index
    %get3A_567 = arith.constant 4 : index
    %get3A_568 = arith.constant 0 : index
    %get3A_569 = vector.load %arg6[%get3A_566, %get3A_567, %get3A_568] : memref<1x32x512xf32, #tpu.memory_space<vmem>>, vector<1x1x512xf32>
    %get3A_570 = vector.shape_cast %get3A_569 : vector<1x1x512xf32> to vector<1x512xf32>
    %sub3A_571 = arith.subf %get3A_570, %get3A_15 : vector<1x512xf32>
    %mul3A_572 = arith.mulf %sub3A_559, %sub3A_559 : vector<1x512xf32>
    %mul3A_573 = arith.mulf %sub3A_565, %sub3A_565 : vector<1x512xf32>
    %add3A_574 = arith.addf %mul3A_572, %mul3A_573 : vector<1x512xf32>
    %mul3A_575 = arith.mulf %sub3A_571, %sub3A_571 : vector<1x512xf32>
    %add3A_576 = arith.addf %add3A_574, %mul3A_575 : vector<1x512xf32>
    %sqrt3A_577 = math.sqrt %add3A_576 : vector<1x512xf32>
    %max3A_578 = arith.constant 9.99999996E-13 : f32
    %max3A_579 = vector.broadcast %max3A_578 : f32 to vector<1x512xf32>
    %max3A_580 = arith.maximumf %sqrt3A_577, %max3A_579 : vector<1x512xf32>
    %div3A_581 = arith.constant 1.000000e+00 : f32
    %div3A_582 = vector.broadcast %div3A_581 : f32 to vector<1x512xf32>
    %div3A_583 = arith.divf %div3A_582, %max3A_580 : vector<1x512xf32>
    %mul3A_584 = arith.mulf %sub3A_559, %div3A_583 : vector<1x512xf32>
    %mul3A_585 = vector.broadcast %get3A_19 : f32 to vector<1x512xf32>
    %mul3A_586 = arith.mulf %mul3A_584, %mul3A_585 : vector<1x512xf32>
    %mul3A_587 = arith.mulf %sub3A_565, %div3A_583 : vector<1x512xf32>
    %mul3A_588 = vector.broadcast %get3A_19 : f32 to vector<1x512xf32>
    %mul3A_589 = arith.mulf %mul3A_587, %mul3A_588 : vector<1x512xf32>
    %mul3A_590 = arith.mulf %sub3A_571, %div3A_583 : vector<1x512xf32>
    %mul3A_591 = vector.broadcast %get3A_19 : f32 to vector<1x512xf32>
    %mul3A_592 = arith.mulf %mul3A_590, %mul3A_591 : vector<1x512xf32>
    %mul3A_593 = arith.mulf %mul3A_586, %mul3A_586 : vector<1x512xf32>
    %mul3A_594 = arith.mulf %mul3A_589, %mul3A_589 : vector<1x512xf32>
    %add3A_595 = arith.addf %mul3A_593, %mul3A_594 : vector<1x512xf32>
    %mul3A_596 = arith.mulf %mul3A_592, %mul3A_592 : vector<1x512xf32>
    %add3A_597 = arith.addf %add3A_595, %mul3A_596 : vector<1x512xf32>
    %add3A_598 = arith.constant 9.99999993E-9 : f32
    %add3A_599 = vector.broadcast %add3A_598 : f32 to vector<1x512xf32>
    %add3A_600 = arith.addf %add3A_597, %add3A_599 : vector<1x512xf32>
    %sqrt3A_601 = math.sqrt %add3A_600 : vector<1x512xf32>
    %concatenate3A_602 = tpu.concatenate %exp3A_540, %concatenate3A_553, %sqrt3A_601 in 0 : vector<16x512xf32>, vector<16x512xf32>, vector<1x512xf32> -> vector<33x512xf32>
    %dot_general3A_603 = arith.constant dense<0.000000e+00> : vector<32x512xf32>
    %dot_general3A_604 = tpu.matmul %get3A_26, %concatenate3A_602, %dot_general3A_603 {dimension_numbers = #tpu.dot_dimension_numbers<[1], [0], [0], [1], [0, 0, 1, 1], [], []>, transpose_lhs_hint = false} : vector<32x33xf32>, vector<33x512xf32>, vector<32x512xf32> -> vector<32x512xf32>
    %add3A_605 = vector.broadcast %get3A_29 : vector<32x1xf32> to vector<32x512xf32>
    %add3A_606 = arith.addf %dot_general3A_604, %add3A_605 : vector<32x512xf32>
    %reduce_sum3A_607 = arith.constant dense<0.000000e+00> : vector<512xf32>
    %reduce_sum3A_608 = vector.multi_reduction <add>, %add3A_606, %reduce_sum3A_607 [0] : vector<32x512xf32> to vector<512xf32>
    %broadcast_in_dim3A_609 = vector.shape_cast %reduce_sum3A_608 : vector<512xf32> to vector<1x512xf32>
    %div3A_610 = arith.constant 3.200000e+01 : f32
    %div3A_611 = vector.broadcast %div3A_610 : f32 to vector<1x512xf32>
    %div3A_612 = arith.divf %broadcast_in_dim3A_609, %div3A_611 : vector<1x512xf32>
    %sub3A_613 = vector.broadcast %div3A_612 : vector<1x512xf32> to vector<32x512xf32>
    %sub3A_614 = arith.subf %add3A_606, %sub3A_613 : vector<32x512xf32>
    %integer_pow3A_615 = arith.mulf %sub3A_614, %sub3A_614 : vector<32x512xf32>
    %reduce_sum3A_616 = arith.constant dense<0.000000e+00> : vector<512xf32>
    %reduce_sum3A_617 = vector.multi_reduction <add>, %integer_pow3A_615, %reduce_sum3A_616 [0] : vector<32x512xf32> to vector<512xf32>
    %broadcast_in_dim3A_618 = vector.shape_cast %reduce_sum3A_617 : vector<512xf32> to vector<1x512xf32>
    %div3A_619 = arith.constant 3.200000e+01 : f32
    %div3A_620 = vector.broadcast %div3A_619 : f32 to vector<1x512xf32>
    %div3A_621 = arith.divf %broadcast_in_dim3A_618, %div3A_620 : vector<1x512xf32>
    %sub3A_622 = vector.broadcast %div3A_612 : vector<1x512xf32> to vector<32x512xf32>
    %sub3A_623 = arith.subf %add3A_606, %sub3A_622 : vector<32x512xf32>
    %add3A_624 = arith.constant 9.99999974E-6 : f32
    %add3A_625 = vector.broadcast %add3A_624 : f32 to vector<1x512xf32>
    %add3A_626 = arith.addf %div3A_621, %add3A_625 : vector<1x512xf32>
    %sqrt3A_627 = math.sqrt %add3A_626 : vector<1x512xf32>
    %div3A_628 = vector.broadcast %sqrt3A_627 : vector<1x512xf32> to vector<32x512xf32>
    %div3A_629 = arith.divf %sub3A_623, %div3A_628 : vector<32x512xf32>
    %mul3A_630 = vector.broadcast %get3A_32 : vector<32x1xf32> to vector<32x512xf32>
    %mul3A_631 = arith.mulf %div3A_629, %mul3A_630 : vector<32x512xf32>
    %add3A_632 = vector.broadcast %get3A_35 : vector<32x1xf32> to vector<32x512xf32>
    %add3A_633 = arith.addf %mul3A_631, %add3A_632 : vector<32x512xf32>
    %mul3A_634 = vector.broadcast %get3A_23 : f32 to vector<1x512xf32>
    %mul3A_635 = arith.mulf %mul3A_586, %mul3A_634 : vector<1x512xf32>
    %mul3A_636 = vector.broadcast %get3A_23 : f32 to vector<1x512xf32>
    %mul3A_637 = arith.mulf %mul3A_589, %mul3A_636 : vector<1x512xf32>
    %mul3A_638 = vector.broadcast %get3A_23 : f32 to vector<1x512xf32>
    %mul3A_639 = arith.mulf %mul3A_592, %mul3A_638 : vector<1x512xf32>
    %concatenate3A_640 = tpu.concatenate %mul3A_635, %mul3A_637, %mul3A_639, %add3A_633 in 0 : vector<1x512xf32>, vector<1x512xf32>, vector<1x512xf32>, vector<32x512xf32> -> vector<35x512xf32>
    %swap3A_641 = arith.constant 0 : index
    %swap3A_642 = arith.constant 4 : index
    %swap3A_643 = arith.constant 0 : index
    %swap3A_644 = arith.constant 0 : index
    %swap3A_645 = vector.load %arg14[%swap3A_641, %swap3A_642, %swap3A_643, %swap3A_644] : memref<1x30x35x512xf32, #tpu.memory_space<vmem>>, vector<1x1x35x512xf32>
    %swap3A_646 = vector.shape_cast %swap3A_645 : vector<1x1x35x512xf32> to vector<35x512xf32>
    %swap3A_647 = vector.shape_cast %concatenate3A_640 : vector<35x512xf32> to vector<1x1x35x512xf32>
    tpu.vector_store %arg14[%swap3A_641, %swap3A_642, %swap3A_643, %swap3A_644], %swap3A_647 {strides = array<i32>} : memref<1x30x35x512xf32, #tpu.memory_space<vmem>>, vector<1x1x35x512xf32>,
    %get3A_648 = arith.constant 0 : index
    %get3A_649 = arith.constant 5 : index
    %get3A_650 = arith.constant 0 : index
    %get3A_651 = vector.load %arg2[%get3A_648, %get3A_649, %get3A_650] : memref<1x32x512xf32, #tpu.memory_space<vmem>>, vector<1x1x512xf32>
    %get3A_652 = vector.shape_cast %get3A_651 : vector<1x1x512xf32> to vector<1x512xf32>
    %sub3A_653 = vector.broadcast %get3A_652 : vector<1x512xf32> to vector<16x512xf32>
    %sub3A_654 = vector.broadcast %mul3A_40 : vector<16x1xf32> to vector<16x512xf32>
    %sub3A_655 = arith.subf %sub3A_653, %sub3A_654 : vector<16x512xf32>
    %div3A_656 = arith.constant 1.250000e+00 : f32
    %div3A_657 = vector.broadcast %div3A_656 : f32 to vector<16x512xf32>
    %div3A_658 = arith.divf %sub3A_655, %div3A_657 : vector<16x512xf32>
    %integer_pow3A_659 = arith.mulf %div3A_658, %div3A_658 : vector<16x512xf32>
    %neg3A_660 = arith.constant 0.000000e+00 : f32
    %neg3A_661 = vector.broadcast %neg3A_660 : f32 to vector<16x512xf32>
    %neg3A_662 = arith.subf %neg3A_661, %integer_pow3A_659 : vector<16x512xf32>
    %exp3A_663 = math.exp %neg3A_662 : vector<16x512xf32>
    %get3A_664 = arith.constant 0 : index
    %get3A_665 = arith.constant 5 : index
    %get3A_666 = arith.constant 0 : index
    %get3A_667 = vector.load %arg3[%get3A_664, %get3A_665, %get3A_666] : memref<1x32x512xi32, #tpu.memory_space<vmem>>, vector<1x1x512xi32>
    %get3A_668 = vector.shape_cast %get3A_667 : vector<1x1x512xi32> to vector<1x512xi32>
    %convert_element_type3A_669 = arith.sitofp %get3A_668 : vector<1x512xi32> to vector<1x512xf32>
    %sub3A_670 = arith.subf %convert_element_type3A_669, %convert_element_type3A : vector<1x512xf32>
    %mul3A_671 = vector.broadcast %sub3A_670 : vector<1x512xf32> to vector<8x512xf32>
    %mul3A_672 = vector.broadcast %exp3A : vector<8x1xf32> to vector<8x512xf32>
    %mul3A_673 = arith.mulf %mul3A_671, %mul3A_672 : vector<8x512xf32>
    %cos3A_674 = math.cos %mul3A_673 : vector<8x512xf32>
    %sin3A_675 = math.sin %mul3A_673 : vector<8x512xf32>
    %concatenate3A_676 = tpu.concatenate %cos3A_674, %sin3A_675 in 0 : vector<8x512xf32>, vector<8x512xf32> -> vector<16x512xf32>
    %get3A_677 = arith.constant 0 : index
    %get3A_678 = arith.constant 5 : index
    %get3A_679 = arith.constant 0 : index
    %get3A_680 = vector.load %arg4[%get3A_677, %get3A_678, %get3A_679] : memref<1x32x512xf32, #tpu.memory_space<vmem>>, vector<1x1x512xf32>
    %get3A_681 = vector.shape_cast %get3A_680 : vector<1x1x512xf32> to vector<1x512xf32>
    %sub3A_682 = arith.subf %get3A_681, %get3A_5 : vector<1x512xf32>
    %get3A_683 = arith.constant 0 : index
    %get3A_684 = arith.constant 5 : index
    %get3A_685 = arith.constant 0 : index
    %get3A_686 = vector.load %arg5[%get3A_683, %get3A_684, %get3A_685] : memref<1x32x512xf32, #tpu.memory_space<vmem>>, vector<1x1x512xf32>
    %get3A_687 = vector.shape_cast %get3A_686 : vector<1x1x512xf32> to vector<1x512xf32>
    %sub3A_688 = arith.subf %get3A_687, %get3A_10 : vector<1x512xf32>
    %get3A_689 = arith.constant 0 : index
    %get3A_690 = arith.constant 5 : index
    %get3A_691 = arith.constant 0 : index
    %get3A_692 = vector.load %arg6[%get3A_689, %get3A_690, %get3A_691] : memref<1x32x512xf32, #tpu.memory_space<vmem>>, vector<1x1x512xf32>
    %get3A_693 = vector.shape_cast %get3A_692 : vector<1x1x512xf32> to vector<1x512xf32>
    %sub3A_694 = arith.subf %get3A_693, %get3A_15 : vector<1x512xf32>
    %mul3A_695 = arith.mulf %sub3A_682, %sub3A_682 : vector<1x512xf32>
    %mul3A_696 = arith.mulf %sub3A_688, %sub3A_688 : vector<1x512xf32>
    %add3A_697 = arith.addf %mul3A_695, %mul3A_696 : vector<1x512xf32>
    %mul3A_698 = arith.mulf %sub3A_694, %sub3A_694 : vector<1x512xf32>
    %add3A_699 = arith.addf %add3A_697, %mul3A_698 : vector<1x512xf32>
    %sqrt3A_700 = math.sqrt %add3A_699 : vector<1x512xf32>
    %max3A_701 = arith.constant 9.99999996E-13 : f32
    %max3A_702 = vector.broadcast %max3A_701 : f32 to vector<1x512xf32>
    %max3A_703 = arith.maximumf %sqrt3A_700, %max3A_702 : vector<1x512xf32>
    %div3A_704 = arith.constant 1.000000e+00 : f32
    %div3A_705 = vector.broadcast %div3A_704 : f32 to vector<1x512xf32>
    %div3A_706 = arith.divf %div3A_705, %max3A_703 : vector<1x512xf32>
    %mul3A_707 = arith.mulf %sub3A_682, %div3A_706 : vector<1x512xf32>
    %mul3A_708 = vector.broadcast %get3A_19 : f32 to vector<1x512xf32>
    %mul3A_709 = arith.mulf %mul3A_707, %mul3A_708 : vector<1x512xf32>
    %mul3A_710 = arith.mulf %sub3A_688, %div3A_706 : vector<1x512xf32>
    %mul3A_711 = vector.broadcast %get3A_19 : f32 to vector<1x512xf32>
    %mul3A_712 = arith.mulf %mul3A_710, %mul3A_711 : vector<1x512xf32>
    %mul3A_713 = arith.mulf %sub3A_694, %div3A_706 : vector<1x512xf32>
    %mul3A_714 = vector.broadcast %get3A_19 : f32 to vector<1x512xf32>
    %mul3A_715 = arith.mulf %mul3A_713, %mul3A_714 : vector<1x512xf32>
    %mul3A_716 = arith.mulf %mul3A_709, %mul3A_709 : vector<1x512xf32>
    %mul3A_717 = arith.mulf %mul3A_712, %mul3A_712 : vector<1x512xf32>
    %add3A_718 = arith.addf %mul3A_716, %mul3A_717 : vector<1x512xf32>
    %mul3A_719 = arith.mulf %mul3A_715, %mul3A_715 : vector<1x512xf32>
    %add3A_720 = arith.addf %add3A_718, %mul3A_719 : vector<1x512xf32>
    %add3A_721 = arith.constant 9.99999993E-9 : f32
    %add3A_722 = vector.broadcast %add3A_721 : f32 to vector<1x512xf32>
    %add3A_723 = arith.addf %add3A_720, %add3A_722 : vector<1x512xf32>
    %sqrt3A_724 = math.sqrt %add3A_723 : vector<1x512xf32>
    %concatenate3A_725 = tpu.concatenate %exp3A_663, %concatenate3A_676, %sqrt3A_724 in 0 : vector<16x512xf32>, vector<16x512xf32>, vector<1x512xf32> -> vector<33x512xf32>
    %dot_general3A_726 = arith.constant dense<0.000000e+00> : vector<32x512xf32>
    %dot_general3A_727 = tpu.matmul %get3A_26, %concatenate3A_725, %dot_general3A_726 {dimension_numbers = #tpu.dot_dimension_numbers<[1], [0], [0], [1], [0, 0, 1, 1], [], []>, transpose_lhs_hint = false} : vector<32x33xf32>, vector<33x512xf32>, vector<32x512xf32> -> vector<32x512xf32>
    %add3A_728 = vector.broadcast %get3A_29 : vector<32x1xf32> to vector<32x512xf32>
    %add3A_729 = arith.addf %dot_general3A_727, %add3A_728 : vector<32x512xf32>
    %reduce_sum3A_730 = arith.constant dense<0.000000e+00> : vector<512xf32>
    %reduce_sum3A_731 = vector.multi_reduction <add>, %add3A_729, %reduce_sum3A_730 [0] : vector<32x512xf32> to vector<512xf32>
    %broadcast_in_dim3A_732 = vector.shape_cast %reduce_sum3A_731 : vector<512xf32> to vector<1x512xf32>
    %div3A_733 = arith.constant 3.200000e+01 : f32
    %div3A_734 = vector.broadcast %div3A_733 : f32 to vector<1x512xf32>
    %div3A_735 = arith.divf %broadcast_in_dim3A_732, %div3A_734 : vector<1x512xf32>
    %sub3A_736 = vector.broadcast %div3A_735 : vector<1x512xf32> to vector<32x512xf32>
    %sub3A_737 = arith.subf %add3A_729, %sub3A_736 : vector<32x512xf32>
    %integer_pow3A_738 = arith.mulf %sub3A_737, %sub3A_737 : vector<32x512xf32>
    %reduce_sum3A_739 = arith.constant dense<0.000000e+00> : vector<512xf32>
    %reduce_sum3A_740 = vector.multi_reduction <add>, %integer_pow3A_738, %reduce_sum3A_739 [0] : vector<32x512xf32> to vector<512xf32>
    %broadcast_in_dim3A_741 = vector.shape_cast %reduce_sum3A_740 : vector<512xf32> to vector<1x512xf32>
    %div3A_742 = arith.constant 3.200000e+01 : f32
    %div3A_743 = vector.broadcast %div3A_742 : f32 to vector<1x512xf32>
    %div3A_744 = arith.divf %broadcast_in_dim3A_741, %div3A_743 : vector<1x512xf32>
    %sub3A_745 = vector.broadcast %div3A_735 : vector<1x512xf32> to vector<32x512xf32>
    %sub3A_746 = arith.subf %add3A_729, %sub3A_745 : vector<32x512xf32>
    %add3A_747 = arith.constant 9.99999974E-6 : f32
    %add3A_748 = vector.broadcast %add3A_747 : f32 to vector<1x512xf32>
    %add3A_749 = arith.addf %div3A_744, %add3A_748 : vector<1x512xf32>
    %sqrt3A_750 = math.sqrt %add3A_749 : vector<1x512xf32>
    %div3A_751 = vector.broadcast %sqrt3A_750 : vector<1x512xf32> to vector<32x512xf32>
    %div3A_752 = arith.divf %sub3A_746, %div3A_751 : vector<32x512xf32>
    %mul3A_753 = vector.broadcast %get3A_32 : vector<32x1xf32> to vector<32x512xf32>
    %mul3A_754 = arith.mulf %div3A_752, %mul3A_753 : vector<32x512xf32>
    %add3A_755 = vector.broadcast %get3A_35 : vector<32x1xf32> to vector<32x512xf32>
    %add3A_756 = arith.addf %mul3A_754, %add3A_755 : vector<32x512xf32>
    %mul3A_757 = vector.broadcast %get3A_23 : f32 to vector<1x512xf32>
    %mul3A_758 = arith.mulf %mul3A_709, %mul3A_757 : vector<1x512xf32>
    %mul3A_759 = vector.broadcast %get3A_23 : f32 to vector<1x512xf32>
    %mul3A_760 = arith.mulf %mul3A_712, %mul3A_759 : vector<1x512xf32>
    %mul3A_761 = vector.broadcast %get3A_23 : f32 to vector<1x512xf32>
    %mul3A_762 = arith.mulf %mul3A_715, %mul3A_761 : vector<1x512xf32>
    %concatenate3A_763 = tpu.concatenate %mul3A_758, %mul3A_760, %mul3A_762, %add3A_756 in 0 : vector<1x512xf32>, vector<1x512xf32>, vector<1x512xf32>, vector<32x512xf32> -> vector<35x512xf32>
    %swap3A_764 = arith.constant 0 : index
    %swap3A_765 = arith.constant 5 : index
    %swap3A_766 = arith.constant 0 : index
    %swap3A_767 = arith.constant 0 : index
    %swap3A_768 = vector.load %arg14[%swap3A_764, %swap3A_765, %swap3A_766, %swap3A_767] : memref<1x30x35x512xf32, #tpu.memory_space<vmem>>, vector<1x1x35x512xf32>
    %swap3A_769 = vector.shape_cast %swap3A_768 : vector<1x1x35x512xf32> to vector<35x512xf32>
    %swap3A_770 = vector.shape_cast %concatenate3A_763 : vector<35x512xf32> to vector<1x1x35x512xf32>
    tpu.vector_store %arg14[%swap3A_764, %swap3A_765, %swap3A_766, %swap3A_767], %swap3A_770 {strides = array<i32>} : memref<1x30x35x512xf32, #tpu.memory_space<vmem>>, vector<1x1x35x512xf32>,
    %get3A_771 = arith.constant 0 : index
    %get3A_772 = arith.constant 6 : index
    %get3A_773 = arith.constant 0 : index
    %get3A_774 = vector.load %arg2[%get3A_771, %get3A_772, %get3A_773] : memref<1x32x512xf32, #tpu.memory_space<vmem>>, vector<1x1x512xf32>
    %get3A_775 = vector.shape_cast %get3A_774 : vector<1x1x512xf32> to vector<1x512xf32>
    %sub3A_776 = vector.broadcast %get3A_775 : vector<1x512xf32> to vector<16x512xf32>
    %sub3A_777 = vector.broadcast %mul3A_40 : vector<16x1xf32> to vector<16x512xf32>
    %sub3A_778 = arith.subf %sub3A_776, %sub3A_777 : vector<16x512xf32>
    %div3A_779 = arith.constant 1.250000e+00 : f32
    %div3A_780 = vector.broadcast %div3A_779 : f32 to vector<16x512xf32>
    %div3A_781 = arith.divf %sub3A_778, %div3A_780 : vector<16x512xf32>
    %integer_pow3A_782 = arith.mulf %div3A_781, %div3A_781 : vector<16x512xf32>
    %neg3A_783 = arith.constant 0.000000e+00 : f32
    %neg3A_784 = vector.broadcast %neg3A_783 : f32 to vector<16x512xf32>
    %neg3A_785 = arith.subf %neg3A_784, %integer_pow3A_782 : vector<16x512xf32>
    %exp3A_786 = math.exp %neg3A_785 : vector<16x512xf32>
    %get3A_787 = arith.constant 0 : index
    %get3A_788 = arith.constant 6 : index
    %get3A_789 = arith.constant 0 : index
    %get3A_790 = vector.load %arg3[%get3A_787, %get3A_788, %get3A_789] : memref<1x32x512xi32, #tpu.memory_space<vmem>>, vector<1x1x512xi32>
    %get3A_791 = vector.shape_cast %get3A_790 : vector<1x1x512xi32> to vector<1x512xi32>
    %convert_element_type3A_792 = arith.sitofp %get3A_791 : vector<1x512xi32> to vector<1x512xf32>
    %sub3A_793 = arith.subf %convert_element_type3A_792, %convert_element_type3A : vector<1x512xf32>
    %mul3A_794 = vector.broadcast %sub3A_793 : vector<1x512xf32> to vector<8x512xf32>
    %mul3A_795 = vector.broadcast %exp3A : vector<8x1xf32> to vector<8x512xf32>
    %mul3A_796 = arith.mulf %mul3A_794, %mul3A_795 : vector<8x512xf32>
    %cos3A_797 = math.cos %mul3A_796 : vector<8x512xf32>
    %sin3A_798 = math.sin %mul3A_796 : vector<8x512xf32>
    %concatenate3A_799 = tpu.concatenate %cos3A_797, %sin3A_798 in 0 : vector<8x512xf32>, vector<8x512xf32> -> vector<16x512xf32>
    %get3A_800 = arith.constant 0 : index
    %get3A_801 = arith.constant 6 : index
    %get3A_802 = arith.constant 0 : index
    %get3A_803 = vector.load %arg4[%get3A_800, %get3A_801, %get3A_802] : memref<1x32x512xf32, #tpu.memory_space<vmem>>, vector<1x1x512xf32>
    %get3A_804 = vector.shape_cast %get3A_803 : vector<1x1x512xf32> to vector<1x512xf32>
    %sub3A_805 = arith.subf %get3A_804, %get3A_5 : vector<1x512xf32>
    %get3A_806 = arith.constant 0 : index
    %get3A_807 = arith.constant 6 : index
    %get3A_808 = arith.constant 0 : index
    %get3A_809 = vector.load %arg5[%get3A_806, %get3A_807, %get3A_808] : memref<1x32x512xf32, #tpu.memory_space<vmem>>, vector<1x1x512xf32>
    %get3A_810 = vector.shape_cast %get3A_809 : vector<1x1x512xf32> to vector<1x512xf32>
    %sub3A_811 = arith.subf %get3A_810, %get3A_10 : vector<1x512xf32>
    %get3A_812 = arith.constant 0 : index
    %get3A_813 = arith.constant 6 : index
    %get3A_814 = arith.constant 0 : index
    %get3A_815 = vector.load %arg6[%get3A_812, %get3A_813, %get3A_814] : memref<1x32x512xf32, #tpu.memory_space<vmem>>, vector<1x1x512xf32>
    %get3A_816 = vector.shape_cast %get3A_815 : vector<1x1x512xf32> to vector<1x512xf32>
    %sub3A_817 = arith.subf %get3A_816, %get3A_15 : vector<1x512xf32>
    %mul3A_818 = arith.mulf %sub3A_805, %sub3A_805 : vector<1x512xf32>
    %mul3A_819 = arith.mulf %sub3A_811, %sub3A_811 : vector<1x512xf32>
    %add3A_820 = arith.addf %mul3A_818, %mul3A_819 : vector<1x512xf32>
    %mul3A_821 = arith.mulf %sub3A_817, %sub3A_817 : vector<1x512xf32>
    %add3A_822 = arith.addf %add3A_820, %mul3A_821 : vector<1x512xf32>
    %sqrt3A_823 = math.sqrt %add3A_822 : vector<1x512xf32>
    %max3A_824 = arith.constant 9.99999996E-13 : f32
    %max3A_825 = vector.broadcast %max3A_824 : f32 to vector<1x512xf32>
    %max3A_826 = arith.maximumf %sqrt3A_823, %max3A_825 : vector<1x512xf32>
    %div3A_827 = arith.constant 1.000000e+00 : f32
    %div3A_828 = vector.broadcast %div3A_827 : f32 to vector<1x512xf32>
    %div3A_829 = arith.divf %div3A_828, %max3A_826 : vector<1x512xf32>
    %mul3A_830 = arith.mulf %sub3A_805, %div3A_829 : vector<1x512xf32>
    %mul3A_831 = vector.broadcast %get3A_19 : f32 to vector<1x512xf32>
    %mul3A_832 = arith.mulf %mul3A_830, %mul3A_831 : vector<1x512xf32>
    %mul3A_833 = arith.mulf %sub3A_811, %div3A_829 : vector<1x512xf32>
    %mul3A_834 = vector.broadcast %get3A_19 : f32 to vector<1x512xf32>
    %mul3A_835 = arith.mulf %mul3A_833, %mul3A_834 : vector<1x512xf32>
    %mul3A_836 = arith.mulf %sub3A_817, %div3A_829 : vector<1x512xf32>
    %mul3A_837 = vector.broadcast %get3A_19 : f32 to vector<1x512xf32>
    %mul3A_838 = arith.mulf %mul3A_836, %mul3A_837 : vector<1x512xf32>
    %mul3A_839 = arith.mulf %mul3A_832, %mul3A_832 : vector<1x512xf32>
    %mul3A_840 = arith.mulf %mul3A_835, %mul3A_835 : vector<1x512xf32>
    %add3A_841 = arith.addf %mul3A_839, %mul3A_840 : vector<1x512xf32>
    %mul3A_842 = arith.mulf %mul3A_838, %mul3A_838 : vector<1x512xf32>
    %add3A_843 = arith.addf %add3A_841, %mul3A_842 : vector<1x512xf32>
    %add3A_844 = arith.constant 9.99999993E-9 : f32
    %add3A_845 = vector.broadcast %add3A_844 : f32 to vector<1x512xf32>
    %add3A_846 = arith.addf %add3A_843, %add3A_845 : vector<1x512xf32>
    %sqrt3A_847 = math.sqrt %add3A_846 : vector<1x512xf32>
    %concatenate3A_848 = tpu.concatenate %exp3A_786, %concatenate3A_799, %sqrt3A_847 in 0 : vector<16x512xf32>, vector<16x512xf32>, vector<1x512xf32> -> vector<33x512xf32>
    %dot_general3A_849 = arith.constant dense<0.000000e+00> : vector<32x512xf32>
    %dot_general3A_850 = tpu.matmul %get3A_26, %concatenate3A_848, %dot_general3A_849 {dimension_numbers = #tpu.dot_dimension_numbers<[1], [0], [0], [1], [0, 0, 1, 1], [], []>, transpose_lhs_hint = false} : vector<32x33xf32>, vector<33x512xf32>, vector<32x512xf32> -> vector<32x512xf32>
    %add3A_851 = vector.broadcast %get3A_29 : vector<32x1xf32> to vector<32x512xf32>
    %add3A_852 = arith.addf %dot_general3A_850, %add3A_851 : vector<32x512xf32>
    %reduce_sum3A_853 = arith.constant dense<0.000000e+00> : vector<512xf32>
    %reduce_sum3A_854 = vector.multi_reduction <add>, %add3A_852, %reduce_sum3A_853 [0] : vector<32x512xf32> to vector<512xf32>
    %broadcast_in_dim3A_855 = vector.shape_cast %reduce_sum3A_854 : vector<512xf32> to vector<1x512xf32>
    %div3A_856 = arith.constant 3.200000e+01 : f32
    %div3A_857 = vector.broadcast %div3A_856 : f32 to vector<1x512xf32>
    %div3A_858 = arith.divf %broadcast_in_dim3A_855, %div3A_857 : vector<1x512xf32>
    %sub3A_859 = vector.broadcast %div3A_858 : vector<1x512xf32> to vector<32x512xf32>
    %sub3A_860 = arith.subf %add3A_852, %sub3A_859 : vector<32x512xf32>
    %integer_pow3A_861 = arith.mulf %sub3A_860, %sub3A_860 : vector<32x512xf32>
    %reduce_sum3A_862 = arith.constant dense<0.000000e+00> : vector<512xf32>
    %reduce_sum3A_863 = vector.multi_reduction <add>, %integer_pow3A_861, %reduce_sum3A_862 [0] : vector<32x512xf32> to vector<512xf32>
    %broadcast_in_dim3A_864 = vector.shape_cast %reduce_sum3A_863 : vector<512xf32> to vector<1x512xf32>
    %div3A_865 = arith.constant 3.200000e+01 : f32
    %div3A_866 = vector.broadcast %div3A_865 : f32 to vector<1x512xf32>
    %div3A_867 = arith.divf %broadcast_in_dim3A_864, %div3A_866 : vector<1x512xf32>
    %sub3A_868 = vector.broadcast %div3A_858 : vector<1x512xf32> to vector<32x512xf32>
    %sub3A_869 = arith.subf %add3A_852, %sub3A_868 : vector<32x512xf32>
    %add3A_870 = arith.constant 9.99999974E-6 : f32
    %add3A_871 = vector.broadcast %add3A_870 : f32 to vector<1x512xf32>
    %add3A_872 = arith.addf %div3A_867, %add3A_871 : vector<1x512xf32>
    %sqrt3A_873 = math.sqrt %add3A_872 : vector<1x512xf32>
    %div3A_874 = vector.broadcast %sqrt3A_873 : vector<1x512xf32> to vector<32x512xf32>
    %div3A_875 = arith.divf %sub3A_869, %div3A_874 : vector<32x512xf32>
    %mul3A_876 = vector.broadcast %get3A_32 : vector<32x1xf32> to vector<32x512xf32>
    %mul3A_877 = arith.mulf %div3A_875, %mul3A_876 : vector<32x512xf32>
    %add3A_878 = vector.broadcast %get3A_35 : vector<32x1xf32> to vector<32x512xf32>
    %add3A_879 = arith.addf %mul3A_877, %add3A_878 : vector<32x512xf32>
    %mul3A_880 = vector.broadcast %get3A_23 : f32 to vector<1x512xf32>
    %mul3A_881 = arith.mulf %mul3A_832, %mul3A_880 : vector<1x512xf32>
    %mul3A_882 = vector.broadcast %get3A_23 : f32 to vector<1x512xf32>
    %mul3A_883 = arith.mulf %mul3A_835, %mul3A_882 : vector<1x512xf32>
    %mul3A_884 = vector.broadcast %get3A_23 : f32 to vector<1x512xf32>
    %mul3A_885 = arith.mulf %mul3A_838, %mul3A_884 : vector<1x512xf32>
    %concatenate3A_886 = tpu.concatenate %mul3A_881, %mul3A_883, %mul3A_885, %add3A_879 in 0 : vector<1x512xf32>, vector<1x512xf32>, vector<1x512xf32>, vector<32x512xf32> -> vector<35x512xf32>
    %swap3A_887 = arith.constant 0 : index
    %swap3A_888 = arith.constant 6 : index
    %swap3A_889 = arith.constant 0 : index
    %swap3A_890 = arith.constant 0 : index
    %swap3A_891 = vector.load %arg14[%swap3A_887, %swap3A_888, %swap3A_889, %swap3A_890] : memref<1x30x35x512xf32, #tpu.memory_space<vmem>>, vector<1x1x35x512xf32>
    %swap3A_892 = vector.shape_cast %swap3A_891 : vector<1x1x35x512xf32> to vector<35x512xf32>
    %swap3A_893 = vector.shape_cast %concatenate3A_886 : vector<35x512xf32> to vector<1x1x35x512xf32>
    tpu.vector_store %arg14[%swap3A_887, %swap3A_888, %swap3A_889, %swap3A_890], %swap3A_893 {strides = array<i32>} : memref<1x30x35x512xf32, #tpu.memory_space<vmem>>, vector<1x1x35x512xf32>,
    %get3A_894 = arith.constant 0 : index
    %get3A_895 = arith.constant 7 : index
    %get3A_896 = arith.constant 0 : index
    %get3A_897 = vector.load %arg2[%get3A_894, %get3A_895, %get3A_896] : memref<1x32x512xf32, #tpu.memory_space<vmem>>, vector<1x1x512xf32>
    %get3A_898 = vector.shape_cast %get3A_897 : vector<1x1x512xf32> to vector<1x512xf32>
    %sub3A_899 = vector.broadcast %get3A_898 : vector<1x512xf32> to vector<16x512xf32>
    %sub3A_900 = vector.broadcast %mul3A_40 : vector<16x1xf32> to vector<16x512xf32>
    %sub3A_901 = arith.subf %sub3A_899, %sub3A_900 : vector<16x512xf32>
    %div3A_902 = arith.constant 1.250000e+00 : f32
    %div3A_903 = vector.broadcast %div3A_902 : f32 to vector<16x512xf32>
    %div3A_904 = arith.divf %sub3A_901, %div3A_903 : vector<16x512xf32>
    %integer_pow3A_905 = arith.mulf %div3A_904, %div3A_904 : vector<16x512xf32>
    %neg3A_906 = arith.constant 0.000000e+00 : f32
    %neg3A_907 = vector.broadcast %neg3A_906 : f32 to vector<16x512xf32>
    %neg3A_908 = arith.subf %neg3A_907, %integer_pow3A_905 : vector<16x512xf32>
    %exp3A_909 = math.exp %neg3A_908 : vector<16x512xf32>
    %get3A_910 = arith.constant 0 : index
    %get3A_911 = arith.constant 7 : index
    %get3A_912 = arith.constant 0 : index
    %get3A_913 = vector.load %arg3[%get3A_910, %get3A_911, %get3A_912] : memref<1x32x512xi32, #tpu.memory_space<vmem>>, vector<1x1x512xi32>
    %get3A_914 = vector.shape_cast %get3A_913 : vector<1x1x512xi32> to vector<1x512xi32>
    %convert_element_type3A_915 = arith.sitofp %get3A_914 : vector<1x512xi32> to vector<1x512xf32>
    %sub3A_916 = arith.subf %convert_element_type3A_915, %convert_element_type3A : vector<1x512xf32>
    %mul3A_917 = vector.broadcast %sub3A_916 : vector<1x512xf32> to vector<8x512xf32>
    %mul3A_918 = vector.broadcast %exp3A : vector<8x1xf32> to vector<8x512xf32>
    %mul3A_919 = arith.mulf %mul3A_917, %mul3A_918 : vector<8x512xf32>
    %cos3A_920 = math.cos %mul3A_919 : vector<8x512xf32>
    %sin3A_921 = math.sin %mul3A_919 : vector<8x512xf32>
    %concatenate3A_922 = tpu.concatenate %cos3A_920, %sin3A_921 in 0 : vector<8x512xf32>, vector<8x512xf32> -> vector<16x512xf32>
    %get3A_923 = arith.constant 0 : index
    %get3A_924 = arith.constant 7 : index
    %get3A_925 = arith.constant 0 : index
    %get3A_926 = vector.load %arg4[%get3A_923, %get3A_924, %get3A_925] : memref<1x32x512xf32, #tpu.memory_space<vmem>>, vector<1x1x512xf32>
    %get3A_927 = vector.shape_cast %get3A_926 : vector<1x1x512xf32> to vector<1x512xf32>
    %sub3A_928 = arith.subf %get3A_927, %get3A_5 : vector<1x512xf32>
    %get3A_929 = arith.constant 0 : index
    %get3A_930 = arith.constant 7 : index
    %get3A_931 = arith.constant 0 : index
    %get3A_932 = vector.load %arg5[%get3A_929, %get3A_930, %get3A_931] : memref<1x32x512xf32, #tpu.memory_space<vmem>>, vector<1x1x512xf32>
    %get3A_933 = vector.shape_cast %get3A_932 : vector<1x1x512xf32> to vector<1x512xf32>
    %sub3A_934 = arith.subf %get3A_933, %get3A_10 : vector<1x512xf32>
    %get3A_935 = arith.constant 0 : index
    %get3A_936 = arith.constant 7 : index
    %get3A_937 = arith.constant 0 : index
    %get3A_938 = vector.load %arg6[%get3A_935, %get3A_936, %get3A_937] : memref<1x32x512xf32, #tpu.memory_space<vmem>>, vector<1x1x512xf32>
    %get3A_939 = vector.shape_cast %get3A_938 : vector<1x1x512xf32> to vector<1x512xf32>
    %sub3A_940 = arith.subf %get3A_939, %get3A_15 : vector<1x512xf32>
    %mul3A_941 = arith.mulf %sub3A_928, %sub3A_928 : vector<1x512xf32>
    %mul3A_942 = arith.mulf %sub3A_934, %sub3A_934 : vector<1x512xf32>
    %add3A_943 = arith.addf %mul3A_941, %mul3A_942 : vector<1x512xf32>
    %mul3A_944 = arith.mulf %sub3A_940, %sub3A_940 : vector<1x512xf32>
    %add3A_945 = arith.addf %add3A_943, %mul3A_944 : vector<1x512xf32>
    %sqrt3A_946 = math.sqrt %add3A_945 : vector<1x512xf32>
    %max3A_947 = arith.constant 9.99999996E-13 : f32
    %max3A_948 = vector.broadcast %max3A_947 : f32 to vector<1x512xf32>
    %max3A_949 = arith.maximumf %sqrt3A_946, %max3A_948 : vector<1x512xf32>
    %div3A_950 = arith.constant 1.000000e+00 : f32
    %div3A_951 = vector.broadcast %div3A_950 : f32 to vector<1x512xf32>
    %div3A_952 = arith.divf %div3A_951, %max3A_949 : vector<1x512xf32>
    %mul3A_953 = arith.mulf %sub3A_928, %div3A_952 : vector<1x512xf32>
    %mul3A_954 = vector.broadcast %get3A_19 : f32 to vector<1x512xf32>
    %mul3A_955 = arith.mulf %mul3A_953, %mul3A_954 : vector<1x512xf32>
    %mul3A_956 = arith.mulf %sub3A_934, %div3A_952 : vector<1x512xf32>
    %mul3A_957 = vector.broadcast %get3A_19 : f32 to vector<1x512xf32>
    %mul3A_958 = arith.mulf %mul3A_956, %mul3A_957 : vector<1x512xf32>
    %mul3A_959 = arith.mulf %sub3A_940, %div3A_952 : vector<1x512xf32>
    %mul3A_960 = vector.broadcast %get3A_19 : f32 to vector<1x512xf32>
    %mul3A_961 = arith.mulf %mul3A_959, %mul3A_960 : vector<1x512xf32>
    %mul3A_962 = arith.mulf %mul3A_955, %mul3A_955 : vector<1x512xf32>
    %mul3A_963 = arith.mulf %mul3A_958, %mul3A_958 : vector<1x512xf32>
    %add3A_964 = arith.addf %mul3A_962, %mul3A_963 : vector<1x512xf32>
    %mul3A_965 = arith.mulf %mul3A_961, %mul3A_961 : vector<1x512xf32>
    %add3A_966 = arith.addf %add3A_964, %mul3A_965 : vector<1x512xf32>
    %add3A_967 = arith.constant 9.99999993E-9 : f32
    %add3A_968 = vector.broadcast %add3A_967 : f32 to vector<1x512xf32>
    %add3A_969 = arith.addf %add3A_966, %add3A_968 : vector<1x512xf32>
    %sqrt3A_970 = math.sqrt %add3A_969 : vector<1x512xf32>
    %concatenate3A_971 = tpu.concatenate %exp3A_909, %concatenate3A_922, %sqrt3A_970 in 0 : vector<16x512xf32>, vector<16x512xf32>, vector<1x512xf32> -> vector<33x512xf32>
    %dot_general3A_972 = arith.constant dense<0.000000e+00> : vector<32x512xf32>
    %dot_general3A_973 = tpu.matmul %get3A_26, %concatenate3A_971, %dot_general3A_972 {dimension_numbers = #tpu.dot_dimension_numbers<[1], [0], [0], [1], [0, 0, 1, 1], [], []>, transpose_lhs_hint = false} : vector<32x33xf32>, vector<33x512xf32>, vector<32x512xf32> -> vector<32x512xf32>
    %add3A_974 = vector.broadcast %get3A_29 : vector<32x1xf32> to vector<32x512xf32>
    %add3A_975 = arith.addf %dot_general3A_973, %add3A_974 : vector<32x512xf32>
    %reduce_sum3A_976 = arith.constant dense<0.000000e+00> : vector<512xf32>
    %reduce_sum3A_977 = vector.multi_reduction <add>, %add3A_975, %reduce_sum3A_976 [0] : vector<32x512xf32> to vector<512xf32>
    %broadcast_in_dim3A_978 = vector.shape_cast %reduce_sum3A_977 : vector<512xf32> to vector<1x512xf32>
    %div3A_979 = arith.constant 3.200000e+01 : f32
    %div3A_980 = vector.broadcast %div3A_979 : f32 to vector<1x512xf32>
    %div3A_981 = arith.divf %broadcast_in_dim3A_978, %div3A_980 : vector<1x512xf32>
    %sub3A_982 = vector.broadcast %div3A_981 : vector<1x512xf32> to vector<32x512xf32>
    %sub3A_983 = arith.subf %add3A_975, %sub3A_982 : vector<32x512xf32>
    %integer_pow3A_984 = arith.mulf %sub3A_983, %sub3A_983 : vector<32x512xf32>
    %reduce_sum3A_985 = arith.constant dense<0.000000e+00> : vector<512xf32>
    %reduce_sum3A_986 = vector.multi_reduction <add>, %integer_pow3A_984, %reduce_sum3A_985 [0] : vector<32x512xf32> to vector<512xf32>
    %broadcast_in_dim3A_987 = vector.shape_cast %reduce_sum3A_986 : vector<512xf32> to vector<1x512xf32>
    %div3A_988 = arith.constant 3.200000e+01 : f32
    %div3A_989 = vector.broadcast %div3A_988 : f32 to vector<1x512xf32>
    %div3A_990 = arith.divf %broadcast_in_dim3A_987, %div3A_989 : vector<1x512xf32>
    %sub3A_991 = vector.broadcast %div3A_981 : vector<1x512xf32> to vector<32x512xf32>
    %sub3A_992 = arith.subf %add3A_975, %sub3A_991 : vector<32x512xf32>
    %add3A_993 = arith.constant 9.99999974E-6 : f32
    %add3A_994 = vector.broadcast %add3A_993 : f32 to vector<1x512xf32>
    %add3A_995 = arith.addf %div3A_990, %add3A_994 : vector<1x512xf32>
    %sqrt3A_996 = math.sqrt %add3A_995 : vector<1x512xf32>
    %div3A_997 = vector.broadcast %sqrt3A_996 : vector<1x512xf32> to vector<32x512xf32>
    %div3A_998 = arith.divf %sub3A_992, %div3A_997 : vector<32x512xf32>
    %mul3A_999 = vector.broadcast %get3A_32 : vector<32x1xf32> to vector<32x512xf32>
    %mul3A_1000 = arith.mulf %div3A_998, %mul3A_999 : vector<32x512xf32>
    %add3A_1001 = vector.broadcast %get3A_35 : vector<32x1xf32> to vector<32x512xf32>
    %add3A_1002 = arith.addf %mul3A_1000, %add3A_1001 : vector<32x512xf32>
    %mul3A_1003 = vector.broadcast %get3A_23 : f32 to vector<1x512xf32>
    %mul3A_1004 = arith.mulf %mul3A_955, %mul3A_1003 : vector<1x512xf32>
    %mul3A_1005 = vector.broadcast %get3A_23 : f32 to vector<1x512xf32>
    %mul3A_1006 = arith.mulf %mul3A_958, %mul3A_1005 : vector<1x512xf32>
    %mul3A_1007 = vector.broadcast %get3A_23 : f32 to vector<1x512xf32>
    %mul3A_1008 = arith.mulf %mul3A_961, %mul3A_1007 : vector<1x512xf32>
    %concatenate3A_1009 = tpu.concatenate %mul3A_1004, %mul3A_1006, %mul3A_1008, %add3A_1002 in 0 : vector<1x512xf32>, vector<1x512xf32>, vector<1x512xf32>, vector<32x512xf32> -> vector<35x512xf32>
    %swap3A_1010 = arith.constant 0 : index
    %swap3A_1011 = arith.constant 7 : index
    %swap3A_1012 = arith.constant 0 : index
    %swap3A_1013 = arith.constant 0 : index
    %swap3A_1014 = vector.load %arg14[%swap3A_1010, %swap3A_1011, %swap3A_1012, %swap3A_1013] : memref<1x30x35x512xf32, #tpu.memory_space<vmem>>, vector<1x1x35x512xf32>
    %swap3A_1015 = vector.shape_cast %swap3A_1014 : vector<1x1x35x512xf32> to vector<35x512xf32>
    %swap3A_1016 = vector.shape_cast %concatenate3A_1009 : vector<35x512xf32> to vector<1x1x35x512xf32>
    tpu.vector_store %arg14[%swap3A_1010, %swap3A_1011, %swap3A_1012, %swap3A_1013], %swap3A_1016 {strides = array<i32>} : memref<1x30x35x512xf32, #tpu.memory_space<vmem>>, vector<1x1x35x512xf32>,
    %get3A_1017 = arith.constant 0 : index
    %get3A_1018 = arith.constant 8 : index
    %get3A_1019 = arith.constant 0 : index
    %get3A_1020 = vector.load %arg2[%get3A_1017, %get3A_1018, %get3A_1019] : memref<1x32x512xf32, #tpu.memory_space<vmem>>, vector<1x1x512xf32>
    %get3A_1021 = vector.shape_cast %get3A_1020 : vector<1x1x512xf32> to vector<1x512xf32>
    %sub3A_1022 = vector.broadcast %get3A_1021 : vector<1x512xf32> to vector<16x512xf32>
    %sub3A_1023 = vector.broadcast %mul3A_40 : vector<16x1xf32> to vector<16x512xf32>
    %sub3A_1024 = arith.subf %sub3A_1022, %sub3A_1023 : vector<16x512xf32>
    %div3A_1025 = arith.constant 1.250000e+00 : f32
    %div3A_1026 = vector.broadcast %div3A_1025 : f32 to vector<16x512xf32>
    %div3A_1027 = arith.divf %sub3A_1024, %div3A_1026 : vector<16x512xf32>
    %integer_pow3A_1028 = arith.mulf %div3A_1027, %div3A_1027 : vector<16x512xf32>
    %neg3A_1029 = arith.constant 0.000000e+00 : f32
    %neg3A_1030 = vector.broadcast %neg3A_1029 : f32 to vector<16x512xf32>
    %neg3A_1031 = arith.subf %neg3A_1030, %integer_pow3A_1028 : vector<16x512xf32>
    %exp3A_1032 = math.exp %neg3A_1031 : vector<16x512xf32>
    %get3A_1033 = arith.constant 0 : index
    %get3A_1034 = arith.constant 8 : index
    %get3A_1035 = arith.constant 0 : index
    %get3A_1036 = vector.load %arg3[%get3A_1033, %get3A_1034, %get3A_1035] : memref<1x32x512xi32, #tpu.memory_space<vmem>>, vector<1x1x512xi32>
    %get3A_1037 = vector.shape_cast %get3A_1036 : vector<1x1x512xi32> to vector<1x512xi32>
    %convert_element_type3A_1038 = arith.sitofp %get3A_1037 : vector<1x512xi32> to vector<1x512xf32>
    %sub3A_1039 = arith.subf %convert_element_type3A_1038, %convert_element_type3A : vector<1x512xf32>
    %mul3A_1040 = vector.broadcast %sub3A_1039 : vector<1x512xf32> to vector<8x512xf32>
    %mul3A_1041 = vector.broadcast %exp3A : vector<8x1xf32> to vector<8x512xf32>
    %mul3A_1042 = arith.mulf %mul3A_1040, %mul3A_1041 : vector<8x512xf32>
    %cos3A_1043 = math.cos %mul3A_1042 : vector<8x512xf32>
    %sin3A_1044 = math.sin %mul3A_1042 : vector<8x512xf32>
    %concatenate3A_1045 = tpu.concatenate %cos3A_1043, %sin3A_1044 in 0 : vector<8x512xf32>, vector<8x512xf32> -> vector<16x512xf32>
    %get3A_1046 = arith.constant 0 : index
    %get3A_1047 = arith.constant 8 : index
    %get3A_1048 = arith.constant 0 : index
    %get3A_1049 = vector.load %arg4[%get3A_1046, %get3A_1047, %get3A_1048] : memref<1x32x512xf32, #tpu.memory_space<vmem>>, vector<1x1x512xf32>
    %get3A_1050 = vector.shape_cast %get3A_1049 : vector<1x1x512xf32> to vector<1x512xf32>
    %sub3A_1051 = arith.subf %get3A_1050, %get3A_5 : vector<1x512xf32>
    %get3A_1052 = arith.constant 0 : index
    %get3A_1053 = arith.constant 8 : index
    %get3A_1054 = arith.constant 0 : index
    %get3A_1055 = vector.load %arg5[%get3A_1052, %get3A_1053, %get3A_1054] : memref<1x32x512xf32, #tpu.memory_space<vmem>>, vector<1x1x512xf32>
    %get3A_1056 = vector.shape_cast %get3A_1055 : vector<1x1x512xf32> to vector<1x512xf32>
    %sub3A_1057 = arith.subf %get3A_1056, %get3A_10 : vector<1x512xf32>
    %get3A_1058 = arith.constant 0 : index
    %get3A_1059 = arith.constant 8 : index
    %get3A_1060 = arith.constant 0 : index
    %get3A_1061 = vector.load %arg6[%get3A_1058, %get3A_1059, %get3A_1060] : memref<1x32x512xf32, #tpu.memory_space<vmem>>, vector<1x1x512xf32>
    %get3A_1062 = vector.shape_cast %get3A_1061 : vector<1x1x512xf32> to vector<1x512xf32>
    %sub3A_1063 = arith.subf %get3A_1062, %get3A_15 : vector<1x512xf32>
    %mul3A_1064 = arith.mulf %sub3A_1051, %sub3A_1051 : vector<1x512xf32>
    %mul3A_1065 = arith.mulf %sub3A_1057, %sub3A_1057 : vector<1x512xf32>
    %add3A_1066 = arith.addf %mul3A_1064, %mul3A_1065 : vector<1x512xf32>
    %mul3A_1067 = arith.mulf %sub3A_1063, %sub3A_1063 : vector<1x512xf32>
    %add3A_1068 = arith.addf %add3A_1066, %mul3A_1067 : vector<1x512xf32>
    %sqrt3A_1069 = math.sqrt %add3A_1068 : vector<1x512xf32>
    %max3A_1070 = arith.constant 9.99999996E-13 : f32
    %max3A_1071 = vector.broadcast %max3A_1070 : f32 to vector<1x512xf32>
    %max3A_1072 = arith.maximumf %sqrt3A_1069, %max3A_1071 : vector<1x512xf32>
    %div3A_1073 = arith.constant 1.000000e+00 : f32
    %div3A_1074 = vector.broadcast %div3A_1073 : f32 to vector<1x512xf32>
    %div3A_1075 = arith.divf %div3A_1074, %max3A_1072 : vector<1x512xf32>
    %mul3A_1076 = arith.mulf %sub3A_1051, %div3A_1075 : vector<1x512xf32>
    %mul3A_1077 = vector.broadcast %get3A_19 : f32 to vector<1x512xf32>
    %mul3A_1078 = arith.mulf %mul3A_1076, %mul3A_1077 : vector<1x512xf32>
    %mul3A_1079 = arith.mulf %sub3A_1057, %div3A_1075 : vector<1x512xf32>
    %mul3A_1080 = vector.broadcast %get3A_19 : f32 to vector<1x512xf32>
    %mul3A_1081 = arith.mulf %mul3A_1079, %mul3A_1080 : vector<1x512xf32>
    %mul3A_1082 = arith.mulf %sub3A_1063, %div3A_1075 : vector<1x512xf32>
    %mul3A_1083 = vector.broadcast %get3A_19 : f32 to vector<1x512xf32>
    %mul3A_1084 = arith.mulf %mul3A_1082, %mul3A_1083 : vector<1x512xf32>
    %mul3A_1085 = arith.mulf %mul3A_1078, %mul3A_1078 : vector<1x512xf32>
    %mul3A_1086 = arith.mulf %mul3A_1081, %mul3A_1081 : vector<1x512xf32>
    %add3A_1087 = arith.addf %mul3A_1085, %mul3A_1086 : vector<1x512xf32>
    %mul3A_1088 = arith.mulf %mul3A_1084, %mul3A_1084 : vector<1x512xf32>
    %add3A_1089 = arith.addf %add3A_1087, %mul3A_1088 : vector<1x512xf32>
    %add3A_1090 = arith.constant 9.99999993E-9 : f32
    %add3A_1091 = vector.broadcast %add3A_1090 : f32 to vector<1x512xf32>
    %add3A_1092 = arith.addf %add3A_1089, %add3A_1091 : vector<1x512xf32>
    %sqrt3A_1093 = math.sqrt %add3A_1092 : vector<1x512xf32>
    %concatenate3A_1094 = tpu.concatenate %exp3A_1032, %concatenate3A_1045, %sqrt3A_1093 in 0 : vector<16x512xf32>, vector<16x512xf32>, vector<1x512xf32> -> vector<33x512xf32>
    %dot_general3A_1095 = arith.constant dense<0.000000e+00> : vector<32x512xf32>
    %dot_general3A_1096 = tpu.matmul %get3A_26, %concatenate3A_1094, %dot_general3A_1095 {dimension_numbers = #tpu.dot_dimension_numbers<[1], [0], [0], [1], [0, 0, 1, 1], [], []>, transpose_lhs_hint = false} : vector<32x33xf32>, vector<33x512xf32>, vector<32x512xf32> -> vector<32x512xf32>
    %add3A_1097 = vector.broadcast %get3A_29 : vector<32x1xf32> to vector<32x512xf32>
    %add3A_1098 = arith.addf %dot_general3A_1096, %add3A_1097 : vector<32x512xf32>
    %reduce_sum3A_1099 = arith.constant dense<0.000000e+00> : vector<512xf32>
    %reduce_sum3A_1100 = vector.multi_reduction <add>, %add3A_1098, %reduce_sum3A_1099 [0] : vector<32x512xf32> to vector<512xf32>
    %broadcast_in_dim3A_1101 = vector.shape_cast %reduce_sum3A_1100 : vector<512xf32> to vector<1x512xf32>
    %div3A_1102 = arith.constant 3.200000e+01 : f32
    %div3A_1103 = vector.broadcast %div3A_1102 : f32 to vector<1x512xf32>
    %div3A_1104 = arith.divf %broadcast_in_dim3A_1101, %div3A_1103 : vector<1x512xf32>
    %sub3A_1105 = vector.broadcast %div3A_1104 : vector<1x512xf32> to vector<32x512xf32>
    %sub3A_1106 = arith.subf %add3A_1098, %sub3A_1105 : vector<32x512xf32>
    %integer_pow3A_1107 = arith.mulf %sub3A_1106, %sub3A_1106 : vector<32x512xf32>
    %reduce_sum3A_1108 = arith.constant dense<0.000000e+00> : vector<512xf32>
    %reduce_sum3A_1109 = vector.multi_reduction <add>, %integer_pow3A_1107, %reduce_sum3A_1108 [0] : vector<32x512xf32> to vector<512xf32>
    %broadcast_in_dim3A_1110 = vector.shape_cast %reduce_sum3A_1109 : vector<512xf32> to vector<1x512xf32>
    %div3A_1111 = arith.constant 3.200000e+01 : f32
    %div3A_1112 = vector.broadcast %div3A_1111 : f32 to vector<1x512xf32>
    %div3A_1113 = arith.divf %broadcast_in_dim3A_1110, %div3A_1112 : vector<1x512xf32>
    %sub3A_1114 = vector.broadcast %div3A_1104 : vector<1x512xf32> to vector<32x512xf32>
    %sub3A_1115 = arith.subf %add3A_1098, %sub3A_1114 : vector<32x512xf32>
    %add3A_1116 = arith.constant 9.99999974E-6 : f32
    %add3A_1117 = vector.broadcast %add3A_1116 : f32 to vector<1x512xf32>
    %add3A_1118 = arith.addf %div3A_1113, %add3A_1117 : vector<1x512xf32>
    %sqrt3A_1119 = math.sqrt %add3A_1118 : vector<1x512xf32>
    %div3A_1120 = vector.broadcast %sqrt3A_1119 : vector<1x512xf32> to vector<32x512xf32>
    %div3A_1121 = arith.divf %sub3A_1115, %div3A_1120 : vector<32x512xf32>
    %mul3A_1122 = vector.broadcast %get3A_32 : vector<32x1xf32> to vector<32x512xf32>
    %mul3A_1123 = arith.mulf %div3A_1121, %mul3A_1122 : vector<32x512xf32>
    %add3A_1124 = vector.broadcast %get3A_35 : vector<32x1xf32> to vector<32x512xf32>
    %add3A_1125 = arith.addf %mul3A_1123, %add3A_1124 : vector<32x512xf32>
    %mul3A_1126 = vector.broadcast %get3A_23 : f32 to vector<1x512xf32>
    %mul3A_1127 = arith.mulf %mul3A_1078, %mul3A_1126 : vector<1x512xf32>
    %mul3A_1128 = vector.broadcast %get3A_23 : f32 to vector<1x512xf32>
    %mul3A_1129 = arith.mulf %mul3A_1081, %mul3A_1128 : vector<1x512xf32>
    %mul3A_1130 = vector.broadcast %get3A_23 : f32 to vector<1x512xf32>
    %mul3A_1131 = arith.mulf %mul3A_1084, %mul3A_1130 : vector<1x512xf32>
    %concatenate3A_1132 = tpu.concatenate %mul3A_1127, %mul3A_1129, %mul3A_1131, %add3A_1125 in 0 : vector<1x512xf32>, vector<1x512xf32>, vector<1x512xf32>, vector<32x512xf32> -> vector<35x512xf32>
    %swap3A_1133 = arith.constant 0 : index
    %swap3A_1134 = arith.constant 8 : index
    %swap3A_1135 = arith.constant 0 : index
    %swap3A_1136 = arith.constant 0 : index
    %swap3A_1137 = vector.load %arg14[%swap3A_1133, %swap3A_1134, %swap3A_1135, %swap3A_1136] : memref<1x30x35x512xf32, #tpu.memory_space<vmem>>, vector<1x1x35x512xf32>
    %swap3A_1138 = vector.shape_cast %swap3A_1137 : vector<1x1x35x512xf32> to vector<35x512xf32>
    %swap3A_1139 = vector.shape_cast %concatenate3A_1132 : vector<35x512xf32> to vector<1x1x35x512xf32>
    tpu.vector_store %arg14[%swap3A_1133, %swap3A_1134, %swap3A_1135, %swap3A_1136], %swap3A_1139 {strides = array<i32>} : memref<1x30x35x512xf32, #tpu.memory_space<vmem>>, vector<1x1x35x512xf32>,
    %get3A_1140 = arith.constant 0 : index
    %get3A_1141 = arith.constant 9 : index
    %get3A_1142 = arith.constant 0 : index
    %get3A_1143 = vector.load %arg2[%get3A_1140, %get3A_1141, %get3A_1142] : memref<1x32x512xf32, #tpu.memory_space<vmem>>, vector<1x1x512xf32>
    %get3A_1144 = vector.shape_cast %get3A_1143 : vector<1x1x512xf32> to vector<1x512xf32>
    %sub3A_1145 = vector.broadcast %get3A_1144 : vector<1x512xf32> to vector<16x512xf32>
    %sub3A_1146 = vector.broadcast %mul3A_40 : vector<16x1xf32> to vector<16x512xf32>
    %sub3A_1147 = arith.subf %sub3A_1145, %sub3A_1146 : vector<16x512xf32>
    %div3A_1148 = arith.constant 1.250000e+00 : f32
    %div3A_1149 = vector.broadcast %div3A_1148 : f32 to vector<16x512xf32>
    %div3A_1150 = arith.divf %sub3A_1147, %div3A_1149 : vector<16x512xf32>
    %integer_pow3A_1151 = arith.mulf %div3A_1150, %div3A_1150 : vector<16x512xf32>
    %neg3A_1152 = arith.constant 0.000000e+00 : f32
    %neg3A_1153 = vector.broadcast %neg3A_1152 : f32 to vector<16x512xf32>
    %neg3A_1154 = arith.subf %neg3A_1153, %integer_pow3A_1151 : vector<16x512xf32>
    %exp3A_1155 = math.exp %neg3A_1154 : vector<16x512xf32>
    %get3A_1156 = arith.constant 0 : index
    %get3A_1157 = arith.constant 9 : index
    %get3A_1158 = arith.constant 0 : index
    %get3A_1159 = vector.load %arg3[%get3A_1156, %get3A_1157, %get3A_1158] : memref<1x32x512xi32, #tpu.memory_space<vmem>>, vector<1x1x512xi32>
    %get3A_1160 = vector.shape_cast %get3A_1159 : vector<1x1x512xi32> to vector<1x512xi32>
    %convert_element_type3A_1161 = arith.sitofp %get3A_1160 : vector<1x512xi32> to vector<1x512xf32>
    %sub3A_1162 = arith.subf %convert_element_type3A_1161, %convert_element_type3A : vector<1x512xf32>
    %mul3A_1163 = vector.broadcast %sub3A_1162 : vector<1x512xf32> to vector<8x512xf32>
    %mul3A_1164 = vector.broadcast %exp3A : vector<8x1xf32> to vector<8x512xf32>
    %mul3A_1165 = arith.mulf %mul3A_1163, %mul3A_1164 : vector<8x512xf32>
    %cos3A_1166 = math.cos %mul3A_1165 : vector<8x512xf32>
    %sin3A_1167 = math.sin %mul3A_1165 : vector<8x512xf32>
    %concatenate3A_1168 = tpu.concatenate %cos3A_1166, %sin3A_1167 in 0 : vector<8x512xf32>, vector<8x512xf32> -> vector<16x512xf32>
    %get3A_1169 = arith.constant 0 : index
    %get3A_1170 = arith.constant 9 : index
    %get3A_1171 = arith.constant 0 : index
    %get3A_1172 = vector.load %arg4[%get3A_1169, %get3A_1170, %get3A_1171] : memref<1x32x512xf32, #tpu.memory_space<vmem>>, vector<1x1x512xf32>
    %get3A_1173 = vector.shape_cast %get3A_1172 : vector<1x1x512xf32> to vector<1x512xf32>
    %sub3A_1174 = arith.subf %get3A_1173, %get3A_5 : vector<1x512xf32>
    %get3A_1175 = arith.constant 0 : index
    %get3A_1176 = arith.constant 9 : index
    %get3A_1177 = arith.constant 0 : index
    %get3A_1178 = vector.load %arg5[%get3A_1175, %get3A_1176, %get3A_1177] : memref<1x32x512xf32, #tpu.memory_space<vmem>>, vector<1x1x512xf32>
    %get3A_1179 = vector.shape_cast %get3A_1178 : vector<1x1x512xf32> to vector<1x512xf32>
    %sub3A_1180 = arith.subf %get3A_1179, %get3A_10 : vector<1x512xf32>
    %get3A_1181 = arith.constant 0 : index
    %get3A_1182 = arith.constant 9 : index
    %get3A_1183 = arith.constant 0 : index
    %get3A_1184 = vector.load %arg6[%get3A_1181, %get3A_1182, %get3A_1183] : memref<1x32x512xf32, #tpu.memory_space<vmem>>, vector<1x1x512xf32>
    %get3A_1185 = vector.shape_cast %get3A_1184 : vector<1x1x512xf32> to vector<1x512xf32>
    %sub3A_1186 = arith.subf %get3A_1185, %get3A_15 : vector<1x512xf32>
    %mul3A_1187 = arith.mulf %sub3A_1174, %sub3A_1174 : vector<1x512xf32>
    %mul3A_1188 = arith.mulf %sub3A_1180, %sub3A_1180 : vector<1x512xf32>
    %add3A_1189 = arith.addf %mul3A_1187, %mul3A_1188 : vector<1x512xf32>
    %mul3A_1190 = arith.mulf %sub3A_1186, %sub3A_1186 : vector<1x512xf32>
    %add3A_1191 = arith.addf %add3A_1189, %mul3A_1190 : vector<1x512xf32>
    %sqrt3A_1192 = math.sqrt %add3A_1191 : vector<1x512xf32>
    %max3A_1193 = arith.constant 9.99999996E-13 : f32
    %max3A_1194 = vector.broadcast %max3A_1193 : f32 to vector<1x512xf32>
    %max3A_1195 = arith.maximumf %sqrt3A_1192, %max3A_1194 : vector<1x512xf32>
    %div3A_1196 = arith.constant 1.000000e+00 : f32
    %div3A_1197 = vector.broadcast %div3A_1196 : f32 to vector<1x512xf32>
    %div3A_1198 = arith.divf %div3A_1197, %max3A_1195 : vector<1x512xf32>
    %mul3A_1199 = arith.mulf %sub3A_1174, %div3A_1198 : vector<1x512xf32>
    %mul3A_1200 = vector.broadcast %get3A_19 : f32 to vector<1x512xf32>
    %mul3A_1201 = arith.mulf %mul3A_1199, %mul3A_1200 : vector<1x512xf32>
    %mul3A_1202 = arith.mulf %sub3A_1180, %div3A_1198 : vector<1x512xf32>
    %mul3A_1203 = vector.broadcast %get3A_19 : f32 to vector<1x512xf32>
    %mul3A_1204 = arith.mulf %mul3A_1202, %mul3A_1203 : vector<1x512xf32>
    %mul3A_1205 = arith.mulf %sub3A_1186, %div3A_1198 : vector<1x512xf32>
    %mul3A_1206 = vector.broadcast %get3A_19 : f32 to vector<1x512xf32>
    %mul3A_1207 = arith.mulf %mul3A_1205, %mul3A_1206 : vector<1x512xf32>
    %mul3A_1208 = arith.mulf %mul3A_1201, %mul3A_1201 : vector<1x512xf32>
    %mul3A_1209 = arith.mulf %mul3A_1204, %mul3A_1204 : vector<1x512xf32>
    %add3A_1210 = arith.addf %mul3A_1208, %mul3A_1209 : vector<1x512xf32>
    %mul3A_1211 = arith.mulf %mul3A_1207, %mul3A_1207 : vector<1x512xf32>
    %add3A_1212 = arith.addf %add3A_1210, %mul3A_1211 : vector<1x512xf32>
    %add3A_1213 = arith.constant 9.99999993E-9 : f32
    %add3A_1214 = vector.broadcast %add3A_1213 : f32 to vector<1x512xf32>
    %add3A_1215 = arith.addf %add3A_1212, %add3A_1214 : vector<1x512xf32>
    %sqrt3A_1216 = math.sqrt %add3A_1215 : vector<1x512xf32>
    %concatenate3A_1217 = tpu.concatenate %exp3A_1155, %concatenate3A_1168, %sqrt3A_1216 in 0 : vector<16x512xf32>, vector<16x512xf32>, vector<1x512xf32> -> vector<33x512xf32>
    %dot_general3A_1218 = arith.constant dense<0.000000e+00> : vector<32x512xf32>
    %dot_general3A_1219 = tpu.matmul %get3A_26, %concatenate3A_1217, %dot_general3A_1218 {dimension_numbers = #tpu.dot_dimension_numbers<[1], [0], [0], [1], [0, 0, 1, 1], [], []>, transpose_lhs_hint = false} : vector<32x33xf32>, vector<33x512xf32>, vector<32x512xf32> -> vector<32x512xf32>
    %add3A_1220 = vector.broadcast %get3A_29 : vector<32x1xf32> to vector<32x512xf32>
    %add3A_1221 = arith.addf %dot_general3A_1219, %add3A_1220 : vector<32x512xf32>
    %reduce_sum3A_1222 = arith.constant dense<0.000000e+00> : vector<512xf32>
    %reduce_sum3A_1223 = vector.multi_reduction <add>, %add3A_1221, %reduce_sum3A_1222 [0] : vector<32x512xf32> to vector<512xf32>
    %broadcast_in_dim3A_1224 = vector.shape_cast %reduce_sum3A_1223 : vector<512xf32> to vector<1x512xf32>
    %div3A_1225 = arith.constant 3.200000e+01 : f32
    %div3A_1226 = vector.broadcast %div3A_1225 : f32 to vector<1x512xf32>
    %div3A_1227 = arith.divf %broadcast_in_dim3A_1224, %div3A_1226 : vector<1x512xf32>
    %sub3A_1228 = vector.broadcast %div3A_1227 : vector<1x512xf32> to vector<32x512xf32>
    %sub3A_1229 = arith.subf %add3A_1221, %sub3A_1228 : vector<32x512xf32>
    %integer_pow3A_1230 = arith.mulf %sub3A_1229, %sub3A_1229 : vector<32x512xf32>
    %reduce_sum3A_1231 = arith.constant dense<0.000000e+00> : vector<512xf32>
    %reduce_sum3A_1232 = vector.multi_reduction <add>, %integer_pow3A_1230, %reduce_sum3A_1231 [0] : vector<32x512xf32> to vector<512xf32>
    %broadcast_in_dim3A_1233 = vector.shape_cast %reduce_sum3A_1232 : vector<512xf32> to vector<1x512xf32>
    %div3A_1234 = arith.constant 3.200000e+01 : f32
    %div3A_1235 = vector.broadcast %div3A_1234 : f32 to vector<1x512xf32>
    %div3A_1236 = arith.divf %broadcast_in_dim3A_1233, %div3A_1235 : vector<1x512xf32>
    %sub3A_1237 = vector.broadcast %div3A_1227 : vector<1x512xf32> to vector<32x512xf32>
    %sub3A_1238 = arith.subf %add3A_1221, %sub3A_1237 : vector<32x512xf32>
    %add3A_1239 = arith.constant 9.99999974E-6 : f32
    %add3A_1240 = vector.broadcast %add3A_1239 : f32 to vector<1x512xf32>
    %add3A_1241 = arith.addf %div3A_1236, %add3A_1240 : vector<1x512xf32>
    %sqrt3A_1242 = math.sqrt %add3A_1241 : vector<1x512xf32>
    %div3A_1243 = vector.broadcast %sqrt3A_1242 : vector<1x512xf32> to vector<32x512xf32>
    %div3A_1244 = arith.divf %sub3A_1238, %div3A_1243 : vector<32x512xf32>
    %mul3A_1245 = vector.broadcast %get3A_32 : vector<32x1xf32> to vector<32x512xf32>
    %mul3A_1246 = arith.mulf %div3A_1244, %mul3A_1245 : vector<32x512xf32>
    %add3A_1247 = vector.broadcast %get3A_35 : vector<32x1xf32> to vector<32x512xf32>
    %add3A_1248 = arith.addf %mul3A_1246, %add3A_1247 : vector<32x512xf32>
    %mul3A_1249 = vector.broadcast %get3A_23 : f32 to vector<1x512xf32>
    %mul3A_1250 = arith.mulf %mul3A_1201, %mul3A_1249 : vector<1x512xf32>
    %mul3A_1251 = vector.broadcast %get3A_23 : f32 to vector<1x512xf32>
    %mul3A_1252 = arith.mulf %mul3A_1204, %mul3A_1251 : vector<1x512xf32>
    %mul3A_1253 = vector.broadcast %get3A_23 : f32 to vector<1x512xf32>
    %mul3A_1254 = arith.mulf %mul3A_1207, %mul3A_1253 : vector<1x512xf32>
    %concatenate3A_1255 = tpu.concatenate %mul3A_1250, %mul3A_1252, %mul3A_1254, %add3A_1248 in 0 : vector<1x512xf32>, vector<1x512xf32>, vector<1x512xf32>, vector<32x512xf32> -> vector<35x512xf32>
    %swap3A_1256 = arith.constant 0 : index
    %swap3A_1257 = arith.constant 9 : index
    %swap3A_1258 = arith.constant 0 : index
    %swap3A_1259 = arith.constant 0 : index
    %swap3A_1260 = vector.load %arg14[%swap3A_1256, %swap3A_1257, %swap3A_1258, %swap3A_1259] : memref<1x30x35x512xf32, #tpu.memory_space<vmem>>, vector<1x1x35x512xf32>
    %swap3A_1261 = vector.shape_cast %swap3A_1260 : vector<1x1x35x512xf32> to vector<35x512xf32>
    %swap3A_1262 = vector.shape_cast %concatenate3A_1255 : vector<35x512xf32> to vector<1x1x35x512xf32>
    tpu.vector_store %arg14[%swap3A_1256, %swap3A_1257, %swap3A_1258, %swap3A_1259], %swap3A_1262 {strides = array<i32>} : memref<1x30x35x512xf32, #tpu.memory_space<vmem>>, vector<1x1x35x512xf32>,
    %get3A_1263 = arith.constant 0 : index
    %get3A_1264 = arith.constant 10 : index
    %get3A_1265 = arith.constant 0 : index
    %get3A_1266 = vector.load %arg2[%get3A_1263, %get3A_1264, %get3A_1265] : memref<1x32x512xf32, #tpu.memory_space<vmem>>, vector<1x1x512xf32>
    %get3A_1267 = vector.shape_cast %get3A_1266 : vector<1x1x512xf32> to vector<1x512xf32>
    %sub3A_1268 = vector.broadcast %get3A_1267 : vector<1x512xf32> to vector<16x512xf32>
    %sub3A_1269 = vector.broadcast %mul3A_40 : vector<16x1xf32> to vector<16x512xf32>
    %sub3A_1270 = arith.subf %sub3A_1268, %sub3A_1269 : vector<16x512xf32>
    %div3A_1271 = arith.constant 1.250000e+00 : f32
    %div3A_1272 = vector.broadcast %div3A_1271 : f32 to vector<16x512xf32>
    %div3A_1273 = arith.divf %sub3A_1270, %div3A_1272 : vector<16x512xf32>
    %integer_pow3A_1274 = arith.mulf %div3A_1273, %div3A_1273 : vector<16x512xf32>
    %neg3A_1275 = arith.constant 0.000000e+00 : f32
    %neg3A_1276 = vector.broadcast %neg3A_1275 : f32 to vector<16x512xf32>
    %neg3A_1277 = arith.subf %neg3A_1276, %integer_pow3A_1274 : vector<16x512xf32>
    %exp3A_1278 = math.exp %neg3A_1277 : vector<16x512xf32>
    %get3A_1279 = arith.constant 0 : index
    %get3A_1280 = arith.constant 10 : index
    %get3A_1281 = arith.constant 0 : index
    %get3A_1282 = vector.load %arg3[%get3A_1279, %get3A_1280, %get3A_1281] : memref<1x32x512xi32, #tpu.memory_space<vmem>>, vector<1x1x512xi32>
    %get3A_1283 = vector.shape_cast %get3A_1282 : vector<1x1x512xi32> to vector<1x512xi32>
    %convert_element_type3A_1284 = arith.sitofp %get3A_1283 : vector<1x512xi32> to vector<1x512xf32>
    %sub3A_1285 = arith.subf %convert_element_type3A_1284, %convert_element_type3A : vector<1x512xf32>
    %mul3A_1286 = vector.broadcast %sub3A_1285 : vector<1x512xf32> to vector<8x512xf32>
    %mul3A_1287 = vector.broadcast %exp3A : vector<8x1xf32> to vector<8x512xf32>
    %mul3A_1288 = arith.mulf %mul3A_1286, %mul3A_1287 : vector<8x512xf32>
    %cos3A_1289 = math.cos %mul3A_1288 : vector<8x512xf32>
    %sin3A_1290 = math.sin %mul3A_1288 : vector<8x512xf32>
    %concatenate3A_1291 = tpu.concatenate %cos3A_1289, %sin3A_1290 in 0 : vector<8x512xf32>, vector<8x512xf32> -> vector<16x512xf32>
    %get3A_1292 = arith.constant 0 : index
    %get3A_1293 = arith.constant 10 : index
    %get3A_1294 = arith.constant 0 : index
    %get3A_1295 = vector.load %arg4[%get3A_1292, %get3A_1293, %get3A_1294] : memref<1x32x512xf32, #tpu.memory_space<vmem>>, vector<1x1x512xf32>
    %get3A_1296 = vector.shape_cast %get3A_1295 : vector<1x1x512xf32> to vector<1x512xf32>
    %sub3A_1297 = arith.subf %get3A_1296, %get3A_5 : vector<1x512xf32>
    %get3A_1298 = arith.constant 0 : index
    %get3A_1299 = arith.constant 10 : index
    %get3A_1300 = arith.constant 0 : index
    %get3A_1301 = vector.load %arg5[%get3A_1298, %get3A_1299, %get3A_1300] : memref<1x32x512xf32, #tpu.memory_space<vmem>>, vector<1x1x512xf32>
    %get3A_1302 = vector.shape_cast %get3A_1301 : vector<1x1x512xf32> to vector<1x512xf32>
    %sub3A_1303 = arith.subf %get3A_1302, %get3A_10 : vector<1x512xf32>
    %get3A_1304 = arith.constant 0 : index
    %get3A_1305 = arith.constant 10 : index
    %get3A_1306 = arith.constant 0 : index
    %get3A_1307 = vector.load %arg6[%get3A_1304, %get3A_1305, %get3A_1306] : memref<1x32x512xf32, #tpu.memory_space<vmem>>, vector<1x1x512xf32>
    %get3A_1308 = vector.shape_cast %get3A_1307 : vector<1x1x512xf32> to vector<1x512xf32>
    %sub3A_1309 = arith.subf %get3A_1308, %get3A_15 : vector<1x512xf32>
    %mul3A_1310 = arith.mulf %sub3A_1297, %sub3A_1297 : vector<1x512xf32>
    %mul3A_1311 = arith.mulf %sub3A_1303, %sub3A_1303 : vector<1x512xf32>
    %add3A_1312 = arith.addf %mul3A_1310, %mul3A_1311 : vector<1x512xf32>
    %mul3A_1313 = arith.mulf %sub3A_1309, %sub3A_1309 : vector<1x512xf32>
    %add3A_1314 = arith.addf %add3A_1312, %mul3A_1313 : vector<1x512xf32>
    %sqrt3A_1315 = math.sqrt %add3A_1314 : vector<1x512xf32>
    %max3A_1316 = arith.constant 9.99999996E-13 : f32
    %max3A_1317 = vector.broadcast %max3A_1316 : f32 to vector<1x512xf32>
    %max3A_1318 = arith.maximumf %sqrt3A_1315, %max3A_1317 : vector<1x512xf32>
    %div3A_1319 = arith.constant 1.000000e+00 : f32
    %div3A_1320 = vector.broadcast %div3A_1319 : f32 to vector<1x512xf32>
    %div3A_1321 = arith.divf %div3A_1320, %max3A_1318 : vector<1x512xf32>
    %mul3A_1322 = arith.mulf %sub3A_1297, %div3A_1321 : vector<1x512xf32>
    %mul3A_1323 = vector.broadcast %get3A_19 : f32 to vector<1x512xf32>
    %mul3A_1324 = arith.mulf %mul3A_1322, %mul3A_1323 : vector<1x512xf32>
    %mul3A_1325 = arith.mulf %sub3A_1303, %div3A_1321 : vector<1x512xf32>
    %mul3A_1326 = vector.broadcast %get3A_19 : f32 to vector<1x512xf32>
    %mul3A_1327 = arith.mulf %mul3A_1325, %mul3A_1326 : vector<1x512xf32>
    %mul3A_1328 = arith.mulf %sub3A_1309, %div3A_1321 : vector<1x512xf32>
    %mul3A_1329 = vector.broadcast %get3A_19 : f32 to vector<1x512xf32>
    %mul3A_1330 = arith.mulf %mul3A_1328, %mul3A_1329 : vector<1x512xf32>
    %mul3A_1331 = arith.mulf %mul3A_1324, %mul3A_1324 : vector<1x512xf32>
    %mul3A_1332 = arith.mulf %mul3A_1327, %mul3A_1327 : vector<1x512xf32>
    %add3A_1333 = arith.addf %mul3A_1331, %mul3A_1332 : vector<1x512xf32>
    %mul3A_1334 = arith.mulf %mul3A_1330, %mul3A_1330 : vector<1x512xf32>
    %add3A_1335 = arith.addf %add3A_1333, %mul3A_1334 : vector<1x512xf32>
    %add3A_1336 = arith.constant 9.99999993E-9 : f32
    %add3A_1337 = vector.broadcast %add3A_1336 : f32 to vector<1x512xf32>
    %add3A_1338 = arith.addf %add3A_1335, %add3A_1337 : vector<1x512xf32>
    %sqrt3A_1339 = math.sqrt %add3A_1338 : vector<1x512xf32>
    %concatenate3A_1340 = tpu.concatenate %exp3A_1278, %concatenate3A_1291, %sqrt3A_1339 in 0 : vector<16x512xf32>, vector<16x512xf32>, vector<1x512xf32> -> vector<33x512xf32>
    %dot_general3A_1341 = arith.constant dense<0.000000e+00> : vector<32x512xf32>
    %dot_general3A_1342 = tpu.matmul %get3A_26, %concatenate3A_1340, %dot_general3A_1341 {dimension_numbers = #tpu.dot_dimension_numbers<[1], [0], [0], [1], [0, 0, 1, 1], [], []>, transpose_lhs_hint = false} : vector<32x33xf32>, vector<33x512xf32>, vector<32x512xf32> -> vector<32x512xf32>
    %add3A_1343 = vector.broadcast %get3A_29 : vector<32x1xf32> to vector<32x512xf32>
    %add3A_1344 = arith.addf %dot_general3A_1342, %add3A_1343 : vector<32x512xf32>
    %reduce_sum3A_1345 = arith.constant dense<0.000000e+00> : vector<512xf32>
    %reduce_sum3A_1346 = vector.multi_reduction <add>, %add3A_1344, %reduce_sum3A_1345 [0] : vector<32x512xf32> to vector<512xf32>
    %broadcast_in_dim3A_1347 = vector.shape_cast %reduce_sum3A_1346 : vector<512xf32> to vector<1x512xf32>
    %div3A_1348 = arith.constant 3.200000e+01 : f32
    %div3A_1349 = vector.broadcast %div3A_1348 : f32 to vector<1x512xf32>
    %div3A_1350 = arith.divf %broadcast_in_dim3A_1347, %div3A_1349 : vector<1x512xf32>
    %sub3A_1351 = vector.broadcast %div3A_1350 : vector<1x512xf32> to vector<32x512xf32>
    %sub3A_1352 = arith.subf %add3A_1344, %sub3A_1351 : vector<32x512xf32>
    %integer_pow3A_1353 = arith.mulf %sub3A_1352, %sub3A_1352 : vector<32x512xf32>
    %reduce_sum3A_1354 = arith.constant dense<0.000000e+00> : vector<512xf32>
    %reduce_sum3A_1355 = vector.multi_reduction <add>, %integer_pow3A_1353, %reduce_sum3A_1354 [0] : vector<32x512xf32> to vector<512xf32>
    %broadcast_in_dim3A_1356 = vector.shape_cast %reduce_sum3A_1355 : vector<512xf32> to vector<1x512xf32>
    %div3A_1357 = arith.constant 3.200000e+01 : f32
    %div3A_1358 = vector.broadcast %div3A_1357 : f32 to vector<1x512xf32>
    %div3A_1359 = arith.divf %broadcast_in_dim3A_1356, %div3A_1358 : vector<1x512xf32>
    %sub3A_1360 = vector.broadcast %div3A_1350 : vector<1x512xf32> to vector<32x512xf32>
    %sub3A_1361 = arith.subf %add3A_1344, %sub3A_1360 : vector<32x512xf32>
    %add3A_1362 = arith.constant 9.99999974E-6 : f32
    %add3A_1363 = vector.broadcast %add3A_1362 : f32 to vector<1x512xf32>
    %add3A_1364 = arith.addf %div3A_1359, %add3A_1363 : vector<1x512xf32>
    %sqrt3A_1365 = math.sqrt %add3A_1364 : vector<1x512xf32>
    %div3A_1366 = vector.broadcast %sqrt3A_1365 : vector<1x512xf32> to vector<32x512xf32>
    %div3A_1367 = arith.divf %sub3A_1361, %div3A_1366 : vector<32x512xf32>
    %mul3A_1368 = vector.broadcast %get3A_32 : vector<32x1xf32> to vector<32x512xf32>
    %mul3A_1369 = arith.mulf %div3A_1367, %mul3A_1368 : vector<32x512xf32>
    %add3A_1370 = vector.broadcast %get3A_35 : vector<32x1xf32> to vector<32x512xf32>
    %add3A_1371 = arith.addf %mul3A_1369, %add3A_1370 : vector<32x512xf32>
    %mul3A_1372 = vector.broadcast %get3A_23 : f32 to vector<1x512xf32>
    %mul3A_1373 = arith.mulf %mul3A_1324, %mul3A_1372 : vector<1x512xf32>
    %mul3A_1374 = vector.broadcast %get3A_23 : f32 to vector<1x512xf32>
    %mul3A_1375 = arith.mulf %mul3A_1327, %mul3A_1374 : vector<1x512xf32>
    %mul3A_1376 = vector.broadcast %get3A_23 : f32 to vector<1x512xf32>
    %mul3A_1377 = arith.mulf %mul3A_1330, %mul3A_1376 : vector<1x512xf32>
    %concatenate3A_1378 = tpu.concatenate %mul3A_1373, %mul3A_1375, %mul3A_1377, %add3A_1371 in 0 : vector<1x512xf32>, vector<1x512xf32>, vector<1x512xf32>, vector<32x512xf32> -> vector<35x512xf32>
    %swap3A_1379 = arith.constant 0 : index
    %swap3A_1380 = arith.constant 10 : index
    %swap3A_1381 = arith.constant 0 : index
    %swap3A_1382 = arith.constant 0 : index
    %swap3A_1383 = vector.load %arg14[%swap3A_1379, %swap3A_1380, %swap3A_1381, %swap3A_1382] : memref<1x30x35x512xf32, #tpu.memory_space<vmem>>, vector<1x1x35x512xf32>
    %swap3A_1384 = vector.shape_cast %swap3A_1383 : vector<1x1x35x512xf32> to vector<35x512xf32>
    %swap3A_1385 = vector.shape_cast %concatenate3A_1378 : vector<35x512xf32> to vector<1x1x35x512xf32>
    tpu.vector_store %arg14[%swap3A_1379, %swap3A_1380, %swap3A_1381, %swap3A_1382], %swap3A_1385 {strides = array<i32>} : memref<1x30x35x512xf32, #tpu.memory_space<vmem>>, vector<1x1x35x512xf32>,
    %get3A_1386 = arith.constant 0 : index
    %get3A_1387 = arith.constant 11 : index
    %get3A_1388 = arith.constant 0 : index
    %get3A_1389 = vector.load %arg2[%get3A_1386, %get3A_1387, %get3A_1388] : memref<1x32x512xf32, #tpu.memory_space<vmem>>, vector<1x1x512xf32>
    %get3A_1390 = vector.shape_cast %get3A_1389 : vector<1x1x512xf32> to vector<1x512xf32>
    %sub3A_1391 = vector.broadcast %get3A_1390 : vector<1x512xf32> to vector<16x512xf32>
    %sub3A_1392 = vector.broadcast %mul3A_40 : vector<16x1xf32> to vector<16x512xf32>
    %sub3A_1393 = arith.subf %sub3A_1391, %sub3A_1392 : vector<16x512xf32>
    %div3A_1394 = arith.constant 1.250000e+00 : f32
    %div3A_1395 = vector.broadcast %div3A_1394 : f32 to vector<16x512xf32>
    %div3A_1396 = arith.divf %sub3A_1393, %div3A_1395 : vector<16x512xf32>
    %integer_pow3A_1397 = arith.mulf %div3A_1396, %div3A_1396 : vector<16x512xf32>
    %neg3A_1398 = arith.constant 0.000000e+00 : f32
    %neg3A_1399 = vector.broadcast %neg3A_1398 : f32 to vector<16x512xf32>
    %neg3A_1400 = arith.subf %neg3A_1399, %integer_pow3A_1397 : vector<16x512xf32>
    %exp3A_1401 = math.exp %neg3A_1400 : vector<16x512xf32>
    %get3A_1402 = arith.constant 0 : index
    %get3A_1403 = arith.constant 11 : index
    %get3A_1404 = arith.constant 0 : index
    %get3A_1405 = vector.load %arg3[%get3A_1402, %get3A_1403, %get3A_1404] : memref<1x32x512xi32, #tpu.memory_space<vmem>>, vector<1x1x512xi32>
    %get3A_1406 = vector.shape_cast %get3A_1405 : vector<1x1x512xi32> to vector<1x512xi32>
    %convert_element_type3A_1407 = arith.sitofp %get3A_1406 : vector<1x512xi32> to vector<1x512xf32>
    %sub3A_1408 = arith.subf %convert_element_type3A_1407, %convert_element_type3A : vector<1x512xf32>
    %mul3A_1409 = vector.broadcast %sub3A_1408 : vector<1x512xf32> to vector<8x512xf32>
    %mul3A_1410 = vector.broadcast %exp3A : vector<8x1xf32> to vector<8x512xf32>
    %mul3A_1411 = arith.mulf %mul3A_1409, %mul3A_1410 : vector<8x512xf32>
    %cos3A_1412 = math.cos %mul3A_1411 : vector<8x512xf32>
    %sin3A_1413 = math.sin %mul3A_1411 : vector<8x512xf32>
    %concatenate3A_1414 = tpu.concatenate %cos3A_1412, %sin3A_1413 in 0 : vector<8x512xf32>, vector<8x512xf32> -> vector<16x512xf32>
    %get3A_1415 = arith.constant 0 : index
    %get3A_1416 = arith.constant 11 : index
    %get3A_1417 = arith.constant 0 : index
    %get3A_1418 = vector.load %arg4[%get3A_1415, %get3A_1416, %get3A_1417] : memref<1x32x512xf32, #tpu.memory_space<vmem>>, vector<1x1x512xf32>
    %get3A_1419 = vector.shape_cast %get3A_1418 : vector<1x1x512xf32> to vector<1x512xf32>
    %sub3A_1420 = arith.subf %get3A_1419, %get3A_5 : vector<1x512xf32>
    %get3A_1421 = arith.constant 0 : index
    %get3A_1422 = arith.constant 11 : index
    %get3A_1423 = arith.constant 0 : index
    %get3A_1424 = vector.load %arg5[%get3A_1421, %get3A_1422, %get3A_1423] : memref<1x32x512xf32, #tpu.memory_space<vmem>>, vector<1x1x512xf32>
    %get3A_1425 = vector.shape_cast %get3A_1424 : vector<1x1x512xf32> to vector<1x512xf32>
    %sub3A_1426 = arith.subf %get3A_1425, %get3A_10 : vector<1x512xf32>
    %get3A_1427 = arith.constant 0 : index
    %get3A_1428 = arith.constant 11 : index
    %get3A_1429 = arith.constant 0 : index
    %get3A_1430 = vector.load %arg6[%get3A_1427, %get3A_1428, %get3A_1429] : memref<1x32x512xf32, #tpu.memory_space<vmem>>, vector<1x1x512xf32>
    %get3A_1431 = vector.shape_cast %get3A_1430 : vector<1x1x512xf32> to vector<1x512xf32>
    %sub3A_1432 = arith.subf %get3A_1431, %get3A_15 : vector<1x512xf32>
    %mul3A_1433 = arith.mulf %sub3A_1420, %sub3A_1420 : vector<1x512xf32>
    %mul3A_1434 = arith.mulf %sub3A_1426, %sub3A_1426 : vector<1x512xf32>
    %add3A_1435 = arith.addf %mul3A_1433, %mul3A_1434 : vector<1x512xf32>
    %mul3A_1436 = arith.mulf %sub3A_1432, %sub3A_1432 : vector<1x512xf32>
    %add3A_1437 = arith.addf %add3A_1435, %mul3A_1436 : vector<1x512xf32>
    %sqrt3A_1438 = math.sqrt %add3A_1437 : vector<1x512xf32>
    %max3A_1439 = arith.constant 9.99999996E-13 : f32
    %max3A_1440 = vector.broadcast %max3A_1439 : f32 to vector<1x512xf32>
    %max3A_1441 = arith.maximumf %sqrt3A_1438, %max3A_1440 : vector<1x512xf32>
    %div3A_1442 = arith.constant 1.000000e+00 : f32
    %div3A_1443 = vector.broadcast %div3A_1442 : f32 to vector<1x512xf32>
    %div3A_1444 = arith.divf %div3A_1443, %max3A_1441 : vector<1x512xf32>
    %mul3A_1445 = arith.mulf %sub3A_1420, %div3A_1444 : vector<1x512xf32>
    %mul3A_1446 = vector.broadcast %get3A_19 : f32 to vector<1x512xf32>
    %mul3A_1447 = arith.mulf %mul3A_1445, %mul3A_1446 : vector<1x512xf32>
    %mul3A_1448 = arith.mulf %sub3A_1426, %div3A_1444 : vector<1x512xf32>
    %mul3A_1449 = vector.broadcast %get3A_19 : f32 to vector<1x512xf32>
    %mul3A_1450 = arith.mulf %mul3A_1448, %mul3A_1449 : vector<1x512xf32>
    %mul3A_1451 = arith.mulf %sub3A_1432, %div3A_1444 : vector<1x512xf32>
    %mul3A_1452 = vector.broadcast %get3A_19 : f32 to vector<1x512xf32>
    %mul3A_1453 = arith.mulf %mul3A_1451, %mul3A_1452 : vector<1x512xf32>
    %mul3A_1454 = arith.mulf %mul3A_1447, %mul3A_1447 : vector<1x512xf32>
    %mul3A_1455 = arith.mulf %mul3A_1450, %mul3A_1450 : vector<1x512xf32>
    %add3A_1456 = arith.addf %mul3A_1454, %mul3A_1455 : vector<1x512xf32>
    %mul3A_1457 = arith.mulf %mul3A_1453, %mul3A_1453 : vector<1x512xf32>
    %add3A_1458 = arith.addf %add3A_1456, %mul3A_1457 : vector<1x512xf32>
    %add3A_1459 = arith.constant 9.99999993E-9 : f32
    %add3A_1460 = vector.broadcast %add3A_1459 : f32 to vector<1x512xf32>
    %add3A_1461 = arith.addf %add3A_1458, %add3A_1460 : vector<1x512xf32>
    %sqrt3A_1462 = math.sqrt %add3A_1461 : vector<1x512xf32>
    %concatenate3A_1463 = tpu.concatenate %exp3A_1401, %concatenate3A_1414, %sqrt3A_1462 in 0 : vector<16x512xf32>, vector<16x512xf32>, vector<1x512xf32> -> vector<33x512xf32>
    %dot_general3A_1464 = arith.constant dense<0.000000e+00> : vector<32x512xf32>
    %dot_general3A_1465 = tpu.matmul %get3A_26, %concatenate3A_1463, %dot_general3A_1464 {dimension_numbers = #tpu.dot_dimension_numbers<[1], [0], [0], [1], [0, 0, 1, 1], [], []>, transpose_lhs_hint = false} : vector<32x33xf32>, vector<33x512xf32>, vector<32x512xf32> -> vector<32x512xf32>
    %add3A_1466 = vector.broadcast %get3A_29 : vector<32x1xf32> to vector<32x512xf32>
    %add3A_1467 = arith.addf %dot_general3A_1465, %add3A_1466 : vector<32x512xf32>
    %reduce_sum3A_1468 = arith.constant dense<0.000000e+00> : vector<512xf32>
    %reduce_sum3A_1469 = vector.multi_reduction <add>, %add3A_1467, %reduce_sum3A_1468 [0] : vector<32x512xf32> to vector<512xf32>
    %broadcast_in_dim3A_1470 = vector.shape_cast %reduce_sum3A_1469 : vector<512xf32> to vector<1x512xf32>
    %div3A_1471 = arith.constant 3.200000e+01 : f32
    %div3A_1472 = vector.broadcast %div3A_1471 : f32 to vector<1x512xf32>
    %div3A_1473 = arith.divf %broadcast_in_dim3A_1470, %div3A_1472 : vector<1x512xf32>
    %sub3A_1474 = vector.broadcast %div3A_1473 : vector<1x512xf32> to vector<32x512xf32>
    %sub3A_1475 = arith.subf %add3A_1467, %sub3A_1474 : vector<32x512xf32>
    %integer_pow3A_1476 = arith.mulf %sub3A_1475, %sub3A_1475 : vector<32x512xf32>
    %reduce_sum3A_1477 = arith.constant dense<0.000000e+00> : vector<512xf32>
    %reduce_sum3A_1478 = vector.multi_reduction <add>, %integer_pow3A_1476, %reduce_sum3A_1477 [0] : vector<32x512xf32> to vector<512xf32>
    %broadcast_in_dim3A_1479 = vector.shape_cast %reduce_sum3A_1478 : vector<512xf32> to vector<1x512xf32>
    %div3A_1480 = arith.constant 3.200000e+01 : f32
    %div3A_1481 = vector.broadcast %div3A_1480 : f32 to vector<1x512xf32>
    %div3A_1482 = arith.divf %broadcast_in_dim3A_1479, %div3A_1481 : vector<1x512xf32>
    %sub3A_1483 = vector.broadcast %div3A_1473 : vector<1x512xf32> to vector<32x512xf32>
    %sub3A_1484 = arith.subf %add3A_1467, %sub3A_1483 : vector<32x512xf32>
    %add3A_1485 = arith.constant 9.99999974E-6 : f32
    %add3A_1486 = vector.broadcast %add3A_1485 : f32 to vector<1x512xf32>
    %add3A_1487 = arith.addf %div3A_1482, %add3A_1486 : vector<1x512xf32>
    %sqrt3A_1488 = math.sqrt %add3A_1487 : vector<1x512xf32>
    %div3A_1489 = vector.broadcast %sqrt3A_1488 : vector<1x512xf32> to vector<32x512xf32>
    %div3A_1490 = arith.divf %sub3A_1484, %div3A_1489 : vector<32x512xf32>
    %mul3A_1491 = vector.broadcast %get3A_32 : vector<32x1xf32> to vector<32x512xf32>
    %mul3A_1492 = arith.mulf %div3A_1490, %mul3A_1491 : vector<32x512xf32>
    %add3A_1493 = vector.broadcast %get3A_35 : vector<32x1xf32> to vector<32x512xf32>
    %add3A_1494 = arith.addf %mul3A_1492, %add3A_1493 : vector<32x512xf32>
    %mul3A_1495 = vector.broadcast %get3A_23 : f32 to vector<1x512xf32>
    %mul3A_1496 = arith.mulf %mul3A_1447, %mul3A_1495 : vector<1x512xf32>
    %mul3A_1497 = vector.broadcast %get3A_23 : f32 to vector<1x512xf32>
    %mul3A_1498 = arith.mulf %mul3A_1450, %mul3A_1497 : vector<1x512xf32>
    %mul3A_1499 = vector.broadcast %get3A_23 : f32 to vector<1x512xf32>
    %mul3A_1500 = arith.mulf %mul3A_1453, %mul3A_1499 : vector<1x512xf32>
    %concatenate3A_1501 = tpu.concatenate %mul3A_1496, %mul3A_1498, %mul3A_1500, %add3A_1494 in 0 : vector<1x512xf32>, vector<1x512xf32>, vector<1x512xf32>, vector<32x512xf32> -> vector<35x512xf32>
    %swap3A_1502 = arith.constant 0 : index
    %swap3A_1503 = arith.constant 11 : index
    %swap3A_1504 = arith.constant 0 : index
    %swap3A_1505 = arith.constant 0 : index
    %swap3A_1506 = vector.load %arg14[%swap3A_1502, %swap3A_1503, %swap3A_1504, %swap3A_1505] : memref<1x30x35x512xf32, #tpu.memory_space<vmem>>, vector<1x1x35x512xf32>
    %swap3A_1507 = vector.shape_cast %swap3A_1506 : vector<1x1x35x512xf32> to vector<35x512xf32>
    %swap3A_1508 = vector.shape_cast %concatenate3A_1501 : vector<35x512xf32> to vector<1x1x35x512xf32>
    tpu.vector_store %arg14[%swap3A_1502, %swap3A_1503, %swap3A_1504, %swap3A_1505], %swap3A_1508 {strides = array<i32>} : memref<1x30x35x512xf32, #tpu.memory_space<vmem>>, vector<1x1x35x512xf32>,
    %get3A_1509 = arith.constant 0 : index
    %get3A_1510 = arith.constant 12 : index
    %get3A_1511 = arith.constant 0 : index
    %get3A_1512 = vector.load %arg2[%get3A_1509, %get3A_1510, %get3A_1511] : memref<1x32x512xf32, #tpu.memory_space<vmem>>, vector<1x1x512xf32>
    %get3A_1513 = vector.shape_cast %get3A_1512 : vector<1x1x512xf32> to vector<1x512xf32>
    %sub3A_1514 = vector.broadcast %get3A_1513 : vector<1x512xf32> to vector<16x512xf32>
    %sub3A_1515 = vector.broadcast %mul3A_40 : vector<16x1xf32> to vector<16x512xf32>
    %sub3A_1516 = arith.subf %sub3A_1514, %sub3A_1515 : vector<16x512xf32>
    %div3A_1517 = arith.constant 1.250000e+00 : f32
    %div3A_1518 = vector.broadcast %div3A_1517 : f32 to vector<16x512xf32>
    %div3A_1519 = arith.divf %sub3A_1516, %div3A_1518 : vector<16x512xf32>
    %integer_pow3A_1520 = arith.mulf %div3A_1519, %div3A_1519 : vector<16x512xf32>
    %neg3A_1521 = arith.constant 0.000000e+00 : f32
    %neg3A_1522 = vector.broadcast %neg3A_1521 : f32 to vector<16x512xf32>
    %neg3A_1523 = arith.subf %neg3A_1522, %integer_pow3A_1520 : vector<16x512xf32>
    %exp3A_1524 = math.exp %neg3A_1523 : vector<16x512xf32>
    %get3A_1525 = arith.constant 0 : index
    %get3A_1526 = arith.constant 12 : index
    %get3A_1527 = arith.constant 0 : index
    %get3A_1528 = vector.load %arg3[%get3A_1525, %get3A_1526, %get3A_1527] : memref<1x32x512xi32, #tpu.memory_space<vmem>>, vector<1x1x512xi32>
    %get3A_1529 = vector.shape_cast %get3A_1528 : vector<1x1x512xi32> to vector<1x512xi32>
    %convert_element_type3A_1530 = arith.sitofp %get3A_1529 : vector<1x512xi32> to vector<1x512xf32>
    %sub3A_1531 = arith.subf %convert_element_type3A_1530, %convert_element_type3A : vector<1x512xf32>
    %mul3A_1532 = vector.broadcast %sub3A_1531 : vector<1x512xf32> to vector<8x512xf32>
    %mul3A_1533 = vector.broadcast %exp3A : vector<8x1xf32> to vector<8x512xf32>
    %mul3A_1534 = arith.mulf %mul3A_1532, %mul3A_1533 : vector<8x512xf32>
    %cos3A_1535 = math.cos %mul3A_1534 : vector<8x512xf32>
    %sin3A_1536 = math.sin %mul3A_1534 : vector<8x512xf32>
    %concatenate3A_1537 = tpu.concatenate %cos3A_1535, %sin3A_1536 in 0 : vector<8x512xf32>, vector<8x512xf32> -> vector<16x512xf32>
    %get3A_1538 = arith.constant 0 : index
    %get3A_1539 = arith.constant 12 : index
    %get3A_1540 = arith.constant 0 : index
    %get3A_1541 = vector.load %arg4[%get3A_1538, %get3A_1539, %get3A_1540] : memref<1x32x512xf32, #tpu.memory_space<vmem>>, vector<1x1x512xf32>
    %get3A_1542 = vector.shape_cast %get3A_1541 : vector<1x1x512xf32> to vector<1x512xf32>
    %sub3A_1543 = arith.subf %get3A_1542, %get3A_5 : vector<1x512xf32>
    %get3A_1544 = arith.constant 0 : index
    %get3A_1545 = arith.constant 12 : index
    %get3A_1546 = arith.constant 0 : index
    %get3A_1547 = vector.load %arg5[%get3A_1544, %get3A_1545, %get3A_1546] : memref<1x32x512xf32, #tpu.memory_space<vmem>>, vector<1x1x512xf32>
    %get3A_1548 = vector.shape_cast %get3A_1547 : vector<1x1x512xf32> to vector<1x512xf32>
    %sub3A_1549 = arith.subf %get3A_1548, %get3A_10 : vector<1x512xf32>
    %get3A_1550 = arith.constant 0 : index
    %get3A_1551 = arith.constant 12 : index
    %get3A_1552 = arith.constant 0 : index
    %get3A_1553 = vector.load %arg6[%get3A_1550, %get3A_1551, %get3A_1552] : memref<1x32x512xf32, #tpu.memory_space<vmem>>, vector<1x1x512xf32>
    %get3A_1554 = vector.shape_cast %get3A_1553 : vector<1x1x512xf32> to vector<1x512xf32>
    %sub3A_1555 = arith.subf %get3A_1554, %get3A_15 : vector<1x512xf32>
    %mul3A_1556 = arith.mulf %sub3A_1543, %sub3A_1543 : vector<1x512xf32>
    %mul3A_1557 = arith.mulf %sub3A_1549, %sub3A_1549 : vector<1x512xf32>
    %add3A_1558 = arith.addf %mul3A_1556, %mul3A_1557 : vector<1x512xf32>
    %mul3A_1559 = arith.mulf %sub3A_1555, %sub3A_1555 : vector<1x512xf32>
    %add3A_1560 = arith.addf %add3A_1558, %mul3A_1559 : vector<1x512xf32>
    %sqrt3A_1561 = math.sqrt %add3A_1560 : vector<1x512xf32>
    %max3A_1562 = arith.constant 9.99999996E-13 : f32
    %max3A_1563 = vector.broadcast %max3A_1562 : f32 to vector<1x512xf32>
    %max3A_1564 = arith.maximumf %sqrt3A_1561, %max3A_1563 : vector<1x512xf32>
    %div3A_1565 = arith.constant 1.000000e+00 : f32
    %div3A_1566 = vector.broadcast %div3A_1565 : f32 to vector<1x512xf32>
    %div3A_1567 = arith.divf %div3A_1566, %max3A_1564 : vector<1x512xf32>
    %mul3A_1568 = arith.mulf %sub3A_1543, %div3A_1567 : vector<1x512xf32>
    %mul3A_1569 = vector.broadcast %get3A_19 : f32 to vector<1x512xf32>
    %mul3A_1570 = arith.mulf %mul3A_1568, %mul3A_1569 : vector<1x512xf32>
    %mul3A_1571 = arith.mulf %sub3A_1549, %div3A_1567 : vector<1x512xf32>
    %mul3A_1572 = vector.broadcast %get3A_19 : f32 to vector<1x512xf32>
    %mul3A_1573 = arith.mulf %mul3A_1571, %mul3A_1572 : vector<1x512xf32>
    %mul3A_1574 = arith.mulf %sub3A_1555, %div3A_1567 : vector<1x512xf32>
    %mul3A_1575 = vector.broadcast %get3A_19 : f32 to vector<1x512xf32>
    %mul3A_1576 = arith.mulf %mul3A_1574, %mul3A_1575 : vector<1x512xf32>
    %mul3A_1577 = arith.mulf %mul3A_1570, %mul3A_1570 : vector<1x512xf32>
    %mul3A_1578 = arith.mulf %mul3A_1573, %mul3A_1573 : vector<1x512xf32>
    %add3A_1579 = arith.addf %mul3A_1577, %mul3A_1578 : vector<1x512xf32>
    %mul3A_1580 = arith.mulf %mul3A_1576, %mul3A_1576 : vector<1x512xf32>
    %add3A_1581 = arith.addf %add3A_1579, %mul3A_1580 : vector<1x512xf32>
    %add3A_1582 = arith.constant 9.99999993E-9 : f32
    %add3A_1583 = vector.broadcast %add3A_1582 : f32 to vector<1x512xf32>
    %add3A_1584 = arith.addf %add3A_1581, %add3A_1583 : vector<1x512xf32>
    %sqrt3A_1585 = math.sqrt %add3A_1584 : vector<1x512xf32>
    %concatenate3A_1586 = tpu.concatenate %exp3A_1524, %concatenate3A_1537, %sqrt3A_1585 in 0 : vector<16x512xf32>, vector<16x512xf32>, vector<1x512xf32> -> vector<33x512xf32>
    %dot_general3A_1587 = arith.constant dense<0.000000e+00> : vector<32x512xf32>
    %dot_general3A_1588 = tpu.matmul %get3A_26, %concatenate3A_1586, %dot_general3A_1587 {dimension_numbers = #tpu.dot_dimension_numbers<[1], [0], [0], [1], [0, 0, 1, 1], [], []>, transpose_lhs_hint = false} : vector<32x33xf32>, vector<33x512xf32>, vector<32x512xf32> -> vector<32x512xf32>
    %add3A_1589 = vector.broadcast %get3A_29 : vector<32x1xf32> to vector<32x512xf32>
    %add3A_1590 = arith.addf %dot_general3A_1588, %add3A_1589 : vector<32x512xf32>
    %reduce_sum3A_1591 = arith.constant dense<0.000000e+00> : vector<512xf32>
    %reduce_sum3A_1592 = vector.multi_reduction <add>, %add3A_1590, %reduce_sum3A_1591 [0] : vector<32x512xf32> to vector<512xf32>
    %broadcast_in_dim3A_1593 = vector.shape_cast %reduce_sum3A_1592 : vector<512xf32> to vector<1x512xf32>
    %div3A_1594 = arith.constant 3.200000e+01 : f32
    %div3A_1595 = vector.broadcast %div3A_1594 : f32 to vector<1x512xf32>
    %div3A_1596 = arith.divf %broadcast_in_dim3A_1593, %div3A_1595 : vector<1x512xf32>
    %sub3A_1597 = vector.broadcast %div3A_1596 : vector<1x512xf32> to vector<32x512xf32>
    %sub3A_1598 = arith.subf %add3A_1590, %sub3A_1597 : vector<32x512xf32>
    %integer_pow3A_1599 = arith.mulf %sub3A_1598, %sub3A_1598 : vector<32x512xf32>
    %reduce_sum3A_1600 = arith.constant dense<0.000000e+00> : vector<512xf32>
    %reduce_sum3A_1601 = vector.multi_reduction <add>, %integer_pow3A_1599, %reduce_sum3A_1600 [0] : vector<32x512xf32> to vector<512xf32>
    %broadcast_in_dim3A_1602 = vector.shape_cast %reduce_sum3A_1601 : vector<512xf32> to vector<1x512xf32>
    %div3A_1603 = arith.constant 3.200000e+01 : f32
    %div3A_1604 = vector.broadcast %div3A_1603 : f32 to vector<1x512xf32>
    %div3A_1605 = arith.divf %broadcast_in_dim3A_1602, %div3A_1604 : vector<1x512xf32>
    %sub3A_1606 = vector.broadcast %div3A_1596 : vector<1x512xf32> to vector<32x512xf32>
    %sub3A_1607 = arith.subf %add3A_1590, %sub3A_1606 : vector<32x512xf32>
    %add3A_1608 = arith.constant 9.99999974E-6 : f32
    %add3A_1609 = vector.broadcast %add3A_1608 : f32 to vector<1x512xf32>
    %add3A_1610 = arith.addf %div3A_1605, %add3A_1609 : vector<1x512xf32>
    %sqrt3A_1611 = math.sqrt %add3A_1610 : vector<1x512xf32>
    %div3A_1612 = vector.broadcast %sqrt3A_1611 : vector<1x512xf32> to vector<32x512xf32>
    %div3A_1613 = arith.divf %sub3A_1607, %div3A_1612 : vector<32x512xf32>
    %mul3A_1614 = vector.broadcast %get3A_32 : vector<32x1xf32> to vector<32x512xf32>
    %mul3A_1615 = arith.mulf %div3A_1613, %mul3A_1614 : vector<32x512xf32>
    %add3A_1616 = vector.broadcast %get3A_35 : vector<32x1xf32> to vector<32x512xf32>
    %add3A_1617 = arith.addf %mul3A_1615, %add3A_1616 : vector<32x512xf32>
    %mul3A_1618 = vector.broadcast %get3A_23 : f32 to vector<1x512xf32>
    %mul3A_1619 = arith.mulf %mul3A_1570, %mul3A_1618 : vector<1x512xf32>
    %mul3A_1620 = vector.broadcast %get3A_23 : f32 to vector<1x512xf32>
    %mul3A_1621 = arith.mulf %mul3A_1573, %mul3A_1620 : vector<1x512xf32>
    %mul3A_1622 = vector.broadcast %get3A_23 : f32 to vector<1x512xf32>
    %mul3A_1623 = arith.mulf %mul3A_1576, %mul3A_1622 : vector<1x512xf32>
    %concatenate3A_1624 = tpu.concatenate %mul3A_1619, %mul3A_1621, %mul3A_1623, %add3A_1617 in 0 : vector<1x512xf32>, vector<1x512xf32>, vector<1x512xf32>, vector<32x512xf32> -> vector<35x512xf32>
    %swap3A_1625 = arith.constant 0 : index
    %swap3A_1626 = arith.constant 12 : index
    %swap3A_1627 = arith.constant 0 : index
    %swap3A_1628 = arith.constant 0 : index
    %swap3A_1629 = vector.load %arg14[%swap3A_1625, %swap3A_1626, %swap3A_1627, %swap3A_1628] : memref<1x30x35x512xf32, #tpu.memory_space<vmem>>, vector<1x1x35x512xf32>
    %swap3A_1630 = vector.shape_cast %swap3A_1629 : vector<1x1x35x512xf32> to vector<35x512xf32>
    %swap3A_1631 = vector.shape_cast %concatenate3A_1624 : vector<35x512xf32> to vector<1x1x35x512xf32>
    tpu.vector_store %arg14[%swap3A_1625, %swap3A_1626, %swap3A_1627, %swap3A_1628], %swap3A_1631 {strides = array<i32>} : memref<1x30x35x512xf32, #tpu.memory_space<vmem>>, vector<1x1x35x512xf32>,
    %get3A_1632 = arith.constant 0 : index
    %get3A_1633 = arith.constant 13 : index
    %get3A_1634 = arith.constant 0 : index
    %get3A_1635 = vector.load %arg2[%get3A_1632, %get3A_1633, %get3A_1634] : memref<1x32x512xf32, #tpu.memory_space<vmem>>, vector<1x1x512xf32>
    %get3A_1636 = vector.shape_cast %get3A_1635 : vector<1x1x512xf32> to vector<1x512xf32>
    %sub3A_1637 = vector.broadcast %get3A_1636 : vector<1x512xf32> to vector<16x512xf32>
    %sub3A_1638 = vector.broadcast %mul3A_40 : vector<16x1xf32> to vector<16x512xf32>
    %sub3A_1639 = arith.subf %sub3A_1637, %sub3A_1638 : vector<16x512xf32>
    %div3A_1640 = arith.constant 1.250000e+00 : f32
    %div3A_1641 = vector.broadcast %div3A_1640 : f32 to vector<16x512xf32>
    %div3A_1642 = arith.divf %sub3A_1639, %div3A_1641 : vector<16x512xf32>
    %integer_pow3A_1643 = arith.mulf %div3A_1642, %div3A_1642 : vector<16x512xf32>
    %neg3A_1644 = arith.constant 0.000000e+00 : f32
    %neg3A_1645 = vector.broadcast %neg3A_1644 : f32 to vector<16x512xf32>
    %neg3A_1646 = arith.subf %neg3A_1645, %integer_pow3A_1643 : vector<16x512xf32>
    %exp3A_1647 = math.exp %neg3A_1646 : vector<16x512xf32>
    %get3A_1648 = arith.constant 0 : index
    %get3A_1649 = arith.constant 13 : index
    %get3A_1650 = arith.constant 0 : index
    %get3A_1651 = vector.load %arg3[%get3A_1648, %get3A_1649, %get3A_1650] : memref<1x32x512xi32, #tpu.memory_space<vmem>>, vector<1x1x512xi32>
    %get3A_1652 = vector.shape_cast %get3A_1651 : vector<1x1x512xi32> to vector<1x512xi32>
    %convert_element_type3A_1653 = arith.sitofp %get3A_1652 : vector<1x512xi32> to vector<1x512xf32>
    %sub3A_1654 = arith.subf %convert_element_type3A_1653, %convert_element_type3A : vector<1x512xf32>
    %mul3A_1655 = vector.broadcast %sub3A_1654 : vector<1x512xf32> to vector<8x512xf32>
    %mul3A_1656 = vector.broadcast %exp3A : vector<8x1xf32> to vector<8x512xf32>
    %mul3A_1657 = arith.mulf %mul3A_1655, %mul3A_1656 : vector<8x512xf32>
    %cos3A_1658 = math.cos %mul3A_1657 : vector<8x512xf32>
    %sin3A_1659 = math.sin %mul3A_1657 : vector<8x512xf32>
    %concatenate3A_1660 = tpu.concatenate %cos3A_1658, %sin3A_1659 in 0 : vector<8x512xf32>, vector<8x512xf32> -> vector<16x512xf32>
    %get3A_1661 = arith.constant 0 : index
    %get3A_1662 = arith.constant 13 : index
    %get3A_1663 = arith.constant 0 : index
    %get3A_1664 = vector.load %arg4[%get3A_1661, %get3A_1662, %get3A_1663] : memref<1x32x512xf32, #tpu.memory_space<vmem>>, vector<1x1x512xf32>
    %get3A_1665 = vector.shape_cast %get3A_1664 : vector<1x1x512xf32> to vector<1x512xf32>
    %sub3A_1666 = arith.subf %get3A_1665, %get3A_5 : vector<1x512xf32>
    %get3A_1667 = arith.constant 0 : index
    %get3A_1668 = arith.constant 13 : index
    %get3A_1669 = arith.constant 0 : index
    %get3A_1670 = vector.load %arg5[%get3A_1667, %get3A_1668, %get3A_1669] : memref<1x32x512xf32, #tpu.memory_space<vmem>>, vector<1x1x512xf32>
    %get3A_1671 = vector.shape_cast %get3A_1670 : vector<1x1x512xf32> to vector<1x512xf32>
    %sub3A_1672 = arith.subf %get3A_1671, %get3A_10 : vector<1x512xf32>
    %get3A_1673 = arith.constant 0 : index
    %get3A_1674 = arith.constant 13 : index
    %get3A_1675 = arith.constant 0 : index
    %get3A_1676 = vector.load %arg6[%get3A_1673, %get3A_1674, %get3A_1675] : memref<1x32x512xf32, #tpu.memory_space<vmem>>, vector<1x1x512xf32>
    %get3A_1677 = vector.shape_cast %get3A_1676 : vector<1x1x512xf32> to vector<1x512xf32>
    %sub3A_1678 = arith.subf %get3A_1677, %get3A_15 : vector<1x512xf32>
    %mul3A_1679 = arith.mulf %sub3A_1666, %sub3A_1666 : vector<1x512xf32>
    %mul3A_1680 = arith.mulf %sub3A_1672, %sub3A_1672 : vector<1x512xf32>
    %add3A_1681 = arith.addf %mul3A_1679, %mul3A_1680 : vector<1x512xf32>
    %mul3A_1682 = arith.mulf %sub3A_1678, %sub3A_1678 : vector<1x512xf32>
    %add3A_1683 = arith.addf %add3A_1681, %mul3A_1682 : vector<1x512xf32>
    %sqrt3A_1684 = math.sqrt %add3A_1683 : vector<1x512xf32>
    %max3A_1685 = arith.constant 9.99999996E-13 : f32
    %max3A_1686 = vector.broadcast %max3A_1685 : f32 to vector<1x512xf32>
    %max3A_1687 = arith.maximumf %sqrt3A_1684, %max3A_1686 : vector<1x512xf32>
    %div3A_1688 = arith.constant 1.000000e+00 : f32
    %div3A_1689 = vector.broadcast %div3A_1688 : f32 to vector<1x512xf32>
    %div3A_1690 = arith.divf %div3A_1689, %max3A_1687 : vector<1x512xf32>
    %mul3A_1691 = arith.mulf %sub3A_1666, %div3A_1690 : vector<1x512xf32>
    %mul3A_1692 = vector.broadcast %get3A_19 : f32 to vector<1x512xf32>
    %mul3A_1693 = arith.mulf %mul3A_1691, %mul3A_1692 : vector<1x512xf32>
    %mul3A_1694 = arith.mulf %sub3A_1672, %div3A_1690 : vector<1x512xf32>
    %mul3A_1695 = vector.broadcast %get3A_19 : f32 to vector<1x512xf32>
    %mul3A_1696 = arith.mulf %mul3A_1694, %mul3A_1695 : vector<1x512xf32>
    %mul3A_1697 = arith.mulf %sub3A_1678, %div3A_1690 : vector<1x512xf32>
    %mul3A_1698 = vector.broadcast %get3A_19 : f32 to vector<1x512xf32>
    %mul3A_1699 = arith.mulf %mul3A_1697, %mul3A_1698 : vector<1x512xf32>
    %mul3A_1700 = arith.mulf %mul3A_1693, %mul3A_1693 : vector<1x512xf32>
    %mul3A_1701 = arith.mulf %mul3A_1696, %mul3A_1696 : vector<1x512xf32>
    %add3A_1702 = arith.addf %mul3A_1700, %mul3A_1701 : vector<1x512xf32>
    %mul3A_1703 = arith.mulf %mul3A_1699, %mul3A_1699 : vector<1x512xf32>
    %add3A_1704 = arith.addf %add3A_1702, %mul3A_1703 : vector<1x512xf32>
    %add3A_1705 = arith.constant 9.99999993E-9 : f32
    %add3A_1706 = vector.broadcast %add3A_1705 : f32 to vector<1x512xf32>
    %add3A_1707 = arith.addf %add3A_1704, %add3A_1706 : vector<1x512xf32>
    %sqrt3A_1708 = math.sqrt %add3A_1707 : vector<1x512xf32>
    %concatenate3A_1709 = tpu.concatenate %exp3A_1647, %concatenate3A_1660, %sqrt3A_1708 in 0 : vector<16x512xf32>, vector<16x512xf32>, vector<1x512xf32> -> vector<33x512xf32>
    %dot_general3A_1710 = arith.constant dense<0.000000e+00> : vector<32x512xf32>
    %dot_general3A_1711 = tpu.matmul %get3A_26, %concatenate3A_1709, %dot_general3A_1710 {dimension_numbers = #tpu.dot_dimension_numbers<[1], [0], [0], [1], [0, 0, 1, 1], [], []>, transpose_lhs_hint = false} : vector<32x33xf32>, vector<33x512xf32>, vector<32x512xf32> -> vector<32x512xf32>
    %add3A_1712 = vector.broadcast %get3A_29 : vector<32x1xf32> to vector<32x512xf32>
    %add3A_1713 = arith.addf %dot_general3A_1711, %add3A_1712 : vector<32x512xf32>
    %reduce_sum3A_1714 = arith.constant dense<0.000000e+00> : vector<512xf32>
    %reduce_sum3A_1715 = vector.multi_reduction <add>, %add3A_1713, %reduce_sum3A_1714 [0] : vector<32x512xf32> to vector<512xf32>
    %broadcast_in_dim3A_1716 = vector.shape_cast %reduce_sum3A_1715 : vector<512xf32> to vector<1x512xf32>
    %div3A_1717 = arith.constant 3.200000e+01 : f32
    %div3A_1718 = vector.broadcast %div3A_1717 : f32 to vector<1x512xf32>
    %div3A_1719 = arith.divf %broadcast_in_dim3A_1716, %div3A_1718 : vector<1x512xf32>
    %sub3A_1720 = vector.broadcast %div3A_1719 : vector<1x512xf32> to vector<32x512xf32>
    %sub3A_1721 = arith.subf %add3A_1713, %sub3A_1720 : vector<32x512xf32>
    %integer_pow3A_1722 = arith.mulf %sub3A_1721, %sub3A_1721 : vector<32x512xf32>
    %reduce_sum3A_1723 = arith.constant dense<0.000000e+00> : vector<512xf32>
    %reduce_sum3A_1724 = vector.multi_reduction <add>, %integer_pow3A_1722, %reduce_sum3A_1723 [0] : vector<32x512xf32> to vector<512xf32>
    %broadcast_in_dim3A_1725 = vector.shape_cast %reduce_sum3A_1724 : vector<512xf32> to vector<1x512xf32>
    %div3A_1726 = arith.constant 3.200000e+01 : f32
    %div3A_1727 = vector.broadcast %div3A_1726 : f32 to vector<1x512xf32>
    %div3A_1728 = arith.divf %broadcast_in_dim3A_1725, %div3A_1727 : vector<1x512xf32>
    %sub3A_1729 = vector.broadcast %div3A_1719 : vector<1x512xf32> to vector<32x512xf32>
    %sub3A_1730 = arith.subf %add3A_1713, %sub3A_1729 : vector<32x512xf32>
    %add3A_1731 = arith.constant 9.99999974E-6 : f32
    %add3A_1732 = vector.broadcast %add3A_1731 : f32 to vector<1x512xf32>
    %add3A_1733 = arith.addf %div3A_1728, %add3A_1732 : vector<1x512xf32>
    %sqrt3A_1734 = math.sqrt %add3A_1733 : vector<1x512xf32>
    %div3A_1735 = vector.broadcast %sqrt3A_1734 : vector<1x512xf32> to vector<32x512xf32>
    %div3A_1736 = arith.divf %sub3A_1730, %div3A_1735 : vector<32x512xf32>
    %mul3A_1737 = vector.broadcast %get3A_32 : vector<32x1xf32> to vector<32x512xf32>
    %mul3A_1738 = arith.mulf %div3A_1736, %mul3A_1737 : vector<32x512xf32>
    %add3A_1739 = vector.broadcast %get3A_35 : vector<32x1xf32> to vector<32x512xf32>
    %add3A_1740 = arith.addf %mul3A_1738, %add3A_1739 : vector<32x512xf32>
    %mul3A_1741 = vector.broadcast %get3A_23 : f32 to vector<1x512xf32>
    %mul3A_1742 = arith.mulf %mul3A_1693, %mul3A_1741 : vector<1x512xf32>
    %mul3A_1743 = vector.broadcast %get3A_23 : f32 to vector<1x512xf32>
    %mul3A_1744 = arith.mulf %mul3A_1696, %mul3A_1743 : vector<1x512xf32>
    %mul3A_1745 = vector.broadcast %get3A_23 : f32 to vector<1x512xf32>
    %mul3A_1746 = arith.mulf %mul3A_1699, %mul3A_1745 : vector<1x512xf32>
    %concatenate3A_1747 = tpu.concatenate %mul3A_1742, %mul3A_1744, %mul3A_1746, %add3A_1740 in 0 : vector<1x512xf32>, vector<1x512xf32>, vector<1x512xf32>, vector<32x512xf32> -> vector<35x512xf32>
    %swap3A_1748 = arith.constant 0 : index
    %swap3A_1749 = arith.constant 13 : index
    %swap3A_1750 = arith.constant 0 : index
    %swap3A_1751 = arith.constant 0 : index
    %swap3A_1752 = vector.load %arg14[%swap3A_1748, %swap3A_1749, %swap3A_1750, %swap3A_1751] : memref<1x30x35x512xf32, #tpu.memory_space<vmem>>, vector<1x1x35x512xf32>
    %swap3A_1753 = vector.shape_cast %swap3A_1752 : vector<1x1x35x512xf32> to vector<35x512xf32>
    %swap3A_1754 = vector.shape_cast %concatenate3A_1747 : vector<35x512xf32> to vector<1x1x35x512xf32>
    tpu.vector_store %arg14[%swap3A_1748, %swap3A_1749, %swap3A_1750, %swap3A_1751], %swap3A_1754 {strides = array<i32>} : memref<1x30x35x512xf32, #tpu.memory_space<vmem>>, vector<1x1x35x512xf32>,
    %get3A_1755 = arith.constant 0 : index
    %get3A_1756 = arith.constant 14 : index
    %get3A_1757 = arith.constant 0 : index
    %get3A_1758 = vector.load %arg2[%get3A_1755, %get3A_1756, %get3A_1757] : memref<1x32x512xf32, #tpu.memory_space<vmem>>, vector<1x1x512xf32>
    %get3A_1759 = vector.shape_cast %get3A_1758 : vector<1x1x512xf32> to vector<1x512xf32>
    %sub3A_1760 = vector.broadcast %get3A_1759 : vector<1x512xf32> to vector<16x512xf32>
    %sub3A_1761 = vector.broadcast %mul3A_40 : vector<16x1xf32> to vector<16x512xf32>
    %sub3A_1762 = arith.subf %sub3A_1760, %sub3A_1761 : vector<16x512xf32>
    %div3A_1763 = arith.constant 1.250000e+00 : f32
    %div3A_1764 = vector.broadcast %div3A_1763 : f32 to vector<16x512xf32>
    %div3A_1765 = arith.divf %sub3A_1762, %div3A_1764 : vector<16x512xf32>
    %integer_pow3A_1766 = arith.mulf %div3A_1765, %div3A_1765 : vector<16x512xf32>
    %neg3A_1767 = arith.constant 0.000000e+00 : f32
    %neg3A_1768 = vector.broadcast %neg3A_1767 : f32 to vector<16x512xf32>
    %neg3A_1769 = arith.subf %neg3A_1768, %integer_pow3A_1766 : vector<16x512xf32>
    %exp3A_1770 = math.exp %neg3A_1769 : vector<16x512xf32>
    %get3A_1771 = arith.constant 0 : index
    %get3A_1772 = arith.constant 14 : index
    %get3A_1773 = arith.constant 0 : index
    %get3A_1774 = vector.load %arg3[%get3A_1771, %get3A_1772, %get3A_1773] : memref<1x32x512xi32, #tpu.memory_space<vmem>>, vector<1x1x512xi32>
    %get3A_1775 = vector.shape_cast %get3A_1774 : vector<1x1x512xi32> to vector<1x512xi32>
    %convert_element_type3A_1776 = arith.sitofp %get3A_1775 : vector<1x512xi32> to vector<1x512xf32>
    %sub3A_1777 = arith.subf %convert_element_type3A_1776, %convert_element_type3A : vector<1x512xf32>
    %mul3A_1778 = vector.broadcast %sub3A_1777 : vector<1x512xf32> to vector<8x512xf32>
    %mul3A_1779 = vector.broadcast %exp3A : vector<8x1xf32> to vector<8x512xf32>
    %mul3A_1780 = arith.mulf %mul3A_1778, %mul3A_1779 : vector<8x512xf32>
    %cos3A_1781 = math.cos %mul3A_1780 : vector<8x512xf32>
    %sin3A_1782 = math.sin %mul3A_1780 : vector<8x512xf32>
    %concatenate3A_1783 = tpu.concatenate %cos3A_1781, %sin3A_1782 in 0 : vector<8x512xf32>, vector<8x512xf32> -> vector<16x512xf32>
    %get3A_1784 = arith.constant 0 : index
    %get3A_1785 = arith.constant 14 : index
    %get3A_1786 = arith.constant 0 : index
    %get3A_1787 = vector.load %arg4[%get3A_1784, %get3A_1785, %get3A_1786] : memref<1x32x512xf32, #tpu.memory_space<vmem>>, vector<1x1x512xf32>
    %get3A_1788 = vector.shape_cast %get3A_1787 : vector<1x1x512xf32> to vector<1x512xf32>
    %sub3A_1789 = arith.subf %get3A_1788, %get3A_5 : vector<1x512xf32>
    %get3A_1790 = arith.constant 0 : index
    %get3A_1791 = arith.constant 14 : index
    %get3A_1792 = arith.constant 0 : index
    %get3A_1793 = vector.load %arg5[%get3A_1790, %get3A_1791, %get3A_1792] : memref<1x32x512xf32, #tpu.memory_space<vmem>>, vector<1x1x512xf32>
    %get3A_1794 = vector.shape_cast %get3A_1793 : vector<1x1x512xf32> to vector<1x512xf32>
    %sub3A_1795 = arith.subf %get3A_1794, %get3A_10 : vector<1x512xf32>
    %get3A_1796 = arith.constant 0 : index
    %get3A_1797 = arith.constant 14 : index
    %get3A_1798 = arith.constant 0 : index
    %get3A_1799 = vector.load %arg6[%get3A_1796, %get3A_1797, %get3A_1798] : memref<1x32x512xf32, #tpu.memory_space<vmem>>, vector<1x1x512xf32>
    %get3A_1800 = vector.shape_cast %get3A_1799 : vector<1x1x512xf32> to vector<1x512xf32>
    %sub3A_1801 = arith.subf %get3A_1800, %get3A_15 : vector<1x512xf32>
    %mul3A_1802 = arith.mulf %sub3A_1789, %sub3A_1789 : vector<1x512xf32>
    %mul3A_1803 = arith.mulf %sub3A_1795, %sub3A_1795 : vector<1x512xf32>
    %add3A_1804 = arith.addf %mul3A_1802, %mul3A_1803 : vector<1x512xf32>
    %mul3A_1805 = arith.mulf %sub3A_1801, %sub3A_1801 : vector<1x512xf32>
    %add3A_1806 = arith.addf %add3A_1804, %mul3A_1805 : vector<1x512xf32>
    %sqrt3A_1807 = math.sqrt %add3A_1806 : vector<1x512xf32>
    %max3A_1808 = arith.constant 9.99999996E-13 : f32
    %max3A_1809 = vector.broadcast %max3A_1808 : f32 to vector<1x512xf32>
    %max3A_1810 = arith.maximumf %sqrt3A_1807, %max3A_1809 : vector<1x512xf32>
    %div3A_1811 = arith.constant 1.000000e+00 : f32
    %div3A_1812 = vector.broadcast %div3A_1811 : f32 to vector<1x512xf32>
    %div3A_1813 = arith.divf %div3A_1812, %max3A_1810 : vector<1x512xf32>
    %mul3A_1814 = arith.mulf %sub3A_1789, %div3A_1813 : vector<1x512xf32>
    %mul3A_1815 = vector.broadcast %get3A_19 : f32 to vector<1x512xf32>
    %mul3A_1816 = arith.mulf %mul3A_1814, %mul3A_1815 : vector<1x512xf32>
    %mul3A_1817 = arith.mulf %sub3A_1795, %div3A_1813 : vector<1x512xf32>
    %mul3A_1818 = vector.broadcast %get3A_19 : f32 to vector<1x512xf32>
    %mul3A_1819 = arith.mulf %mul3A_1817, %mul3A_1818 : vector<1x512xf32>
    %mul3A_1820 = arith.mulf %sub3A_1801, %div3A_1813 : vector<1x512xf32>
    %mul3A_1821 = vector.broadcast %get3A_19 : f32 to vector<1x512xf32>
    %mul3A_1822 = arith.mulf %mul3A_1820, %mul3A_1821 : vector<1x512xf32>
    %mul3A_1823 = arith.mulf %mul3A_1816, %mul3A_1816 : vector<1x512xf32>
    %mul3A_1824 = arith.mulf %mul3A_1819, %mul3A_1819 : vector<1x512xf32>
    %add3A_1825 = arith.addf %mul3A_1823, %mul3A_1824 : vector<1x512xf32>
    %mul3A_1826 = arith.mulf %mul3A_1822, %mul3A_1822 : vector<1x512xf32>
    %add3A_1827 = arith.addf %add3A_1825, %mul3A_1826 : vector<1x512xf32>
    %add3A_1828 = arith.constant 9.99999993E-9 : f32
    %add3A_1829 = vector.broadcast %add3A_1828 : f32 to vector<1x512xf32>
    %add3A_1830 = arith.addf %add3A_1827, %add3A_1829 : vector<1x512xf32>
    %sqrt3A_1831 = math.sqrt %add3A_1830 : vector<1x512xf32>
    %concatenate3A_1832 = tpu.concatenate %exp3A_1770, %concatenate3A_1783, %sqrt3A_1831 in 0 : vector<16x512xf32>, vector<16x512xf32>, vector<1x512xf32> -> vector<33x512xf32>
    %dot_general3A_1833 = arith.constant dense<0.000000e+00> : vector<32x512xf32>
    %dot_general3A_1834 = tpu.matmul %get3A_26, %concatenate3A_1832, %dot_general3A_1833 {dimension_numbers = #tpu.dot_dimension_numbers<[1], [0], [0], [1], [0, 0, 1, 1], [], []>, transpose_lhs_hint = false} : vector<32x33xf32>, vector<33x512xf32>, vector<32x512xf32> -> vector<32x512xf32>
    %add3A_1835 = vector.broadcast %get3A_29 : vector<32x1xf32> to vector<32x512xf32>
    %add3A_1836 = arith.addf %dot_general3A_1834, %add3A_1835 : vector<32x512xf32>
    %reduce_sum3A_1837 = arith.constant dense<0.000000e+00> : vector<512xf32>
    %reduce_sum3A_1838 = vector.multi_reduction <add>, %add3A_1836, %reduce_sum3A_1837 [0] : vector<32x512xf32> to vector<512xf32>
    %broadcast_in_dim3A_1839 = vector.shape_cast %reduce_sum3A_1838 : vector<512xf32> to vector<1x512xf32>
    %div3A_1840 = arith.constant 3.200000e+01 : f32
    %div3A_1841 = vector.broadcast %div3A_1840 : f32 to vector<1x512xf32>
    %div3A_1842 = arith.divf %broadcast_in_dim3A_1839, %div3A_1841 : vector<1x512xf32>
    %sub3A_1843 = vector.broadcast %div3A_1842 : vector<1x512xf32> to vector<32x512xf32>
    %sub3A_1844 = arith.subf %add3A_1836, %sub3A_1843 : vector<32x512xf32>
    %integer_pow3A_1845 = arith.mulf %sub3A_1844, %sub3A_1844 : vector<32x512xf32>
    %reduce_sum3A_1846 = arith.constant dense<0.000000e+00> : vector<512xf32>
    %reduce_sum3A_1847 = vector.multi_reduction <add>, %integer_pow3A_1845, %reduce_sum3A_1846 [0] : vector<32x512xf32> to vector<512xf32>
    %broadcast_in_dim3A_1848 = vector.shape_cast %reduce_sum3A_1847 : vector<512xf32> to vector<1x512xf32>
    %div3A_1849 = arith.constant 3.200000e+01 : f32
    %div3A_1850 = vector.broadcast %div3A_1849 : f32 to vector<1x512xf32>
    %div3A_1851 = arith.divf %broadcast_in_dim3A_1848, %div3A_1850 : vector<1x512xf32>
    %sub3A_1852 = vector.broadcast %div3A_1842 : vector<1x512xf32> to vector<32x512xf32>
    %sub3A_1853 = arith.subf %add3A_1836, %sub3A_1852 : vector<32x512xf32>
    %add3A_1854 = arith.constant 9.99999974E-6 : f32
    %add3A_1855 = vector.broadcast %add3A_1854 : f32 to vector<1x512xf32>
    %add3A_1856 = arith.addf %div3A_1851, %add3A_1855 : vector<1x512xf32>
    %sqrt3A_1857 = math.sqrt %add3A_1856 : vector<1x512xf32>
    %div3A_1858 = vector.broadcast %sqrt3A_1857 : vector<1x512xf32> to vector<32x512xf32>
    %div3A_1859 = arith.divf %sub3A_1853, %div3A_1858 : vector<32x512xf32>
    %mul3A_1860 = vector.broadcast %get3A_32 : vector<32x1xf32> to vector<32x512xf32>
    %mul3A_1861 = arith.mulf %div3A_1859, %mul3A_1860 : vector<32x512xf32>
    %add3A_1862 = vector.broadcast %get3A_35 : vector<32x1xf32> to vector<32x512xf32>
    %add3A_1863 = arith.addf %mul3A_1861, %add3A_1862 : vector<32x512xf32>
    %mul3A_1864 = vector.broadcast %get3A_23 : f32 to vector<1x512xf32>
    %mul3A_1865 = arith.mulf %mul3A_1816, %mul3A_1864 : vector<1x512xf32>
    %mul3A_1866 = vector.broadcast %get3A_23 : f32 to vector<1x512xf32>
    %mul3A_1867 = arith.mulf %mul3A_1819, %mul3A_1866 : vector<1x512xf32>
    %mul3A_1868 = vector.broadcast %get3A_23 : f32 to vector<1x512xf32>
    %mul3A_1869 = arith.mulf %mul3A_1822, %mul3A_1868 : vector<1x512xf32>
    %concatenate3A_1870 = tpu.concatenate %mul3A_1865, %mul3A_1867, %mul3A_1869, %add3A_1863 in 0 : vector<1x512xf32>, vector<1x512xf32>, vector<1x512xf32>, vector<32x512xf32> -> vector<35x512xf32>
    %swap3A_1871 = arith.constant 0 : index
    %swap3A_1872 = arith.constant 14 : index
    %swap3A_1873 = arith.constant 0 : index
    %swap3A_1874 = arith.constant 0 : index
    %swap3A_1875 = vector.load %arg14[%swap3A_1871, %swap3A_1872, %swap3A_1873, %swap3A_1874] : memref<1x30x35x512xf32, #tpu.memory_space<vmem>>, vector<1x1x35x512xf32>
    %swap3A_1876 = vector.shape_cast %swap3A_1875 : vector<1x1x35x512xf32> to vector<35x512xf32>
    %swap3A_1877 = vector.shape_cast %concatenate3A_1870 : vector<35x512xf32> to vector<1x1x35x512xf32>
    tpu.vector_store %arg14[%swap3A_1871, %swap3A_1872, %swap3A_1873, %swap3A_1874], %swap3A_1877 {strides = array<i32>} : memref<1x30x35x512xf32, #tpu.memory_space<vmem>>, vector<1x1x35x512xf32>,
    %get3A_1878 = arith.constant 0 : index
    %get3A_1879 = arith.constant 15 : index
    %get3A_1880 = arith.constant 0 : index
    %get3A_1881 = vector.load %arg2[%get3A_1878, %get3A_1879, %get3A_1880] : memref<1x32x512xf32, #tpu.memory_space<vmem>>, vector<1x1x512xf32>
    %get3A_1882 = vector.shape_cast %get3A_1881 : vector<1x1x512xf32> to vector<1x512xf32>
    %sub3A_1883 = vector.broadcast %get3A_1882 : vector<1x512xf32> to vector<16x512xf32>
    %sub3A_1884 = vector.broadcast %mul3A_40 : vector<16x1xf32> to vector<16x512xf32>
    %sub3A_1885 = arith.subf %sub3A_1883, %sub3A_1884 : vector<16x512xf32>
    %div3A_1886 = arith.constant 1.250000e+00 : f32
    %div3A_1887 = vector.broadcast %div3A_1886 : f32 to vector<16x512xf32>
    %div3A_1888 = arith.divf %sub3A_1885, %div3A_1887 : vector<16x512xf32>
    %integer_pow3A_1889 = arith.mulf %div3A_1888, %div3A_1888 : vector<16x512xf32>
    %neg3A_1890 = arith.constant 0.000000e+00 : f32
    %neg3A_1891 = vector.broadcast %neg3A_1890 : f32 to vector<16x512xf32>
    %neg3A_1892 = arith.subf %neg3A_1891, %integer_pow3A_1889 : vector<16x512xf32>
    %exp3A_1893 = math.exp %neg3A_1892 : vector<16x512xf32>
    %get3A_1894 = arith.constant 0 : index
    %get3A_1895 = arith.constant 15 : index
    %get3A_1896 = arith.constant 0 : index
    %get3A_1897 = vector.load %arg3[%get3A_1894, %get3A_1895, %get3A_1896] : memref<1x32x512xi32, #tpu.memory_space<vmem>>, vector<1x1x512xi32>
    %get3A_1898 = vector.shape_cast %get3A_1897 : vector<1x1x512xi32> to vector<1x512xi32>
    %convert_element_type3A_1899 = arith.sitofp %get3A_1898 : vector<1x512xi32> to vector<1x512xf32>
    %sub3A_1900 = arith.subf %convert_element_type3A_1899, %convert_element_type3A : vector<1x512xf32>
    %mul3A_1901 = vector.broadcast %sub3A_1900 : vector<1x512xf32> to vector<8x512xf32>
    %mul3A_1902 = vector.broadcast %exp3A : vector<8x1xf32> to vector<8x512xf32>
    %mul3A_1903 = arith.mulf %mul3A_1901, %mul3A_1902 : vector<8x512xf32>
    %cos3A_1904 = math.cos %mul3A_1903 : vector<8x512xf32>
    %sin3A_1905 = math.sin %mul3A_1903 : vector<8x512xf32>
    %concatenate3A_1906 = tpu.concatenate %cos3A_1904, %sin3A_1905 in 0 : vector<8x512xf32>, vector<8x512xf32> -> vector<16x512xf32>
    %get3A_1907 = arith.constant 0 : index
    %get3A_1908 = arith.constant 15 : index
    %get3A_1909 = arith.constant 0 : index
    %get3A_1910 = vector.load %arg4[%get3A_1907, %get3A_1908, %get3A_1909] : memref<1x32x512xf32, #tpu.memory_space<vmem>>, vector<1x1x512xf32>
    %get3A_1911 = vector.shape_cast %get3A_1910 : vector<1x1x512xf32> to vector<1x512xf32>
    %sub3A_1912 = arith.subf %get3A_1911, %get3A_5 : vector<1x512xf32>
    %get3A_1913 = arith.constant 0 : index
    %get3A_1914 = arith.constant 15 : index
    %get3A_1915 = arith.constant 0 : index
    %get3A_1916 = vector.load %arg5[%get3A_1913, %get3A_1914, %get3A_1915] : memref<1x32x512xf32, #tpu.memory_space<vmem>>, vector<1x1x512xf32>
    %get3A_1917 = vector.shape_cast %get3A_1916 : vector<1x1x512xf32> to vector<1x512xf32>
    %sub3A_1918 = arith.subf %get3A_1917, %get3A_10 : vector<1x512xf32>
    %get3A_1919 = arith.constant 0 : index
    %get3A_1920 = arith.constant 15 : index
    %get3A_1921 = arith.constant 0 : index
    %get3A_1922 = vector.load %arg6[%get3A_1919, %get3A_1920, %get3A_1921] : memref<1x32x512xf32, #tpu.memory_space<vmem>>, vector<1x1x512xf32>
    %get3A_1923 = vector.shape_cast %get3A_1922 : vector<1x1x512xf32> to vector<1x512xf32>
    %sub3A_1924 = arith.subf %get3A_1923, %get3A_15 : vector<1x512xf32>
    %mul3A_1925 = arith.mulf %sub3A_1912, %sub3A_1912 : vector<1x512xf32>
    %mul3A_1926 = arith.mulf %sub3A_1918, %sub3A_1918 : vector<1x512xf32>
    %add3A_1927 = arith.addf %mul3A_1925, %mul3A_1926 : vector<1x512xf32>
    %mul3A_1928 = arith.mulf %sub3A_1924, %sub3A_1924 : vector<1x512xf32>
    %add3A_1929 = arith.addf %add3A_1927, %mul3A_1928 : vector<1x512xf32>
    %sqrt3A_1930 = math.sqrt %add3A_1929 : vector<1x512xf32>
    %max3A_1931 = arith.constant 9.99999996E-13 : f32
    %max3A_1932 = vector.broadcast %max3A_1931 : f32 to vector<1x512xf32>
    %max3A_1933 = arith.maximumf %sqrt3A_1930, %max3A_1932 : vector<1x512xf32>
    %div3A_1934 = arith.constant 1.000000e+00 : f32
    %div3A_1935 = vector.broadcast %div3A_1934 : f32 to vector<1x512xf32>
    %div3A_1936 = arith.divf %div3A_1935, %max3A_1933 : vector<1x512xf32>
    %mul3A_1937 = arith.mulf %sub3A_1912, %div3A_1936 : vector<1x512xf32>
    %mul3A_1938 = vector.broadcast %get3A_19 : f32 to vector<1x512xf32>
    %mul3A_1939 = arith.mulf %mul3A_1937, %mul3A_1938 : vector<1x512xf32>
    %mul3A_1940 = arith.mulf %sub3A_1918, %div3A_1936 : vector<1x512xf32>
    %mul3A_1941 = vector.broadcast %get3A_19 : f32 to vector<1x512xf32>
    %mul3A_1942 = arith.mulf %mul3A_1940, %mul3A_1941 : vector<1x512xf32>
    %mul3A_1943 = arith.mulf %sub3A_1924, %div3A_1936 : vector<1x512xf32>
    %mul3A_1944 = vector.broadcast %get3A_19 : f32 to vector<1x512xf32>
    %mul3A_1945 = arith.mulf %mul3A_1943, %mul3A_1944 : vector<1x512xf32>
    %mul3A_1946 = arith.mulf %mul3A_1939, %mul3A_1939 : vector<1x512xf32>
    %mul3A_1947 = arith.mulf %mul3A_1942, %mul3A_1942 : vector<1x512xf32>
    %add3A_1948 = arith.addf %mul3A_1946, %mul3A_1947 : vector<1x512xf32>
    %mul3A_1949 = arith.mulf %mul3A_1945, %mul3A_1945 : vector<1x512xf32>
    %add3A_1950 = arith.addf %add3A_1948, %mul3A_1949 : vector<1x512xf32>
    %add3A_1951 = arith.constant 9.99999993E-9 : f32
    %add3A_1952 = vector.broadcast %add3A_1951 : f32 to vector<1x512xf32>
    %add3A_1953 = arith.addf %add3A_1950, %add3A_1952 : vector<1x512xf32>
    %sqrt3A_1954 = math.sqrt %add3A_1953 : vector<1x512xf32>
    %concatenate3A_1955 = tpu.concatenate %exp3A_1893, %concatenate3A_1906, %sqrt3A_1954 in 0 : vector<16x512xf32>, vector<16x512xf32>, vector<1x512xf32> -> vector<33x512xf32>
    %dot_general3A_1956 = arith.constant dense<0.000000e+00> : vector<32x512xf32>
    %dot_general3A_1957 = tpu.matmul %get3A_26, %concatenate3A_1955, %dot_general3A_1956 {dimension_numbers = #tpu.dot_dimension_numbers<[1], [0], [0], [1], [0, 0, 1, 1], [], []>, transpose_lhs_hint = false} : vector<32x33xf32>, vector<33x512xf32>, vector<32x512xf32> -> vector<32x512xf32>
    %add3A_1958 = vector.broadcast %get3A_29 : vector<32x1xf32> to vector<32x512xf32>
    %add3A_1959 = arith.addf %dot_general3A_1957, %add3A_1958 : vector<32x512xf32>
    %reduce_sum3A_1960 = arith.constant dense<0.000000e+00> : vector<512xf32>
    %reduce_sum3A_1961 = vector.multi_reduction <add>, %add3A_1959, %reduce_sum3A_1960 [0] : vector<32x512xf32> to vector<512xf32>
    %broadcast_in_dim3A_1962 = vector.shape_cast %reduce_sum3A_1961 : vector<512xf32> to vector<1x512xf32>
    %div3A_1963 = arith.constant 3.200000e+01 : f32
    %div3A_1964 = vector.broadcast %div3A_1963 : f32 to vector<1x512xf32>
    %div3A_1965 = arith.divf %broadcast_in_dim3A_1962, %div3A_1964 : vector<1x512xf32>
    %sub3A_1966 = vector.broadcast %div3A_1965 : vector<1x512xf32> to vector<32x512xf32>
    %sub3A_1967 = arith.subf %add3A_1959, %sub3A_1966 : vector<32x512xf32>
    %integer_pow3A_1968 = arith.mulf %sub3A_1967, %sub3A_1967 : vector<32x512xf32>
    %reduce_sum3A_1969 = arith.constant dense<0.000000e+00> : vector<512xf32>
    %reduce_sum3A_1970 = vector.multi_reduction <add>, %integer_pow3A_1968, %reduce_sum3A_1969 [0] : vector<32x512xf32> to vector<512xf32>
    %broadcast_in_dim3A_1971 = vector.shape_cast %reduce_sum3A_1970 : vector<512xf32> to vector<1x512xf32>
    %div3A_1972 = arith.constant 3.200000e+01 : f32
    %div3A_1973 = vector.broadcast %div3A_1972 : f32 to vector<1x512xf32>
    %div3A_1974 = arith.divf %broadcast_in_dim3A_1971, %div3A_1973 : vector<1x512xf32>
    %sub3A_1975 = vector.broadcast %div3A_1965 : vector<1x512xf32> to vector<32x512xf32>
    %sub3A_1976 = arith.subf %add3A_1959, %sub3A_1975 : vector<32x512xf32>
    %add3A_1977 = arith.constant 9.99999974E-6 : f32
    %add3A_1978 = vector.broadcast %add3A_1977 : f32 to vector<1x512xf32>
    %add3A_1979 = arith.addf %div3A_1974, %add3A_1978 : vector<1x512xf32>
    %sqrt3A_1980 = math.sqrt %add3A_1979 : vector<1x512xf32>
    %div3A_1981 = vector.broadcast %sqrt3A_1980 : vector<1x512xf32> to vector<32x512xf32>
    %div3A_1982 = arith.divf %sub3A_1976, %div3A_1981 : vector<32x512xf32>
    %mul3A_1983 = vector.broadcast %get3A_32 : vector<32x1xf32> to vector<32x512xf32>
    %mul3A_1984 = arith.mulf %div3A_1982, %mul3A_1983 : vector<32x512xf32>
    %add3A_1985 = vector.broadcast %get3A_35 : vector<32x1xf32> to vector<32x512xf32>
    %add3A_1986 = arith.addf %mul3A_1984, %add3A_1985 : vector<32x512xf32>
    %mul3A_1987 = vector.broadcast %get3A_23 : f32 to vector<1x512xf32>
    %mul3A_1988 = arith.mulf %mul3A_1939, %mul3A_1987 : vector<1x512xf32>
    %mul3A_1989 = vector.broadcast %get3A_23 : f32 to vector<1x512xf32>
    %mul3A_1990 = arith.mulf %mul3A_1942, %mul3A_1989 : vector<1x512xf32>
    %mul3A_1991 = vector.broadcast %get3A_23 : f32 to vector<1x512xf32>
    %mul3A_1992 = arith.mulf %mul3A_1945, %mul3A_1991 : vector<1x512xf32>
    %concatenate3A_1993 = tpu.concatenate %mul3A_1988, %mul3A_1990, %mul3A_1992, %add3A_1986 in 0 : vector<1x512xf32>, vector<1x512xf32>, vector<1x512xf32>, vector<32x512xf32> -> vector<35x512xf32>
    %swap3A_1994 = arith.constant 0 : index
    %swap3A_1995 = arith.constant 15 : index
    %swap3A_1996 = arith.constant 0 : index
    %swap3A_1997 = arith.constant 0 : index
    %swap3A_1998 = vector.load %arg14[%swap3A_1994, %swap3A_1995, %swap3A_1996, %swap3A_1997] : memref<1x30x35x512xf32, #tpu.memory_space<vmem>>, vector<1x1x35x512xf32>
    %swap3A_1999 = vector.shape_cast %swap3A_1998 : vector<1x1x35x512xf32> to vector<35x512xf32>
    %swap3A_2000 = vector.shape_cast %concatenate3A_1993 : vector<35x512xf32> to vector<1x1x35x512xf32>
    tpu.vector_store %arg14[%swap3A_1994, %swap3A_1995, %swap3A_1996, %swap3A_1997], %swap3A_2000 {strides = array<i32>} : memref<1x30x35x512xf32, #tpu.memory_space<vmem>>, vector<1x1x35x512xf32>,
    %get3A_2001 = arith.constant 0 : index
    %get3A_2002 = arith.constant 16 : index
    %get3A_2003 = arith.constant 0 : index
    %get3A_2004 = vector.load %arg2[%get3A_2001, %get3A_2002, %get3A_2003] : memref<1x32x512xf32, #tpu.memory_space<vmem>>, vector<1x1x512xf32>
    %get3A_2005 = vector.shape_cast %get3A_2004 : vector<1x1x512xf32> to vector<1x512xf32>
    %sub3A_2006 = vector.broadcast %get3A_2005 : vector<1x512xf32> to vector<16x512xf32>
    %sub3A_2007 = vector.broadcast %mul3A_40 : vector<16x1xf32> to vector<16x512xf32>
    %sub3A_2008 = arith.subf %sub3A_2006, %sub3A_2007 : vector<16x512xf32>
    %div3A_2009 = arith.constant 1.250000e+00 : f32
    %div3A_2010 = vector.broadcast %div3A_2009 : f32 to vector<16x512xf32>
    %div3A_2011 = arith.divf %sub3A_2008, %div3A_2010 : vector<16x512xf32>
    %integer_pow3A_2012 = arith.mulf %div3A_2011, %div3A_2011 : vector<16x512xf32>
    %neg3A_2013 = arith.constant 0.000000e+00 : f32
    %neg3A_2014 = vector.broadcast %neg3A_2013 : f32 to vector<16x512xf32>
    %neg3A_2015 = arith.subf %neg3A_2014, %integer_pow3A_2012 : vector<16x512xf32>
    %exp3A_2016 = math.exp %neg3A_2015 : vector<16x512xf32>
    %get3A_2017 = arith.constant 0 : index
    %get3A_2018 = arith.constant 16 : index
    %get3A_2019 = arith.constant 0 : index
    %get3A_2020 = vector.load %arg3[%get3A_2017, %get3A_2018, %get3A_2019] : memref<1x32x512xi32, #tpu.memory_space<vmem>>, vector<1x1x512xi32>
    %get3A_2021 = vector.shape_cast %get3A_2020 : vector<1x1x512xi32> to vector<1x512xi32>
    %convert_element_type3A_2022 = arith.sitofp %get3A_2021 : vector<1x512xi32> to vector<1x512xf32>
    %sub3A_2023 = arith.subf %convert_element_type3A_2022, %convert_element_type3A : vector<1x512xf32>
    %mul3A_2024 = vector.broadcast %sub3A_2023 : vector<1x512xf32> to vector<8x512xf32>
    %mul3A_2025 = vector.broadcast %exp3A : vector<8x1xf32> to vector<8x512xf32>
    %mul3A_2026 = arith.mulf %mul3A_2024, %mul3A_2025 : vector<8x512xf32>
    %cos3A_2027 = math.cos %mul3A_2026 : vector<8x512xf32>
    %sin3A_2028 = math.sin %mul3A_2026 : vector<8x512xf32>
    %concatenate3A_2029 = tpu.concatenate %cos3A_2027, %sin3A_2028 in 0 : vector<8x512xf32>, vector<8x512xf32> -> vector<16x512xf32>
    %get3A_2030 = arith.constant 0 : index
    %get3A_2031 = arith.constant 16 : index
    %get3A_2032 = arith.constant 0 : index
    %get3A_2033 = vector.load %arg4[%get3A_2030, %get3A_2031, %get3A_2032] : memref<1x32x512xf32, #tpu.memory_space<vmem>>, vector<1x1x512xf32>
    %get3A_2034 = vector.shape_cast %get3A_2033 : vector<1x1x512xf32> to vector<1x512xf32>
    %sub3A_2035 = arith.subf %get3A_2034, %get3A_5 : vector<1x512xf32>
    %get3A_2036 = arith.constant 0 : index
    %get3A_2037 = arith.constant 16 : index
    %get3A_2038 = arith.constant 0 : index
    %get3A_2039 = vector.load %arg5[%get3A_2036, %get3A_2037, %get3A_2038] : memref<1x32x512xf32, #tpu.memory_space<vmem>>, vector<1x1x512xf32>
    %get3A_2040 = vector.shape_cast %get3A_2039 : vector<1x1x512xf32> to vector<1x512xf32>
    %sub3A_2041 = arith.subf %get3A_2040, %get3A_10 : vector<1x512xf32>
    %get3A_2042 = arith.constant 0 : index
    %get3A_2043 = arith.constant 16 : index
    %get3A_2044 = arith.constant 0 : index
    %get3A_2045 = vector.load %arg6[%get3A_2042, %get3A_2043, %get3A_2044] : memref<1x32x512xf32, #tpu.memory_space<vmem>>, vector<1x1x512xf32>
    %get3A_2046 = vector.shape_cast %get3A_2045 : vector<1x1x512xf32> to vector<1x512xf32>
    %sub3A_2047 = arith.subf %get3A_2046, %get3A_15 : vector<1x512xf32>
    %mul3A_2048 = arith.mulf %sub3A_2035, %sub3A_2035 : vector<1x512xf32>
    %mul3A_2049 = arith.mulf %sub3A_2041, %sub3A_2041 : vector<1x512xf32>
    %add3A_2050 = arith.addf %mul3A_2048, %mul3A_2049 : vector<1x512xf32>
    %mul3A_2051 = arith.mulf %sub3A_2047, %sub3A_2047 : vector<1x512xf32>
    %add3A_2052 = arith.addf %add3A_2050, %mul3A_2051 : vector<1x512xf32>
    %sqrt3A_2053 = math.sqrt %add3A_2052 : vector<1x512xf32>
    %max3A_2054 = arith.constant 9.99999996E-13 : f32
    %max3A_2055 = vector.broadcast %max3A_2054 : f32 to vector<1x512xf32>
    %max3A_2056 = arith.maximumf %sqrt3A_2053, %max3A_2055 : vector<1x512xf32>
    %div3A_2057 = arith.constant 1.000000e+00 : f32
    %div3A_2058 = vector.broadcast %div3A_2057 : f32 to vector<1x512xf32>
    %div3A_2059 = arith.divf %div3A_2058, %max3A_2056 : vector<1x512xf32>
    %mul3A_2060 = arith.mulf %sub3A_2035, %div3A_2059 : vector<1x512xf32>
    %mul3A_2061 = vector.broadcast %get3A_19 : f32 to vector<1x512xf32>
    %mul3A_2062 = arith.mulf %mul3A_2060, %mul3A_2061 : vector<1x512xf32>
    %mul3A_2063 = arith.mulf %sub3A_2041, %div3A_2059 : vector<1x512xf32>
    %mul3A_2064 = vector.broadcast %get3A_19 : f32 to vector<1x512xf32>
    %mul3A_2065 = arith.mulf %mul3A_2063, %mul3A_2064 : vector<1x512xf32>
    %mul3A_2066 = arith.mulf %sub3A_2047, %div3A_2059 : vector<1x512xf32>
    %mul3A_2067 = vector.broadcast %get3A_19 : f32 to vector<1x512xf32>
    %mul3A_2068 = arith.mulf %mul3A_2066, %mul3A_2067 : vector<1x512xf32>
    %mul3A_2069 = arith.mulf %mul3A_2062, %mul3A_2062 : vector<1x512xf32>
    %mul3A_2070 = arith.mulf %mul3A_2065, %mul3A_2065 : vector<1x512xf32>
    %add3A_2071 = arith.addf %mul3A_2069, %mul3A_2070 : vector<1x512xf32>
    %mul3A_2072 = arith.mulf %mul3A_2068, %mul3A_2068 : vector<1x512xf32>
    %add3A_2073 = arith.addf %add3A_2071, %mul3A_2072 : vector<1x512xf32>
    %add3A_2074 = arith.constant 9.99999993E-9 : f32
    %add3A_2075 = vector.broadcast %add3A_2074 : f32 to vector<1x512xf32>
    %add3A_2076 = arith.addf %add3A_2073, %add3A_2075 : vector<1x512xf32>
    %sqrt3A_2077 = math.sqrt %add3A_2076 : vector<1x512xf32>
    %concatenate3A_2078 = tpu.concatenate %exp3A_2016, %concatenate3A_2029, %sqrt3A_2077 in 0 : vector<16x512xf32>, vector<16x512xf32>, vector<1x512xf32> -> vector<33x512xf32>
    %dot_general3A_2079 = arith.constant dense<0.000000e+00> : vector<32x512xf32>
    %dot_general3A_2080 = tpu.matmul %get3A_26, %concatenate3A_2078, %dot_general3A_2079 {dimension_numbers = #tpu.dot_dimension_numbers<[1], [0], [0], [1], [0, 0, 1, 1], [], []>, transpose_lhs_hint = false} : vector<32x33xf32>, vector<33x512xf32>, vector<32x512xf32> -> vector<32x512xf32>
    %add3A_2081 = vector.broadcast %get3A_29 : vector<32x1xf32> to vector<32x512xf32>
    %add3A_2082 = arith.addf %dot_general3A_2080, %add3A_2081 : vector<32x512xf32>
    %reduce_sum3A_2083 = arith.constant dense<0.000000e+00> : vector<512xf32>
    %reduce_sum3A_2084 = vector.multi_reduction <add>, %add3A_2082, %reduce_sum3A_2083 [0] : vector<32x512xf32> to vector<512xf32>
    %broadcast_in_dim3A_2085 = vector.shape_cast %reduce_sum3A_2084 : vector<512xf32> to vector<1x512xf32>
    %div3A_2086 = arith.constant 3.200000e+01 : f32
    %div3A_2087 = vector.broadcast %div3A_2086 : f32 to vector<1x512xf32>
    %div3A_2088 = arith.divf %broadcast_in_dim3A_2085, %div3A_2087 : vector<1x512xf32>
    %sub3A_2089 = vector.broadcast %div3A_2088 : vector<1x512xf32> to vector<32x512xf32>
    %sub3A_2090 = arith.subf %add3A_2082, %sub3A_2089 : vector<32x512xf32>
    %integer_pow3A_2091 = arith.mulf %sub3A_2090, %sub3A_2090 : vector<32x512xf32>
    %reduce_sum3A_2092 = arith.constant dense<0.000000e+00> : vector<512xf32>
    %reduce_sum3A_2093 = vector.multi_reduction <add>, %integer_pow3A_2091, %reduce_sum3A_2092 [0] : vector<32x512xf32> to vector<512xf32>
    %broadcast_in_dim3A_2094 = vector.shape_cast %reduce_sum3A_2093 : vector<512xf32> to vector<1x512xf32>
    %div3A_2095 = arith.constant 3.200000e+01 : f32
    %div3A_2096 = vector.broadcast %div3A_2095 : f32 to vector<1x512xf32>
    %div3A_2097 = arith.divf %broadcast_in_dim3A_2094, %div3A_2096 : vector<1x512xf32>
    %sub3A_2098 = vector.broadcast %div3A_2088 : vector<1x512xf32> to vector<32x512xf32>
    %sub3A_2099 = arith.subf %add3A_2082, %sub3A_2098 : vector<32x512xf32>
    %add3A_2100 = arith.constant 9.99999974E-6 : f32
    %add3A_2101 = vector.broadcast %add3A_2100 : f32 to vector<1x512xf32>
    %add3A_2102 = arith.addf %div3A_2097, %add3A_2101 : vector<1x512xf32>
    %sqrt3A_2103 = math.sqrt %add3A_2102 : vector<1x512xf32>
    %div3A_2104 = vector.broadcast %sqrt3A_2103 : vector<1x512xf32> to vector<32x512xf32>
    %div3A_2105 = arith.divf %sub3A_2099, %div3A_2104 : vector<32x512xf32>
    %mul3A_2106 = vector.broadcast %get3A_32 : vector<32x1xf32> to vector<32x512xf32>
    %mul3A_2107 = arith.mulf %div3A_2105, %mul3A_2106 : vector<32x512xf32>
    %add3A_2108 = vector.broadcast %get3A_35 : vector<32x1xf32> to vector<32x512xf32>
    %add3A_2109 = arith.addf %mul3A_2107, %add3A_2108 : vector<32x512xf32>
    %mul3A_2110 = vector.broadcast %get3A_23 : f32 to vector<1x512xf32>
    %mul3A_2111 = arith.mulf %mul3A_2062, %mul3A_2110 : vector<1x512xf32>
    %mul3A_2112 = vector.broadcast %get3A_23 : f32 to vector<1x512xf32>
    %mul3A_2113 = arith.mulf %mul3A_2065, %mul3A_2112 : vector<1x512xf32>
    %mul3A_2114 = vector.broadcast %get3A_23 : f32 to vector<1x512xf32>
    %mul3A_2115 = arith.mulf %mul3A_2068, %mul3A_2114 : vector<1x512xf32>
    %concatenate3A_2116 = tpu.concatenate %mul3A_2111, %mul3A_2113, %mul3A_2115, %add3A_2109 in 0 : vector<1x512xf32>, vector<1x512xf32>, vector<1x512xf32>, vector<32x512xf32> -> vector<35x512xf32>
    %swap3A_2117 = arith.constant 0 : index
    %swap3A_2118 = arith.constant 16 : index
    %swap3A_2119 = arith.constant 0 : index
    %swap3A_2120 = arith.constant 0 : index
    %swap3A_2121 = vector.load %arg14[%swap3A_2117, %swap3A_2118, %swap3A_2119, %swap3A_2120] : memref<1x30x35x512xf32, #tpu.memory_space<vmem>>, vector<1x1x35x512xf32>
    %swap3A_2122 = vector.shape_cast %swap3A_2121 : vector<1x1x35x512xf32> to vector<35x512xf32>
    %swap3A_2123 = vector.shape_cast %concatenate3A_2116 : vector<35x512xf32> to vector<1x1x35x512xf32>
    tpu.vector_store %arg14[%swap3A_2117, %swap3A_2118, %swap3A_2119, %swap3A_2120], %swap3A_2123 {strides = array<i32>} : memref<1x30x35x512xf32, #tpu.memory_space<vmem>>, vector<1x1x35x512xf32>,
    %get3A_2124 = arith.constant 0 : index
    %get3A_2125 = arith.constant 17 : index
    %get3A_2126 = arith.constant 0 : index
    %get3A_2127 = vector.load %arg2[%get3A_2124, %get3A_2125, %get3A_2126] : memref<1x32x512xf32, #tpu.memory_space<vmem>>, vector<1x1x512xf32>
    %get3A_2128 = vector.shape_cast %get3A_2127 : vector<1x1x512xf32> to vector<1x512xf32>
    %sub3A_2129 = vector.broadcast %get3A_2128 : vector<1x512xf32> to vector<16x512xf32>
    %sub3A_2130 = vector.broadcast %mul3A_40 : vector<16x1xf32> to vector<16x512xf32>
    %sub3A_2131 = arith.subf %sub3A_2129, %sub3A_2130 : vector<16x512xf32>
    %div3A_2132 = arith.constant 1.250000e+00 : f32
    %div3A_2133 = vector.broadcast %div3A_2132 : f32 to vector<16x512xf32>
    %div3A_2134 = arith.divf %sub3A_2131, %div3A_2133 : vector<16x512xf32>
    %integer_pow3A_2135 = arith.mulf %div3A_2134, %div3A_2134 : vector<16x512xf32>
    %neg3A_2136 = arith.constant 0.000000e+00 : f32
    %neg3A_2137 = vector.broadcast %neg3A_2136 : f32 to vector<16x512xf32>
    %neg3A_2138 = arith.subf %neg3A_2137, %integer_pow3A_2135 : vector<16x512xf32>
    %exp3A_2139 = math.exp %neg3A_2138 : vector<16x512xf32>
    %get3A_2140 = arith.constant 0 : index
    %get3A_2141 = arith.constant 17 : index
    %get3A_2142 = arith.constant 0 : index
    %get3A_2143 = vector.load %arg3[%get3A_2140, %get3A_2141, %get3A_2142] : memref<1x32x512xi32, #tpu.memory_space<vmem>>, vector<1x1x512xi32>
    %get3A_2144 = vector.shape_cast %get3A_2143 : vector<1x1x512xi32> to vector<1x512xi32>
    %convert_element_type3A_2145 = arith.sitofp %get3A_2144 : vector<1x512xi32> to vector<1x512xf32>
    %sub3A_2146 = arith.subf %convert_element_type3A_2145, %convert_element_type3A : vector<1x512xf32>
    %mul3A_2147 = vector.broadcast %sub3A_2146 : vector<1x512xf32> to vector<8x512xf32>
    %mul3A_2148 = vector.broadcast %exp3A : vector<8x1xf32> to vector<8x512xf32>
    %mul3A_2149 = arith.mulf %mul3A_2147, %mul3A_2148 : vector<8x512xf32>
    %cos3A_2150 = math.cos %mul3A_2149 : vector<8x512xf32>
    %sin3A_2151 = math.sin %mul3A_2149 : vector<8x512xf32>
    %concatenate3A_2152 = tpu.concatenate %cos3A_2150, %sin3A_2151 in 0 : vector<8x512xf32>, vector<8x512xf32> -> vector<16x512xf32>
    %get3A_2153 = arith.constant 0 : index
    %get3A_2154 = arith.constant 17 : index
    %get3A_2155 = arith.constant 0 : index
    %get3A_2156 = vector.load %arg4[%get3A_2153, %get3A_2154, %get3A_2155] : memref<1x32x512xf32, #tpu.memory_space<vmem>>, vector<1x1x512xf32>
    %get3A_2157 = vector.shape_cast %get3A_2156 : vector<1x1x512xf32> to vector<1x512xf32>
    %sub3A_2158 = arith.subf %get3A_2157, %get3A_5 : vector<1x512xf32>
    %get3A_2159 = arith.constant 0 : index
    %get3A_2160 = arith.constant 17 : index
    %get3A_2161 = arith.constant 0 : index
    %get3A_2162 = vector.load %arg5[%get3A_2159, %get3A_2160, %get3A_2161] : memref<1x32x512xf32, #tpu.memory_space<vmem>>, vector<1x1x512xf32>
    %get3A_2163 = vector.shape_cast %get3A_2162 : vector<1x1x512xf32> to vector<1x512xf32>
    %sub3A_2164 = arith.subf %get3A_2163, %get3A_10 : vector<1x512xf32>
    %get3A_2165 = arith.constant 0 : index
    %get3A_2166 = arith.constant 17 : index
    %get3A_2167 = arith.constant 0 : index
    %get3A_2168 = vector.load %arg6[%get3A_2165, %get3A_2166, %get3A_2167] : memref<1x32x512xf32, #tpu.memory_space<vmem>>, vector<1x1x512xf32>
    %get3A_2169 = vector.shape_cast %get3A_2168 : vector<1x1x512xf32> to vector<1x512xf32>
    %sub3A_2170 = arith.subf %get3A_2169, %get3A_15 : vector<1x512xf32>
    %mul3A_2171 = arith.mulf %sub3A_2158, %sub3A_2158 : vector<1x512xf32>
    %mul3A_2172 = arith.mulf %sub3A_2164, %sub3A_2164 : vector<1x512xf32>
    %add3A_2173 = arith.addf %mul3A_2171, %mul3A_2172 : vector<1x512xf32>
    %mul3A_2174 = arith.mulf %sub3A_2170, %sub3A_2170 : vector<1x512xf32>
    %add3A_2175 = arith.addf %add3A_2173, %mul3A_2174 : vector<1x512xf32>
    %sqrt3A_2176 = math.sqrt %add3A_2175 : vector<1x512xf32>
    %max3A_2177 = arith.constant 9.99999996E-13 : f32
    %max3A_2178 = vector.broadcast %max3A_2177 : f32 to vector<1x512xf32>
    %max3A_2179 = arith.maximumf %sqrt3A_2176, %max3A_2178 : vector<1x512xf32>
    %div3A_2180 = arith.constant 1.000000e+00 : f32
    %div3A_2181 = vector.broadcast %div3A_2180 : f32 to vector<1x512xf32>
    %div3A_2182 = arith.divf %div3A_2181, %max3A_2179 : vector<1x512xf32>
    %mul3A_2183 = arith.mulf %sub3A_2158, %div3A_2182 : vector<1x512xf32>
    %mul3A_2184 = vector.broadcast %get3A_19 : f32 to vector<1x512xf32>
    %mul3A_2185 = arith.mulf %mul3A_2183, %mul3A_2184 : vector<1x512xf32>
    %mul3A_2186 = arith.mulf %sub3A_2164, %div3A_2182 : vector<1x512xf32>
    %mul3A_2187 = vector.broadcast %get3A_19 : f32 to vector<1x512xf32>
    %mul3A_2188 = arith.mulf %mul3A_2186, %mul3A_2187 : vector<1x512xf32>
    %mul3A_2189 = arith.mulf %sub3A_2170, %div3A_2182 : vector<1x512xf32>
    %mul3A_2190 = vector.broadcast %get3A_19 : f32 to vector<1x512xf32>
    %mul3A_2191 = arith.mulf %mul3A_2189, %mul3A_2190 : vector<1x512xf32>
    %mul3A_2192 = arith.mulf %mul3A_2185, %mul3A_2185 : vector<1x512xf32>
    %mul3A_2193 = arith.mulf %mul3A_2188, %mul3A_2188 : vector<1x512xf32>
    %add3A_2194 = arith.addf %mul3A_2192, %mul3A_2193 : vector<1x512xf32>
    %mul3A_2195 = arith.mulf %mul3A_2191, %mul3A_2191 : vector<1x512xf32>
    %add3A_2196 = arith.addf %add3A_2194, %mul3A_2195 : vector<1x512xf32>
    %add3A_2197 = arith.constant 9.99999993E-9 : f32
    %add3A_2198 = vector.broadcast %add3A_2197 : f32 to vector<1x512xf32>
    %add3A_2199 = arith.addf %add3A_2196, %add3A_2198 : vector<1x512xf32>
    %sqrt3A_2200 = math.sqrt %add3A_2199 : vector<1x512xf32>
    %concatenate3A_2201 = tpu.concatenate %exp3A_2139, %concatenate3A_2152, %sqrt3A_2200 in 0 : vector<16x512xf32>, vector<16x512xf32>, vector<1x512xf32> -> vector<33x512xf32>
    %dot_general3A_2202 = arith.constant dense<0.000000e+00> : vector<32x512xf32>
    %dot_general3A_2203 = tpu.matmul %get3A_26, %concatenate3A_2201, %dot_general3A_2202 {dimension_numbers = #tpu.dot_dimension_numbers<[1], [0], [0], [1], [0, 0, 1, 1], [], []>, transpose_lhs_hint = false} : vector<32x33xf32>, vector<33x512xf32>, vector<32x512xf32> -> vector<32x512xf32>
    %add3A_2204 = vector.broadcast %get3A_29 : vector<32x1xf32> to vector<32x512xf32>
    %add3A_2205 = arith.addf %dot_general3A_2203, %add3A_2204 : vector<32x512xf32>
    %reduce_sum3A_2206 = arith.constant dense<0.000000e+00> : vector<512xf32>
    %reduce_sum3A_2207 = vector.multi_reduction <add>, %add3A_2205, %reduce_sum3A_2206 [0] : vector<32x512xf32> to vector<512xf32>
    %broadcast_in_dim3A_2208 = vector.shape_cast %reduce_sum3A_2207 : vector<512xf32> to vector<1x512xf32>
    %div3A_2209 = arith.constant 3.200000e+01 : f32
    %div3A_2210 = vector.broadcast %div3A_2209 : f32 to vector<1x512xf32>
    %div3A_2211 = arith.divf %broadcast_in_dim3A_2208, %div3A_2210 : vector<1x512xf32>
    %sub3A_2212 = vector.broadcast %div3A_2211 : vector<1x512xf32> to vector<32x512xf32>
    %sub3A_2213 = arith.subf %add3A_2205, %sub3A_2212 : vector<32x512xf32>
    %integer_pow3A_2214 = arith.mulf %sub3A_2213, %sub3A_2213 : vector<32x512xf32>
    %reduce_sum3A_2215 = arith.constant dense<0.000000e+00> : vector<512xf32>
    %reduce_sum3A_2216 = vector.multi_reduction <add>, %integer_pow3A_2214, %reduce_sum3A_2215 [0] : vector<32x512xf32> to vector<512xf32>
    %broadcast_in_dim3A_2217 = vector.shape_cast %reduce_sum3A_2216 : vector<512xf32> to vector<1x512xf32>
    %div3A_2218 = arith.constant 3.200000e+01 : f32
    %div3A_2219 = vector.broadcast %div3A_2218 : f32 to vector<1x512xf32>
    %div3A_2220 = arith.divf %broadcast_in_dim3A_2217, %div3A_2219 : vector<1x512xf32>
    %sub3A_2221 = vector.broadcast %div3A_2211 : vector<1x512xf32> to vector<32x512xf32>
    %sub3A_2222 = arith.subf %add3A_2205, %sub3A_2221 : vector<32x512xf32>
    %add3A_2223 = arith.constant 9.99999974E-6 : f32
    %add3A_2224 = vector.broadcast %add3A_2223 : f32 to vector<1x512xf32>
    %add3A_2225 = arith.addf %div3A_2220, %add3A_2224 : vector<1x512xf32>
    %sqrt3A_2226 = math.sqrt %add3A_2225 : vector<1x512xf32>
    %div3A_2227 = vector.broadcast %sqrt3A_2226 : vector<1x512xf32> to vector<32x512xf32>
    %div3A_2228 = arith.divf %sub3A_2222, %div3A_2227 : vector<32x512xf32>
    %mul3A_2229 = vector.broadcast %get3A_32 : vector<32x1xf32> to vector<32x512xf32>
    %mul3A_2230 = arith.mulf %div3A_2228, %mul3A_2229 : vector<32x512xf32>
    %add3A_2231 = vector.broadcast %get3A_35 : vector<32x1xf32> to vector<32x512xf32>
    %add3A_2232 = arith.addf %mul3A_2230, %add3A_2231 : vector<32x512xf32>
    %mul3A_2233 = vector.broadcast %get3A_23 : f32 to vector<1x512xf32>
    %mul3A_2234 = arith.mulf %mul3A_2185, %mul3A_2233 : vector<1x512xf32>
    %mul3A_2235 = vector.broadcast %get3A_23 : f32 to vector<1x512xf32>
    %mul3A_2236 = arith.mulf %mul3A_2188, %mul3A_2235 : vector<1x512xf32>
    %mul3A_2237 = vector.broadcast %get3A_23 : f32 to vector<1x512xf32>
    %mul3A_2238 = arith.mulf %mul3A_2191, %mul3A_2237 : vector<1x512xf32>
    %concatenate3A_2239 = tpu.concatenate %mul3A_2234, %mul3A_2236, %mul3A_2238, %add3A_2232 in 0 : vector<1x512xf32>, vector<1x512xf32>, vector<1x512xf32>, vector<32x512xf32> -> vector<35x512xf32>
    %swap3A_2240 = arith.constant 0 : index
    %swap3A_2241 = arith.constant 17 : index
    %swap3A_2242 = arith.constant 0 : index
    %swap3A_2243 = arith.constant 0 : index
    %swap3A_2244 = vector.load %arg14[%swap3A_2240, %swap3A_2241, %swap3A_2242, %swap3A_2243] : memref<1x30x35x512xf32, #tpu.memory_space<vmem>>, vector<1x1x35x512xf32>
    %swap3A_2245 = vector.shape_cast %swap3A_2244 : vector<1x1x35x512xf32> to vector<35x512xf32>
    %swap3A_2246 = vector.shape_cast %concatenate3A_2239 : vector<35x512xf32> to vector<1x1x35x512xf32>
    tpu.vector_store %arg14[%swap3A_2240, %swap3A_2241, %swap3A_2242, %swap3A_2243], %swap3A_2246 {strides = array<i32>} : memref<1x30x35x512xf32, #tpu.memory_space<vmem>>, vector<1x1x35x512xf32>,
    %get3A_2247 = arith.constant 0 : index
    %get3A_2248 = arith.constant 18 : index
    %get3A_2249 = arith.constant 0 : index
    %get3A_2250 = vector.load %arg2[%get3A_2247, %get3A_2248, %get3A_2249] : memref<1x32x512xf32, #tpu.memory_space<vmem>>, vector<1x1x512xf32>
    %get3A_2251 = vector.shape_cast %get3A_2250 : vector<1x1x512xf32> to vector<1x512xf32>
    %sub3A_2252 = vector.broadcast %get3A_2251 : vector<1x512xf32> to vector<16x512xf32>
    %sub3A_2253 = vector.broadcast %mul3A_40 : vector<16x1xf32> to vector<16x512xf32>
    %sub3A_2254 = arith.subf %sub3A_2252, %sub3A_2253 : vector<16x512xf32>
    %div3A_2255 = arith.constant 1.250000e+00 : f32
    %div3A_2256 = vector.broadcast %div3A_2255 : f32 to vector<16x512xf32>
    %div3A_2257 = arith.divf %sub3A_2254, %div3A_2256 : vector<16x512xf32>
    %integer_pow3A_2258 = arith.mulf %div3A_2257, %div3A_2257 : vector<16x512xf32>
    %neg3A_2259 = arith.constant 0.000000e+00 : f32
    %neg3A_2260 = vector.broadcast %neg3A_2259 : f32 to vector<16x512xf32>
    %neg3A_2261 = arith.subf %neg3A_2260, %integer_pow3A_2258 : vector<16x512xf32>
    %exp3A_2262 = math.exp %neg3A_2261 : vector<16x512xf32>
    %get3A_2263 = arith.constant 0 : index
    %get3A_2264 = arith.constant 18 : index
    %get3A_2265 = arith.constant 0 : index
    %get3A_2266 = vector.load %arg3[%get3A_2263, %get3A_2264, %get3A_2265] : memref<1x32x512xi32, #tpu.memory_space<vmem>>, vector<1x1x512xi32>
    %get3A_2267 = vector.shape_cast %get3A_2266 : vector<1x1x512xi32> to vector<1x512xi32>
    %convert_element_type3A_2268 = arith.sitofp %get3A_2267 : vector<1x512xi32> to vector<1x512xf32>
    %sub3A_2269 = arith.subf %convert_element_type3A_2268, %convert_element_type3A : vector<1x512xf32>
    %mul3A_2270 = vector.broadcast %sub3A_2269 : vector<1x512xf32> to vector<8x512xf32>
    %mul3A_2271 = vector.broadcast %exp3A : vector<8x1xf32> to vector<8x512xf32>
    %mul3A_2272 = arith.mulf %mul3A_2270, %mul3A_2271 : vector<8x512xf32>
    %cos3A_2273 = math.cos %mul3A_2272 : vector<8x512xf32>
    %sin3A_2274 = math.sin %mul3A_2272 : vector<8x512xf32>
    %concatenate3A_2275 = tpu.concatenate %cos3A_2273, %sin3A_2274 in 0 : vector<8x512xf32>, vector<8x512xf32> -> vector<16x512xf32>
    %get3A_2276 = arith.constant 0 : index
    %get3A_2277 = arith.constant 18 : index
    %get3A_2278 = arith.constant 0 : index
    %get3A_2279 = vector.load %arg4[%get3A_2276, %get3A_2277, %get3A_2278] : memref<1x32x512xf32, #tpu.memory_space<vmem>>, vector<1x1x512xf32>
    %get3A_2280 = vector.shape_cast %get3A_2279 : vector<1x1x512xf32> to vector<1x512xf32>
    %sub3A_2281 = arith.subf %get3A_2280, %get3A_5 : vector<1x512xf32>
    %get3A_2282 = arith.constant 0 : index
    %get3A_2283 = arith.constant 18 : index
    %get3A_2284 = arith.constant 0 : index
    %get3A_2285 = vector.load %arg5[%get3A_2282, %get3A_2283, %get3A_2284] : memref<1x32x512xf32, #tpu.memory_space<vmem>>, vector<1x1x512xf32>
    %get3A_2286 = vector.shape_cast %get3A_2285 : vector<1x1x512xf32> to vector<1x512xf32>
    %sub3A_2287 = arith.subf %get3A_2286, %get3A_10 : vector<1x512xf32>
    %get3A_2288 = arith.constant 0 : index
    %get3A_2289 = arith.constant 18 : index
    %get3A_2290 = arith.constant 0 : index
    %get3A_2291 = vector.load %arg6[%get3A_2288, %get3A_2289, %get3A_2290] : memref<1x32x512xf32, #tpu.memory_space<vmem>>, vector<1x1x512xf32>
    %get3A_2292 = vector.shape_cast %get3A_2291 : vector<1x1x512xf32> to vector<1x512xf32>
    %sub3A_2293 = arith.subf %get3A_2292, %get3A_15 : vector<1x512xf32>
    %mul3A_2294 = arith.mulf %sub3A_2281, %sub3A_2281 : vector<1x512xf32>
    %mul3A_2295 = arith.mulf %sub3A_2287, %sub3A_2287 : vector<1x512xf32>
    %add3A_2296 = arith.addf %mul3A_2294, %mul3A_2295 : vector<1x512xf32>
    %mul3A_2297 = arith.mulf %sub3A_2293, %sub3A_2293 : vector<1x512xf32>
    %add3A_2298 = arith.addf %add3A_2296, %mul3A_2297 : vector<1x512xf32>
    %sqrt3A_2299 = math.sqrt %add3A_2298 : vector<1x512xf32>
    %max3A_2300 = arith.constant 9.99999996E-13 : f32
    %max3A_2301 = vector.broadcast %max3A_2300 : f32 to vector<1x512xf32>
    %max3A_2302 = arith.maximumf %sqrt3A_2299, %max3A_2301 : vector<1x512xf32>
    %div3A_2303 = arith.constant 1.000000e+00 : f32
    %div3A_2304 = vector.broadcast %div3A_2303 : f32 to vector<1x512xf32>
    %div3A_2305 = arith.divf %div3A_2304, %max3A_2302 : vector<1x512xf32>
    %mul3A_2306 = arith.mulf %sub3A_2281, %div3A_2305 : vector<1x512xf32>
    %mul3A_2307 = vector.broadcast %get3A_19 : f32 to vector<1x512xf32>
    %mul3A_2308 = arith.mulf %mul3A_2306, %mul3A_2307 : vector<1x512xf32>
    %mul3A_2309 = arith.mulf %sub3A_2287, %div3A_2305 : vector<1x512xf32>
    %mul3A_2310 = vector.broadcast %get3A_19 : f32 to vector<1x512xf32>
    %mul3A_2311 = arith.mulf %mul3A_2309, %mul3A_2310 : vector<1x512xf32>
    %mul3A_2312 = arith.mulf %sub3A_2293, %div3A_2305 : vector<1x512xf32>
    %mul3A_2313 = vector.broadcast %get3A_19 : f32 to vector<1x512xf32>
    %mul3A_2314 = arith.mulf %mul3A_2312, %mul3A_2313 : vector<1x512xf32>
    %mul3A_2315 = arith.mulf %mul3A_2308, %mul3A_2308 : vector<1x512xf32>
    %mul3A_2316 = arith.mulf %mul3A_2311, %mul3A_2311 : vector<1x512xf32>
    %add3A_2317 = arith.addf %mul3A_2315, %mul3A_2316 : vector<1x512xf32>
    %mul3A_2318 = arith.mulf %mul3A_2314, %mul3A_2314 : vector<1x512xf32>
    %add3A_2319 = arith.addf %add3A_2317, %mul3A_2318 : vector<1x512xf32>
    %add3A_2320 = arith.constant 9.99999993E-9 : f32
    %add3A_2321 = vector.broadcast %add3A_2320 : f32 to vector<1x512xf32>
    %add3A_2322 = arith.addf %add3A_2319, %add3A_2321 : vector<1x512xf32>
    %sqrt3A_2323 = math.sqrt %add3A_2322 : vector<1x512xf32>
    %concatenate3A_2324 = tpu.concatenate %exp3A_2262, %concatenate3A_2275, %sqrt3A_2323 in 0 : vector<16x512xf32>, vector<16x512xf32>, vector<1x512xf32> -> vector<33x512xf32>
    %dot_general3A_2325 = arith.constant dense<0.000000e+00> : vector<32x512xf32>
    %dot_general3A_2326 = tpu.matmul %get3A_26, %concatenate3A_2324, %dot_general3A_2325 {dimension_numbers = #tpu.dot_dimension_numbers<[1], [0], [0], [1], [0, 0, 1, 1], [], []>, transpose_lhs_hint = false} : vector<32x33xf32>, vector<33x512xf32>, vector<32x512xf32> -> vector<32x512xf32>
    %add3A_2327 = vector.broadcast %get3A_29 : vector<32x1xf32> to vector<32x512xf32>
    %add3A_2328 = arith.addf %dot_general3A_2326, %add3A_2327 : vector<32x512xf32>
    %reduce_sum3A_2329 = arith.constant dense<0.000000e+00> : vector<512xf32>
    %reduce_sum3A_2330 = vector.multi_reduction <add>, %add3A_2328, %reduce_sum3A_2329 [0] : vector<32x512xf32> to vector<512xf32>
    %broadcast_in_dim3A_2331 = vector.shape_cast %reduce_sum3A_2330 : vector<512xf32> to vector<1x512xf32>
    %div3A_2332 = arith.constant 3.200000e+01 : f32
    %div3A_2333 = vector.broadcast %div3A_2332 : f32 to vector<1x512xf32>
    %div3A_2334 = arith.divf %broadcast_in_dim3A_2331, %div3A_2333 : vector<1x512xf32>
    %sub3A_2335 = vector.broadcast %div3A_2334 : vector<1x512xf32> to vector<32x512xf32>
    %sub3A_2336 = arith.subf %add3A_2328, %sub3A_2335 : vector<32x512xf32>
    %integer_pow3A_2337 = arith.mulf %sub3A_2336, %sub3A_2336 : vector<32x512xf32>
    %reduce_sum3A_2338 = arith.constant dense<0.000000e+00> : vector<512xf32>
    %reduce_sum3A_2339 = vector.multi_reduction <add>, %integer_pow3A_2337, %reduce_sum3A_2338 [0] : vector<32x512xf32> to vector<512xf32>
    %broadcast_in_dim3A_2340 = vector.shape_cast %reduce_sum3A_2339 : vector<512xf32> to vector<1x512xf32>
    %div3A_2341 = arith.constant 3.200000e+01 : f32
    %div3A_2342 = vector.broadcast %div3A_2341 : f32 to vector<1x512xf32>
    %div3A_2343 = arith.divf %broadcast_in_dim3A_2340, %div3A_2342 : vector<1x512xf32>
    %sub3A_2344 = vector.broadcast %div3A_2334 : vector<1x512xf32> to vector<32x512xf32>
    %sub3A_2345 = arith.subf %add3A_2328, %sub3A_2344 : vector<32x512xf32>
    %add3A_2346 = arith.constant 9.99999974E-6 : f32
    %add3A_2347 = vector.broadcast %add3A_2346 : f32 to vector<1x512xf32>
    %add3A_2348 = arith.addf %div3A_2343, %add3A_2347 : vector<1x512xf32>
    %sqrt3A_2349 = math.sqrt %add3A_2348 : vector<1x512xf32>
    %div3A_2350 = vector.broadcast %sqrt3A_2349 : vector<1x512xf32> to vector<32x512xf32>
    %div3A_2351 = arith.divf %sub3A_2345, %div3A_2350 : vector<32x512xf32>
    %mul3A_2352 = vector.broadcast %get3A_32 : vector<32x1xf32> to vector<32x512xf32>
    %mul3A_2353 = arith.mulf %div3A_2351, %mul3A_2352 : vector<32x512xf32>
    %add3A_2354 = vector.broadcast %get3A_35 : vector<32x1xf32> to vector<32x512xf32>
    %add3A_2355 = arith.addf %mul3A_2353, %add3A_2354 : vector<32x512xf32>
    %mul3A_2356 = vector.broadcast %get3A_23 : f32 to vector<1x512xf32>
    %mul3A_2357 = arith.mulf %mul3A_2308, %mul3A_2356 : vector<1x512xf32>
    %mul3A_2358 = vector.broadcast %get3A_23 : f32 to vector<1x512xf32>
    %mul3A_2359 = arith.mulf %mul3A_2311, %mul3A_2358 : vector<1x512xf32>
    %mul3A_2360 = vector.broadcast %get3A_23 : f32 to vector<1x512xf32>
    %mul3A_2361 = arith.mulf %mul3A_2314, %mul3A_2360 : vector<1x512xf32>
    %concatenate3A_2362 = tpu.concatenate %mul3A_2357, %mul3A_2359, %mul3A_2361, %add3A_2355 in 0 : vector<1x512xf32>, vector<1x512xf32>, vector<1x512xf32>, vector<32x512xf32> -> vector<35x512xf32>
    %swap3A_2363 = arith.constant 0 : index
    %swap3A_2364 = arith.constant 18 : index
    %swap3A_2365 = arith.constant 0 : index
    %swap3A_2366 = arith.constant 0 : index
    %swap3A_2367 = vector.load %arg14[%swap3A_2363, %swap3A_2364, %swap3A_2365, %swap3A_2366] : memref<1x30x35x512xf32, #tpu.memory_space<vmem>>, vector<1x1x35x512xf32>
    %swap3A_2368 = vector.shape_cast %swap3A_2367 : vector<1x1x35x512xf32> to vector<35x512xf32>
    %swap3A_2369 = vector.shape_cast %concatenate3A_2362 : vector<35x512xf32> to vector<1x1x35x512xf32>
    tpu.vector_store %arg14[%swap3A_2363, %swap3A_2364, %swap3A_2365, %swap3A_2366], %swap3A_2369 {strides = array<i32>} : memref<1x30x35x512xf32, #tpu.memory_space<vmem>>, vector<1x1x35x512xf32>,
    %get3A_2370 = arith.constant 0 : index
    %get3A_2371 = arith.constant 19 : index
    %get3A_2372 = arith.constant 0 : index
    %get3A_2373 = vector.load %arg2[%get3A_2370, %get3A_2371, %get3A_2372] : memref<1x32x512xf32, #tpu.memory_space<vmem>>, vector<1x1x512xf32>
    %get3A_2374 = vector.shape_cast %get3A_2373 : vector<1x1x512xf32> to vector<1x512xf32>
    %sub3A_2375 = vector.broadcast %get3A_2374 : vector<1x512xf32> to vector<16x512xf32>
    %sub3A_2376 = vector.broadcast %mul3A_40 : vector<16x1xf32> to vector<16x512xf32>
    %sub3A_2377 = arith.subf %sub3A_2375, %sub3A_2376 : vector<16x512xf32>
    %div3A_2378 = arith.constant 1.250000e+00 : f32
    %div3A_2379 = vector.broadcast %div3A_2378 : f32 to vector<16x512xf32>
    %div3A_2380 = arith.divf %sub3A_2377, %div3A_2379 : vector<16x512xf32>
    %integer_pow3A_2381 = arith.mulf %div3A_2380, %div3A_2380 : vector<16x512xf32>
    %neg3A_2382 = arith.constant 0.000000e+00 : f32
    %neg3A_2383 = vector.broadcast %neg3A_2382 : f32 to vector<16x512xf32>
    %neg3A_2384 = arith.subf %neg3A_2383, %integer_pow3A_2381 : vector<16x512xf32>
    %exp3A_2385 = math.exp %neg3A_2384 : vector<16x512xf32>
    %get3A_2386 = arith.constant 0 : index
    %get3A_2387 = arith.constant 19 : index
    %get3A_2388 = arith.constant 0 : index
    %get3A_2389 = vector.load %arg3[%get3A_2386, %get3A_2387, %get3A_2388] : memref<1x32x512xi32, #tpu.memory_space<vmem>>, vector<1x1x512xi32>
    %get3A_2390 = vector.shape_cast %get3A_2389 : vector<1x1x512xi32> to vector<1x512xi32>
    %convert_element_type3A_2391 = arith.sitofp %get3A_2390 : vector<1x512xi32> to vector<1x512xf32>
    %sub3A_2392 = arith.subf %convert_element_type3A_2391, %convert_element_type3A : vector<1x512xf32>
    %mul3A_2393 = vector.broadcast %sub3A_2392 : vector<1x512xf32> to vector<8x512xf32>
    %mul3A_2394 = vector.broadcast %exp3A : vector<8x1xf32> to vector<8x512xf32>
    %mul3A_2395 = arith.mulf %mul3A_2393, %mul3A_2394 : vector<8x512xf32>
    %cos3A_2396 = math.cos %mul3A_2395 : vector<8x512xf32>
    %sin3A_2397 = math.sin %mul3A_2395 : vector<8x512xf32>
    %concatenate3A_2398 = tpu.concatenate %cos3A_2396, %sin3A_2397 in 0 : vector<8x512xf32>, vector<8x512xf32> -> vector<16x512xf32>
    %get3A_2399 = arith.constant 0 : index
    %get3A_2400 = arith.constant 19 : index
    %get3A_2401 = arith.constant 0 : index
    %get3A_2402 = vector.load %arg4[%get3A_2399, %get3A_2400, %get3A_2401] : memref<1x32x512xf32, #tpu.memory_space<vmem>>, vector<1x1x512xf32>
    %get3A_2403 = vector.shape_cast %get3A_2402 : vector<1x1x512xf32> to vector<1x512xf32>
    %sub3A_2404 = arith.subf %get3A_2403, %get3A_5 : vector<1x512xf32>
    %get3A_2405 = arith.constant 0 : index
    %get3A_2406 = arith.constant 19 : index
    %get3A_2407 = arith.constant 0 : index
    %get3A_2408 = vector.load %arg5[%get3A_2405, %get3A_2406, %get3A_2407] : memref<1x32x512xf32, #tpu.memory_space<vmem>>, vector<1x1x512xf32>
    %get3A_2409 = vector.shape_cast %get3A_2408 : vector<1x1x512xf32> to vector<1x512xf32>
    %sub3A_2410 = arith.subf %get3A_2409, %get3A_10 : vector<1x512xf32>
    %get3A_2411 = arith.constant 0 : index
    %get3A_2412 = arith.constant 19 : index
    %get3A_2413 = arith.constant 0 : index
    %get3A_2414 = vector.load %arg6[%get3A_2411, %get3A_2412, %get3A_2413] : memref<1x32x512xf32, #tpu.memory_space<vmem>>, vector<1x1x512xf32>
    %get3A_2415 = vector.shape_cast %get3A_2414 : vector<1x1x512xf32> to vector<1x512xf32>
    %sub3A_2416 = arith.subf %get3A_2415, %get3A_15 : vector<1x512xf32>
    %mul3A_2417 = arith.mulf %sub3A_2404, %sub3A_2404 : vector<1x512xf32>
    %mul3A_2418 = arith.mulf %sub3A_2410, %sub3A_2410 : vector<1x512xf32>
    %add3A_2419 = arith.addf %mul3A_2417, %mul3A_2418 : vector<1x512xf32>
    %mul3A_2420 = arith.mulf %sub3A_2416, %sub3A_2416 : vector<1x512xf32>
    %add3A_2421 = arith.addf %add3A_2419, %mul3A_2420 : vector<1x512xf32>
    %sqrt3A_2422 = math.sqrt %add3A_2421 : vector<1x512xf32>
    %max3A_2423 = arith.constant 9.99999996E-13 : f32
    %max3A_2424 = vector.broadcast %max3A_2423 : f32 to vector<1x512xf32>
    %max3A_2425 = arith.maximumf %sqrt3A_2422, %max3A_2424 : vector<1x512xf32>
    %div3A_2426 = arith.constant 1.000000e+00 : f32
    %div3A_2427 = vector.broadcast %div3A_2426 : f32 to vector<1x512xf32>
    %div3A_2428 = arith.divf %div3A_2427, %max3A_2425 : vector<1x512xf32>
    %mul3A_2429 = arith.mulf %sub3A_2404, %div3A_2428 : vector<1x512xf32>
    %mul3A_2430 = vector.broadcast %get3A_19 : f32 to vector<1x512xf32>
    %mul3A_2431 = arith.mulf %mul3A_2429, %mul3A_2430 : vector<1x512xf32>
    %mul3A_2432 = arith.mulf %sub3A_2410, %div3A_2428 : vector<1x512xf32>
    %mul3A_2433 = vector.broadcast %get3A_19 : f32 to vector<1x512xf32>
    %mul3A_2434 = arith.mulf %mul3A_2432, %mul3A_2433 : vector<1x512xf32>
    %mul3A_2435 = arith.mulf %sub3A_2416, %div3A_2428 : vector<1x512xf32>
    %mul3A_2436 = vector.broadcast %get3A_19 : f32 to vector<1x512xf32>
    %mul3A_2437 = arith.mulf %mul3A_2435, %mul3A_2436 : vector<1x512xf32>
    %mul3A_2438 = arith.mulf %mul3A_2431, %mul3A_2431 : vector<1x512xf32>
    %mul3A_2439 = arith.mulf %mul3A_2434, %mul3A_2434 : vector<1x512xf32>
    %add3A_2440 = arith.addf %mul3A_2438, %mul3A_2439 : vector<1x512xf32>
    %mul3A_2441 = arith.mulf %mul3A_2437, %mul3A_2437 : vector<1x512xf32>
    %add3A_2442 = arith.addf %add3A_2440, %mul3A_2441 : vector<1x512xf32>
    %add3A_2443 = arith.constant 9.99999993E-9 : f32
    %add3A_2444 = vector.broadcast %add3A_2443 : f32 to vector<1x512xf32>
    %add3A_2445 = arith.addf %add3A_2442, %add3A_2444 : vector<1x512xf32>
    %sqrt3A_2446 = math.sqrt %add3A_2445 : vector<1x512xf32>
    %concatenate3A_2447 = tpu.concatenate %exp3A_2385, %concatenate3A_2398, %sqrt3A_2446 in 0 : vector<16x512xf32>, vector<16x512xf32>, vector<1x512xf32> -> vector<33x512xf32>
    %dot_general3A_2448 = arith.constant dense<0.000000e+00> : vector<32x512xf32>
    %dot_general3A_2449 = tpu.matmul %get3A_26, %concatenate3A_2447, %dot_general3A_2448 {dimension_numbers = #tpu.dot_dimension_numbers<[1], [0], [0], [1], [0, 0, 1, 1], [], []>, transpose_lhs_hint = false} : vector<32x33xf32>, vector<33x512xf32>, vector<32x512xf32> -> vector<32x512xf32>
    %add3A_2450 = vector.broadcast %get3A_29 : vector<32x1xf32> to vector<32x512xf32>
    %add3A_2451 = arith.addf %dot_general3A_2449, %add3A_2450 : vector<32x512xf32>
    %reduce_sum3A_2452 = arith.constant dense<0.000000e+00> : vector<512xf32>
    %reduce_sum3A_2453 = vector.multi_reduction <add>, %add3A_2451, %reduce_sum3A_2452 [0] : vector<32x512xf32> to vector<512xf32>
    %broadcast_in_dim3A_2454 = vector.shape_cast %reduce_sum3A_2453 : vector<512xf32> to vector<1x512xf32>
    %div3A_2455 = arith.constant 3.200000e+01 : f32
    %div3A_2456 = vector.broadcast %div3A_2455 : f32 to vector<1x512xf32>
    %div3A_2457 = arith.divf %broadcast_in_dim3A_2454, %div3A_2456 : vector<1x512xf32>
    %sub3A_2458 = vector.broadcast %div3A_2457 : vector<1x512xf32> to vector<32x512xf32>
    %sub3A_2459 = arith.subf %add3A_2451, %sub3A_2458 : vector<32x512xf32>
    %integer_pow3A_2460 = arith.mulf %sub3A_2459, %sub3A_2459 : vector<32x512xf32>
    %reduce_sum3A_2461 = arith.constant dense<0.000000e+00> : vector<512xf32>
    %reduce_sum3A_2462 = vector.multi_reduction <add>, %integer_pow3A_2460, %reduce_sum3A_2461 [0] : vector<32x512xf32> to vector<512xf32>
    %broadcast_in_dim3A_2463 = vector.shape_cast %reduce_sum3A_2462 : vector<512xf32> to vector<1x512xf32>
    %div3A_2464 = arith.constant 3.200000e+01 : f32
    %div3A_2465 = vector.broadcast %div3A_2464 : f32 to vector<1x512xf32>
    %div3A_2466 = arith.divf %broadcast_in_dim3A_2463, %div3A_2465 : vector<1x512xf32>
    %sub3A_2467 = vector.broadcast %div3A_2457 : vector<1x512xf32> to vector<32x512xf32>
    %sub3A_2468 = arith.subf %add3A_2451, %sub3A_2467 : vector<32x512xf32>
    %add3A_2469 = arith.constant 9.99999974E-6 : f32
    %add3A_2470 = vector.broadcast %add3A_2469 : f32 to vector<1x512xf32>
    %add3A_2471 = arith.addf %div3A_2466, %add3A_2470 : vector<1x512xf32>
    %sqrt3A_2472 = math.sqrt %add3A_2471 : vector<1x512xf32>
    %div3A_2473 = vector.broadcast %sqrt3A_2472 : vector<1x512xf32> to vector<32x512xf32>
    %div3A_2474 = arith.divf %sub3A_2468, %div3A_2473 : vector<32x512xf32>
    %mul3A_2475 = vector.broadcast %get3A_32 : vector<32x1xf32> to vector<32x512xf32>
    %mul3A_2476 = arith.mulf %div3A_2474, %mul3A_2475 : vector<32x512xf32>
    %add3A_2477 = vector.broadcast %get3A_35 : vector<32x1xf32> to vector<32x512xf32>
    %add3A_2478 = arith.addf %mul3A_2476, %add3A_2477 : vector<32x512xf32>
    %mul3A_2479 = vector.broadcast %get3A_23 : f32 to vector<1x512xf32>
    %mul3A_2480 = arith.mulf %mul3A_2431, %mul3A_2479 : vector<1x512xf32>
    %mul3A_2481 = vector.broadcast %get3A_23 : f32 to vector<1x512xf32>
    %mul3A_2482 = arith.mulf %mul3A_2434, %mul3A_2481 : vector<1x512xf32>
    %mul3A_2483 = vector.broadcast %get3A_23 : f32 to vector<1x512xf32>
    %mul3A_2484 = arith.mulf %mul3A_2437, %mul3A_2483 : vector<1x512xf32>
    %concatenate3A_2485 = tpu.concatenate %mul3A_2480, %mul3A_2482, %mul3A_2484, %add3A_2478 in 0 : vector<1x512xf32>, vector<1x512xf32>, vector<1x512xf32>, vector<32x512xf32> -> vector<35x512xf32>
    %swap3A_2486 = arith.constant 0 : index
    %swap3A_2487 = arith.constant 19 : index
    %swap3A_2488 = arith.constant 0 : index
    %swap3A_2489 = arith.constant 0 : index
    %swap3A_2490 = vector.load %arg14[%swap3A_2486, %swap3A_2487, %swap3A_2488, %swap3A_2489] : memref<1x30x35x512xf32, #tpu.memory_space<vmem>>, vector<1x1x35x512xf32>
    %swap3A_2491 = vector.shape_cast %swap3A_2490 : vector<1x1x35x512xf32> to vector<35x512xf32>
    %swap3A_2492 = vector.shape_cast %concatenate3A_2485 : vector<35x512xf32> to vector<1x1x35x512xf32>
    tpu.vector_store %arg14[%swap3A_2486, %swap3A_2487, %swap3A_2488, %swap3A_2489], %swap3A_2492 {strides = array<i32>} : memref<1x30x35x512xf32, #tpu.memory_space<vmem>>, vector<1x1x35x512xf32>,
    %get3A_2493 = arith.constant 0 : index
    %get3A_2494 = arith.constant 20 : index
    %get3A_2495 = arith.constant 0 : index
    %get3A_2496 = vector.load %arg2[%get3A_2493, %get3A_2494, %get3A_2495] : memref<1x32x512xf32, #tpu.memory_space<vmem>>, vector<1x1x512xf32>
    %get3A_2497 = vector.shape_cast %get3A_2496 : vector<1x1x512xf32> to vector<1x512xf32>
    %sub3A_2498 = vector.broadcast %get3A_2497 : vector<1x512xf32> to vector<16x512xf32>
    %sub3A_2499 = vector.broadcast %mul3A_40 : vector<16x1xf32> to vector<16x512xf32>
    %sub3A_2500 = arith.subf %sub3A_2498, %sub3A_2499 : vector<16x512xf32>
    %div3A_2501 = arith.constant 1.250000e+00 : f32
    %div3A_2502 = vector.broadcast %div3A_2501 : f32 to vector<16x512xf32>
    %div3A_2503 = arith.divf %sub3A_2500, %div3A_2502 : vector<16x512xf32>
    %integer_pow3A_2504 = arith.mulf %div3A_2503, %div3A_2503 : vector<16x512xf32>
    %neg3A_2505 = arith.constant 0.000000e+00 : f32
    %neg3A_2506 = vector.broadcast %neg3A_2505 : f32 to vector<16x512xf32>
    %neg3A_2507 = arith.subf %neg3A_2506, %integer_pow3A_2504 : vector<16x512xf32>
    %exp3A_2508 = math.exp %neg3A_2507 : vector<16x512xf32>
    %get3A_2509 = arith.constant 0 : index
    %get3A_2510 = arith.constant 20 : index
    %get3A_2511 = arith.constant 0 : index
    %get3A_2512 = vector.load %arg3[%get3A_2509, %get3A_2510, %get3A_2511] : memref<1x32x512xi32, #tpu.memory_space<vmem>>, vector<1x1x512xi32>
    %get3A_2513 = vector.shape_cast %get3A_2512 : vector<1x1x512xi32> to vector<1x512xi32>
    %convert_element_type3A_2514 = arith.sitofp %get3A_2513 : vector<1x512xi32> to vector<1x512xf32>
    %sub3A_2515 = arith.subf %convert_element_type3A_2514, %convert_element_type3A : vector<1x512xf32>
    %mul3A_2516 = vector.broadcast %sub3A_2515 : vector<1x512xf32> to vector<8x512xf32>
    %mul3A_2517 = vector.broadcast %exp3A : vector<8x1xf32> to vector<8x512xf32>
    %mul3A_2518 = arith.mulf %mul3A_2516, %mul3A_2517 : vector<8x512xf32>
    %cos3A_2519 = math.cos %mul3A_2518 : vector<8x512xf32>
    %sin3A_2520 = math.sin %mul3A_2518 : vector<8x512xf32>
    %concatenate3A_2521 = tpu.concatenate %cos3A_2519, %sin3A_2520 in 0 : vector<8x512xf32>, vector<8x512xf32> -> vector<16x512xf32>
    %get3A_2522 = arith.constant 0 : index
    %get3A_2523 = arith.constant 20 : index
    %get3A_2524 = arith.constant 0 : index
    %get3A_2525 = vector.load %arg4[%get3A_2522, %get3A_2523, %get3A_2524] : memref<1x32x512xf32, #tpu.memory_space<vmem>>, vector<1x1x512xf32>
    %get3A_2526 = vector.shape_cast %get3A_2525 : vector<1x1x512xf32> to vector<1x512xf32>
    %sub3A_2527 = arith.subf %get3A_2526, %get3A_5 : vector<1x512xf32>
    %get3A_2528 = arith.constant 0 : index
    %get3A_2529 = arith.constant 20 : index
    %get3A_2530 = arith.constant 0 : index
    %get3A_2531 = vector.load %arg5[%get3A_2528, %get3A_2529, %get3A_2530] : memref<1x32x512xf32, #tpu.memory_space<vmem>>, vector<1x1x512xf32>
    %get3A_2532 = vector.shape_cast %get3A_2531 : vector<1x1x512xf32> to vector<1x512xf32>
    %sub3A_2533 = arith.subf %get3A_2532, %get3A_10 : vector<1x512xf32>
    %get3A_2534 = arith.constant 0 : index
    %get3A_2535 = arith.constant 20 : index
    %get3A_2536 = arith.constant 0 : index
    %get3A_2537 = vector.load %arg6[%get3A_2534, %get3A_2535, %get3A_2536] : memref<1x32x512xf32, #tpu.memory_space<vmem>>, vector<1x1x512xf32>
    %get3A_2538 = vector.shape_cast %get3A_2537 : vector<1x1x512xf32> to vector<1x512xf32>
    %sub3A_2539 = arith.subf %get3A_2538, %get3A_15 : vector<1x512xf32>
    %mul3A_2540 = arith.mulf %sub3A_2527, %sub3A_2527 : vector<1x512xf32>
    %mul3A_2541 = arith.mulf %sub3A_2533, %sub3A_2533 : vector<1x512xf32>
    %add3A_2542 = arith.addf %mul3A_2540, %mul3A_2541 : vector<1x512xf32>
    %mul3A_2543 = arith.mulf %sub3A_2539, %sub3A_2539 : vector<1x512xf32>
    %add3A_2544 = arith.addf %add3A_2542, %mul3A_2543 : vector<1x512xf32>
    %sqrt3A_2545 = math.sqrt %add3A_2544 : vector<1x512xf32>
    %max3A_2546 = arith.constant 9.99999996E-13 : f32
    %max3A_2547 = vector.broadcast %max3A_2546 : f32 to vector<1x512xf32>
    %max3A_2548 = arith.maximumf %sqrt3A_2545, %max3A_2547 : vector<1x512xf32>
    %div3A_2549 = arith.constant 1.000000e+00 : f32
    %div3A_2550 = vector.broadcast %div3A_2549 : f32 to vector<1x512xf32>
    %div3A_2551 = arith.divf %div3A_2550, %max3A_2548 : vector<1x512xf32>
    %mul3A_2552 = arith.mulf %sub3A_2527, %div3A_2551 : vector<1x512xf32>
    %mul3A_2553 = vector.broadcast %get3A_19 : f32 to vector<1x512xf32>
    %mul3A_2554 = arith.mulf %mul3A_2552, %mul3A_2553 : vector<1x512xf32>
    %mul3A_2555 = arith.mulf %sub3A_2533, %div3A_2551 : vector<1x512xf32>
    %mul3A_2556 = vector.broadcast %get3A_19 : f32 to vector<1x512xf32>
    %mul3A_2557 = arith.mulf %mul3A_2555, %mul3A_2556 : vector<1x512xf32>
    %mul3A_2558 = arith.mulf %sub3A_2539, %div3A_2551 : vector<1x512xf32>
    %mul3A_2559 = vector.broadcast %get3A_19 : f32 to vector<1x512xf32>
    %mul3A_2560 = arith.mulf %mul3A_2558, %mul3A_2559 : vector<1x512xf32>
    %mul3A_2561 = arith.mulf %mul3A_2554, %mul3A_2554 : vector<1x512xf32>
    %mul3A_2562 = arith.mulf %mul3A_2557, %mul3A_2557 : vector<1x512xf32>
    %add3A_2563 = arith.addf %mul3A_2561, %mul3A_2562 : vector<1x512xf32>
    %mul3A_2564 = arith.mulf %mul3A_2560, %mul3A_2560 : vector<1x512xf32>
    %add3A_2565 = arith.addf %add3A_2563, %mul3A_2564 : vector<1x512xf32>
    %add3A_2566 = arith.constant 9.99999993E-9 : f32
    %add3A_2567 = vector.broadcast %add3A_2566 : f32 to vector<1x512xf32>
    %add3A_2568 = arith.addf %add3A_2565, %add3A_2567 : vector<1x512xf32>
    %sqrt3A_2569 = math.sqrt %add3A_2568 : vector<1x512xf32>
    %concatenate3A_2570 = tpu.concatenate %exp3A_2508, %concatenate3A_2521, %sqrt3A_2569 in 0 : vector<16x512xf32>, vector<16x512xf32>, vector<1x512xf32> -> vector<33x512xf32>
    %dot_general3A_2571 = arith.constant dense<0.000000e+00> : vector<32x512xf32>
    %dot_general3A_2572 = tpu.matmul %get3A_26, %concatenate3A_2570, %dot_general3A_2571 {dimension_numbers = #tpu.dot_dimension_numbers<[1], [0], [0], [1], [0, 0, 1, 1], [], []>, transpose_lhs_hint = false} : vector<32x33xf32>, vector<33x512xf32>, vector<32x512xf32> -> vector<32x512xf32>
    %add3A_2573 = vector.broadcast %get3A_29 : vector<32x1xf32> to vector<32x512xf32>
    %add3A_2574 = arith.addf %dot_general3A_2572, %add3A_2573 : vector<32x512xf32>
    %reduce_sum3A_2575 = arith.constant dense<0.000000e+00> : vector<512xf32>
    %reduce_sum3A_2576 = vector.multi_reduction <add>, %add3A_2574, %reduce_sum3A_2575 [0] : vector<32x512xf32> to vector<512xf32>
    %broadcast_in_dim3A_2577 = vector.shape_cast %reduce_sum3A_2576 : vector<512xf32> to vector<1x512xf32>
    %div3A_2578 = arith.constant 3.200000e+01 : f32
    %div3A_2579 = vector.broadcast %div3A_2578 : f32 to vector<1x512xf32>
    %div3A_2580 = arith.divf %broadcast_in_dim3A_2577, %div3A_2579 : vector<1x512xf32>
    %sub3A_2581 = vector.broadcast %div3A_2580 : vector<1x512xf32> to vector<32x512xf32>
    %sub3A_2582 = arith.subf %add3A_2574, %sub3A_2581 : vector<32x512xf32>
    %integer_pow3A_2583 = arith.mulf %sub3A_2582, %sub3A_2582 : vector<32x512xf32>
    %reduce_sum3A_2584 = arith.constant dense<0.000000e+00> : vector<512xf32>
    %reduce_sum3A_2585 = vector.multi_reduction <add>, %integer_pow3A_2583, %reduce_sum3A_2584 [0] : vector<32x512xf32> to vector<512xf32>
    %broadcast_in_dim3A_2586 = vector.shape_cast %reduce_sum3A_2585 : vector<512xf32> to vector<1x512xf32>
    %div3A_2587 = arith.constant 3.200000e+01 : f32
    %div3A_2588 = vector.broadcast %div3A_2587 : f32 to vector<1x512xf32>
    %div3A_2589 = arith.divf %broadcast_in_dim3A_2586, %div3A_2588 : vector<1x512xf32>
    %sub3A_2590 = vector.broadcast %div3A_2580 : vector<1x512xf32> to vector<32x512xf32>
    %sub3A_2591 = arith.subf %add3A_2574, %sub3A_2590 : vector<32x512xf32>
    %add3A_2592 = arith.constant 9.99999974E-6 : f32
    %add3A_2593 = vector.broadcast %add3A_2592 : f32 to vector<1x512xf32>
    %add3A_2594 = arith.addf %div3A_2589, %add3A_2593 : vector<1x512xf32>
    %sqrt3A_2595 = math.sqrt %add3A_2594 : vector<1x512xf32>
    %div3A_2596 = vector.broadcast %sqrt3A_2595 : vector<1x512xf32> to vector<32x512xf32>
    %div3A_2597 = arith.divf %sub3A_2591, %div3A_2596 : vector<32x512xf32>
    %mul3A_2598 = vector.broadcast %get3A_32 : vector<32x1xf32> to vector<32x512xf32>
    %mul3A_2599 = arith.mulf %div3A_2597, %mul3A_2598 : vector<32x512xf32>
    %add3A_2600 = vector.broadcast %get3A_35 : vector<32x1xf32> to vector<32x512xf32>
    %add3A_2601 = arith.addf %mul3A_2599, %add3A_2600 : vector<32x512xf32>
    %mul3A_2602 = vector.broadcast %get3A_23 : f32 to vector<1x512xf32>
    %mul3A_2603 = arith.mulf %mul3A_2554, %mul3A_2602 : vector<1x512xf32>
    %mul3A_2604 = vector.broadcast %get3A_23 : f32 to vector<1x512xf32>
    %mul3A_2605 = arith.mulf %mul3A_2557, %mul3A_2604 : vector<1x512xf32>
    %mul3A_2606 = vector.broadcast %get3A_23 : f32 to vector<1x512xf32>
    %mul3A_2607 = arith.mulf %mul3A_2560, %mul3A_2606 : vector<1x512xf32>
    %concatenate3A_2608 = tpu.concatenate %mul3A_2603, %mul3A_2605, %mul3A_2607, %add3A_2601 in 0 : vector<1x512xf32>, vector<1x512xf32>, vector<1x512xf32>, vector<32x512xf32> -> vector<35x512xf32>
    %swap3A_2609 = arith.constant 0 : index
    %swap3A_2610 = arith.constant 20 : index
    %swap3A_2611 = arith.constant 0 : index
    %swap3A_2612 = arith.constant 0 : index
    %swap3A_2613 = vector.load %arg14[%swap3A_2609, %swap3A_2610, %swap3A_2611, %swap3A_2612] : memref<1x30x35x512xf32, #tpu.memory_space<vmem>>, vector<1x1x35x512xf32>
    %swap3A_2614 = vector.shape_cast %swap3A_2613 : vector<1x1x35x512xf32> to vector<35x512xf32>
    %swap3A_2615 = vector.shape_cast %concatenate3A_2608 : vector<35x512xf32> to vector<1x1x35x512xf32>
    tpu.vector_store %arg14[%swap3A_2609, %swap3A_2610, %swap3A_2611, %swap3A_2612], %swap3A_2615 {strides = array<i32>} : memref<1x30x35x512xf32, #tpu.memory_space<vmem>>, vector<1x1x35x512xf32>,
    %get3A_2616 = arith.constant 0 : index
    %get3A_2617 = arith.constant 21 : index
    %get3A_2618 = arith.constant 0 : index
    %get3A_2619 = vector.load %arg2[%get3A_2616, %get3A_2617, %get3A_2618] : memref<1x32x512xf32, #tpu.memory_space<vmem>>, vector<1x1x512xf32>
    %get3A_2620 = vector.shape_cast %get3A_2619 : vector<1x1x512xf32> to vector<1x512xf32>
    %sub3A_2621 = vector.broadcast %get3A_2620 : vector<1x512xf32> to vector<16x512xf32>
    %sub3A_2622 = vector.broadcast %mul3A_40 : vector<16x1xf32> to vector<16x512xf32>
    %sub3A_2623 = arith.subf %sub3A_2621, %sub3A_2622 : vector<16x512xf32>
    %div3A_2624 = arith.constant 1.250000e+00 : f32
    %div3A_2625 = vector.broadcast %div3A_2624 : f32 to vector<16x512xf32>
    %div3A_2626 = arith.divf %sub3A_2623, %div3A_2625 : vector<16x512xf32>
    %integer_pow3A_2627 = arith.mulf %div3A_2626, %div3A_2626 : vector<16x512xf32>
    %neg3A_2628 = arith.constant 0.000000e+00 : f32
    %neg3A_2629 = vector.broadcast %neg3A_2628 : f32 to vector<16x512xf32>
    %neg3A_2630 = arith.subf %neg3A_2629, %integer_pow3A_2627 : vector<16x512xf32>
    %exp3A_2631 = math.exp %neg3A_2630 : vector<16x512xf32>
    %get3A_2632 = arith.constant 0 : index
    %get3A_2633 = arith.constant 21 : index
    %get3A_2634 = arith.constant 0 : index
    %get3A_2635 = vector.load %arg3[%get3A_2632, %get3A_2633, %get3A_2634] : memref<1x32x512xi32, #tpu.memory_space<vmem>>, vector<1x1x512xi32>
    %get3A_2636 = vector.shape_cast %get3A_2635 : vector<1x1x512xi32> to vector<1x512xi32>
    %convert_element_type3A_2637 = arith.sitofp %get3A_2636 : vector<1x512xi32> to vector<1x512xf32>
    %sub3A_2638 = arith.subf %convert_element_type3A_2637, %convert_element_type3A : vector<1x512xf32>
    %mul3A_2639 = vector.broadcast %sub3A_2638 : vector<1x512xf32> to vector<8x512xf32>
    %mul3A_2640 = vector.broadcast %exp3A : vector<8x1xf32> to vector<8x512xf32>
    %mul3A_2641 = arith.mulf %mul3A_2639, %mul3A_2640 : vector<8x512xf32>
    %cos3A_2642 = math.cos %mul3A_2641 : vector<8x512xf32>
    %sin3A_2643 = math.sin %mul3A_2641 : vector<8x512xf32>
    %concatenate3A_2644 = tpu.concatenate %cos3A_2642, %sin3A_2643 in 0 : vector<8x512xf32>, vector<8x512xf32> -> vector<16x512xf32>
    %get3A_2645 = arith.constant 0 : index
    %get3A_2646 = arith.constant 21 : index
    %get3A_2647 = arith.constant 0 : index
    %get3A_2648 = vector.load %arg4[%get3A_2645, %get3A_2646, %get3A_2647] : memref<1x32x512xf32, #tpu.memory_space<vmem>>, vector<1x1x512xf32>
    %get3A_2649 = vector.shape_cast %get3A_2648 : vector<1x1x512xf32> to vector<1x512xf32>
    %sub3A_2650 = arith.subf %get3A_2649, %get3A_5 : vector<1x512xf32>
    %get3A_2651 = arith.constant 0 : index
    %get3A_2652 = arith.constant 21 : index
    %get3A_2653 = arith.constant 0 : index
    %get3A_2654 = vector.load %arg5[%get3A_2651, %get3A_2652, %get3A_2653] : memref<1x32x512xf32, #tpu.memory_space<vmem>>, vector<1x1x512xf32>
    %get3A_2655 = vector.shape_cast %get3A_2654 : vector<1x1x512xf32> to vector<1x512xf32>
    %sub3A_2656 = arith.subf %get3A_2655, %get3A_10 : vector<1x512xf32>
    %get3A_2657 = arith.constant 0 : index
    %get3A_2658 = arith.constant 21 : index
    %get3A_2659 = arith.constant 0 : index
    %get3A_2660 = vector.load %arg6[%get3A_2657, %get3A_2658, %get3A_2659] : memref<1x32x512xf32, #tpu.memory_space<vmem>>, vector<1x1x512xf32>
    %get3A_2661 = vector.shape_cast %get3A_2660 : vector<1x1x512xf32> to vector<1x512xf32>
    %sub3A_2662 = arith.subf %get3A_2661, %get3A_15 : vector<1x512xf32>
    %mul3A_2663 = arith.mulf %sub3A_2650, %sub3A_2650 : vector<1x512xf32>
    %mul3A_2664 = arith.mulf %sub3A_2656, %sub3A_2656 : vector<1x512xf32>
    %add3A_2665 = arith.addf %mul3A_2663, %mul3A_2664 : vector<1x512xf32>
    %mul3A_2666 = arith.mulf %sub3A_2662, %sub3A_2662 : vector<1x512xf32>
    %add3A_2667 = arith.addf %add3A_2665, %mul3A_2666 : vector<1x512xf32>
    %sqrt3A_2668 = math.sqrt %add3A_2667 : vector<1x512xf32>
    %max3A_2669 = arith.constant 9.99999996E-13 : f32
    %max3A_2670 = vector.broadcast %max3A_2669 : f32 to vector<1x512xf32>
    %max3A_2671 = arith.maximumf %sqrt3A_2668, %max3A_2670 : vector<1x512xf32>
    %div3A_2672 = arith.constant 1.000000e+00 : f32
    %div3A_2673 = vector.broadcast %div3A_2672 : f32 to vector<1x512xf32>
    %div3A_2674 = arith.divf %div3A_2673, %max3A_2671 : vector<1x512xf32>
    %mul3A_2675 = arith.mulf %sub3A_2650, %div3A_2674 : vector<1x512xf32>
    %mul3A_2676 = vector.broadcast %get3A_19 : f32 to vector<1x512xf32>
    %mul3A_2677 = arith.mulf %mul3A_2675, %mul3A_2676 : vector<1x512xf32>
    %mul3A_2678 = arith.mulf %sub3A_2656, %div3A_2674 : vector<1x512xf32>
    %mul3A_2679 = vector.broadcast %get3A_19 : f32 to vector<1x512xf32>
    %mul3A_2680 = arith.mulf %mul3A_2678, %mul3A_2679 : vector<1x512xf32>
    %mul3A_2681 = arith.mulf %sub3A_2662, %div3A_2674 : vector<1x512xf32>
    %mul3A_2682 = vector.broadcast %get3A_19 : f32 to vector<1x512xf32>
    %mul3A_2683 = arith.mulf %mul3A_2681, %mul3A_2682 : vector<1x512xf32>
    %mul3A_2684 = arith.mulf %mul3A_2677, %mul3A_2677 : vector<1x512xf32>
    %mul3A_2685 = arith.mulf %mul3A_2680, %mul3A_2680 : vector<1x512xf32>
    %add3A_2686 = arith.addf %mul3A_2684, %mul3A_2685 : vector<1x512xf32>
    %mul3A_2687 = arith.mulf %mul3A_2683, %mul3A_2683 : vector<1x512xf32>
    %add3A_2688 = arith.addf %add3A_2686, %mul3A_2687 : vector<1x512xf32>
    %add3A_2689 = arith.constant 9.99999993E-9 : f32
    %add3A_2690 = vector.broadcast %add3A_2689 : f32 to vector<1x512xf32>
    %add3A_2691 = arith.addf %add3A_2688, %add3A_2690 : vector<1x512xf32>
    %sqrt3A_2692 = math.sqrt %add3A_2691 : vector<1x512xf32>
    %concatenate3A_2693 = tpu.concatenate %exp3A_2631, %concatenate3A_2644, %sqrt3A_2692 in 0 : vector<16x512xf32>, vector<16x512xf32>, vector<1x512xf32> -> vector<33x512xf32>
    %dot_general3A_2694 = arith.constant dense<0.000000e+00> : vector<32x512xf32>
    %dot_general3A_2695 = tpu.matmul %get3A_26, %concatenate3A_2693, %dot_general3A_2694 {dimension_numbers = #tpu.dot_dimension_numbers<[1], [0], [0], [1], [0, 0, 1, 1], [], []>, transpose_lhs_hint = false} : vector<32x33xf32>, vector<33x512xf32>, vector<32x512xf32> -> vector<32x512xf32>
    %add3A_2696 = vector.broadcast %get3A_29 : vector<32x1xf32> to vector<32x512xf32>
    %add3A_2697 = arith.addf %dot_general3A_2695, %add3A_2696 : vector<32x512xf32>
    %reduce_sum3A_2698 = arith.constant dense<0.000000e+00> : vector<512xf32>
    %reduce_sum3A_2699 = vector.multi_reduction <add>, %add3A_2697, %reduce_sum3A_2698 [0] : vector<32x512xf32> to vector<512xf32>
    %broadcast_in_dim3A_2700 = vector.shape_cast %reduce_sum3A_2699 : vector<512xf32> to vector<1x512xf32>
    %div3A_2701 = arith.constant 3.200000e+01 : f32
    %div3A_2702 = vector.broadcast %div3A_2701 : f32 to vector<1x512xf32>
    %div3A_2703 = arith.divf %broadcast_in_dim3A_2700, %div3A_2702 : vector<1x512xf32>
    %sub3A_2704 = vector.broadcast %div3A_2703 : vector<1x512xf32> to vector<32x512xf32>
    %sub3A_2705 = arith.subf %add3A_2697, %sub3A_2704 : vector<32x512xf32>
    %integer_pow3A_2706 = arith.mulf %sub3A_2705, %sub3A_2705 : vector<32x512xf32>
    %reduce_sum3A_2707 = arith.constant dense<0.000000e+00> : vector<512xf32>
    %reduce_sum3A_2708 = vector.multi_reduction <add>, %integer_pow3A_2706, %reduce_sum3A_2707 [0] : vector<32x512xf32> to vector<512xf32>
    %broadcast_in_dim3A_2709 = vector.shape_cast %reduce_sum3A_2708 : vector<512xf32> to vector<1x512xf32>
    %div3A_2710 = arith.constant 3.200000e+01 : f32
    %div3A_2711 = vector.broadcast %div3A_2710 : f32 to vector<1x512xf32>
    %div3A_2712 = arith.divf %broadcast_in_dim3A_2709, %div3A_2711 : vector<1x512xf32>
    %sub3A_2713 = vector.broadcast %div3A_2703 : vector<1x512xf32> to vector<32x512xf32>
    %sub3A_2714 = arith.subf %add3A_2697, %sub3A_2713 : vector<32x512xf32>
    %add3A_2715 = arith.constant 9.99999974E-6 : f32
    %add3A_2716 = vector.broadcast %add3A_2715 : f32 to vector<1x512xf32>
    %add3A_2717 = arith.addf %div3A_2712, %add3A_2716 : vector<1x512xf32>
    %sqrt3A_2718 = math.sqrt %add3A_2717 : vector<1x512xf32>
    %div3A_2719 = vector.broadcast %sqrt3A_2718 : vector<1x512xf32> to vector<32x512xf32>
    %div3A_2720 = arith.divf %sub3A_2714, %div3A_2719 : vector<32x512xf32>
    %mul3A_2721 = vector.broadcast %get3A_32 : vector<32x1xf32> to vector<32x512xf32>
    %mul3A_2722 = arith.mulf %div3A_2720, %mul3A_2721 : vector<32x512xf32>
    %add3A_2723 = vector.broadcast %get3A_35 : vector<32x1xf32> to vector<32x512xf32>
    %add3A_2724 = arith.addf %mul3A_2722, %add3A_2723 : vector<32x512xf32>
    %mul3A_2725 = vector.broadcast %get3A_23 : f32 to vector<1x512xf32>
    %mul3A_2726 = arith.mulf %mul3A_2677, %mul3A_2725 : vector<1x512xf32>
    %mul3A_2727 = vector.broadcast %get3A_23 : f32 to vector<1x512xf32>
    %mul3A_2728 = arith.mulf %mul3A_2680, %mul3A_2727 : vector<1x512xf32>
    %mul3A_2729 = vector.broadcast %get3A_23 : f32 to vector<1x512xf32>
    %mul3A_2730 = arith.mulf %mul3A_2683, %mul3A_2729 : vector<1x512xf32>
    %concatenate3A_2731 = tpu.concatenate %mul3A_2726, %mul3A_2728, %mul3A_2730, %add3A_2724 in 0 : vector<1x512xf32>, vector<1x512xf32>, vector<1x512xf32>, vector<32x512xf32> -> vector<35x512xf32>
    %swap3A_2732 = arith.constant 0 : index
    %swap3A_2733 = arith.constant 21 : index
    %swap3A_2734 = arith.constant 0 : index
    %swap3A_2735 = arith.constant 0 : index
    %swap3A_2736 = vector.load %arg14[%swap3A_2732, %swap3A_2733, %swap3A_2734, %swap3A_2735] : memref<1x30x35x512xf32, #tpu.memory_space<vmem>>, vector<1x1x35x512xf32>
    %swap3A_2737 = vector.shape_cast %swap3A_2736 : vector<1x1x35x512xf32> to vector<35x512xf32>
    %swap3A_2738 = vector.shape_cast %concatenate3A_2731 : vector<35x512xf32> to vector<1x1x35x512xf32>
    tpu.vector_store %arg14[%swap3A_2732, %swap3A_2733, %swap3A_2734, %swap3A_2735], %swap3A_2738 {strides = array<i32>} : memref<1x30x35x512xf32, #tpu.memory_space<vmem>>, vector<1x1x35x512xf32>,
    %get3A_2739 = arith.constant 0 : index
    %get3A_2740 = arith.constant 22 : index
    %get3A_2741 = arith.constant 0 : index
    %get3A_2742 = vector.load %arg2[%get3A_2739, %get3A_2740, %get3A_2741] : memref<1x32x512xf32, #tpu.memory_space<vmem>>, vector<1x1x512xf32>
    %get3A_2743 = vector.shape_cast %get3A_2742 : vector<1x1x512xf32> to vector<1x512xf32>
    %sub3A_2744 = vector.broadcast %get3A_2743 : vector<1x512xf32> to vector<16x512xf32>
    %sub3A_2745 = vector.broadcast %mul3A_40 : vector<16x1xf32> to vector<16x512xf32>
    %sub3A_2746 = arith.subf %sub3A_2744, %sub3A_2745 : vector<16x512xf32>
    %div3A_2747 = arith.constant 1.250000e+00 : f32
    %div3A_2748 = vector.broadcast %div3A_2747 : f32 to vector<16x512xf32>
    %div3A_2749 = arith.divf %sub3A_2746, %div3A_2748 : vector<16x512xf32>
    %integer_pow3A_2750 = arith.mulf %div3A_2749, %div3A_2749 : vector<16x512xf32>
    %neg3A_2751 = arith.constant 0.000000e+00 : f32
    %neg3A_2752 = vector.broadcast %neg3A_2751 : f32 to vector<16x512xf32>
    %neg3A_2753 = arith.subf %neg3A_2752, %integer_pow3A_2750 : vector<16x512xf32>
    %exp3A_2754 = math.exp %neg3A_2753 : vector<16x512xf32>
    %get3A_2755 = arith.constant 0 : index
    %get3A_2756 = arith.constant 22 : index
    %get3A_2757 = arith.constant 0 : index
    %get3A_2758 = vector.load %arg3[%get3A_2755, %get3A_2756, %get3A_2757] : memref<1x32x512xi32, #tpu.memory_space<vmem>>, vector<1x1x512xi32>
    %get3A_2759 = vector.shape_cast %get3A_2758 : vector<1x1x512xi32> to vector<1x512xi32>
    %convert_element_type3A_2760 = arith.sitofp %get3A_2759 : vector<1x512xi32> to vector<1x512xf32>
    %sub3A_2761 = arith.subf %convert_element_type3A_2760, %convert_element_type3A : vector<1x512xf32>
    %mul3A_2762 = vector.broadcast %sub3A_2761 : vector<1x512xf32> to vector<8x512xf32>
    %mul3A_2763 = vector.broadcast %exp3A : vector<8x1xf32> to vector<8x512xf32>
    %mul3A_2764 = arith.mulf %mul3A_2762, %mul3A_2763 : vector<8x512xf32>
    %cos3A_2765 = math.cos %mul3A_2764 : vector<8x512xf32>
    %sin3A_2766 = math.sin %mul3A_2764 : vector<8x512xf32>
    %concatenate3A_2767 = tpu.concatenate %cos3A_2765, %sin3A_2766 in 0 : vector<8x512xf32>, vector<8x512xf32> -> vector<16x512xf32>
    %get3A_2768 = arith.constant 0 : index
    %get3A_2769 = arith.constant 22 : index
    %get3A_2770 = arith.constant 0 : index
    %get3A_2771 = vector.load %arg4[%get3A_2768, %get3A_2769, %get3A_2770] : memref<1x32x512xf32, #tpu.memory_space<vmem>>, vector<1x1x512xf32>
    %get3A_2772 = vector.shape_cast %get3A_2771 : vector<1x1x512xf32> to vector<1x512xf32>
    %sub3A_2773 = arith.subf %get3A_2772, %get3A_5 : vector<1x512xf32>
    %get3A_2774 = arith.constant 0 : index
    %get3A_2775 = arith.constant 22 : index
    %get3A_2776 = arith.constant 0 : index
    %get3A_2777 = vector.load %arg5[%get3A_2774, %get3A_2775, %get3A_2776] : memref<1x32x512xf32, #tpu.memory_space<vmem>>, vector<1x1x512xf32>
    %get3A_2778 = vector.shape_cast %get3A_2777 : vector<1x1x512xf32> to vector<1x512xf32>
    %sub3A_2779 = arith.subf %get3A_2778, %get3A_10 : vector<1x512xf32>
    %get3A_2780 = arith.constant 0 : index
    %get3A_2781 = arith.constant 22 : index
    %get3A_2782 = arith.constant 0 : index
    %get3A_2783 = vector.load %arg6[%get3A_2780, %get3A_2781, %get3A_2782] : memref<1x32x512xf32, #tpu.memory_space<vmem>>, vector<1x1x512xf32>
    %get3A_2784 = vector.shape_cast %get3A_2783 : vector<1x1x512xf32> to vector<1x512xf32>
    %sub3A_2785 = arith.subf %get3A_2784, %get3A_15 : vector<1x512xf32>
    %mul3A_2786 = arith.mulf %sub3A_2773, %sub3A_2773 : vector<1x512xf32>
    %mul3A_2787 = arith.mulf %sub3A_2779, %sub3A_2779 : vector<1x512xf32>
    %add3A_2788 = arith.addf %mul3A_2786, %mul3A_2787 : vector<1x512xf32>
    %mul3A_2789 = arith.mulf %sub3A_2785, %sub3A_2785 : vector<1x512xf32>
    %add3A_2790 = arith.addf %add3A_2788, %mul3A_2789 : vector<1x512xf32>
    %sqrt3A_2791 = math.sqrt %add3A_2790 : vector<1x512xf32>
    %max3A_2792 = arith.constant 9.99999996E-13 : f32
    %max3A_2793 = vector.broadcast %max3A_2792 : f32 to vector<1x512xf32>
    %max3A_2794 = arith.maximumf %sqrt3A_2791, %max3A_2793 : vector<1x512xf32>
    %div3A_2795 = arith.constant 1.000000e+00 : f32
    %div3A_2796 = vector.broadcast %div3A_2795 : f32 to vector<1x512xf32>
    %div3A_2797 = arith.divf %div3A_2796, %max3A_2794 : vector<1x512xf32>
    %mul3A_2798 = arith.mulf %sub3A_2773, %div3A_2797 : vector<1x512xf32>
    %mul3A_2799 = vector.broadcast %get3A_19 : f32 to vector<1x512xf32>
    %mul3A_2800 = arith.mulf %mul3A_2798, %mul3A_2799 : vector<1x512xf32>
    %mul3A_2801 = arith.mulf %sub3A_2779, %div3A_2797 : vector<1x512xf32>
    %mul3A_2802 = vector.broadcast %get3A_19 : f32 to vector<1x512xf32>
    %mul3A_2803 = arith.mulf %mul3A_2801, %mul3A_2802 : vector<1x512xf32>
    %mul3A_2804 = arith.mulf %sub3A_2785, %div3A_2797 : vector<1x512xf32>
    %mul3A_2805 = vector.broadcast %get3A_19 : f32 to vector<1x512xf32>
    %mul3A_2806 = arith.mulf %mul3A_2804, %mul3A_2805 : vector<1x512xf32>
    %mul3A_2807 = arith.mulf %mul3A_2800, %mul3A_2800 : vector<1x512xf32>
    %mul3A_2808 = arith.mulf %mul3A_2803, %mul3A_2803 : vector<1x512xf32>
    %add3A_2809 = arith.addf %mul3A_2807, %mul3A_2808 : vector<1x512xf32>
    %mul3A_2810 = arith.mulf %mul3A_2806, %mul3A_2806 : vector<1x512xf32>
    %add3A_2811 = arith.addf %add3A_2809, %mul3A_2810 : vector<1x512xf32>
    %add3A_2812 = arith.constant 9.99999993E-9 : f32
    %add3A_2813 = vector.broadcast %add3A_2812 : f32 to vector<1x512xf32>
    %add3A_2814 = arith.addf %add3A_2811, %add3A_2813 : vector<1x512xf32>
    %sqrt3A_2815 = math.sqrt %add3A_2814 : vector<1x512xf32>
    %concatenate3A_2816 = tpu.concatenate %exp3A_2754, %concatenate3A_2767, %sqrt3A_2815 in 0 : vector<16x512xf32>, vector<16x512xf32>, vector<1x512xf32> -> vector<33x512xf32>
    %dot_general3A_2817 = arith.constant dense<0.000000e+00> : vector<32x512xf32>
    %dot_general3A_2818 = tpu.matmul %get3A_26, %concatenate3A_2816, %dot_general3A_2817 {dimension_numbers = #tpu.dot_dimension_numbers<[1], [0], [0], [1], [0, 0, 1, 1], [], []>, transpose_lhs_hint = false} : vector<32x33xf32>, vector<33x512xf32>, vector<32x512xf32> -> vector<32x512xf32>
    %add3A_2819 = vector.broadcast %get3A_29 : vector<32x1xf32> to vector<32x512xf32>
    %add3A_2820 = arith.addf %dot_general3A_2818, %add3A_2819 : vector<32x512xf32>
    %reduce_sum3A_2821 = arith.constant dense<0.000000e+00> : vector<512xf32>
    %reduce_sum3A_2822 = vector.multi_reduction <add>, %add3A_2820, %reduce_sum3A_2821 [0] : vector<32x512xf32> to vector<512xf32>
    %broadcast_in_dim3A_2823 = vector.shape_cast %reduce_sum3A_2822 : vector<512xf32> to vector<1x512xf32>
    %div3A_2824 = arith.constant 3.200000e+01 : f32
    %div3A_2825 = vector.broadcast %div3A_2824 : f32 to vector<1x512xf32>
    %div3A_2826 = arith.divf %broadcast_in_dim3A_2823, %div3A_2825 : vector<1x512xf32>
    %sub3A_2827 = vector.broadcast %div3A_2826 : vector<1x512xf32> to vector<32x512xf32>
    %sub3A_2828 = arith.subf %add3A_2820, %sub3A_2827 : vector<32x512xf32>
    %integer_pow3A_2829 = arith.mulf %sub3A_2828, %sub3A_2828 : vector<32x512xf32>
    %reduce_sum3A_2830 = arith.constant dense<0.000000e+00> : vector<512xf32>
    %reduce_sum3A_2831 = vector.multi_reduction <add>, %integer_pow3A_2829, %reduce_sum3A_2830 [0] : vector<32x512xf32> to vector<512xf32>
    %broadcast_in_dim3A_2832 = vector.shape_cast %reduce_sum3A_2831 : vector<512xf32> to vector<1x512xf32>
    %div3A_2833 = arith.constant 3.200000e+01 : f32
    %div3A_2834 = vector.broadcast %div3A_2833 : f32 to vector<1x512xf32>
    %div3A_2835 = arith.divf %broadcast_in_dim3A_2832, %div3A_2834 : vector<1x512xf32>
    %sub3A_2836 = vector.broadcast %div3A_2826 : vector<1x512xf32> to vector<32x512xf32>
    %sub3A_2837 = arith.subf %add3A_2820, %sub3A_2836 : vector<32x512xf32>
    %add3A_2838 = arith.constant 9.99999974E-6 : f32
    %add3A_2839 = vector.broadcast %add3A_2838 : f32 to vector<1x512xf32>
    %add3A_2840 = arith.addf %div3A_2835, %add3A_2839 : vector<1x512xf32>
    %sqrt3A_2841 = math.sqrt %add3A_2840 : vector<1x512xf32>
    %div3A_2842 = vector.broadcast %sqrt3A_2841 : vector<1x512xf32> to vector<32x512xf32>
    %div3A_2843 = arith.divf %sub3A_2837, %div3A_2842 : vector<32x512xf32>
    %mul3A_2844 = vector.broadcast %get3A_32 : vector<32x1xf32> to vector<32x512xf32>
    %mul3A_2845 = arith.mulf %div3A_2843, %mul3A_2844 : vector<32x512xf32>
    %add3A_2846 = vector.broadcast %get3A_35 : vector<32x1xf32> to vector<32x512xf32>
    %add3A_2847 = arith.addf %mul3A_2845, %add3A_2846 : vector<32x512xf32>
    %mul3A_2848 = vector.broadcast %get3A_23 : f32 to vector<1x512xf32>
    %mul3A_2849 = arith.mulf %mul3A_2800, %mul3A_2848 : vector<1x512xf32>
    %mul3A_2850 = vector.broadcast %get3A_23 : f32 to vector<1x512xf32>
    %mul3A_2851 = arith.mulf %mul3A_2803, %mul3A_2850 : vector<1x512xf32>
    %mul3A_2852 = vector.broadcast %get3A_23 : f32 to vector<1x512xf32>
    %mul3A_2853 = arith.mulf %mul3A_2806, %mul3A_2852 : vector<1x512xf32>
    %concatenate3A_2854 = tpu.concatenate %mul3A_2849, %mul3A_2851, %mul3A_2853, %add3A_2847 in 0 : vector<1x512xf32>, vector<1x512xf32>, vector<1x512xf32>, vector<32x512xf32> -> vector<35x512xf32>
    %swap3A_2855 = arith.constant 0 : index
    %swap3A_2856 = arith.constant 22 : index
    %swap3A_2857 = arith.constant 0 : index
    %swap3A_2858 = arith.constant 0 : index
    %swap3A_2859 = vector.load %arg14[%swap3A_2855, %swap3A_2856, %swap3A_2857, %swap3A_2858] : memref<1x30x35x512xf32, #tpu.memory_space<vmem>>, vector<1x1x35x512xf32>
    %swap3A_2860 = vector.shape_cast %swap3A_2859 : vector<1x1x35x512xf32> to vector<35x512xf32>
    %swap3A_2861 = vector.shape_cast %concatenate3A_2854 : vector<35x512xf32> to vector<1x1x35x512xf32>
    tpu.vector_store %arg14[%swap3A_2855, %swap3A_2856, %swap3A_2857, %swap3A_2858], %swap3A_2861 {strides = array<i32>} : memref<1x30x35x512xf32, #tpu.memory_space<vmem>>, vector<1x1x35x512xf32>,
    %get3A_2862 = arith.constant 0 : index
    %get3A_2863 = arith.constant 23 : index
    %get3A_2864 = arith.constant 0 : index
    %get3A_2865 = vector.load %arg2[%get3A_2862, %get3A_2863, %get3A_2864] : memref<1x32x512xf32, #tpu.memory_space<vmem>>, vector<1x1x512xf32>
    %get3A_2866 = vector.shape_cast %get3A_2865 : vector<1x1x512xf32> to vector<1x512xf32>
    %sub3A_2867 = vector.broadcast %get3A_2866 : vector<1x512xf32> to vector<16x512xf32>
    %sub3A_2868 = vector.broadcast %mul3A_40 : vector<16x1xf32> to vector<16x512xf32>
    %sub3A_2869 = arith.subf %sub3A_2867, %sub3A_2868 : vector<16x512xf32>
    %div3A_2870 = arith.constant 1.250000e+00 : f32
    %div3A_2871 = vector.broadcast %div3A_2870 : f32 to vector<16x512xf32>
    %div3A_2872 = arith.divf %sub3A_2869, %div3A_2871 : vector<16x512xf32>
    %integer_pow3A_2873 = arith.mulf %div3A_2872, %div3A_2872 : vector<16x512xf32>
    %neg3A_2874 = arith.constant 0.000000e+00 : f32
    %neg3A_2875 = vector.broadcast %neg3A_2874 : f32 to vector<16x512xf32>
    %neg3A_2876 = arith.subf %neg3A_2875, %integer_pow3A_2873 : vector<16x512xf32>
    %exp3A_2877 = math.exp %neg3A_2876 : vector<16x512xf32>
    %get3A_2878 = arith.constant 0 : index
    %get3A_2879 = arith.constant 23 : index
    %get3A_2880 = arith.constant 0 : index
    %get3A_2881 = vector.load %arg3[%get3A_2878, %get3A_2879, %get3A_2880] : memref<1x32x512xi32, #tpu.memory_space<vmem>>, vector<1x1x512xi32>
    %get3A_2882 = vector.shape_cast %get3A_2881 : vector<1x1x512xi32> to vector<1x512xi32>
    %convert_element_type3A_2883 = arith.sitofp %get3A_2882 : vector<1x512xi32> to vector<1x512xf32>
    %sub3A_2884 = arith.subf %convert_element_type3A_2883, %convert_element_type3A : vector<1x512xf32>
    %mul3A_2885 = vector.broadcast %sub3A_2884 : vector<1x512xf32> to vector<8x512xf32>
    %mul3A_2886 = vector.broadcast %exp3A : vector<8x1xf32> to vector<8x512xf32>
    %mul3A_2887 = arith.mulf %mul3A_2885, %mul3A_2886 : vector<8x512xf32>
    %cos3A_2888 = math.cos %mul3A_2887 : vector<8x512xf32>
    %sin3A_2889 = math.sin %mul3A_2887 : vector<8x512xf32>
    %concatenate3A_2890 = tpu.concatenate %cos3A_2888, %sin3A_2889 in 0 : vector<8x512xf32>, vector<8x512xf32> -> vector<16x512xf32>
    %get3A_2891 = arith.constant 0 : index
    %get3A_2892 = arith.constant 23 : index
    %get3A_2893 = arith.constant 0 : index
    %get3A_2894 = vector.load %arg4[%get3A_2891, %get3A_2892, %get3A_2893] : memref<1x32x512xf32, #tpu.memory_space<vmem>>, vector<1x1x512xf32>
    %get3A_2895 = vector.shape_cast %get3A_2894 : vector<1x1x512xf32> to vector<1x512xf32>
    %sub3A_2896 = arith.subf %get3A_2895, %get3A_5 : vector<1x512xf32>
    %get3A_2897 = arith.constant 0 : index
    %get3A_2898 = arith.constant 23 : index
    %get3A_2899 = arith.constant 0 : index
    %get3A_2900 = vector.load %arg5[%get3A_2897, %get3A_2898, %get3A_2899] : memref<1x32x512xf32, #tpu.memory_space<vmem>>, vector<1x1x512xf32>
    %get3A_2901 = vector.shape_cast %get3A_2900 : vector<1x1x512xf32> to vector<1x512xf32>
    %sub3A_2902 = arith.subf %get3A_2901, %get3A_10 : vector<1x512xf32>
    %get3A_2903 = arith.constant 0 : index
    %get3A_2904 = arith.constant 23 : index
    %get3A_2905 = arith.constant 0 : index
    %get3A_2906 = vector.load %arg6[%get3A_2903, %get3A_2904, %get3A_2905] : memref<1x32x512xf32, #tpu.memory_space<vmem>>, vector<1x1x512xf32>
    %get3A_2907 = vector.shape_cast %get3A_2906 : vector<1x1x512xf32> to vector<1x512xf32>
    %sub3A_2908 = arith.subf %get3A_2907, %get3A_15 : vector<1x512xf32>
    %mul3A_2909 = arith.mulf %sub3A_2896, %sub3A_2896 : vector<1x512xf32>
    %mul3A_2910 = arith.mulf %sub3A_2902, %sub3A_2902 : vector<1x512xf32>
    %add3A_2911 = arith.addf %mul3A_2909, %mul3A_2910 : vector<1x512xf32>
    %mul3A_2912 = arith.mulf %sub3A_2908, %sub3A_2908 : vector<1x512xf32>
    %add3A_2913 = arith.addf %add3A_2911, %mul3A_2912 : vector<1x512xf32>
    %sqrt3A_2914 = math.sqrt %add3A_2913 : vector<1x512xf32>
    %max3A_2915 = arith.constant 9.99999996E-13 : f32
    %max3A_2916 = vector.broadcast %max3A_2915 : f32 to vector<1x512xf32>
    %max3A_2917 = arith.maximumf %sqrt3A_2914, %max3A_2916 : vector<1x512xf32>
    %div3A_2918 = arith.constant 1.000000e+00 : f32
    %div3A_2919 = vector.broadcast %div3A_2918 : f32 to vector<1x512xf32>
    %div3A_2920 = arith.divf %div3A_2919, %max3A_2917 : vector<1x512xf32>
    %mul3A_2921 = arith.mulf %sub3A_2896, %div3A_2920 : vector<1x512xf32>
    %mul3A_2922 = vector.broadcast %get3A_19 : f32 to vector<1x512xf32>
    %mul3A_2923 = arith.mulf %mul3A_2921, %mul3A_2922 : vector<1x512xf32>
    %mul3A_2924 = arith.mulf %sub3A_2902, %div3A_2920 : vector<1x512xf32>
    %mul3A_2925 = vector.broadcast %get3A_19 : f32 to vector<1x512xf32>
    %mul3A_2926 = arith.mulf %mul3A_2924, %mul3A_2925 : vector<1x512xf32>
    %mul3A_2927 = arith.mulf %sub3A_2908, %div3A_2920 : vector<1x512xf32>
    %mul3A_2928 = vector.broadcast %get3A_19 : f32 to vector<1x512xf32>
    %mul3A_2929 = arith.mulf %mul3A_2927, %mul3A_2928 : vector<1x512xf32>
    %mul3A_2930 = arith.mulf %mul3A_2923, %mul3A_2923 : vector<1x512xf32>
    %mul3A_2931 = arith.mulf %mul3A_2926, %mul3A_2926 : vector<1x512xf32>
    %add3A_2932 = arith.addf %mul3A_2930, %mul3A_2931 : vector<1x512xf32>
    %mul3A_2933 = arith.mulf %mul3A_2929, %mul3A_2929 : vector<1x512xf32>
    %add3A_2934 = arith.addf %add3A_2932, %mul3A_2933 : vector<1x512xf32>
    %add3A_2935 = arith.constant 9.99999993E-9 : f32
    %add3A_2936 = vector.broadcast %add3A_2935 : f32 to vector<1x512xf32>
    %add3A_2937 = arith.addf %add3A_2934, %add3A_2936 : vector<1x512xf32>
    %sqrt3A_2938 = math.sqrt %add3A_2937 : vector<1x512xf32>
    %concatenate3A_2939 = tpu.concatenate %exp3A_2877, %concatenate3A_2890, %sqrt3A_2938 in 0 : vector<16x512xf32>, vector<16x512xf32>, vector<1x512xf32> -> vector<33x512xf32>
    %dot_general3A_2940 = arith.constant dense<0.000000e+00> : vector<32x512xf32>
    %dot_general3A_2941 = tpu.matmul %get3A_26, %concatenate3A_2939, %dot_general3A_2940 {dimension_numbers = #tpu.dot_dimension_numbers<[1], [0], [0], [1], [0, 0, 1, 1], [], []>, transpose_lhs_hint = false} : vector<32x33xf32>, vector<33x512xf32>, vector<32x512xf32> -> vector<32x512xf32>
    %add3A_2942 = vector.broadcast %get3A_29 : vector<32x1xf32> to vector<32x512xf32>
    %add3A_2943 = arith.addf %dot_general3A_2941, %add3A_2942 : vector<32x512xf32>
    %reduce_sum3A_2944 = arith.constant dense<0.000000e+00> : vector<512xf32>
    %reduce_sum3A_2945 = vector.multi_reduction <add>, %add3A_2943, %reduce_sum3A_2944 [0] : vector<32x512xf32> to vector<512xf32>
    %broadcast_in_dim3A_2946 = vector.shape_cast %reduce_sum3A_2945 : vector<512xf32> to vector<1x512xf32>
    %div3A_2947 = arith.constant 3.200000e+01 : f32
    %div3A_2948 = vector.broadcast %div3A_2947 : f32 to vector<1x512xf32>
    %div3A_2949 = arith.divf %broadcast_in_dim3A_2946, %div3A_2948 : vector<1x512xf32>
    %sub3A_2950 = vector.broadcast %div3A_2949 : vector<1x512xf32> to vector<32x512xf32>
    %sub3A_2951 = arith.subf %add3A_2943, %sub3A_2950 : vector<32x512xf32>
    %integer_pow3A_2952 = arith.mulf %sub3A_2951, %sub3A_2951 : vector<32x512xf32>
    %reduce_sum3A_2953 = arith.constant dense<0.000000e+00> : vector<512xf32>
    %reduce_sum3A_2954 = vector.multi_reduction <add>, %integer_pow3A_2952, %reduce_sum3A_2953 [0] : vector<32x512xf32> to vector<512xf32>
    %broadcast_in_dim3A_2955 = vector.shape_cast %reduce_sum3A_2954 : vector<512xf32> to vector<1x512xf32>
    %div3A_2956 = arith.constant 3.200000e+01 : f32
    %div3A_2957 = vector.broadcast %div3A_2956 : f32 to vector<1x512xf32>
    %div3A_2958 = arith.divf %broadcast_in_dim3A_2955, %div3A_2957 : vector<1x512xf32>
    %sub3A_2959 = vector.broadcast %div3A_2949 : vector<1x512xf32> to vector<32x512xf32>
    %sub3A_2960 = arith.subf %add3A_2943, %sub3A_2959 : vector<32x512xf32>
    %add3A_2961 = arith.constant 9.99999974E-6 : f32
    %add3A_2962 = vector.broadcast %add3A_2961 : f32 to vector<1x512xf32>
    %add3A_2963 = arith.addf %div3A_2958, %add3A_2962 : vector<1x512xf32>
    %sqrt3A_2964 = math.sqrt %add3A_2963 : vector<1x512xf32>
    %div3A_2965 = vector.broadcast %sqrt3A_2964 : vector<1x512xf32> to vector<32x512xf32>
    %div3A_2966 = arith.divf %sub3A_2960, %div3A_2965 : vector<32x512xf32>
    %mul3A_2967 = vector.broadcast %get3A_32 : vector<32x1xf32> to vector<32x512xf32>
    %mul3A_2968 = arith.mulf %div3A_2966, %mul3A_2967 : vector<32x512xf32>
    %add3A_2969 = vector.broadcast %get3A_35 : vector<32x1xf32> to vector<32x512xf32>
    %add3A_2970 = arith.addf %mul3A_2968, %add3A_2969 : vector<32x512xf32>
    %mul3A_2971 = vector.broadcast %get3A_23 : f32 to vector<1x512xf32>
    %mul3A_2972 = arith.mulf %mul3A_2923, %mul3A_2971 : vector<1x512xf32>
    %mul3A_2973 = vector.broadcast %get3A_23 : f32 to vector<1x512xf32>
    %mul3A_2974 = arith.mulf %mul3A_2926, %mul3A_2973 : vector<1x512xf32>
    %mul3A_2975 = vector.broadcast %get3A_23 : f32 to vector<1x512xf32>
    %mul3A_2976 = arith.mulf %mul3A_2929, %mul3A_2975 : vector<1x512xf32>
    %concatenate3A_2977 = tpu.concatenate %mul3A_2972, %mul3A_2974, %mul3A_2976, %add3A_2970 in 0 : vector<1x512xf32>, vector<1x512xf32>, vector<1x512xf32>, vector<32x512xf32> -> vector<35x512xf32>
    %swap3A_2978 = arith.constant 0 : index
    %swap3A_2979 = arith.constant 23 : index
    %swap3A_2980 = arith.constant 0 : index
    %swap3A_2981 = arith.constant 0 : index
    %swap3A_2982 = vector.load %arg14[%swap3A_2978, %swap3A_2979, %swap3A_2980, %swap3A_2981] : memref<1x30x35x512xf32, #tpu.memory_space<vmem>>, vector<1x1x35x512xf32>
    %swap3A_2983 = vector.shape_cast %swap3A_2982 : vector<1x1x35x512xf32> to vector<35x512xf32>
    %swap3A_2984 = vector.shape_cast %concatenate3A_2977 : vector<35x512xf32> to vector<1x1x35x512xf32>
    tpu.vector_store %arg14[%swap3A_2978, %swap3A_2979, %swap3A_2980, %swap3A_2981], %swap3A_2984 {strides = array<i32>} : memref<1x30x35x512xf32, #tpu.memory_space<vmem>>, vector<1x1x35x512xf32>,
    %get3A_2985 = arith.constant 0 : index
    %get3A_2986 = arith.constant 24 : index
    %get3A_2987 = arith.constant 0 : index
    %get3A_2988 = vector.load %arg2[%get3A_2985, %get3A_2986, %get3A_2987] : memref<1x32x512xf32, #tpu.memory_space<vmem>>, vector<1x1x512xf32>
    %get3A_2989 = vector.shape_cast %get3A_2988 : vector<1x1x512xf32> to vector<1x512xf32>
    %sub3A_2990 = vector.broadcast %get3A_2989 : vector<1x512xf32> to vector<16x512xf32>
    %sub3A_2991 = vector.broadcast %mul3A_40 : vector<16x1xf32> to vector<16x512xf32>
    %sub3A_2992 = arith.subf %sub3A_2990, %sub3A_2991 : vector<16x512xf32>
    %div3A_2993 = arith.constant 1.250000e+00 : f32
    %div3A_2994 = vector.broadcast %div3A_2993 : f32 to vector<16x512xf32>
    %div3A_2995 = arith.divf %sub3A_2992, %div3A_2994 : vector<16x512xf32>
    %integer_pow3A_2996 = arith.mulf %div3A_2995, %div3A_2995 : vector<16x512xf32>
    %neg3A_2997 = arith.constant 0.000000e+00 : f32
    %neg3A_2998 = vector.broadcast %neg3A_2997 : f32 to vector<16x512xf32>
    %neg3A_2999 = arith.subf %neg3A_2998, %integer_pow3A_2996 : vector<16x512xf32>
    %exp3A_3000 = math.exp %neg3A_2999 : vector<16x512xf32>
    %get3A_3001 = arith.constant 0 : index
    %get3A_3002 = arith.constant 24 : index
    %get3A_3003 = arith.constant 0 : index
    %get3A_3004 = vector.load %arg3[%get3A_3001, %get3A_3002, %get3A_3003] : memref<1x32x512xi32, #tpu.memory_space<vmem>>, vector<1x1x512xi32>
    %get3A_3005 = vector.shape_cast %get3A_3004 : vector<1x1x512xi32> to vector<1x512xi32>
    %convert_element_type3A_3006 = arith.sitofp %get3A_3005 : vector<1x512xi32> to vector<1x512xf32>
    %sub3A_3007 = arith.subf %convert_element_type3A_3006, %convert_element_type3A : vector<1x512xf32>
    %mul3A_3008 = vector.broadcast %sub3A_3007 : vector<1x512xf32> to vector<8x512xf32>
    %mul3A_3009 = vector.broadcast %exp3A : vector<8x1xf32> to vector<8x512xf32>
    %mul3A_3010 = arith.mulf %mul3A_3008, %mul3A_3009 : vector<8x512xf32>
    %cos3A_3011 = math.cos %mul3A_3010 : vector<8x512xf32>
    %sin3A_3012 = math.sin %mul3A_3010 : vector<8x512xf32>
    %concatenate3A_3013 = tpu.concatenate %cos3A_3011, %sin3A_3012 in 0 : vector<8x512xf32>, vector<8x512xf32> -> vector<16x512xf32>
    %get3A_3014 = arith.constant 0 : index
    %get3A_3015 = arith.constant 24 : index
    %get3A_3016 = arith.constant 0 : index
    %get3A_3017 = vector.load %arg4[%get3A_3014, %get3A_3015, %get3A_3016] : memref<1x32x512xf32, #tpu.memory_space<vmem>>, vector<1x1x512xf32>
    %get3A_3018 = vector.shape_cast %get3A_3017 : vector<1x1x512xf32> to vector<1x512xf32>
    %sub3A_3019 = arith.subf %get3A_3018, %get3A_5 : vector<1x512xf32>
    %get3A_3020 = arith.constant 0 : index
    %get3A_3021 = arith.constant 24 : index
    %get3A_3022 = arith.constant 0 : index
    %get3A_3023 = vector.load %arg5[%get3A_3020, %get3A_3021, %get3A_3022] : memref<1x32x512xf32, #tpu.memory_space<vmem>>, vector<1x1x512xf32>
    %get3A_3024 = vector.shape_cast %get3A_3023 : vector<1x1x512xf32> to vector<1x512xf32>
    %sub3A_3025 = arith.subf %get3A_3024, %get3A_10 : vector<1x512xf32>
    %get3A_3026 = arith.constant 0 : index
    %get3A_3027 = arith.constant 24 : index
    %get3A_3028 = arith.constant 0 : index
    %get3A_3029 = vector.load %arg6[%get3A_3026, %get3A_3027, %get3A_3028] : memref<1x32x512xf32, #tpu.memory_space<vmem>>, vector<1x1x512xf32>
    %get3A_3030 = vector.shape_cast %get3A_3029 : vector<1x1x512xf32> to vector<1x512xf32>
    %sub3A_3031 = arith.subf %get3A_3030, %get3A_15 : vector<1x512xf32>
    %mul3A_3032 = arith.mulf %sub3A_3019, %sub3A_3019 : vector<1x512xf32>
    %mul3A_3033 = arith.mulf %sub3A_3025, %sub3A_3025 : vector<1x512xf32>
    %add3A_3034 = arith.addf %mul3A_3032, %mul3A_3033 : vector<1x512xf32>
    %mul3A_3035 = arith.mulf %sub3A_3031, %sub3A_3031 : vector<1x512xf32>
    %add3A_3036 = arith.addf %add3A_3034, %mul3A_3035 : vector<1x512xf32>
    %sqrt3A_3037 = math.sqrt %add3A_3036 : vector<1x512xf32>
    %max3A_3038 = arith.constant 9.99999996E-13 : f32
    %max3A_3039 = vector.broadcast %max3A_3038 : f32 to vector<1x512xf32>
    %max3A_3040 = arith.maximumf %sqrt3A_3037, %max3A_3039 : vector<1x512xf32>
    %div3A_3041 = arith.constant 1.000000e+00 : f32
    %div3A_3042 = vector.broadcast %div3A_3041 : f32 to vector<1x512xf32>
    %div3A_3043 = arith.divf %div3A_3042, %max3A_3040 : vector<1x512xf32>
    %mul3A_3044 = arith.mulf %sub3A_3019, %div3A_3043 : vector<1x512xf32>
    %mul3A_3045 = vector.broadcast %get3A_19 : f32 to vector<1x512xf32>
    %mul3A_3046 = arith.mulf %mul3A_3044, %mul3A_3045 : vector<1x512xf32>
    %mul3A_3047 = arith.mulf %sub3A_3025, %div3A_3043 : vector<1x512xf32>
    %mul3A_3048 = vector.broadcast %get3A_19 : f32 to vector<1x512xf32>
    %mul3A_3049 = arith.mulf %mul3A_3047, %mul3A_3048 : vector<1x512xf32>
    %mul3A_3050 = arith.mulf %sub3A_3031, %div3A_3043 : vector<1x512xf32>
    %mul3A_3051 = vector.broadcast %get3A_19 : f32 to vector<1x512xf32>
    %mul3A_3052 = arith.mulf %mul3A_3050, %mul3A_3051 : vector<1x512xf32>
    %mul3A_3053 = arith.mulf %mul3A_3046, %mul3A_3046 : vector<1x512xf32>
    %mul3A_3054 = arith.mulf %mul3A_3049, %mul3A_3049 : vector<1x512xf32>
    %add3A_3055 = arith.addf %mul3A_3053, %mul3A_3054 : vector<1x512xf32>
    %mul3A_3056 = arith.mulf %mul3A_3052, %mul3A_3052 : vector<1x512xf32>
    %add3A_3057 = arith.addf %add3A_3055, %mul3A_3056 : vector<1x512xf32>
    %add3A_3058 = arith.constant 9.99999993E-9 : f32
    %add3A_3059 = vector.broadcast %add3A_3058 : f32 to vector<1x512xf32>
    %add3A_3060 = arith.addf %add3A_3057, %add3A_3059 : vector<1x512xf32>
    %sqrt3A_3061 = math.sqrt %add3A_3060 : vector<1x512xf32>
    %concatenate3A_3062 = tpu.concatenate %exp3A_3000, %concatenate3A_3013, %sqrt3A_3061 in 0 : vector<16x512xf32>, vector<16x512xf32>, vector<1x512xf32> -> vector<33x512xf32>
    %dot_general3A_3063 = arith.constant dense<0.000000e+00> : vector<32x512xf32>
    %dot_general3A_3064 = tpu.matmul %get3A_26, %concatenate3A_3062, %dot_general3A_3063 {dimension_numbers = #tpu.dot_dimension_numbers<[1], [0], [0], [1], [0, 0, 1, 1], [], []>, transpose_lhs_hint = false} : vector<32x33xf32>, vector<33x512xf32>, vector<32x512xf32> -> vector<32x512xf32>
    %add3A_3065 = vector.broadcast %get3A_29 : vector<32x1xf32> to vector<32x512xf32>
    %add3A_3066 = arith.addf %dot_general3A_3064, %add3A_3065 : vector<32x512xf32>
    %reduce_sum3A_3067 = arith.constant dense<0.000000e+00> : vector<512xf32>
    %reduce_sum3A_3068 = vector.multi_reduction <add>, %add3A_3066, %reduce_sum3A_3067 [0] : vector<32x512xf32> to vector<512xf32>
    %broadcast_in_dim3A_3069 = vector.shape_cast %reduce_sum3A_3068 : vector<512xf32> to vector<1x512xf32>
    %div3A_3070 = arith.constant 3.200000e+01 : f32
    %div3A_3071 = vector.broadcast %div3A_3070 : f32 to vector<1x512xf32>
    %div3A_3072 = arith.divf %broadcast_in_dim3A_3069, %div3A_3071 : vector<1x512xf32>
    %sub3A_3073 = vector.broadcast %div3A_3072 : vector<1x512xf32> to vector<32x512xf32>
    %sub3A_3074 = arith.subf %add3A_3066, %sub3A_3073 : vector<32x512xf32>
    %integer_pow3A_3075 = arith.mulf %sub3A_3074, %sub3A_3074 : vector<32x512xf32>
    %reduce_sum3A_3076 = arith.constant dense<0.000000e+00> : vector<512xf32>
    %reduce_sum3A_3077 = vector.multi_reduction <add>, %integer_pow3A_3075, %reduce_sum3A_3076 [0] : vector<32x512xf32> to vector<512xf32>
    %broadcast_in_dim3A_3078 = vector.shape_cast %reduce_sum3A_3077 : vector<512xf32> to vector<1x512xf32>
    %div3A_3079 = arith.constant 3.200000e+01 : f32
    %div3A_3080 = vector.broadcast %div3A_3079 : f32 to vector<1x512xf32>
    %div3A_3081 = arith.divf %broadcast_in_dim3A_3078, %div3A_3080 : vector<1x512xf32>
    %sub3A_3082 = vector.broadcast %div3A_3072 : vector<1x512xf32> to vector<32x512xf32>
    %sub3A_3083 = arith.subf %add3A_3066, %sub3A_3082 : vector<32x512xf32>
    %add3A_3084 = arith.constant 9.99999974E-6 : f32
    %add3A_3085 = vector.broadcast %add3A_3084 : f32 to vector<1x512xf32>
    %add3A_3086 = arith.addf %div3A_3081, %add3A_3085 : vector<1x512xf32>
    %sqrt3A_3087 = math.sqrt %add3A_3086 : vector<1x512xf32>
    %div3A_3088 = vector.broadcast %sqrt3A_3087 : vector<1x512xf32> to vector<32x512xf32>
    %div3A_3089 = arith.divf %sub3A_3083, %div3A_3088 : vector<32x512xf32>
    %mul3A_3090 = vector.broadcast %get3A_32 : vector<32x1xf32> to vector<32x512xf32>
    %mul3A_3091 = arith.mulf %div3A_3089, %mul3A_3090 : vector<32x512xf32>
    %add3A_3092 = vector.broadcast %get3A_35 : vector<32x1xf32> to vector<32x512xf32>
    %add3A_3093 = arith.addf %mul3A_3091, %add3A_3092 : vector<32x512xf32>
    %mul3A_3094 = vector.broadcast %get3A_23 : f32 to vector<1x512xf32>
    %mul3A_3095 = arith.mulf %mul3A_3046, %mul3A_3094 : vector<1x512xf32>
    %mul3A_3096 = vector.broadcast %get3A_23 : f32 to vector<1x512xf32>
    %mul3A_3097 = arith.mulf %mul3A_3049, %mul3A_3096 : vector<1x512xf32>
    %mul3A_3098 = vector.broadcast %get3A_23 : f32 to vector<1x512xf32>
    %mul3A_3099 = arith.mulf %mul3A_3052, %mul3A_3098 : vector<1x512xf32>
    %concatenate3A_3100 = tpu.concatenate %mul3A_3095, %mul3A_3097, %mul3A_3099, %add3A_3093 in 0 : vector<1x512xf32>, vector<1x512xf32>, vector<1x512xf32>, vector<32x512xf32> -> vector<35x512xf32>
    %swap3A_3101 = arith.constant 0 : index
    %swap3A_3102 = arith.constant 24 : index
    %swap3A_3103 = arith.constant 0 : index
    %swap3A_3104 = arith.constant 0 : index
    %swap3A_3105 = vector.load %arg14[%swap3A_3101, %swap3A_3102, %swap3A_3103, %swap3A_3104] : memref<1x30x35x512xf32, #tpu.memory_space<vmem>>, vector<1x1x35x512xf32>
    %swap3A_3106 = vector.shape_cast %swap3A_3105 : vector<1x1x35x512xf32> to vector<35x512xf32>
    %swap3A_3107 = vector.shape_cast %concatenate3A_3100 : vector<35x512xf32> to vector<1x1x35x512xf32>
    tpu.vector_store %arg14[%swap3A_3101, %swap3A_3102, %swap3A_3103, %swap3A_3104], %swap3A_3107 {strides = array<i32>} : memref<1x30x35x512xf32, #tpu.memory_space<vmem>>, vector<1x1x35x512xf32>,
    %get3A_3108 = arith.constant 0 : index
    %get3A_3109 = arith.constant 25 : index
    %get3A_3110 = arith.constant 0 : index
    %get3A_3111 = vector.load %arg2[%get3A_3108, %get3A_3109, %get3A_3110] : memref<1x32x512xf32, #tpu.memory_space<vmem>>, vector<1x1x512xf32>
    %get3A_3112 = vector.shape_cast %get3A_3111 : vector<1x1x512xf32> to vector<1x512xf32>
    %sub3A_3113 = vector.broadcast %get3A_3112 : vector<1x512xf32> to vector<16x512xf32>
    %sub3A_3114 = vector.broadcast %mul3A_40 : vector<16x1xf32> to vector<16x512xf32>
    %sub3A_3115 = arith.subf %sub3A_3113, %sub3A_3114 : vector<16x512xf32>
    %div3A_3116 = arith.constant 1.250000e+00 : f32
    %div3A_3117 = vector.broadcast %div3A_3116 : f32 to vector<16x512xf32>
    %div3A_3118 = arith.divf %sub3A_3115, %div3A_3117 : vector<16x512xf32>
    %integer_pow3A_3119 = arith.mulf %div3A_3118, %div3A_3118 : vector<16x512xf32>
    %neg3A_3120 = arith.constant 0.000000e+00 : f32
    %neg3A_3121 = vector.broadcast %neg3A_3120 : f32 to vector<16x512xf32>
    %neg3A_3122 = arith.subf %neg3A_3121, %integer_pow3A_3119 : vector<16x512xf32>
    %exp3A_3123 = math.exp %neg3A_3122 : vector<16x512xf32>
    %get3A_3124 = arith.constant 0 : index
    %get3A_3125 = arith.constant 25 : index
    %get3A_3126 = arith.constant 0 : index
    %get3A_3127 = vector.load %arg3[%get3A_3124, %get3A_3125, %get3A_3126] : memref<1x32x512xi32, #tpu.memory_space<vmem>>, vector<1x1x512xi32>
    %get3A_3128 = vector.shape_cast %get3A_3127 : vector<1x1x512xi32> to vector<1x512xi32>
    %convert_element_type3A_3129 = arith.sitofp %get3A_3128 : vector<1x512xi32> to vector<1x512xf32>
    %sub3A_3130 = arith.subf %convert_element_type3A_3129, %convert_element_type3A : vector<1x512xf32>
    %mul3A_3131 = vector.broadcast %sub3A_3130 : vector<1x512xf32> to vector<8x512xf32>
    %mul3A_3132 = vector.broadcast %exp3A : vector<8x1xf32> to vector<8x512xf32>
    %mul3A_3133 = arith.mulf %mul3A_3131, %mul3A_3132 : vector<8x512xf32>
    %cos3A_3134 = math.cos %mul3A_3133 : vector<8x512xf32>
    %sin3A_3135 = math.sin %mul3A_3133 : vector<8x512xf32>
    %concatenate3A_3136 = tpu.concatenate %cos3A_3134, %sin3A_3135 in 0 : vector<8x512xf32>, vector<8x512xf32> -> vector<16x512xf32>
    %get3A_3137 = arith.constant 0 : index
    %get3A_3138 = arith.constant 25 : index
    %get3A_3139 = arith.constant 0 : index
    %get3A_3140 = vector.load %arg4[%get3A_3137, %get3A_3138, %get3A_3139] : memref<1x32x512xf32, #tpu.memory_space<vmem>>, vector<1x1x512xf32>
    %get3A_3141 = vector.shape_cast %get3A_3140 : vector<1x1x512xf32> to vector<1x512xf32>
    %sub3A_3142 = arith.subf %get3A_3141, %get3A_5 : vector<1x512xf32>
    %get3A_3143 = arith.constant 0 : index
    %get3A_3144 = arith.constant 25 : index
    %get3A_3145 = arith.constant 0 : index
    %get3A_3146 = vector.load %arg5[%get3A_3143, %get3A_3144, %get3A_3145] : memref<1x32x512xf32, #tpu.memory_space<vmem>>, vector<1x1x512xf32>
    %get3A_3147 = vector.shape_cast %get3A_3146 : vector<1x1x512xf32> to vector<1x512xf32>
    %sub3A_3148 = arith.subf %get3A_3147, %get3A_10 : vector<1x512xf32>
    %get3A_3149 = arith.constant 0 : index
    %get3A_3150 = arith.constant 25 : index
    %get3A_3151 = arith.constant 0 : index
    %get3A_3152 = vector.load %arg6[%get3A_3149, %get3A_3150, %get3A_3151] : memref<1x32x512xf32, #tpu.memory_space<vmem>>, vector<1x1x512xf32>
    %get3A_3153 = vector.shape_cast %get3A_3152 : vector<1x1x512xf32> to vector<1x512xf32>
    %sub3A_3154 = arith.subf %get3A_3153, %get3A_15 : vector<1x512xf32>
    %mul3A_3155 = arith.mulf %sub3A_3142, %sub3A_3142 : vector<1x512xf32>
    %mul3A_3156 = arith.mulf %sub3A_3148, %sub3A_3148 : vector<1x512xf32>
    %add3A_3157 = arith.addf %mul3A_3155, %mul3A_3156 : vector<1x512xf32>
    %mul3A_3158 = arith.mulf %sub3A_3154, %sub3A_3154 : vector<1x512xf32>
    %add3A_3159 = arith.addf %add3A_3157, %mul3A_3158 : vector<1x512xf32>
    %sqrt3A_3160 = math.sqrt %add3A_3159 : vector<1x512xf32>
    %max3A_3161 = arith.constant 9.99999996E-13 : f32
    %max3A_3162 = vector.broadcast %max3A_3161 : f32 to vector<1x512xf32>
    %max3A_3163 = arith.maximumf %sqrt3A_3160, %max3A_3162 : vector<1x512xf32>
    %div3A_3164 = arith.constant 1.000000e+00 : f32
    %div3A_3165 = vector.broadcast %div3A_3164 : f32 to vector<1x512xf32>
    %div3A_3166 = arith.divf %div3A_3165, %max3A_3163 : vector<1x512xf32>
    %mul3A_3167 = arith.mulf %sub3A_3142, %div3A_3166 : vector<1x512xf32>
    %mul3A_3168 = vector.broadcast %get3A_19 : f32 to vector<1x512xf32>
    %mul3A_3169 = arith.mulf %mul3A_3167, %mul3A_3168 : vector<1x512xf32>
    %mul3A_3170 = arith.mulf %sub3A_3148, %div3A_3166 : vector<1x512xf32>
    %mul3A_3171 = vector.broadcast %get3A_19 : f32 to vector<1x512xf32>
    %mul3A_3172 = arith.mulf %mul3A_3170, %mul3A_3171 : vector<1x512xf32>
    %mul3A_3173 = arith.mulf %sub3A_3154, %div3A_3166 : vector<1x512xf32>
    %mul3A_3174 = vector.broadcast %get3A_19 : f32 to vector<1x512xf32>
    %mul3A_3175 = arith.mulf %mul3A_3173, %mul3A_3174 : vector<1x512xf32>
    %mul3A_3176 = arith.mulf %mul3A_3169, %mul3A_3169 : vector<1x512xf32>
    %mul3A_3177 = arith.mulf %mul3A_3172, %mul3A_3172 : vector<1x512xf32>
    %add3A_3178 = arith.addf %mul3A_3176, %mul3A_3177 : vector<1x512xf32>
    %mul3A_3179 = arith.mulf %mul3A_3175, %mul3A_3175 : vector<1x512xf32>
    %add3A_3180 = arith.addf %add3A_3178, %mul3A_3179 : vector<1x512xf32>
    %add3A_3181 = arith.constant 9.99999993E-9 : f32
    %add3A_3182 = vector.broadcast %add3A_3181 : f32 to vector<1x512xf32>
    %add3A_3183 = arith.addf %add3A_3180, %add3A_3182 : vector<1x512xf32>
    %sqrt3A_3184 = math.sqrt %add3A_3183 : vector<1x512xf32>
    %concatenate3A_3185 = tpu.concatenate %exp3A_3123, %concatenate3A_3136, %sqrt3A_3184 in 0 : vector<16x512xf32>, vector<16x512xf32>, vector<1x512xf32> -> vector<33x512xf32>
    %dot_general3A_3186 = arith.constant dense<0.000000e+00> : vector<32x512xf32>
    %dot_general3A_3187 = tpu.matmul %get3A_26, %concatenate3A_3185, %dot_general3A_3186 {dimension_numbers = #tpu.dot_dimension_numbers<[1], [0], [0], [1], [0, 0, 1, 1], [], []>, transpose_lhs_hint = false} : vector<32x33xf32>, vector<33x512xf32>, vector<32x512xf32> -> vector<32x512xf32>
    %add3A_3188 = vector.broadcast %get3A_29 : vector<32x1xf32> to vector<32x512xf32>
    %add3A_3189 = arith.addf %dot_general3A_3187, %add3A_3188 : vector<32x512xf32>
    %reduce_sum3A_3190 = arith.constant dense<0.000000e+00> : vector<512xf32>
    %reduce_sum3A_3191 = vector.multi_reduction <add>, %add3A_3189, %reduce_sum3A_3190 [0] : vector<32x512xf32> to vector<512xf32>
    %broadcast_in_dim3A_3192 = vector.shape_cast %reduce_sum3A_3191 : vector<512xf32> to vector<1x512xf32>
    %div3A_3193 = arith.constant 3.200000e+01 : f32
    %div3A_3194 = vector.broadcast %div3A_3193 : f32 to vector<1x512xf32>
    %div3A_3195 = arith.divf %broadcast_in_dim3A_3192, %div3A_3194 : vector<1x512xf32>
    %sub3A_3196 = vector.broadcast %div3A_3195 : vector<1x512xf32> to vector<32x512xf32>
    %sub3A_3197 = arith.subf %add3A_3189, %sub3A_3196 : vector<32x512xf32>
    %integer_pow3A_3198 = arith.mulf %sub3A_3197, %sub3A_3197 : vector<32x512xf32>
    %reduce_sum3A_3199 = arith.constant dense<0.000000e+00> : vector<512xf32>
    %reduce_sum3A_3200 = vector.multi_reduction <add>, %integer_pow3A_3198, %reduce_sum3A_3199 [0] : vector<32x512xf32> to vector<512xf32>
    %broadcast_in_dim3A_3201 = vector.shape_cast %reduce_sum3A_3200 : vector<512xf32> to vector<1x512xf32>
    %div3A_3202 = arith.constant 3.200000e+01 : f32
    %div3A_3203 = vector.broadcast %div3A_3202 : f32 to vector<1x512xf32>
    %div3A_3204 = arith.divf %broadcast_in_dim3A_3201, %div3A_3203 : vector<1x512xf32>
    %sub3A_3205 = vector.broadcast %div3A_3195 : vector<1x512xf32> to vector<32x512xf32>
    %sub3A_3206 = arith.subf %add3A_3189, %sub3A_3205 : vector<32x512xf32>
    %add3A_3207 = arith.constant 9.99999974E-6 : f32
    %add3A_3208 = vector.broadcast %add3A_3207 : f32 to vector<1x512xf32>
    %add3A_3209 = arith.addf %div3A_3204, %add3A_3208 : vector<1x512xf32>
    %sqrt3A_3210 = math.sqrt %add3A_3209 : vector<1x512xf32>
    %div3A_3211 = vector.broadcast %sqrt3A_3210 : vector<1x512xf32> to vector<32x512xf32>
    %div3A_3212 = arith.divf %sub3A_3206, %div3A_3211 : vector<32x512xf32>
    %mul3A_3213 = vector.broadcast %get3A_32 : vector<32x1xf32> to vector<32x512xf32>
    %mul3A_3214 = arith.mulf %div3A_3212, %mul3A_3213 : vector<32x512xf32>
    %add3A_3215 = vector.broadcast %get3A_35 : vector<32x1xf32> to vector<32x512xf32>
    %add3A_3216 = arith.addf %mul3A_3214, %add3A_3215 : vector<32x512xf32>
    %mul3A_3217 = vector.broadcast %get3A_23 : f32 to vector<1x512xf32>
    %mul3A_3218 = arith.mulf %mul3A_3169, %mul3A_3217 : vector<1x512xf32>
    %mul3A_3219 = vector.broadcast %get3A_23 : f32 to vector<1x512xf32>
    %mul3A_3220 = arith.mulf %mul3A_3172, %mul3A_3219 : vector<1x512xf32>
    %mul3A_3221 = vector.broadcast %get3A_23 : f32 to vector<1x512xf32>
    %mul3A_3222 = arith.mulf %mul3A_3175, %mul3A_3221 : vector<1x512xf32>
    %concatenate3A_3223 = tpu.concatenate %mul3A_3218, %mul3A_3220, %mul3A_3222, %add3A_3216 in 0 : vector<1x512xf32>, vector<1x512xf32>, vector<1x512xf32>, vector<32x512xf32> -> vector<35x512xf32>
    %swap3A_3224 = arith.constant 0 : index
    %swap3A_3225 = arith.constant 25 : index
    %swap3A_3226 = arith.constant 0 : index
    %swap3A_3227 = arith.constant 0 : index
    %swap3A_3228 = vector.load %arg14[%swap3A_3224, %swap3A_3225, %swap3A_3226, %swap3A_3227] : memref<1x30x35x512xf32, #tpu.memory_space<vmem>>, vector<1x1x35x512xf32>
    %swap3A_3229 = vector.shape_cast %swap3A_3228 : vector<1x1x35x512xf32> to vector<35x512xf32>
    %swap3A_3230 = vector.shape_cast %concatenate3A_3223 : vector<35x512xf32> to vector<1x1x35x512xf32>
    tpu.vector_store %arg14[%swap3A_3224, %swap3A_3225, %swap3A_3226, %swap3A_3227], %swap3A_3230 {strides = array<i32>} : memref<1x30x35x512xf32, #tpu.memory_space<vmem>>, vector<1x1x35x512xf32>,
    %get3A_3231 = arith.constant 0 : index
    %get3A_3232 = arith.constant 26 : index
    %get3A_3233 = arith.constant 0 : index
    %get3A_3234 = vector.load %arg2[%get3A_3231, %get3A_3232, %get3A_3233] : memref<1x32x512xf32, #tpu.memory_space<vmem>>, vector<1x1x512xf32>
    %get3A_3235 = vector.shape_cast %get3A_3234 : vector<1x1x512xf32> to vector<1x512xf32>
    %sub3A_3236 = vector.broadcast %get3A_3235 : vector<1x512xf32> to vector<16x512xf32>
    %sub3A_3237 = vector.broadcast %mul3A_40 : vector<16x1xf32> to vector<16x512xf32>
    %sub3A_3238 = arith.subf %sub3A_3236, %sub3A_3237 : vector<16x512xf32>
    %div3A_3239 = arith.constant 1.250000e+00 : f32
    %div3A_3240 = vector.broadcast %div3A_3239 : f32 to vector<16x512xf32>
    %div3A_3241 = arith.divf %sub3A_3238, %div3A_3240 : vector<16x512xf32>
    %integer_pow3A_3242 = arith.mulf %div3A_3241, %div3A_3241 : vector<16x512xf32>
    %neg3A_3243 = arith.constant 0.000000e+00 : f32
    %neg3A_3244 = vector.broadcast %neg3A_3243 : f32 to vector<16x512xf32>
    %neg3A_3245 = arith.subf %neg3A_3244, %integer_pow3A_3242 : vector<16x512xf32>
    %exp3A_3246 = math.exp %neg3A_3245 : vector<16x512xf32>
    %get3A_3247 = arith.constant 0 : index
    %get3A_3248 = arith.constant 26 : index
    %get3A_3249 = arith.constant 0 : index
    %get3A_3250 = vector.load %arg3[%get3A_3247, %get3A_3248, %get3A_3249] : memref<1x32x512xi32, #tpu.memory_space<vmem>>, vector<1x1x512xi32>
    %get3A_3251 = vector.shape_cast %get3A_3250 : vector<1x1x512xi32> to vector<1x512xi32>
    %convert_element_type3A_3252 = arith.sitofp %get3A_3251 : vector<1x512xi32> to vector<1x512xf32>
    %sub3A_3253 = arith.subf %convert_element_type3A_3252, %convert_element_type3A : vector<1x512xf32>
    %mul3A_3254 = vector.broadcast %sub3A_3253 : vector<1x512xf32> to vector<8x512xf32>
    %mul3A_3255 = vector.broadcast %exp3A : vector<8x1xf32> to vector<8x512xf32>
    %mul3A_3256 = arith.mulf %mul3A_3254, %mul3A_3255 : vector<8x512xf32>
    %cos3A_3257 = math.cos %mul3A_3256 : vector<8x512xf32>
    %sin3A_3258 = math.sin %mul3A_3256 : vector<8x512xf32>
    %concatenate3A_3259 = tpu.concatenate %cos3A_3257, %sin3A_3258 in 0 : vector<8x512xf32>, vector<8x512xf32> -> vector<16x512xf32>
    %get3A_3260 = arith.constant 0 : index
    %get3A_3261 = arith.constant 26 : index
    %get3A_3262 = arith.constant 0 : index
    %get3A_3263 = vector.load %arg4[%get3A_3260, %get3A_3261, %get3A_3262] : memref<1x32x512xf32, #tpu.memory_space<vmem>>, vector<1x1x512xf32>
    %get3A_3264 = vector.shape_cast %get3A_3263 : vector<1x1x512xf32> to vector<1x512xf32>
    %sub3A_3265 = arith.subf %get3A_3264, %get3A_5 : vector<1x512xf32>
    %get3A_3266 = arith.constant 0 : index
    %get3A_3267 = arith.constant 26 : index
    %get3A_3268 = arith.constant 0 : index
    %get3A_3269 = vector.load %arg5[%get3A_3266, %get3A_3267, %get3A_3268] : memref<1x32x512xf32, #tpu.memory_space<vmem>>, vector<1x1x512xf32>
    %get3A_3270 = vector.shape_cast %get3A_3269 : vector<1x1x512xf32> to vector<1x512xf32>
    %sub3A_3271 = arith.subf %get3A_3270, %get3A_10 : vector<1x512xf32>
    %get3A_3272 = arith.constant 0 : index
    %get3A_3273 = arith.constant 26 : index
    %get3A_3274 = arith.constant 0 : index
    %get3A_3275 = vector.load %arg6[%get3A_3272, %get3A_3273, %get3A_3274] : memref<1x32x512xf32, #tpu.memory_space<vmem>>, vector<1x1x512xf32>
    %get3A_3276 = vector.shape_cast %get3A_3275 : vector<1x1x512xf32> to vector<1x512xf32>
    %sub3A_3277 = arith.subf %get3A_3276, %get3A_15 : vector<1x512xf32>
    %mul3A_3278 = arith.mulf %sub3A_3265, %sub3A_3265 : vector<1x512xf32>
    %mul3A_3279 = arith.mulf %sub3A_3271, %sub3A_3271 : vector<1x512xf32>
    %add3A_3280 = arith.addf %mul3A_3278, %mul3A_3279 : vector<1x512xf32>
    %mul3A_3281 = arith.mulf %sub3A_3277, %sub3A_3277 : vector<1x512xf32>
    %add3A_3282 = arith.addf %add3A_3280, %mul3A_3281 : vector<1x512xf32>
    %sqrt3A_3283 = math.sqrt %add3A_3282 : vector<1x512xf32>
    %max3A_3284 = arith.constant 9.99999996E-13 : f32
    %max3A_3285 = vector.broadcast %max3A_3284 : f32 to vector<1x512xf32>
    %max3A_3286 = arith.maximumf %sqrt3A_3283, %max3A_3285 : vector<1x512xf32>
    %div3A_3287 = arith.constant 1.000000e+00 : f32
    %div3A_3288 = vector.broadcast %div3A_3287 : f32 to vector<1x512xf32>
    %div3A_3289 = arith.divf %div3A_3288, %max3A_3286 : vector<1x512xf32>
    %mul3A_3290 = arith.mulf %sub3A_3265, %div3A_3289 : vector<1x512xf32>
    %mul3A_3291 = vector.broadcast %get3A_19 : f32 to vector<1x512xf32>
    %mul3A_3292 = arith.mulf %mul3A_3290, %mul3A_3291 : vector<1x512xf32>
    %mul3A_3293 = arith.mulf %sub3A_3271, %div3A_3289 : vector<1x512xf32>
    %mul3A_3294 = vector.broadcast %get3A_19 : f32 to vector<1x512xf32>
    %mul3A_3295 = arith.mulf %mul3A_3293, %mul3A_3294 : vector<1x512xf32>
    %mul3A_3296 = arith.mulf %sub3A_3277, %div3A_3289 : vector<1x512xf32>
    %mul3A_3297 = vector.broadcast %get3A_19 : f32 to vector<1x512xf32>
    %mul3A_3298 = arith.mulf %mul3A_3296, %mul3A_3297 : vector<1x512xf32>
    %mul3A_3299 = arith.mulf %mul3A_3292, %mul3A_3292 : vector<1x512xf32>
    %mul3A_3300 = arith.mulf %mul3A_3295, %mul3A_3295 : vector<1x512xf32>
    %add3A_3301 = arith.addf %mul3A_3299, %mul3A_3300 : vector<1x512xf32>
    %mul3A_3302 = arith.mulf %mul3A_3298, %mul3A_3298 : vector<1x512xf32>
    %add3A_3303 = arith.addf %add3A_3301, %mul3A_3302 : vector<1x512xf32>
    %add3A_3304 = arith.constant 9.99999993E-9 : f32
    %add3A_3305 = vector.broadcast %add3A_3304 : f32 to vector<1x512xf32>
    %add3A_3306 = arith.addf %add3A_3303, %add3A_3305 : vector<1x512xf32>
    %sqrt3A_3307 = math.sqrt %add3A_3306 : vector<1x512xf32>
    %concatenate3A_3308 = tpu.concatenate %exp3A_3246, %concatenate3A_3259, %sqrt3A_3307 in 0 : vector<16x512xf32>, vector<16x512xf32>, vector<1x512xf32> -> vector<33x512xf32>
    %dot_general3A_3309 = arith.constant dense<0.000000e+00> : vector<32x512xf32>
    %dot_general3A_3310 = tpu.matmul %get3A_26, %concatenate3A_3308, %dot_general3A_3309 {dimension_numbers = #tpu.dot_dimension_numbers<[1], [0], [0], [1], [0, 0, 1, 1], [], []>, transpose_lhs_hint = false} : vector<32x33xf32>, vector<33x512xf32>, vector<32x512xf32> -> vector<32x512xf32>
    %add3A_3311 = vector.broadcast %get3A_29 : vector<32x1xf32> to vector<32x512xf32>
    %add3A_3312 = arith.addf %dot_general3A_3310, %add3A_3311 : vector<32x512xf32>
    %reduce_sum3A_3313 = arith.constant dense<0.000000e+00> : vector<512xf32>
    %reduce_sum3A_3314 = vector.multi_reduction <add>, %add3A_3312, %reduce_sum3A_3313 [0] : vector<32x512xf32> to vector<512xf32>
    %broadcast_in_dim3A_3315 = vector.shape_cast %reduce_sum3A_3314 : vector<512xf32> to vector<1x512xf32>
    %div3A_3316 = arith.constant 3.200000e+01 : f32
    %div3A_3317 = vector.broadcast %div3A_3316 : f32 to vector<1x512xf32>
    %div3A_3318 = arith.divf %broadcast_in_dim3A_3315, %div3A_3317 : vector<1x512xf32>
    %sub3A_3319 = vector.broadcast %div3A_3318 : vector<1x512xf32> to vector<32x512xf32>
    %sub3A_3320 = arith.subf %add3A_3312, %sub3A_3319 : vector<32x512xf32>
    %integer_pow3A_3321 = arith.mulf %sub3A_3320, %sub3A_3320 : vector<32x512xf32>
    %reduce_sum3A_3322 = arith.constant dense<0.000000e+00> : vector<512xf32>
    %reduce_sum3A_3323 = vector.multi_reduction <add>, %integer_pow3A_3321, %reduce_sum3A_3322 [0] : vector<32x512xf32> to vector<512xf32>
    %broadcast_in_dim3A_3324 = vector.shape_cast %reduce_sum3A_3323 : vector<512xf32> to vector<1x512xf32>
    %div3A_3325 = arith.constant 3.200000e+01 : f32
    %div3A_3326 = vector.broadcast %div3A_3325 : f32 to vector<1x512xf32>
    %div3A_3327 = arith.divf %broadcast_in_dim3A_3324, %div3A_3326 : vector<1x512xf32>
    %sub3A_3328 = vector.broadcast %div3A_3318 : vector<1x512xf32> to vector<32x512xf32>
    %sub3A_3329 = arith.subf %add3A_3312, %sub3A_3328 : vector<32x512xf32>
    %add3A_3330 = arith.constant 9.99999974E-6 : f32
    %add3A_3331 = vector.broadcast %add3A_3330 : f32 to vector<1x512xf32>
    %add3A_3332 = arith.addf %div3A_3327, %add3A_3331 : vector<1x512xf32>
    %sqrt3A_3333 = math.sqrt %add3A_3332 : vector<1x512xf32>
    %div3A_3334 = vector.broadcast %sqrt3A_3333 : vector<1x512xf32> to vector<32x512xf32>
    %div3A_3335 = arith.divf %sub3A_3329, %div3A_3334 : vector<32x512xf32>
    %mul3A_3336 = vector.broadcast %get3A_32 : vector<32x1xf32> to vector<32x512xf32>
    %mul3A_3337 = arith.mulf %div3A_3335, %mul3A_3336 : vector<32x512xf32>
    %add3A_3338 = vector.broadcast %get3A_35 : vector<32x1xf32> to vector<32x512xf32>
    %add3A_3339 = arith.addf %mul3A_3337, %add3A_3338 : vector<32x512xf32>
    %mul3A_3340 = vector.broadcast %get3A_23 : f32 to vector<1x512xf32>
    %mul3A_3341 = arith.mulf %mul3A_3292, %mul3A_3340 : vector<1x512xf32>
    %mul3A_3342 = vector.broadcast %get3A_23 : f32 to vector<1x512xf32>
    %mul3A_3343 = arith.mulf %mul3A_3295, %mul3A_3342 : vector<1x512xf32>
    %mul3A_3344 = vector.broadcast %get3A_23 : f32 to vector<1x512xf32>
    %mul3A_3345 = arith.mulf %mul3A_3298, %mul3A_3344 : vector<1x512xf32>
    %concatenate3A_3346 = tpu.concatenate %mul3A_3341, %mul3A_3343, %mul3A_3345, %add3A_3339 in 0 : vector<1x512xf32>, vector<1x512xf32>, vector<1x512xf32>, vector<32x512xf32> -> vector<35x512xf32>
    %swap3A_3347 = arith.constant 0 : index
    %swap3A_3348 = arith.constant 26 : index
    %swap3A_3349 = arith.constant 0 : index
    %swap3A_3350 = arith.constant 0 : index
    %swap3A_3351 = vector.load %arg14[%swap3A_3347, %swap3A_3348, %swap3A_3349, %swap3A_3350] : memref<1x30x35x512xf32, #tpu.memory_space<vmem>>, vector<1x1x35x512xf32>
    %swap3A_3352 = vector.shape_cast %swap3A_3351 : vector<1x1x35x512xf32> to vector<35x512xf32>
    %swap3A_3353 = vector.shape_cast %concatenate3A_3346 : vector<35x512xf32> to vector<1x1x35x512xf32>
    tpu.vector_store %arg14[%swap3A_3347, %swap3A_3348, %swap3A_3349, %swap3A_3350], %swap3A_3353 {strides = array<i32>} : memref<1x30x35x512xf32, #tpu.memory_space<vmem>>, vector<1x1x35x512xf32>,
    %get3A_3354 = arith.constant 0 : index
    %get3A_3355 = arith.constant 27 : index
    %get3A_3356 = arith.constant 0 : index
    %get3A_3357 = vector.load %arg2[%get3A_3354, %get3A_3355, %get3A_3356] : memref<1x32x512xf32, #tpu.memory_space<vmem>>, vector<1x1x512xf32>
    %get3A_3358 = vector.shape_cast %get3A_3357 : vector<1x1x512xf32> to vector<1x512xf32>
    %sub3A_3359 = vector.broadcast %get3A_3358 : vector<1x512xf32> to vector<16x512xf32>
    %sub3A_3360 = vector.broadcast %mul3A_40 : vector<16x1xf32> to vector<16x512xf32>
    %sub3A_3361 = arith.subf %sub3A_3359, %sub3A_3360 : vector<16x512xf32>
    %div3A_3362 = arith.constant 1.250000e+00 : f32
    %div3A_3363 = vector.broadcast %div3A_3362 : f32 to vector<16x512xf32>
    %div3A_3364 = arith.divf %sub3A_3361, %div3A_3363 : vector<16x512xf32>
    %integer_pow3A_3365 = arith.mulf %div3A_3364, %div3A_3364 : vector<16x512xf32>
    %neg3A_3366 = arith.constant 0.000000e+00 : f32
    %neg3A_3367 = vector.broadcast %neg3A_3366 : f32 to vector<16x512xf32>
    %neg3A_3368 = arith.subf %neg3A_3367, %integer_pow3A_3365 : vector<16x512xf32>
    %exp3A_3369 = math.exp %neg3A_3368 : vector<16x512xf32>
    %get3A_3370 = arith.constant 0 : index
    %get3A_3371 = arith.constant 27 : index
    %get3A_3372 = arith.constant 0 : index
    %get3A_3373 = vector.load %arg3[%get3A_3370, %get3A_3371, %get3A_3372] : memref<1x32x512xi32, #tpu.memory_space<vmem>>, vector<1x1x512xi32>
    %get3A_3374 = vector.shape_cast %get3A_3373 : vector<1x1x512xi32> to vector<1x512xi32>
    %convert_element_type3A_3375 = arith.sitofp %get3A_3374 : vector<1x512xi32> to vector<1x512xf32>
    %sub3A_3376 = arith.subf %convert_element_type3A_3375, %convert_element_type3A : vector<1x512xf32>
    %mul3A_3377 = vector.broadcast %sub3A_3376 : vector<1x512xf32> to vector<8x512xf32>
    %mul3A_3378 = vector.broadcast %exp3A : vector<8x1xf32> to vector<8x512xf32>
    %mul3A_3379 = arith.mulf %mul3A_3377, %mul3A_3378 : vector<8x512xf32>
    %cos3A_3380 = math.cos %mul3A_3379 : vector<8x512xf32>
    %sin3A_3381 = math.sin %mul3A_3379 : vector<8x512xf32>
    %concatenate3A_3382 = tpu.concatenate %cos3A_3380, %sin3A_3381 in 0 : vector<8x512xf32>, vector<8x512xf32> -> vector<16x512xf32>
    %get3A_3383 = arith.constant 0 : index
    %get3A_3384 = arith.constant 27 : index
    %get3A_3385 = arith.constant 0 : index
    %get3A_3386 = vector.load %arg4[%get3A_3383, %get3A_3384, %get3A_3385] : memref<1x32x512xf32, #tpu.memory_space<vmem>>, vector<1x1x512xf32>
    %get3A_3387 = vector.shape_cast %get3A_3386 : vector<1x1x512xf32> to vector<1x512xf32>
    %sub3A_3388 = arith.subf %get3A_3387, %get3A_5 : vector<1x512xf32>
    %get3A_3389 = arith.constant 0 : index
    %get3A_3390 = arith.constant 27 : index
    %get3A_3391 = arith.constant 0 : index
    %get3A_3392 = vector.load %arg5[%get3A_3389, %get3A_3390, %get3A_3391] : memref<1x32x512xf32, #tpu.memory_space<vmem>>, vector<1x1x512xf32>
    %get3A_3393 = vector.shape_cast %get3A_3392 : vector<1x1x512xf32> to vector<1x512xf32>
    %sub3A_3394 = arith.subf %get3A_3393, %get3A_10 : vector<1x512xf32>
    %get3A_3395 = arith.constant 0 : index
    %get3A_3396 = arith.constant 27 : index
    %get3A_3397 = arith.constant 0 : index
    %get3A_3398 = vector.load %arg6[%get3A_3395, %get3A_3396, %get3A_3397] : memref<1x32x512xf32, #tpu.memory_space<vmem>>, vector<1x1x512xf32>
    %get3A_3399 = vector.shape_cast %get3A_3398 : vector<1x1x512xf32> to vector<1x512xf32>
    %sub3A_3400 = arith.subf %get3A_3399, %get3A_15 : vector<1x512xf32>
    %mul3A_3401 = arith.mulf %sub3A_3388, %sub3A_3388 : vector<1x512xf32>
    %mul3A_3402 = arith.mulf %sub3A_3394, %sub3A_3394 : vector<1x512xf32>
    %add3A_3403 = arith.addf %mul3A_3401, %mul3A_3402 : vector<1x512xf32>
    %mul3A_3404 = arith.mulf %sub3A_3400, %sub3A_3400 : vector<1x512xf32>
    %add3A_3405 = arith.addf %add3A_3403, %mul3A_3404 : vector<1x512xf32>
    %sqrt3A_3406 = math.sqrt %add3A_3405 : vector<1x512xf32>
    %max3A_3407 = arith.constant 9.99999996E-13 : f32
    %max3A_3408 = vector.broadcast %max3A_3407 : f32 to vector<1x512xf32>
    %max3A_3409 = arith.maximumf %sqrt3A_3406, %max3A_3408 : vector<1x512xf32>
    %div3A_3410 = arith.constant 1.000000e+00 : f32
    %div3A_3411 = vector.broadcast %div3A_3410 : f32 to vector<1x512xf32>
    %div3A_3412 = arith.divf %div3A_3411, %max3A_3409 : vector<1x512xf32>
    %mul3A_3413 = arith.mulf %sub3A_3388, %div3A_3412 : vector<1x512xf32>
    %mul3A_3414 = vector.broadcast %get3A_19 : f32 to vector<1x512xf32>
    %mul3A_3415 = arith.mulf %mul3A_3413, %mul3A_3414 : vector<1x512xf32>
    %mul3A_3416 = arith.mulf %sub3A_3394, %div3A_3412 : vector<1x512xf32>
    %mul3A_3417 = vector.broadcast %get3A_19 : f32 to vector<1x512xf32>
    %mul3A_3418 = arith.mulf %mul3A_3416, %mul3A_3417 : vector<1x512xf32>
    %mul3A_3419 = arith.mulf %sub3A_3400, %div3A_3412 : vector<1x512xf32>
    %mul3A_3420 = vector.broadcast %get3A_19 : f32 to vector<1x512xf32>
    %mul3A_3421 = arith.mulf %mul3A_3419, %mul3A_3420 : vector<1x512xf32>
    %mul3A_3422 = arith.mulf %mul3A_3415, %mul3A_3415 : vector<1x512xf32>
    %mul3A_3423 = arith.mulf %mul3A_3418, %mul3A_3418 : vector<1x512xf32>
    %add3A_3424 = arith.addf %mul3A_3422, %mul3A_3423 : vector<1x512xf32>
    %mul3A_3425 = arith.mulf %mul3A_3421, %mul3A_3421 : vector<1x512xf32>
    %add3A_3426 = arith.addf %add3A_3424, %mul3A_3425 : vector<1x512xf32>
    %add3A_3427 = arith.constant 9.99999993E-9 : f32
    %add3A_3428 = vector.broadcast %add3A_3427 : f32 to vector<1x512xf32>
    %add3A_3429 = arith.addf %add3A_3426, %add3A_3428 : vector<1x512xf32>
    %sqrt3A_3430 = math.sqrt %add3A_3429 : vector<1x512xf32>
    %concatenate3A_3431 = tpu.concatenate %exp3A_3369, %concatenate3A_3382, %sqrt3A_3430 in 0 : vector<16x512xf32>, vector<16x512xf32>, vector<1x512xf32> -> vector<33x512xf32>
    %dot_general3A_3432 = arith.constant dense<0.000000e+00> : vector<32x512xf32>
    %dot_general3A_3433 = tpu.matmul %get3A_26, %concatenate3A_3431, %dot_general3A_3432 {dimension_numbers = #tpu.dot_dimension_numbers<[1], [0], [0], [1], [0, 0, 1, 1], [], []>, transpose_lhs_hint = false} : vector<32x33xf32>, vector<33x512xf32>, vector<32x512xf32> -> vector<32x512xf32>
    %add3A_3434 = vector.broadcast %get3A_29 : vector<32x1xf32> to vector<32x512xf32>
    %add3A_3435 = arith.addf %dot_general3A_3433, %add3A_3434 : vector<32x512xf32>
    %reduce_sum3A_3436 = arith.constant dense<0.000000e+00> : vector<512xf32>
    %reduce_sum3A_3437 = vector.multi_reduction <add>, %add3A_3435, %reduce_sum3A_3436 [0] : vector<32x512xf32> to vector<512xf32>
    %broadcast_in_dim3A_3438 = vector.shape_cast %reduce_sum3A_3437 : vector<512xf32> to vector<1x512xf32>
    %div3A_3439 = arith.constant 3.200000e+01 : f32
    %div3A_3440 = vector.broadcast %div3A_3439 : f32 to vector<1x512xf32>
    %div3A_3441 = arith.divf %broadcast_in_dim3A_3438, %div3A_3440 : vector<1x512xf32>
    %sub3A_3442 = vector.broadcast %div3A_3441 : vector<1x512xf32> to vector<32x512xf32>
    %sub3A_3443 = arith.subf %add3A_3435, %sub3A_3442 : vector<32x512xf32>
    %integer_pow3A_3444 = arith.mulf %sub3A_3443, %sub3A_3443 : vector<32x512xf32>
    %reduce_sum3A_3445 = arith.constant dense<0.000000e+00> : vector<512xf32>
    %reduce_sum3A_3446 = vector.multi_reduction <add>, %integer_pow3A_3444, %reduce_sum3A_3445 [0] : vector<32x512xf32> to vector<512xf32>
    %broadcast_in_dim3A_3447 = vector.shape_cast %reduce_sum3A_3446 : vector<512xf32> to vector<1x512xf32>
    %div3A_3448 = arith.constant 3.200000e+01 : f32
    %div3A_3449 = vector.broadcast %div3A_3448 : f32 to vector<1x512xf32>
    %div3A_3450 = arith.divf %broadcast_in_dim3A_3447, %div3A_3449 : vector<1x512xf32>
    %sub3A_3451 = vector.broadcast %div3A_3441 : vector<1x512xf32> to vector<32x512xf32>
    %sub3A_3452 = arith.subf %add3A_3435, %sub3A_3451 : vector<32x512xf32>
    %add3A_3453 = arith.constant 9.99999974E-6 : f32
    %add3A_3454 = vector.broadcast %add3A_3453 : f32 to vector<1x512xf32>
    %add3A_3455 = arith.addf %div3A_3450, %add3A_3454 : vector<1x512xf32>
    %sqrt3A_3456 = math.sqrt %add3A_3455 : vector<1x512xf32>
    %div3A_3457 = vector.broadcast %sqrt3A_3456 : vector<1x512xf32> to vector<32x512xf32>
    %div3A_3458 = arith.divf %sub3A_3452, %div3A_3457 : vector<32x512xf32>
    %mul3A_3459 = vector.broadcast %get3A_32 : vector<32x1xf32> to vector<32x512xf32>
    %mul3A_3460 = arith.mulf %div3A_3458, %mul3A_3459 : vector<32x512xf32>
    %add3A_3461 = vector.broadcast %get3A_35 : vector<32x1xf32> to vector<32x512xf32>
    %add3A_3462 = arith.addf %mul3A_3460, %add3A_3461 : vector<32x512xf32>
    %mul3A_3463 = vector.broadcast %get3A_23 : f32 to vector<1x512xf32>
    %mul3A_3464 = arith.mulf %mul3A_3415, %mul3A_3463 : vector<1x512xf32>
    %mul3A_3465 = vector.broadcast %get3A_23 : f32 to vector<1x512xf32>
    %mul3A_3466 = arith.mulf %mul3A_3418, %mul3A_3465 : vector<1x512xf32>
    %mul3A_3467 = vector.broadcast %get3A_23 : f32 to vector<1x512xf32>
    %mul3A_3468 = arith.mulf %mul3A_3421, %mul3A_3467 : vector<1x512xf32>
    %concatenate3A_3469 = tpu.concatenate %mul3A_3464, %mul3A_3466, %mul3A_3468, %add3A_3462 in 0 : vector<1x512xf32>, vector<1x512xf32>, vector<1x512xf32>, vector<32x512xf32> -> vector<35x512xf32>
    %swap3A_3470 = arith.constant 0 : index
    %swap3A_3471 = arith.constant 27 : index
    %swap3A_3472 = arith.constant 0 : index
    %swap3A_3473 = arith.constant 0 : index
    %swap3A_3474 = vector.load %arg14[%swap3A_3470, %swap3A_3471, %swap3A_3472, %swap3A_3473] : memref<1x30x35x512xf32, #tpu.memory_space<vmem>>, vector<1x1x35x512xf32>
    %swap3A_3475 = vector.shape_cast %swap3A_3474 : vector<1x1x35x512xf32> to vector<35x512xf32>
    %swap3A_3476 = vector.shape_cast %concatenate3A_3469 : vector<35x512xf32> to vector<1x1x35x512xf32>
    tpu.vector_store %arg14[%swap3A_3470, %swap3A_3471, %swap3A_3472, %swap3A_3473], %swap3A_3476 {strides = array<i32>} : memref<1x30x35x512xf32, #tpu.memory_space<vmem>>, vector<1x1x35x512xf32>,
    %get3A_3477 = arith.constant 0 : index
    %get3A_3478 = arith.constant 28 : index
    %get3A_3479 = arith.constant 0 : index
    %get3A_3480 = vector.load %arg2[%get3A_3477, %get3A_3478, %get3A_3479] : memref<1x32x512xf32, #tpu.memory_space<vmem>>, vector<1x1x512xf32>
    %get3A_3481 = vector.shape_cast %get3A_3480 : vector<1x1x512xf32> to vector<1x512xf32>
    %sub3A_3482 = vector.broadcast %get3A_3481 : vector<1x512xf32> to vector<16x512xf32>
    %sub3A_3483 = vector.broadcast %mul3A_40 : vector<16x1xf32> to vector<16x512xf32>
    %sub3A_3484 = arith.subf %sub3A_3482, %sub3A_3483 : vector<16x512xf32>
    %div3A_3485 = arith.constant 1.250000e+00 : f32
    %div3A_3486 = vector.broadcast %div3A_3485 : f32 to vector<16x512xf32>
    %div3A_3487 = arith.divf %sub3A_3484, %div3A_3486 : vector<16x512xf32>
    %integer_pow3A_3488 = arith.mulf %div3A_3487, %div3A_3487 : vector<16x512xf32>
    %neg3A_3489 = arith.constant 0.000000e+00 : f32
    %neg3A_3490 = vector.broadcast %neg3A_3489 : f32 to vector<16x512xf32>
    %neg3A_3491 = arith.subf %neg3A_3490, %integer_pow3A_3488 : vector<16x512xf32>
    %exp3A_3492 = math.exp %neg3A_3491 : vector<16x512xf32>
    %get3A_3493 = arith.constant 0 : index
    %get3A_3494 = arith.constant 28 : index
    %get3A_3495 = arith.constant 0 : index
    %get3A_3496 = vector.load %arg3[%get3A_3493, %get3A_3494, %get3A_3495] : memref<1x32x512xi32, #tpu.memory_space<vmem>>, vector<1x1x512xi32>
    %get3A_3497 = vector.shape_cast %get3A_3496 : vector<1x1x512xi32> to vector<1x512xi32>
    %convert_element_type3A_3498 = arith.sitofp %get3A_3497 : vector<1x512xi32> to vector<1x512xf32>
    %sub3A_3499 = arith.subf %convert_element_type3A_3498, %convert_element_type3A : vector<1x512xf32>
    %mul3A_3500 = vector.broadcast %sub3A_3499 : vector<1x512xf32> to vector<8x512xf32>
    %mul3A_3501 = vector.broadcast %exp3A : vector<8x1xf32> to vector<8x512xf32>
    %mul3A_3502 = arith.mulf %mul3A_3500, %mul3A_3501 : vector<8x512xf32>
    %cos3A_3503 = math.cos %mul3A_3502 : vector<8x512xf32>
    %sin3A_3504 = math.sin %mul3A_3502 : vector<8x512xf32>
    %concatenate3A_3505 = tpu.concatenate %cos3A_3503, %sin3A_3504 in 0 : vector<8x512xf32>, vector<8x512xf32> -> vector<16x512xf32>
    %get3A_3506 = arith.constant 0 : index
    %get3A_3507 = arith.constant 28 : index
    %get3A_3508 = arith.constant 0 : index
    %get3A_3509 = vector.load %arg4[%get3A_3506, %get3A_3507, %get3A_3508] : memref<1x32x512xf32, #tpu.memory_space<vmem>>, vector<1x1x512xf32>
    %get3A_3510 = vector.shape_cast %get3A_3509 : vector<1x1x512xf32> to vector<1x512xf32>
    %sub3A_3511 = arith.subf %get3A_3510, %get3A_5 : vector<1x512xf32>
    %get3A_3512 = arith.constant 0 : index
    %get3A_3513 = arith.constant 28 : index
    %get3A_3514 = arith.constant 0 : index
    %get3A_3515 = vector.load %arg5[%get3A_3512, %get3A_3513, %get3A_3514] : memref<1x32x512xf32, #tpu.memory_space<vmem>>, vector<1x1x512xf32>
    %get3A_3516 = vector.shape_cast %get3A_3515 : vector<1x1x512xf32> to vector<1x512xf32>
    %sub3A_3517 = arith.subf %get3A_3516, %get3A_10 : vector<1x512xf32>
    %get3A_3518 = arith.constant 0 : index
    %get3A_3519 = arith.constant 28 : index
    %get3A_3520 = arith.constant 0 : index
    %get3A_3521 = vector.load %arg6[%get3A_3518, %get3A_3519, %get3A_3520] : memref<1x32x512xf32, #tpu.memory_space<vmem>>, vector<1x1x512xf32>
    %get3A_3522 = vector.shape_cast %get3A_3521 : vector<1x1x512xf32> to vector<1x512xf32>
    %sub3A_3523 = arith.subf %get3A_3522, %get3A_15 : vector<1x512xf32>
    %mul3A_3524 = arith.mulf %sub3A_3511, %sub3A_3511 : vector<1x512xf32>
    %mul3A_3525 = arith.mulf %sub3A_3517, %sub3A_3517 : vector<1x512xf32>
    %add3A_3526 = arith.addf %mul3A_3524, %mul3A_3525 : vector<1x512xf32>
    %mul3A_3527 = arith.mulf %sub3A_3523, %sub3A_3523 : vector<1x512xf32>
    %add3A_3528 = arith.addf %add3A_3526, %mul3A_3527 : vector<1x512xf32>
    %sqrt3A_3529 = math.sqrt %add3A_3528 : vector<1x512xf32>
    %max3A_3530 = arith.constant 9.99999996E-13 : f32
    %max3A_3531 = vector.broadcast %max3A_3530 : f32 to vector<1x512xf32>
    %max3A_3532 = arith.maximumf %sqrt3A_3529, %max3A_3531 : vector<1x512xf32>
    %div3A_3533 = arith.constant 1.000000e+00 : f32
    %div3A_3534 = vector.broadcast %div3A_3533 : f32 to vector<1x512xf32>
    %div3A_3535 = arith.divf %div3A_3534, %max3A_3532 : vector<1x512xf32>
    %mul3A_3536 = arith.mulf %sub3A_3511, %div3A_3535 : vector<1x512xf32>
    %mul3A_3537 = vector.broadcast %get3A_19 : f32 to vector<1x512xf32>
    %mul3A_3538 = arith.mulf %mul3A_3536, %mul3A_3537 : vector<1x512xf32>
    %mul3A_3539 = arith.mulf %sub3A_3517, %div3A_3535 : vector<1x512xf32>
    %mul3A_3540 = vector.broadcast %get3A_19 : f32 to vector<1x512xf32>
    %mul3A_3541 = arith.mulf %mul3A_3539, %mul3A_3540 : vector<1x512xf32>
    %mul3A_3542 = arith.mulf %sub3A_3523, %div3A_3535 : vector<1x512xf32>
    %mul3A_3543 = vector.broadcast %get3A_19 : f32 to vector<1x512xf32>
    %mul3A_3544 = arith.mulf %mul3A_3542, %mul3A_3543 : vector<1x512xf32>
    %mul3A_3545 = arith.mulf %mul3A_3538, %mul3A_3538 : vector<1x512xf32>
    %mul3A_3546 = arith.mulf %mul3A_3541, %mul3A_3541 : vector<1x512xf32>
    %add3A_3547 = arith.addf %mul3A_3545, %mul3A_3546 : vector<1x512xf32>
    %mul3A_3548 = arith.mulf %mul3A_3544, %mul3A_3544 : vector<1x512xf32>
    %add3A_3549 = arith.addf %add3A_3547, %mul3A_3548 : vector<1x512xf32>
    %add3A_3550 = arith.constant 9.99999993E-9 : f32
    %add3A_3551 = vector.broadcast %add3A_3550 : f32 to vector<1x512xf32>
    %add3A_3552 = arith.addf %add3A_3549, %add3A_3551 : vector<1x512xf32>
    %sqrt3A_3553 = math.sqrt %add3A_3552 : vector<1x512xf32>
    %concatenate3A_3554 = tpu.concatenate %exp3A_3492, %concatenate3A_3505, %sqrt3A_3553 in 0 : vector<16x512xf32>, vector<16x512xf32>, vector<1x512xf32> -> vector<33x512xf32>
    %dot_general3A_3555 = arith.constant dense<0.000000e+00> : vector<32x512xf32>
    %dot_general3A_3556 = tpu.matmul %get3A_26, %concatenate3A_3554, %dot_general3A_3555 {dimension_numbers = #tpu.dot_dimension_numbers<[1], [0], [0], [1], [0, 0, 1, 1], [], []>, transpose_lhs_hint = false} : vector<32x33xf32>, vector<33x512xf32>, vector<32x512xf32> -> vector<32x512xf32>
    %add3A_3557 = vector.broadcast %get3A_29 : vector<32x1xf32> to vector<32x512xf32>
    %add3A_3558 = arith.addf %dot_general3A_3556, %add3A_3557 : vector<32x512xf32>
    %reduce_sum3A_3559 = arith.constant dense<0.000000e+00> : vector<512xf32>
    %reduce_sum3A_3560 = vector.multi_reduction <add>, %add3A_3558, %reduce_sum3A_3559 [0] : vector<32x512xf32> to vector<512xf32>
    %broadcast_in_dim3A_3561 = vector.shape_cast %reduce_sum3A_3560 : vector<512xf32> to vector<1x512xf32>
    %div3A_3562 = arith.constant 3.200000e+01 : f32
    %div3A_3563 = vector.broadcast %div3A_3562 : f32 to vector<1x512xf32>
    %div3A_3564 = arith.divf %broadcast_in_dim3A_3561, %div3A_3563 : vector<1x512xf32>
    %sub3A_3565 = vector.broadcast %div3A_3564 : vector<1x512xf32> to vector<32x512xf32>
    %sub3A_3566 = arith.subf %add3A_3558, %sub3A_3565 : vector<32x512xf32>
    %integer_pow3A_3567 = arith.mulf %sub3A_3566, %sub3A_3566 : vector<32x512xf32>
    %reduce_sum3A_3568 = arith.constant dense<0.000000e+00> : vector<512xf32>
    %reduce_sum3A_3569 = vector.multi_reduction <add>, %integer_pow3A_3567, %reduce_sum3A_3568 [0] : vector<32x512xf32> to vector<512xf32>
    %broadcast_in_dim3A_3570 = vector.shape_cast %reduce_sum3A_3569 : vector<512xf32> to vector<1x512xf32>
    %div3A_3571 = arith.constant 3.200000e+01 : f32
    %div3A_3572 = vector.broadcast %div3A_3571 : f32 to vector<1x512xf32>
    %div3A_3573 = arith.divf %broadcast_in_dim3A_3570, %div3A_3572 : vector<1x512xf32>
    %sub3A_3574 = vector.broadcast %div3A_3564 : vector<1x512xf32> to vector<32x512xf32>
    %sub3A_3575 = arith.subf %add3A_3558, %sub3A_3574 : vector<32x512xf32>
    %add3A_3576 = arith.constant 9.99999974E-6 : f32
    %add3A_3577 = vector.broadcast %add3A_3576 : f32 to vector<1x512xf32>
    %add3A_3578 = arith.addf %div3A_3573, %add3A_3577 : vector<1x512xf32>
    %sqrt3A_3579 = math.sqrt %add3A_3578 : vector<1x512xf32>
    %div3A_3580 = vector.broadcast %sqrt3A_3579 : vector<1x512xf32> to vector<32x512xf32>
    %div3A_3581 = arith.divf %sub3A_3575, %div3A_3580 : vector<32x512xf32>
    %mul3A_3582 = vector.broadcast %get3A_32 : vector<32x1xf32> to vector<32x512xf32>
    %mul3A_3583 = arith.mulf %div3A_3581, %mul3A_3582 : vector<32x512xf32>
    %add3A_3584 = vector.broadcast %get3A_35 : vector<32x1xf32> to vector<32x512xf32>
    %add3A_3585 = arith.addf %mul3A_3583, %add3A_3584 : vector<32x512xf32>
    %mul3A_3586 = vector.broadcast %get3A_23 : f32 to vector<1x512xf32>
    %mul3A_3587 = arith.mulf %mul3A_3538, %mul3A_3586 : vector<1x512xf32>
    %mul3A_3588 = vector.broadcast %get3A_23 : f32 to vector<1x512xf32>
    %mul3A_3589 = arith.mulf %mul3A_3541, %mul3A_3588 : vector<1x512xf32>
    %mul3A_3590 = vector.broadcast %get3A_23 : f32 to vector<1x512xf32>
    %mul3A_3591 = arith.mulf %mul3A_3544, %mul3A_3590 : vector<1x512xf32>
    %concatenate3A_3592 = tpu.concatenate %mul3A_3587, %mul3A_3589, %mul3A_3591, %add3A_3585 in 0 : vector<1x512xf32>, vector<1x512xf32>, vector<1x512xf32>, vector<32x512xf32> -> vector<35x512xf32>
    %swap3A_3593 = arith.constant 0 : index
    %swap3A_3594 = arith.constant 28 : index
    %swap3A_3595 = arith.constant 0 : index
    %swap3A_3596 = arith.constant 0 : index
    %swap3A_3597 = vector.load %arg14[%swap3A_3593, %swap3A_3594, %swap3A_3595, %swap3A_3596] : memref<1x30x35x512xf32, #tpu.memory_space<vmem>>, vector<1x1x35x512xf32>
    %swap3A_3598 = vector.shape_cast %swap3A_3597 : vector<1x1x35x512xf32> to vector<35x512xf32>
    %swap3A_3599 = vector.shape_cast %concatenate3A_3592 : vector<35x512xf32> to vector<1x1x35x512xf32>
    tpu.vector_store %arg14[%swap3A_3593, %swap3A_3594, %swap3A_3595, %swap3A_3596], %swap3A_3599 {strides = array<i32>} : memref<1x30x35x512xf32, #tpu.memory_space<vmem>>, vector<1x1x35x512xf32>,
    %get3A_3600 = arith.constant 0 : index
    %get3A_3601 = arith.constant 29 : index
    %get3A_3602 = arith.constant 0 : index
    %get3A_3603 = vector.load %arg2[%get3A_3600, %get3A_3601, %get3A_3602] : memref<1x32x512xf32, #tpu.memory_space<vmem>>, vector<1x1x512xf32>
    %get3A_3604 = vector.shape_cast %get3A_3603 : vector<1x1x512xf32> to vector<1x512xf32>
    %sub3A_3605 = vector.broadcast %get3A_3604 : vector<1x512xf32> to vector<16x512xf32>
    %sub3A_3606 = vector.broadcast %mul3A_40 : vector<16x1xf32> to vector<16x512xf32>
    %sub3A_3607 = arith.subf %sub3A_3605, %sub3A_3606 : vector<16x512xf32>
    %div3A_3608 = arith.constant 1.250000e+00 : f32
    %div3A_3609 = vector.broadcast %div3A_3608 : f32 to vector<16x512xf32>
    %div3A_3610 = arith.divf %sub3A_3607, %div3A_3609 : vector<16x512xf32>
    %integer_pow3A_3611 = arith.mulf %div3A_3610, %div3A_3610 : vector<16x512xf32>
    %neg3A_3612 = arith.constant 0.000000e+00 : f32
    %neg3A_3613 = vector.broadcast %neg3A_3612 : f32 to vector<16x512xf32>
    %neg3A_3614 = arith.subf %neg3A_3613, %integer_pow3A_3611 : vector<16x512xf32>
    %exp3A_3615 = math.exp %neg3A_3614 : vector<16x512xf32>
    %get3A_3616 = arith.constant 0 : index
    %get3A_3617 = arith.constant 29 : index
    %get3A_3618 = arith.constant 0 : index
    %get3A_3619 = vector.load %arg3[%get3A_3616, %get3A_3617, %get3A_3618] : memref<1x32x512xi32, #tpu.memory_space<vmem>>, vector<1x1x512xi32>
    %get3A_3620 = vector.shape_cast %get3A_3619 : vector<1x1x512xi32> to vector<1x512xi32>
    %convert_element_type3A_3621 = arith.sitofp %get3A_3620 : vector<1x512xi32> to vector<1x512xf32>
    %sub3A_3622 = arith.subf %convert_element_type3A_3621, %convert_element_type3A : vector<1x512xf32>
    %mul3A_3623 = vector.broadcast %sub3A_3622 : vector<1x512xf32> to vector<8x512xf32>
    %mul3A_3624 = vector.broadcast %exp3A : vector<8x1xf32> to vector<8x512xf32>
    %mul3A_3625 = arith.mulf %mul3A_3623, %mul3A_3624 : vector<8x512xf32>
    %cos3A_3626 = math.cos %mul3A_3625 : vector<8x512xf32>
    %sin3A_3627 = math.sin %mul3A_3625 : vector<8x512xf32>
    %concatenate3A_3628 = tpu.concatenate %cos3A_3626, %sin3A_3627 in 0 : vector<8x512xf32>, vector<8x512xf32> -> vector<16x512xf32>
    %get3A_3629 = arith.constant 0 : index
    %get3A_3630 = arith.constant 29 : index
    %get3A_3631 = arith.constant 0 : index
    %get3A_3632 = vector.load %arg4[%get3A_3629, %get3A_3630, %get3A_3631] : memref<1x32x512xf32, #tpu.memory_space<vmem>>, vector<1x1x512xf32>
    %get3A_3633 = vector.shape_cast %get3A_3632 : vector<1x1x512xf32> to vector<1x512xf32>
    %sub3A_3634 = arith.subf %get3A_3633, %get3A_5 : vector<1x512xf32>
    %get3A_3635 = arith.constant 0 : index
    %get3A_3636 = arith.constant 29 : index
    %get3A_3637 = arith.constant 0 : index
    %get3A_3638 = vector.load %arg5[%get3A_3635, %get3A_3636, %get3A_3637] : memref<1x32x512xf32, #tpu.memory_space<vmem>>, vector<1x1x512xf32>
    %get3A_3639 = vector.shape_cast %get3A_3638 : vector<1x1x512xf32> to vector<1x512xf32>
    %sub3A_3640 = arith.subf %get3A_3639, %get3A_10 : vector<1x512xf32>
    %get3A_3641 = arith.constant 0 : index
    %get3A_3642 = arith.constant 29 : index
    %get3A_3643 = arith.constant 0 : index
    %get3A_3644 = vector.load %arg6[%get3A_3641, %get3A_3642, %get3A_3643] : memref<1x32x512xf32, #tpu.memory_space<vmem>>, vector<1x1x512xf32>
    %get3A_3645 = vector.shape_cast %get3A_3644 : vector<1x1x512xf32> to vector<1x512xf32>
    %sub3A_3646 = arith.subf %get3A_3645, %get3A_15 : vector<1x512xf32>
    %mul3A_3647 = arith.mulf %sub3A_3634, %sub3A_3634 : vector<1x512xf32>
    %mul3A_3648 = arith.mulf %sub3A_3640, %sub3A_3640 : vector<1x512xf32>
    %add3A_3649 = arith.addf %mul3A_3647, %mul3A_3648 : vector<1x512xf32>
    %mul3A_3650 = arith.mulf %sub3A_3646, %sub3A_3646 : vector<1x512xf32>
    %add3A_3651 = arith.addf %add3A_3649, %mul3A_3650 : vector<1x512xf32>
    %sqrt3A_3652 = math.sqrt %add3A_3651 : vector<1x512xf32>
    %max3A_3653 = arith.constant 9.99999996E-13 : f32
    %max3A_3654 = vector.broadcast %max3A_3653 : f32 to vector<1x512xf32>
    %max3A_3655 = arith.maximumf %sqrt3A_3652, %max3A_3654 : vector<1x512xf32>
    %div3A_3656 = arith.constant 1.000000e+00 : f32
    %div3A_3657 = vector.broadcast %div3A_3656 : f32 to vector<1x512xf32>
    %div3A_3658 = arith.divf %div3A_3657, %max3A_3655 : vector<1x512xf32>
    %mul3A_3659 = arith.mulf %sub3A_3634, %div3A_3658 : vector<1x512xf32>
    %mul3A_3660 = vector.broadcast %get3A_19 : f32 to vector<1x512xf32>
    %mul3A_3661 = arith.mulf %mul3A_3659, %mul3A_3660 : vector<1x512xf32>
    %mul3A_3662 = arith.mulf %sub3A_3640, %div3A_3658 : vector<1x512xf32>
    %mul3A_3663 = vector.broadcast %get3A_19 : f32 to vector<1x512xf32>
    %mul3A_3664 = arith.mulf %mul3A_3662, %mul3A_3663 : vector<1x512xf32>
    %mul3A_3665 = arith.mulf %sub3A_3646, %div3A_3658 : vector<1x512xf32>
    %mul3A_3666 = vector.broadcast %get3A_19 : f32 to vector<1x512xf32>
    %mul3A_3667 = arith.mulf %mul3A_3665, %mul3A_3666 : vector<1x512xf32>
    %mul3A_3668 = arith.mulf %mul3A_3661, %mul3A_3661 : vector<1x512xf32>
    %mul3A_3669 = arith.mulf %mul3A_3664, %mul3A_3664 : vector<1x512xf32>
    %add3A_3670 = arith.addf %mul3A_3668, %mul3A_3669 : vector<1x512xf32>
    %mul3A_3671 = arith.mulf %mul3A_3667, %mul3A_3667 : vector<1x512xf32>
    %add3A_3672 = arith.addf %add3A_3670, %mul3A_3671 : vector<1x512xf32>
    %add3A_3673 = arith.constant 9.99999993E-9 : f32
    %add3A_3674 = vector.broadcast %add3A_3673 : f32 to vector<1x512xf32>
    %add3A_3675 = arith.addf %add3A_3672, %add3A_3674 : vector<1x512xf32>
    %sqrt3A_3676 = math.sqrt %add3A_3675 : vector<1x512xf32>
    %concatenate3A_3677 = tpu.concatenate %exp3A_3615, %concatenate3A_3628, %sqrt3A_3676 in 0 : vector<16x512xf32>, vector<16x512xf32>, vector<1x512xf32> -> vector<33x512xf32>
    %dot_general3A_3678 = arith.constant dense<0.000000e+00> : vector<32x512xf32>
    %dot_general3A_3679 = tpu.matmul %get3A_26, %concatenate3A_3677, %dot_general3A_3678 {dimension_numbers = #tpu.dot_dimension_numbers<[1], [0], [0], [1], [0, 0, 1, 1], [], []>, transpose_lhs_hint = false} : vector<32x33xf32>, vector<33x512xf32>, vector<32x512xf32> -> vector<32x512xf32>
    %add3A_3680 = vector.broadcast %get3A_29 : vector<32x1xf32> to vector<32x512xf32>
    %add3A_3681 = arith.addf %dot_general3A_3679, %add3A_3680 : vector<32x512xf32>
    %reduce_sum3A_3682 = arith.constant dense<0.000000e+00> : vector<512xf32>
    %reduce_sum3A_3683 = vector.multi_reduction <add>, %add3A_3681, %reduce_sum3A_3682 [0] : vector<32x512xf32> to vector<512xf32>
    %broadcast_in_dim3A_3684 = vector.shape_cast %reduce_sum3A_3683 : vector<512xf32> to vector<1x512xf32>
    %div3A_3685 = arith.constant 3.200000e+01 : f32
    %div3A_3686 = vector.broadcast %div3A_3685 : f32 to vector<1x512xf32>
    %div3A_3687 = arith.divf %broadcast_in_dim3A_3684, %div3A_3686 : vector<1x512xf32>
    %sub3A_3688 = vector.broadcast %div3A_3687 : vector<1x512xf32> to vector<32x512xf32>
    %sub3A_3689 = arith.subf %add3A_3681, %sub3A_3688 : vector<32x512xf32>
    %integer_pow3A_3690 = arith.mulf %sub3A_3689, %sub3A_3689 : vector<32x512xf32>
    %reduce_sum3A_3691 = arith.constant dense<0.000000e+00> : vector<512xf32>
    %reduce_sum3A_3692 = vector.multi_reduction <add>, %integer_pow3A_3690, %reduce_sum3A_3691 [0] : vector<32x512xf32> to vector<512xf32>
    %broadcast_in_dim3A_3693 = vector.shape_cast %reduce_sum3A_3692 : vector<512xf32> to vector<1x512xf32>
    %div3A_3694 = arith.constant 3.200000e+01 : f32
    %div3A_3695 = vector.broadcast %div3A_3694 : f32 to vector<1x512xf32>
    %div3A_3696 = arith.divf %broadcast_in_dim3A_3693, %div3A_3695 : vector<1x512xf32>
    %sub3A_3697 = vector.broadcast %div3A_3687 : vector<1x512xf32> to vector<32x512xf32>
    %sub3A_3698 = arith.subf %add3A_3681, %sub3A_3697 : vector<32x512xf32>
    %add3A_3699 = arith.constant 9.99999974E-6 : f32
    %add3A_3700 = vector.broadcast %add3A_3699 : f32 to vector<1x512xf32>
    %add3A_3701 = arith.addf %div3A_3696, %add3A_3700 : vector<1x512xf32>
    %sqrt3A_3702 = math.sqrt %add3A_3701 : vector<1x512xf32>
    %div3A_3703 = vector.broadcast %sqrt3A_3702 : vector<1x512xf32> to vector<32x512xf32>
    %div3A_3704 = arith.divf %sub3A_3698, %div3A_3703 : vector<32x512xf32>
    %mul3A_3705 = vector.broadcast %get3A_32 : vector<32x1xf32> to vector<32x512xf32>
    %mul3A_3706 = arith.mulf %div3A_3704, %mul3A_3705 : vector<32x512xf32>
    %add3A_3707 = vector.broadcast %get3A_35 : vector<32x1xf32> to vector<32x512xf32>
    %add3A_3708 = arith.addf %mul3A_3706, %add3A_3707 : vector<32x512xf32>
    %mul3A_3709 = vector.broadcast %get3A_23 : f32 to vector<1x512xf32>
    %mul3A_3710 = arith.mulf %mul3A_3661, %mul3A_3709 : vector<1x512xf32>
    %mul3A_3711 = vector.broadcast %get3A_23 : f32 to vector<1x512xf32>
    %mul3A_3712 = arith.mulf %mul3A_3664, %mul3A_3711 : vector<1x512xf32>
    %mul3A_3713 = vector.broadcast %get3A_23 : f32 to vector<1x512xf32>
    %mul3A_3714 = arith.mulf %mul3A_3667, %mul3A_3713 : vector<1x512xf32>
    %concatenate3A_3715 = tpu.concatenate %mul3A_3710, %mul3A_3712, %mul3A_3714, %add3A_3708 in 0 : vector<1x512xf32>, vector<1x512xf32>, vector<1x512xf32>, vector<32x512xf32> -> vector<35x512xf32>
    %swap3A_3716 = arith.constant 0 : index
    %swap3A_3717 = arith.constant 29 : index
    %swap3A_3718 = arith.constant 0 : index
    %swap3A_3719 = arith.constant 0 : index
    %swap3A_3720 = vector.load %arg14[%swap3A_3716, %swap3A_3717, %swap3A_3718, %swap3A_3719] : memref<1x30x35x512xf32, #tpu.memory_space<vmem>>, vector<1x1x35x512xf32>
    %swap3A_3721 = vector.shape_cast %swap3A_3720 : vector<1x1x35x512xf32> to vector<35x512xf32>
    %swap3A_3722 = vector.shape_cast %concatenate3A_3715 : vector<35x512xf32> to vector<1x1x35x512xf32>
    tpu.vector_store %arg14[%swap3A_3716, %swap3A_3717, %swap3A_3718, %swap3A_3719], %swap3A_3722 {strides = array<i32>} : memref<1x30x35x512xf32, #tpu.memory_space<vmem>>, vector<1x1x35x512xf32>,
    return
  }
  func.func @transform_0(%arg0: i32, %arg1: i32) -> (i32, i32, i32) {
    %c0_i32 = arith.constant 0 : i32
    %c0_i32_0 = arith.constant 0 : i32
    return %arg0, %c0_i32, %arg1 : i32, i32, i32
  }
  func.func @transform_1(%arg0: i32, %arg1: i32) -> (i32, i32, i32) {
    %c0_i32 = arith.constant 0 : i32
    %c0_i32_0 = arith.constant 0 : i32
    return %arg0, %c0_i32, %arg1 : i32, i32, i32
  }
  func.func @transform_2(%arg0: i32, %arg1: i32) -> (i32, i32, i32) {
    %c0_i32 = arith.constant 0 : i32
    %c0_i32_0 = arith.constant 0 : i32
    return %arg0, %c0_i32, %arg1 : i32, i32, i32
  }
  func.func @transform_3(%arg0: i32, %arg1: i32) -> (i32, i32, i32) {
    %c0_i32 = arith.constant 0 : i32
    %c0_i32_0 = arith.constant 0 : i32
    return %arg0, %c0_i32, %arg1 : i32, i32, i32
  }
  func.func @transform_4(%arg0: i32, %arg1: i32) -> (i32, i32, i32) {
    %c0_i32 = arith.constant 0 : i32
    %c0_i32_0 = arith.constant 0 : i32
    return %arg0, %c0_i32, %arg1 : i32, i32, i32
  }
  func.func @transform_5(%arg0: i32, %arg1: i32) -> (i32, i32, i32) {
    %c0_i32 = arith.constant 0 : i32
    %c0_i32_0 = arith.constant 0 : i32
    return %arg0, %c0_i32, %arg1 : i32, i32, i32
  }
  func.func @transform_6(%arg0: i32, %arg1: i32) -> (i32, i32) {
    %c0_i32 = arith.constant 0 : i32
    %c0_i32_0 = arith.constant 0 : i32
    %c0_i32_1 = arith.constant 0 : i32
    return %c0_i32, %c0_i32_0 : i32, i32
  }
  func.func @transform_7(%arg0: i32, %arg1: i32) -> (i32, i32) {
    %c0_i32 = arith.constant 0 : i32
    %c0_i32_0 = arith.constant 0 : i32
    %c0_i32_1 = arith.constant 0 : i32
    return %c0_i32, %c0_i32_0 : i32, i32
  }
  func.func @transform_8(%arg0: i32, %arg1: i32) -> (i32, i32) {
    %c0_i32 = arith.constant 0 : i32
    %c0_i32_0 = arith.constant 0 : i32
    %c0_i32_1 = arith.constant 0 : i32
    return %c0_i32, %c0_i32_0 : i32, i32
  }
  func.func @transform_9(%arg0: i32, %arg1: i32) -> (i32, i32) {
    %c0_i32 = arith.constant 0 : i32
    %c0_i32_0 = arith.constant 0 : i32
    %c0_i32_1 = arith.constant 0 : i32
    return %c0_i32, %c0_i32_0 : i32, i32
  }
  func.func @transform_10(%arg0: i32, %arg1: i32) -> (i32, i32) {
    %c0_i32 = arith.constant 0 : i32
    %c0_i32_0 = arith.constant 0 : i32
    %c0_i32_1 = arith.constant 0 : i32
    return %c0_i32, %c0_i32_0 : i32, i32
  }
  func.func @transform_11(%arg0: i32, %arg1: i32) -> (i32, i32) {
    %c0_i32 = arith.constant 0 : i32
    %c0_i32_0 = arith.constant 0 : i32
    %c0_i32_1 = arith.constant 0 : i32
    return %c0_i32, %c0_i32_0 : i32, i32
  }
  func.func @transform_12(%arg0: i32, %arg1: i32) -> (i32, i32, i32, i32) {
    %c0_i32 = arith.constant 0 : i32
    %c0_i32_0 = arith.constant 0 : i32
    %c0_i32_1 = arith.constant 0 : i32
    return %arg0, %c0_i32, %c0_i32_0, %arg1 : i32, i32, i32, i32
  }
}

</mosaic_0001>

<sc_bundles>
// kernel: kernel.6.cloned.1.call-start
scs
__scs_entry_jumppad:
0x0: {  	(pc) =	sbr.rel $0x88, $3  }
0x1: {  	(tag) =	ssettag $0x0;
	lr =	simm.s32 $0x1  }
0x2: {  	[smem:$0x3F94] =	sst lr;
	_ =	strace $0xD0000000  }
0x3: {  	_ = 	snop  }
0x4: {  	_ = 	snop  }
0x5: {  	_ = 	snop  }
0x6: {  	_ = 	snop  }
0x7: {  	_ = 	snop  }
__scs_overlays_trampoline_lowered:
0x8: {  	[smem:$0x3FA3] =	sst s0  }
0x9: {  	[smem:$0x3FA4] =	sst s1  }
0xa: {  	[smem:$0x3FA5] =	sst s2  }
0xb: {  	[smem:$0x3FA6] =	sst s3  }
0xc: {  	[smem:$0x3FA7] =	sst s4  }
0xd: {  	[smem:$0x3FA8] =	sst s5  }
0xe: {  	[smem:$0x3FA9] =	sst s6  }
0xf: {  	[smem:$0x3FAA] =	sst s7  }
0x10: {  	[smem:$0x3FAB] =	sst s8  }
0x11: {  	[smem:$0x3FAC] =	sst s9;
	s0 =	simm.s32 @!p0 $0x0  }
0x12: {  	s1 =	sld [smem:$0x3F92];
	s0 =	simm.s32 @p0 $0x1  }
0x13: {  	[smem:$0x3FAD] =	sst s0;
	s0 =	simm.s32 @!p1 $0x0  }
0x14: {  	s2 =	sld [smem:$0x3F91];
	s0 =	simm.s32 @p1 $0x1  }
0x15: {  	[smem:$0x3FAE] =	sst s0;
	s0 =	simm.s32 @!p2 $0x0  }
0x16: {  	s3 =	sld [smem:$0x3FDB];
	s0 =	simm.s32 @p2 $0x1  }
0x17: {  	s4 =	simm.s32 $0x1BF5;
	[smem:$0x3FB0] =	sst s0  }
0x18: {  	s0 =	sld [smem:$0x3F93];
	_ =	swait.ge [sflag:s4], $0x0  }
0x19: {  	s7 =	sld [smem:$0x3F94]  }
0x1a: {  	s8 =	sadd.s32 $0xFFFFE003, lr  }
0x1b: {  	s9 =	sadd.s32 $0xFFFFFEF7, lr;
	s5 =	simm.s32 $0xFFFFFFFF;
	p2 =	slt.u32 s8, $0xFFFFF086  }
0x1c: {  	p1 =	slt.u32 s9, $0xF7A;
	s5 =	simm.s32 @!p2 $0x0  }
0x1d: {  	s5 =	simm.s32 @p1 $0x1;
	p0 =	seq.s32 s7, s2  }
0x1e: {  	s7 =	smul.u32 @!p0 $0xF7A, s2;
	p2 =	seq.s32 @!p0 s5, $0x0  }
0x1f: {  	s9 =	smul.u32 $0xF7A, s1;
	s8 =	simm.s32 @!p0 $0x1BF5;
	p2 =	por !p2, p0  }
0x20: {  	[sflag:s8] =	ssyncset.s32 @!p0 $0xFFFFF086;
	s6 =	sadd.s32 @!p0 s3, s7;
	s7 =	simm.s32 @!p0 $0x108  }
0x21: {  	s3 =	sadd.s32 s3, s9;
	s6 =	sadd.s32 @!p0 $0x88, s6;
	s7 =	simm.s32 @p2 $0x1082  }
0x22: {  	[simem:s7], [sflag:s8] =	dma.local @!p0 [hbm:s6], $0xF7A  }
0x23: {  	s9 =	sor.u32 $0xD0000000, s2;
	s6 =	simm.s32 $0x108;
	_ =	swait.ge @!p0 [sflag:s8], $0x0  }
0x24: {  	s3 =	sadd.s32 $0x88, s3;
	s6 =	simm.s32 @!p1 $0x1082;
	[sflag:s4] =	ssyncset.s32 $0xFFFFF086  }
0x25: {  	[simem:s6], [sflag:s4] =	dma.local [hbm:s3], $0xF7A  }
0x26: {  	[smem:$0x3F94] =	sst s1;
	(tag) =	ssettag s2;
	_ =	strace s9  }
0x27: {  	s1 =	sld [smem:$0x3FA4]  }
0x28: {  	s2 =	sld [smem:$0x3FA5]  }
0x29: {  	s4 =	sld [smem:$0x3FA7]  }
0x2a: {  	p0 =	seq.s32 s5, $0x0;
	s5 =	sld [smem:$0x3FA8]  }
0x2b: {  	s6 =	sld [smem:$0x3FA9]  }
0x2c: {  	s7 =	sld [smem:$0x3FAA]  }
0x2d: {  	s3 =	simm.s32 $0x108;
	s8 =	sld [smem:$0x3FAB]  }
0x2e: {  	s3 =	simm.s32 @!p0 $0x1082;
	s9 =	sld [smem:$0x3FAC]  }
0x2f: {  	lr =	sadd.s32 s0, s3;
	s0 =	sld [smem:$0x3FA3]  }
0x30: {  	s3 =	sld [smem:$0x3FA6]  }
0x31: {  	[smem:$0x3FAF] =	sst s10  }
0x32: {  	s10 =	sld [smem:$0x3FAD];
	_ =	sdelay $0x3  }
0x33: {  	p0 =	seq.s32 s10, $0x1;
	s10 =	sld [smem:$0x3FAF];
	_ =	sdelay $0x3  }
0x34: {  	[smem:$0x3FAF] =	sst s10  }
0x35: {  	s10 =	sld [smem:$0x3FAE];
	_ =	sdelay $0x3  }
0x36: {  	p1 =	seq.s32 s10, $0x1;
	s10 =	sld [smem:$0x3FAF];
	_ =	sdelay $0x3  }
0x37: {  	[smem:$0x3FAF] =	sst s10  }
0x38: {  	s10 =	sld [smem:$0x3FB0]  }
0x39: {  	_ = 	snop;
	(pc) =	sbr.ind lr, $3  }
0x3a: {  	_ = 	snop  }
0x3b: {  	_ = 	snop  }
0x3c: {  	p2 =	seq.s32 s10, $0x1;
	s10 =	sld [smem:$0x3FAF]  }
0x3d: {  	_ =	shalt  }
0x3e: {  	_ =	shalt  }
0x3f: {  	_ =	shalt  }
0x40: {  	_ =	shalt  }
0x41: {  	_ =	shalt  }
0x42: {  	_ =	shalt  }
0x43: {  	_ =	shalt  }
0x44: {  	_ =	shalt  }
0x45: {  	_ =	shalt  }
0x46: {  	_ =	shalt  }
0x47: {  	_ =	shalt  }
0x48: {  	_ =	shalt  }
0x49: {  	_ =	shalt  }
0x4a: {  	_ =	shalt  }
0x4b: {  	_ =	shalt  }
0x4c: {  	_ =	shalt  }
0x4d: {  	_ =	shalt  }
0x4e: {  	_ =	shalt  }
0x4f: {  	_ =	shalt  }
0x50: {  	_ =	shalt  }
0x51: {  	_ =	shalt  }
0x52: {  	_ =	shalt  }
0x53: {  	_ =	shalt  }
0x54: {  	_ =	shalt  }
0x55: {  	_ =	shalt  }
0x56: {  	_ =	shalt  }
0x57: {  	_ =	shalt  }
0x58: {  	_ =	shalt  }
0x59: {  	_ =	shalt  }
0x5a: {  	_ =	shalt  }
0x5b: {  	_ =	shalt  }
0x5c: {  	_ =	shalt  }
0x5d: {  	_ =	shalt  }
0x5e: {  	_ =	shalt  }
0x5f: {  	_ =	shalt  }
0x60: {  	_ =	shalt  }
0x61: {  	_ =	shalt  }
0x62: {  	_ =	shalt  }
0x63: {  	_ =	shalt  }
0x64: {  	_ =	shalt  }
0x65: {  	_ =	shalt  }
0x66: {  	_ =	shalt  }
0x67: {  	_ =	shalt  }
0x68: {  	_ =	shalt  }
0x69: {  	_ =	shalt  }
0x6a: {  	_ =	shalt  }
0x6b: {  	_ =	shalt  }
0x6c: {  	_ =	shalt  }
0x6d: {  	_ =	shalt  }
0x6e: {  	_ =	shalt  }
0x6f: {  	_ =	shalt  }
0x70: {  	_ =	shalt  }
0x71: {  	_ =	shalt  }
0x72: {  	_ =	shalt  }
0x73: {  	_ =	shalt  }
0x74: {  	_ =	shalt  }
0x75: {  	_ =	shalt  }
0x76: {  	_ =	shalt  }
0x77: {  	_ =	shalt  }
0x78: {  	_ =	shalt  }
0x79: {  	_ =	shalt  }
0x7a: {  	_ =	shalt  }
0x7b: {  	_ =	shalt  }
0x7c: {  	_ =	shalt  }
0x7d: {  	_ =	shalt  }
0x7e: {  	_ =	shalt  }
0x7f: {  	_ =	shalt  }
0x80: {  	_ =	shalt  }
0x81: {  	_ =	shalt  }
0x82: {  	_ =	shalt  }
0x83: {  	_ =	shalt  }
0x84: {  	_ =	shalt  }
0x85: {  	_ =	shalt  }
0x86: {  	_ =	shalt  }
0x87: {  	_ =	shalt  }
.Lfunc_end0:
.L_simem_size_0:
called_computation_lowered:
.L_overlay_start_0:
0x88: {  	s2 =	sld [smem:$0x3FD9]  }
0x89: {  	s3 =	sld [smem:$0x3FFE];
	_ =	sdelay $0x1  }
0x8a: {  	s1 =	srdreg.scid  }
0x8b: {  	s0 =	sand.u32 $0x1, s1  }
0x8c: {  	s14 =	sshll.u32 s0, $0xA;
	s2 =	sadd.s32 s3, s2  }
0x8d: {  	s2 =	sadd.s32 s2, s14  }
0x8e: {  	[smem:$0x3FBB] =	sst s2  }
0x8f: {  	_ = 	snop  }
0x90: {  	s2 =	sld [smem:$0x3FD0];
	_ =	sdelay $0x2  }
0x91: {  	s15 =	simm.s32 $0xA;
	s4 =	simm.s32 $0x10  }
0x92: {  	[smem:s4], [sflag:s15] =	dma.local [hbm:s2], $0x1  }
0x93: {  	_ =	swait.eq [sflag:s15], $0x1  }
0x94: {  	[sflag:s15] =	ssyncset.done $0x0  }
0x95: {  	[sflag:s15] =	ssyncadd.s32 $0xFFFFFFFF  }
0x96: {  	s16 =	sld [smem:$0x11];
	(tm) =	ssettm $0x1  }
0x97: {  	s17 =	sld [smem:$0x3FFB];
	_ =	sdelay $0x3  }
0x98: {  	_ =	strace s17  }
0x99: {  	s3 =	sld [smem:$0x3FFC];
	_ =	sdelay $0x3  }
0x9a: {  	_ =	strace s3  }
0x9b: {  	s3 =	sld [smem:$0x3FFD];
	_ =	sdelay $0x3  }
0x9c: {  	_ =	strace s3  }
0x9d: {  	_ =	strace $0x8FFFFFFF  }
0x9e: {  	s18 =	sld [smem:$0x3FDB];
	_ =	sdelay $0x1  }
0x9f: {  	s19 =	simm.s32 $_scs_section_size  }
0xa0: {  	s5 =	simm.s32 $_size__tile_overlayer_lowered;
	s6 =	simm.s32 $_tile_overlayer_lowered  }
0xa1: {  	s22 =	simm.s32 $0x1BFF;
	s21 =	sshll.u32 s6, $0x1;
	s3 =	sadd.s32 s19, s18  }
0xa2: {  	s7 =	simm.s32 $0x0;
	s20 =	sshll.u32 s5, $0x1;
	s5 =	sadd.s32 s21, s3  }
0xa3: {  	[timem:s7], [sflag:s22] =	dma.local [hbm:s5], s20  }
0xa4: {  	_ =	swait.ge [sflag:s22], s20  }
0xa5: {  	s4 =	ssub.s32 $0x0, s20;
	[sflag:s22] =	ssyncset.done $0x0  }
0xa6: {  	[sflag:s22] =	ssyncadd.s32 s4;
	_ =	sdelay $0x1  }
0xa7: {  	s23 =	simm.s32 $0x1B8B  }
0xa8: {  	_ =	swait.ge [sflag:s23], $0x1  }
0xa9: {  	[sflag:s23] =	ssyncset.done $0x0  }
0xaa: {  	s25 =	simm.s32 $0x1B8E;
	s24 =	sld [smem:$0x3FFE];
	[sflag:s23] =	ssyncadd.s32 $0xFFFFFFFF  }
0xab: {  	s26 =	simm.s32 $execute0_lowered;
	[smem:$0x3FD2] =	sst s25  }
0xac: {  	s5 =	sshll.u32 s26, $0x1;
	_ =	strace $0x80000046;
	[dreg:$0x1] =	wrdreg $0xFFFFFFFF  }
0xad: {  	s28 =	simm.s32 $_size_execute0_lowered;
	s3 =	sadd.s32 s3, s5;
	[dreg:$0x0] =	wrdreg $0x0  }
0xae: {  	s5 =	sshll.u32 s28, $0x1;
	[dreg:$0x2] =	wrdreg s3  }
0xaf: {  	[dreg:$0x3] =	wrdreg s5  }
0xb0: {  	[dreg:$0x4] =	wrdreg $0xC0  }
0xb1: {  	_ =	task [dreg:s7], $0x5FFFF  }
0xb2: {  	[dreg:$0x1] =	wrdreg $0xFFFFFFFF  }
0xb3: {  	[dreg:$0x0] =	wrdreg $0x60  }
0xb4: {  	[dreg:$0x2] =	wrdreg s24  }
0xb5: {  	[dreg:$0x3] =	wrdreg s16  }
0xb6: {  	[dreg:$0x4] =	wrdreg $0x9  }
0xb7: {  	_ =	task.clear_ibuf [dreg:s7], $0x5FFFF;
	_ =	strace $0x90000046  }
0xb8: {  	s29 =	simm.s32 $0x9;
	_ =	strace $0x80000048  }
0xb9: {  	_ =	swait.ge [sflag:s29], $0x1  }
0xba: {  	[sflag:s29] =	ssyncadd.s32 $0xFFFFFFFF  }
0xbb: {  	_ =	strace $0x90000048  }
0xbc: {  	_ =	sfence  }
0xbd: {  	s30 =	sld [smem:$0x0];
	_ =	sdelay $0x2  }
0xbe: {  	s31 =	sshll.u32 s1, $0xD;
	s1 =	sshrl.u32 s1, $0x2  }
0xbf: {  	s3 =	sand.u32 $0x4000, s31;
	s1 =	sadd.s32 s1, s30  }
0xc0: {  	s0 =	sor.u32 s3, s0;
	s1 =	sshll.u32 s1, $0x11  }
0xc1: {  	s0 =	sor.u32 s1, s0  }
0xc2: {  	s0 =	sadd.s32 $0x8F2B, s0  }
0xc3: {  	[sflag:s0] =	ssyncadd.remote.s32 $0x1  }
0xc4: {  	_ =	sfence.sel $0xFFFF  }
0xc5: {  	[dreg:$0x0] =	wrdreg $0xFFFFFFFF;
	(pc) =	sbr.abs _section_cstart, $3  }
0xc6: {  	[dreg:$0x1] =	wrdreg $0xFFFFFFFF  }
0xc7: {  	_ =	task.clear_ibuf [dreg:s7], $0x2FFFF;
	_ =	strace $0x9FFFFFFF  }
0xc8: {  	(tm) =	ssettm $0x7FFFFFFF  }
0xc9: {  	_ =	shalt  }
tec
execute0_lowered:
.L_overlay_start_1:
0x0: {  	(tag) =	ssettag $0x1  }
0x1: {  	s3 =	rddreg [dreg:$0x0]  }
0x2: {  	s6 =	rddreg [dreg:$0x1]  }
0x3: {  	s0 =	rddreg [dreg:$0x2]  }
0x4: {  	s1 =	stileid.u32;
	s4 =	srdreg.scid  }
0x5: {  	s2 =	simm.s32 $0x0;
	s12 =	simm.s32 $0x200;
	s13 =	simm.s32 $0x1  }
0x6: {  	s14 =	simm.s32 $0x400;
	s15 =	simm.s32 $0x800;
	s16 =	simm.s32 $0x1C00  }
0x7: {  	s17 =	simm.s32 $0x2C00;
	s18 =	simm.s32 $0x3C00;
	s19 =	simm.s32 $0x2000  }
0x8: {  	s20 =	simm.s32 $0x0;
	s4 =	sand.u32 $0x1, s4;
	s5 =	sshll.u32 s1, $0x1  }
0x9: {  	[smem:$0x7FF] =	sst s2;
	s7 =	sshrl.u32 s1, $0x2;
	s8 =	sor.u32 s4, s5  }
0xa: {  	_ =	strace $0x80000047;
	s29 =	sshll.u32 s7, $0x4;
	s7 =	sshll.u32 s7, $0xC  }
0xb: {  	s4 =	ssub.s32 $0x2, s4;
	s9 =	sshll.u32 s8, $0x7;
	s5 =	sadd.s32 s29, s3  }
0xc: {  	s30 =	sshrl.u32 s4, $0x1;
	s31 =	sshll.u32 s8, $0x9;
	s9 =	sand.u32 $0x380, s9  }
0xd: {  	s11 =	ssub.s32 s4, s30;
	s4 =	sadd.s32 $0x2E00, s5;
	s7 =	sor.u32 s7, s9  }
0xe: {  	s6 =	sadd.s32 s6, s31;
	s10 =	sadd.s32 s7, s3;
	s3 =	sadd.s32 $0x2A00, s5  }
0xf: {  	v0 =	vlaneseq.u32;
	s5 =	sadd.s32 $0x2C00, s5;
	s7 =	sadd.s32 $0x3000, s10;
	s8 =	sadd.s32 $0x7000, s10  }
0x10: {  	v0 =	vmul.u32 $0x80, v0;
	s9 =	sadd.s32 $0xB000, s10;
	s10 =	smax.u32 s11, $0x1;
	s11 =	simm.s32 $0x80  }
.LBB2_1:
0x11: {  	[tilespmem:s2], [sflag:$0x1] =	stream.strided.gather [hbm4b:s3+s11], $0x400, s12, s11, $0x38;
	[tilespmem:$0x4C00] =	vst v63  }
0x12: {  	_ =	swait.ge [sflag:s13], $0x400  }
0x13: {  	[sflag:s13] =	ssyncset.done $0x0  }
0x14: {  	[sflag:s13] =	ssyncadd.s32 $0xFFFFFC00  }
0x15: {  	[tilespmem:s14], [sflag:$0x1] =	stream.strided.gather [hbm4b:s4+s11], $0x400, s12, s11, $0x38;
	[tilespmem:$0x4C00] =	vst v63  }
0x16: {  	_ =	swait.ge [sflag:s13], $0x400  }
0x17: {  	[sflag:s13] =	ssyncset.done $0x0  }
0x18: {  	[sflag:s13] =	ssyncadd.s32 $0xFFFFFC00  }
0x19: {  	[tilespmem:s15], [sflag:$0x1] =	stream.strided.gather [hbm4b:s5+s11], $0x400, s12, s11, $0x38;
	[tilespmem:$0x4C00] =	vst v63  }
0x1a: {  	_ =	swait.ge [sflag:s13], $0x400  }
0x1b: {  	[sflag:s13] =	ssyncset.done $0x0  }
0x1c: {  	s21 =	simm.s32 $0xC00;
	[sflag:s13] =	ssyncadd.s32 $0xFFFFFC00  }
0x1d: {  	[tilespmem:s21], [sflag:$0x1] =	stream.linear.gather [hbm4b:s6+s2], $0x1000, $0x38;
	[tilespmem:$0x4C00] =	vst v63  }
0x1e: {  	_ =	swait.ge [sflag:s13], $0x1000  }
0x1f: {  	[sflag:s13] =	ssyncset.done $0x0  }
0x20: {  	[sflag:s13] =	ssyncadd.s32 $0xFFFFF000  }
0x21: {  	v2 =	vld [tilespmem:s21+$0x0];
	_ =	sdelay $0x2  }
0x22: {  	s22 =	simm.s32 $0x0  }
0x23: {  	s23 =	sand.u32 $0x10, s2;
	v1 =	vmov s22  }
0x24: {  	v3 =	vmov s23;
	v1 =	vand.u32 $0x7F, v1  }
0x25: {  	v3 =	vshll.u32 v3, $0x7;
	v1 =	vbroadcast v1, $0x0  }
0x26: {  	v3 =	vor.u32 v0, v3  }
0x27: {  	v1 =	vor.u32 v1, v3;
	v4 =	vld.idx.msk [tilespmem:v2+s2+$0x0], $0xffff;
	_ =	sdelay $0x4  }
0x28: {  	[tilespmem:v1+s16+$0x0] =	vst.idx.msk $0xffff, v4  }
0x29: {  	v3 =	vld.idx.msk [tilespmem:v2+s14+$0x0], $0xffff;
	_ =	sdelay $0x4  }
0x2a: {  	[tilespmem:v1+s17+$0x0] =	vst.idx.msk $0xffff, v3  }
0x2b: {  	s22 =	simm.s32 $0x1;
	s23 =	simm.s32 $0x0;
	v2 =	vld.idx.msk [tilespmem:v2+s15+$0x0], $0xffff  }
.LBB2_2:
0x2c: {  	_ =	sdelay $0x3  }
0x2d: {  	p0 =	sne.s32 s22, $0xFF;
	s21 =	sadd.s32 $0x10, s21;
	s23 =	sadd.s32 $0x10, s23;
	[tilespmem:v1+s18+$0x0] =	vst.idx.msk $0xffff, v2  }
0x2e: {  	s24 =	smov.u32 s22;
	s22 =	sadd.s32 $0x1, s22;
	v2 =	vld [tilespmem:s21+$0x0];
	_ =	sdelay $0x3  }
0x2f: {  	s24 =	sshrl.u32 s24, $0x1  }
0x30: {  	s25 =	sand.u32 $0x10, s23;
	v1 =	vmov s24  }
0x31: {  	v3 =	vmov s25;
	v1 =	vand.u32 $0x7F, v1  }
0x32: {  	v3 =	vshll.u32 v3, $0x7;
	v1 =	vbroadcast v1, $0x0  }
0x33: {  	v3 =	vor.u32 v0, v3;
	v4 =	vld.idx.msk [tilespmem:v2+s2+$0x0], $0xffff  }
0x34: {  	v1 =	vor.u32 v1, v3;
	_ =	sdelay $0x4  }
0x35: {  	[tilespmem:v1+s16+$0x0] =	vst.idx.msk $0xffff, v4  }
0x36: {  	v3 =	vld.idx.msk [tilespmem:v2+s14+$0x0], $0xffff;
	_ =	sdelay $0x2  }
.Ltmp0:
0x37: {  	(pc) =	sbr.rel @p0 .LBB2_2-.Ltmp0, $3  }
0x38: {  	_ =	sdelay $0x1  }
0x39: {  	[tilespmem:v1+s17+$0x0] =	vst.idx.msk $0xffff, v3  }
0x3a: {  	v2 =	vld.idx.msk [tilespmem:v2+s15+$0x0], $0xffff  }
0x3b: {  	_ =	sdelay $0x3  }
0x3c: {  	[tilespmem:v1+s18+$0x0] =	vst.idx.msk $0xffff, v2  }
0x3d: {  	[hbm4b:s7+s14] =	stream.strided.scatter [tilespmem:s16], [sflag:$0x1], $0x1000, s19, s14, $0x38;
	[tilespmem:$0x4C00] =	vst v63  }
0x3e: {  	_ =	swait.ge [sflag:s13], $0x1000  }
0x3f: {  	[sflag:s13] =	ssyncset.done $0x0  }
0x40: {  	[sflag:s13] =	ssyncadd.s32 $0xFFFFF000  }
0x41: {  	[hbm4b:s8+s14] =	stream.strided.scatter [tilespmem:s17], [sflag:$0x1], $0x1000, s19, s14, $0x38;
	[tilespmem:$0x4C00] =	vst v63  }
0x42: {  	s20 =	sadd.s32 $0x1, s20;
	_ =	swait.ge [sflag:s13], $0x1000  }
0x43: {  	p0 =	sne.s32 s20, s10;
	[sflag:s13] =	ssyncset.done $0x0  }
.Ltmp1:
0x44: {  	[sflag:s13] =	ssyncadd.s32 $0xFFFFF000;
	(pc) =	sbr.rel @p0 .LBB2_1-.Ltmp1, $4  }
0x45: {  	[hbm4b:s9+s14] =	stream.strided.scatter [tilespmem:s18], [sflag:$0x1], $0x1000, s19, s14, $0x38;
	[tilespmem:$0x4C00] =	vst v63  }
0x46: {  	_ =	swait.ge [sflag:s13], $0x1000  }
0x47: {  	[sflag:s13] =	ssyncset.done $0x0  }
0x48: {  	[sflag:s13] =	ssyncadd.s32 $0xFFFFF000  }
0x49: {  	_ =	sfence.sel $0x180000  }
0x4a: {  	[bflag:$0x0] =	sbarrier.arrive $0xFFFF  }
0x4b: {  	p0 =	sne.s32 s1, $0x0;
	_ =	strace $0x90000047  }
0x4c: {  	s0 =	sadd.s32 @!p0 $0x100000, s0;
	[bflag:$0x2] =	sbarrier.arrive $0xFFFF  }
0x4d: {  	[sflag:s0] =	ssyncadd.tile.s32 @!p0 $0x1;
	_ =	shalt  }
.Lfunc_end2:
_tile_overlayer_lowered:
.L_overlay_start_2:
0x4e: {  	(tag) =	ssettag $0x2  }
0x4f: {  	s0 =	rddreg [dreg:$0x0];
	s2 =	stileid.u32  }
0x50: {  	s1 =	rddreg [dreg:$0x1];
	p0 =	sne.s32 s2, $0x0  }
0x51: {  	s3 =	rddreg [dreg:$0x2];
	[bflag:$0x3] =	sbarrier.arrive $0xFFFF;
	s2 =	simm.s32 @!p0 $0x1C01  }
0x52: {  	[timem:s3], [sflag:s2] =	dma.local @!p0 [hbm:s0], s1  }
0x53: {  	s0 =	simm.s32 @!p0 $0x1  }
0x54: {  	_ =	swait.ge @!p0 [sflag:s0], s1  }
0x55: {  	s1 =	ssub.s32 @!p0 $0x0, s1;
	[sflag:s0] =	ssyncset.done @!p0 $0x0  }
0x56: {  	[sflag:s0] =	ssyncadd.s32 @!p0 s1  }
0x57: {  	[bflag:$0x3] =	sbarrier.arrive $0xFFFF  }
0x58: {  	_ =	shalt  }

</sc_bundles>
